<compile_context>
chip_gen: v7x
topology: tpu7x:2x2x1
jax: 0.10.2.dev20260603
libtpu: 0.0.44.dev20260713+nightly
codegen_flags: <defaults>
</compile_context>

<pallas_src>
import functools

import jax
import jax.numpy as jnp
from jax import lax
from jax.experimental import pallas as pl
from jax.experimental.pallas import tpu as pltpu
from jax.experimental.pallas import tpu_sc as plsc

SMOOTH = 1e-05

N, C, H, W = 4, 21, 512, 512
HS = 448
BH = 224
NB = HS // BH
CPAD = 24
SHIFT = 4096

NW = 32
RPW = (H - HS) // 8
BAND = 8
NCHUNK = RPW // BAND
NBIN = 32
HSIZE = 2 * NBIN * 16


def _tc_body(x_ref, t_ref, acc_ref):
    i = pl.program_id(0)

    @pl.when(i % NB == 0)
    def _init():
        acc_ref[...] = jnp.zeros((1, CPAD, 8, 128), jnp.int32)

    t = t_ref[0]
    m = x_ref[0, 0]
    pred = jnp.zeros((BH, W), jnp.int32)
    for c in range(1, C):
        xc = x_ref[0, c]
        gt = xc > m
        pred = jnp.where(gt, c, pred)
        m = jnp.maximum(xc, m)
    enc = jnp.where(pred == t, 1 + SHIFT, 1)
    for c in range(C):
        ec = jnp.where(t == c, enc, 0)
        p = ec[0:8, :]
        for s in range(1, BH // 8):
            p = p + ec[s * 8:(s + 1) * 8, :]
        q = ((p[:, 0:128] + p[:, 128:256])
             + (p[:, 256:384] + p[:, 384:512]))
        acc_ref[0, c] += q


def _tc_hist(x, t):
    return pl.pallas_call(
        _tc_body,
        grid=(N * NB,),
        in_specs=[
            pl.BlockSpec((1, C, BH, W), lambda i: (i // NB, 0, i % NB, 0)),
            pl.BlockSpec((1, BH, W), lambda i: (i // NB, i % NB, 0)),
        ],
        out_specs=pl.BlockSpec((1, CPAD, 8, 128), lambda i: (i // NB, 0, 0, 0)),
        out_shape=jax.ShapeDtypeStruct((N, CPAD, 8, 128), jnp.int32),
    )(x, t)


_mesh = plsc.VectorSubcoreMesh(core_axis_name="c", subcore_axis_name="s")


@functools.partial(
    pl.kernel,
    out_type=jax.ShapeDtypeStruct((NW, HSIZE), jnp.int32),
    mesh=_mesh,
    compiler_params=pltpu.CompilerParams(needs_layout_passes=False),
    scratch_types=[
        pltpu.VMEM((C, BAND, W), jnp.float32),
        pltpu.VMEM((BAND, W), jnp.int32),
        pltpu.VMEM((HSIZE,), jnp.int32),
        pltpu.SemaphoreType.DMA,
    ],
)
def _sc_hist(x_hbm, t_hbm, out_hbm, xbuf, tbuf, hist, sem):
    wid = lax.axis_index("s") * 2 + lax.axis_index("c")
    n = wid // 8
    r0 = HS + (wid % 8) * RPW

    zeros16 = jnp.zeros((16,), jnp.int32)
    ones16 = jnp.ones((16,), jnp.int32)
    lane = lax.iota(jnp.int32, 16)

    def _zero(k, carry):
        hist[pl.ds(k * 16, 16)] = zeros16
        return carry

    lax.fori_loop(0, HSIZE // 16, _zero, 0)

    for chunk in range(NCHUNK):
        h0 = r0 + chunk * BAND
        copies = [
            pltpu.async_copy(x_hbm.at[n, c, pl.ds(h0, BAND), :],
                             xbuf.at[c], sem)
            for c in range(C)
        ]
        tcopy = pltpu.async_copy(t_hbm.at[n, pl.ds(h0, BAND), :], tbuf, sem)
        for cp in copies:
            cp.wait()
        tcopy.wait()

        def _row(row, carry):
            def _vec(j, carry2):
                t16 = tbuf[row, pl.ds(j * 16, 16)]
                m = xbuf[0, row, pl.ds(j * 16, 16)]
                pred = zeros16
                for c in range(1, C):
                    xc = xbuf[c, row, pl.ds(j * 16, 16)]
                    gt = xc > m
                    pred = jnp.where(gt, c, pred)
                    m = jnp.where(gt, xc, m)
                match = jnp.where(pred == t16, ones16, zeros16)
                idx = t16 * 16 + lane
                plsc.addupdate_scatter(hist, [idx], ones16)
                plsc.addupdate_scatter(hist, [idx + NBIN * 16], match)
                return carry2

            return lax.fori_loop(0, W // 16, _vec, carry)

        lax.fori_loop(0, BAND, _row, 0)

    pltpu.sync_copy(hist, out_hbm.at[wid])


def _final_body(acc_ref, h_ref, out_ref):
    a = acc_ref[...]
    tp_tc = a // SHIFT
    tot_tc = a - tp_tc * SHIFT
    tps = jnp.sum(tp_tc.astype(jnp.float32), axis=(2, 3))
    tots = jnp.sum(tot_tc.astype(jnp.float32), axis=(2, 3))

    hsc = h_ref[...].astype(jnp.float32)
    tot_sc = hsc[:, 0:NBIN * 16].reshape(NW, NBIN, 16)
    tp_sc = hsc[:, NBIN * 16:].reshape(NW, NBIN, 16)
    tots_sc = jnp.sum(tot_sc, axis=2).reshape(N, 8, NBIN).sum(axis=1)
    tps_sc = jnp.sum(tp_sc, axis=2).reshape(N, 8, NBIN).sum(axis=1)

    tots = tots + tots_sc[:, 0:CPAD]
    tps = tps + tps_sc[:, 0:CPAD]
    rec = (tps + SMOOTH) / (tots + SMOOTH)
    cmask = lax.broadcasted_iota(jnp.int32, (N, CPAD), 1) < C
    s = jnp.sum(jnp.where(cmask, rec, 0.0))
    out_ref[0, 0] = 1.0 - s / (N * C)


def kernel(input, target):
    t = target.astype(jnp.int32)
    part_sc = _sc_hist(input, t)
    part_tc = _tc_hist(input, t)
    out = pl.pallas_call(
        _final_body,
        out_specs=pl.BlockSpec(memory_space=pltpu.SMEM),
        out_shape=jax.ShapeDtypeStruct((1, 1), jnp.float32),
    )(part_tc, part_sc)
    return out[0, 0]

# --- scband reference (transcript-rebuilt; emitter-appended) ---
"""Pipeline reference for scband-recall-loss-41369124995560 (READ-ONLY COPY).

The authoritative reference and input builder live on the scoring server;
editing this copy changes nothing except your own understanding.
"""

import jax, jax.numpy as jnp
import numpy as np

SMOOTH = 1e-05

def setup_inputs(seed: int = 0) -> dict:
    key = jax.random.key(seed)
    k1, k2 = jax.random.split(key)
    input = jax.random.normal(k1, (4, 21, 512, 512), dtype=jnp.float32)
    target = jax.random.randint(k2, (4, 512, 512), 0, 21, dtype=jnp.int64)
    return {"input": input, "target": target}

def reference(input, target):
    N, C = input.shape[0], input.shape[1]
    # argmax over class dim (torch.max(input, 1) indices)
    predict = jnp.argmax(input, axis=1)            # [N, H, W]
    predict = predict.reshape(N, -1)               # [N, L]
    target_flat = target.reshape(N, -1)            # [N, L]
    # one-hot scatter: zeros(N, C, L).scatter_(1, idx, 1)
    predict_onehot = jax.nn.one_hot(predict, C, axis=1, dtype=jnp.float32)  # [N, C, L]
    target_onehot = jax.nn.one_hot(target_flat, C, axis=1, dtype=jnp.float32)  # [N, C, L]
    true_positive = jnp.sum(predict_onehot * target_onehot, axis=2)  # [N, C]
    total_target = jnp.sum(target_onehot, axis=2)                    # [N, C]
    recall = (true_positive + SMOOTH) / (total_target + SMOOTH)      # [N, C]
    recall_loss = 1.0 - jnp.mean(recall)
    return recall_loss

if __name__ == "__main__":
    import jax
    _d = setup_inputs()
    print(jax.jit(kernel)(*tuple(_d.values())))

</pallas_src>

<mosaic_0001>
#map = affine_map<(d0, d1) -> (0, 0, 0, 0)>
#map1 = affine_map<(d0, d1) -> (0, 0, 0)>
#map2 = affine_map<(d0, d1) -> (0, 0)>
module attributes {stable_mosaic.version = 14 : i64} {
  func.func @_sc_hist(%arg0: i32, %arg1: i32, %arg2: memref<4x21x512x512xf32, #tpu.memory_space<hbm>>, %arg3: memref<4x512x512xi32, #tpu.memory_space<hbm>>, %arg4: memref<32x1024xi32, #tpu.memory_space<hbm>>, %arg5: memref<21x8x512xf32, #tpu.memory_space<vmem>>, %arg6: memref<8x512xi32, #tpu.memory_space<vmem>>, %arg7: memref<1024xi32, #tpu.memory_space<vmem>>, %arg8: memref<!tpu.dma_semaphore, #tpu.memory_space<semaphore_mem>>) attributes {dimension_semantics = [#tpu.dimension_semantics<core_parallel>, #tpu.dimension_semantics<subcore_parallel>], iteration_bounds = array<i64: 2, 16>, scalar_prefetch = 0 : i64, scratch_operands = 4 : i64, tpu.core_type = #tpu.core_type<sc_vector_subcore>, window_params = [{transform_indices = #map}, {transform_indices = #map1}, {transform_indices = #map2}]} {
    %mul3A = arith.constant 2 : i32
    %mul3A_0 = arith.muli %arg1, %mul3A : i32
    %add3A = arith.addi %mul3A_0, %arg0 : i32
    %jit3A = arith.constant 8 : i32
    %div3A = arith.divsi %add3A, %jit3A : i32
    %sign3A = arith.constant 0 : i32
    %sign3A_1 = arith.cmpi sgt, %add3A, %sign3A : i32
    %sign3A_2 = arith.extui %sign3A_1 : i1 to i32
    %sign3A_3 = arith.constant 0 : i32
    %sign3A_4 = arith.cmpi slt, %add3A, %sign3A_3 : i32
    %sign3A_5 = arith.extui %sign3A_4 : i1 to i32
    %sign3A_6 = arith.subi %sign3A_2, %sign3A_5 : i32
    %sign3A_7 = arith.constant 0 : i32
    %sign3A_8 = arith.cmpi sgt, %jit3A, %sign3A_7 : i32
    %sign3A_9 = arith.extui %sign3A_8 : i1 to i32
    %sign3A_10 = arith.constant 0 : i32
    %sign3A_11 = arith.cmpi slt, %jit3A, %sign3A_10 : i32
    %sign3A_12 = arith.extui %sign3A_11 : i1 to i32
    %sign3A_13 = arith.subi %sign3A_9, %sign3A_12 : i32
    %ne3A = arith.cmpi ne, %sign3A_6, %sign3A_13 : i32
    %rem3A = arith.remsi %add3A, %jit3A : i32
    %ne3A_14 = arith.constant 0 : i32
    %ne3A_15 = arith.cmpi ne, %rem3A, %ne3A_14 : i32
    %and3A = arith.andi %ne3A, %ne3A_15 : i1
    %sub3A = arith.constant 1 : i32
    %sub3A_16 = arith.subi %div3A, %sub3A : i32
    %select_n3A = arith.select %and3A, %sub3A_16, %div3A : i32
    %jit3A_17 = arith.constant 8 : i32
    %eq3A = arith.constant 0 : i32
    %eq3A_18 = arith.cmpi eq, %jit3A_17, %eq3A : i32
    %jit3A_19 = arith.constant 1 : i32
    %select_n3A_20 = arith.select %eq3A_18, %jit3A_19, %jit3A_17 : i32
    %rem3A_21 = arith.remsi %add3A, %select_n3A_20 : i32
    %ne3A_22 = arith.constant 0 : i32
    %ne3A_23 = arith.cmpi ne, %rem3A_21, %ne3A_22 : i32
    %lt3A = arith.constant 0 : i32
    %lt3A_24 = arith.cmpi slt, %rem3A_21, %lt3A : i32
    %lt3A_25 = arith.constant 0 : i32
    %lt3A_26 = arith.cmpi slt, %select_n3A_20, %lt3A_25 : i32
    %ne3A_27 = arith.xori %lt3A_24, %lt3A_26 : i1
    %and3A_28 = arith.andi %ne3A_27, %ne3A_23 : i1
    %add3A_29 = arith.addi %rem3A_21, %select_n3A_20 : i32
    %select_n3A_30 = arith.select %and3A_28, %add3A_29, %rem3A_21 : i32
    %mul3A_31 = arith.constant 8 : i32
    %mul3A_32 = arith.muli %select_n3A_30, %mul3A_31 : i32
    %add3A_33 = arith.constant 448 : i32
    %add3A_34 = arith.addi %add3A_33, %mul3A_32 : i32
    %broadcast_in_dim3A = arith.constant 0 : i32
    %broadcast_in_dim3A_35 = vector.broadcast %broadcast_in_dim3A : i32 to vector<16xi32>
    %broadcast_in_dim3A_36 = arith.constant 1 : i32
    %broadcast_in_dim3A_37 = vector.broadcast %broadcast_in_dim3A_36 : i32 to vector<16xi32>
    %iota3A = tpu.iota {dimensions = array<i32: 0>} : vector<16xi32>
    %scan3A = arith.constant 0 : i32
    %scan3A_38 = arith.constant 0 : i32
    %scan3A_39 = arith.constant 64 : i32
    %scan3A_40 = arith.addi %scan3A_38, %scan3A_39 : i32
    %scan3A_41 = arith.constant 1 : i32
    scf.for %scan3A_733 = %scan3A_38 to %scan3A_40 step %scan3A_41  : i32 {
      %mul3A_734 = arith.constant 16 : i32
      %mul3A_735 = arith.muli %scan3A_733, %mul3A_734 : i32
      %swap3A = arith.index_cast %mul3A_735 : i32 to index
      %swap3A_736 = tpu.vector_load %arg7[%swap3A] {strides = array<i32>} : memref<1024xi32, #tpu.memory_space<vmem>>, vector<16xi32>,
      tpu.vector_store %arg7[%swap3A], %broadcast_in_dim3A_35 {strides = array<i32>} : memref<1024xi32, #tpu.memory_space<vmem>>, vector<16xi32>,
    }
    %scan3A_42 = arith.constant 64 : i32
    %add3A_43 = arith.constant 0 : i32
    %add3A_44 = arith.addi %add3A_34, %add3A_43 : i32
    %dma_start3A = arith.constant 0 : i32
    %dma_start3A_45 = arith.constant 0 : i32
    %dma_start3A_46 = arith.constant 0 : i32
    %dma_start3A_47 = arith.constant 0 : i32
    %dma_start3A_48 = tpu.memref_slice %arg5[%dma_start3A_45, %dma_start3A_46, %dma_start3A_47] : memref<21x8x512xf32, #tpu.memory_space<vmem>> -> memref<1x8x512xf32, #tpu.memory_space<vmem>>
    %dma_start3A_49 = tpu.memref_squeeze %dma_start3A_48 : memref<1x8x512xf32, #tpu.memory_space<vmem>> -> memref<8x512xf32, #tpu.memory_space<vmem>>
    %dma_start3A_50 = arith.constant 0 : i32
    %dma_start3A_51 = tpu.memref_slice %arg2[%select_n3A, %dma_start3A, %add3A_44, %dma_start3A_50] : memref<4x21x512x512xf32, #tpu.memory_space<hbm>> -> memref<1x1x8x512xf32, #tpu.memory_space<hbm>>
    %dma_start3A_52 = tpu.memref_squeeze %dma_start3A_51 : memref<1x1x8x512xf32, #tpu.memory_space<hbm>> -> memref<8x512xf32, #tpu.memory_space<hbm>>
    %dma_start3A_53 = arith.constant 0 : i32
    %dma_start3A_54 = arith.constant 0 : i32
    %dma_start3A_55 = tpu.memref_slice %arg5[%dma_start3A_45, %dma_start3A_53, %dma_start3A_54] : memref<21x8x512xf32, #tpu.memory_space<vmem>> -> memref<1x8x512xf32, #tpu.memory_space<vmem>>
    %dma_start3A_56 = tpu.memref_squeeze %dma_start3A_55 : memref<1x8x512xf32, #tpu.memory_space<vmem>> -> memref<8x512xf32, #tpu.memory_space<vmem>>
    %dma_start3A_57 = arith.constant 0 : i32
    %dma_start3A_58 = tpu.memref_slice %arg2[%select_n3A, %dma_start3A, %add3A_44, %dma_start3A_57] : memref<4x21x512x512xf32, #tpu.memory_space<hbm>> -> memref<1x1x8x512xf32, #tpu.memory_space<hbm>>
    %dma_start3A_59 = tpu.memref_squeeze %dma_start3A_58 : memref<1x1x8x512xf32, #tpu.memory_space<hbm>> -> memref<8x512xf32, #tpu.memory_space<hbm>>
    tpu.enqueue_dma source(%dma_start3A_59 : memref<8x512xf32, #tpu.memory_space<hbm>>) target(%dma_start3A_56 : memref<8x512xf32, #tpu.memory_space<vmem>>) target_semaphore(%arg8 : memref<!tpu.dma_semaphore, #tpu.memory_space<semaphore_mem>>)
    %dma_start3A_60 = arith.constant 1 : i32
    %dma_start3A_61 = arith.constant 1 : i32
    %dma_start3A_62 = arith.constant 0 : i32
    %dma_start3A_63 = arith.constant 0 : i32
    %dma_start3A_64 = tpu.memref_slice %arg5[%dma_start3A_61, %dma_start3A_62, %dma_start3A_63] : memref<21x8x512xf32, #tpu.memory_space<vmem>> -> memref<1x8x512xf32, #tpu.memory_space<vmem>>
    %dma_start3A_65 = tpu.memref_squeeze %dma_start3A_64 : memref<1x8x512xf32, #tpu.memory_space<vmem>> -> memref<8x512xf32, #tpu.memory_space<vmem>>
    %dma_start3A_66 = arith.constant 0 : i32
    %dma_start3A_67 = tpu.memref_slice %arg2[%select_n3A, %dma_start3A_60, %add3A_44, %dma_start3A_66] : memref<4x21x512x512xf32, #tpu.memory_space<hbm>> -> memref<1x1x8x512xf32, #tpu.memory_space<hbm>>
    %dma_start3A_68 = tpu.memref_squeeze %dma_start3A_67 : memref<1x1x8x512xf32, #tpu.memory_space<hbm>> -> memref<8x512xf32, #tpu.memory_space<hbm>>
    %dma_start3A_69 = arith.constant 0 : i32
    %dma_start3A_70 = arith.constant 0 : i32
    %dma_start3A_71 = tpu.memref_slice %arg5[%dma_start3A_61, %dma_start3A_69, %dma_start3A_70] : memref<21x8x512xf32, #tpu.memory_space<vmem>> -> memref<1x8x512xf32, #tpu.memory_space<vmem>>
    %dma_start3A_72 = tpu.memref_squeeze %dma_start3A_71 : memref<1x8x512xf32, #tpu.memory_space<vmem>> -> memref<8x512xf32, #tpu.memory_space<vmem>>
    %dma_start3A_73 = arith.constant 0 : i32
    %dma_start3A_74 = tpu.memref_slice %arg2[%select_n3A, %dma_start3A_60, %add3A_44, %dma_start3A_73] : memref<4x21x512x512xf32, #tpu.memory_space<hbm>> -> memref<1x1x8x512xf32, #tpu.memory_space<hbm>>
    %dma_start3A_75 = tpu.memref_squeeze %dma_start3A_74 : memref<1x1x8x512xf32, #tpu.memory_space<hbm>> -> memref<8x512xf32, #tpu.memory_space<hbm>>
    tpu.enqueue_dma source(%dma_start3A_75 : memref<8x512xf32, #tpu.memory_space<hbm>>) target(%dma_start3A_72 : memref<8x512xf32, #tpu.memory_space<vmem>>) target_semaphore(%arg8 : memref<!tpu.dma_semaphore, #tpu.memory_space<semaphore_mem>>)
    %dma_start3A_76 = arith.constant 2 : i32
    %dma_start3A_77 = arith.constant 2 : i32
    %dma_start3A_78 = arith.constant 0 : i32
    %dma_start3A_79 = arith.constant 0 : i32
    %dma_start3A_80 = tpu.memref_slice %arg5[%dma_start3A_77, %dma_start3A_78, %dma_start3A_79] : memref<21x8x512xf32, #tpu.memory_space<vmem>> -> memref<1x8x512xf32, #tpu.memory_space<vmem>>
    %dma_start3A_81 = tpu.memref_squeeze %dma_start3A_80 : memref<1x8x512xf32, #tpu.memory_space<vmem>> -> memref<8x512xf32, #tpu.memory_space<vmem>>
    %dma_start3A_82 = arith.constant 0 : i32
    %dma_start3A_83 = tpu.memref_slice %arg2[%select_n3A, %dma_start3A_76, %add3A_44, %dma_start3A_82] : memref<4x21x512x512xf32, #tpu.memory_space<hbm>> -> memref<1x1x8x512xf32, #tpu.memory_space<hbm>>
    %dma_start3A_84 = tpu.memref_squeeze %dma_start3A_83 : memref<1x1x8x512xf32, #tpu.memory_space<hbm>> -> memref<8x512xf32, #tpu.memory_space<hbm>>
    %dma_start3A_85 = arith.constant 0 : i32
    %dma_start3A_86 = arith.constant 0 : i32
    %dma_start3A_87 = tpu.memref_slice %arg5[%dma_start3A_77, %dma_start3A_85, %dma_start3A_86] : memref<21x8x512xf32, #tpu.memory_space<vmem>> -> memref<1x8x512xf32, #tpu.memory_space<vmem>>
    %dma_start3A_88 = tpu.memref_squeeze %dma_start3A_87 : memref<1x8x512xf32, #tpu.memory_space<vmem>> -> memref<8x512xf32, #tpu.memory_space<vmem>>
    %dma_start3A_89 = arith.constant 0 : i32
    %dma_start3A_90 = tpu.memref_slice %arg2[%select_n3A, %dma_start3A_76, %add3A_44, %dma_start3A_89] : memref<4x21x512x512xf32, #tpu.memory_space<hbm>> -> memref<1x1x8x512xf32, #tpu.memory_space<hbm>>
    %dma_start3A_91 = tpu.memref_squeeze %dma_start3A_90 : memref<1x1x8x512xf32, #tpu.memory_space<hbm>> -> memref<8x512xf32, #tpu.memory_space<hbm>>
    tpu.enqueue_dma source(%dma_start3A_91 : memref<8x512xf32, #tpu.memory_space<hbm>>) target(%dma_start3A_88 : memref<8x512xf32, #tpu.memory_space<vmem>>) target_semaphore(%arg8 : memref<!tpu.dma_semaphore, #tpu.memory_space<semaphore_mem>>)
    %dma_start3A_92 = arith.constant 3 : i32
    %dma_start3A_93 = arith.constant 3 : i32
    %dma_start3A_94 = arith.constant 0 : i32
    %dma_start3A_95 = arith.constant 0 : i32
    %dma_start3A_96 = tpu.memref_slice %arg5[%dma_start3A_93, %dma_start3A_94, %dma_start3A_95] : memref<21x8x512xf32, #tpu.memory_space<vmem>> -> memref<1x8x512xf32, #tpu.memory_space<vmem>>
    %dma_start3A_97 = tpu.memref_squeeze %dma_start3A_96 : memref<1x8x512xf32, #tpu.memory_space<vmem>> -> memref<8x512xf32, #tpu.memory_space<vmem>>
    %dma_start3A_98 = arith.constant 0 : i32
    %dma_start3A_99 = tpu.memref_slice %arg2[%select_n3A, %dma_start3A_92, %add3A_44, %dma_start3A_98] : memref<4x21x512x512xf32, #tpu.memory_space<hbm>> -> memref<1x1x8x512xf32, #tpu.memory_space<hbm>>
    %dma_start3A_100 = tpu.memref_squeeze %dma_start3A_99 : memref<1x1x8x512xf32, #tpu.memory_space<hbm>> -> memref<8x512xf32, #tpu.memory_space<hbm>>
    %dma_start3A_101 = arith.constant 0 : i32
    %dma_start3A_102 = arith.constant 0 : i32
    %dma_start3A_103 = tpu.memref_slice %arg5[%dma_start3A_93, %dma_start3A_101, %dma_start3A_102] : memref<21x8x512xf32, #tpu.memory_space<vmem>> -> memref<1x8x512xf32, #tpu.memory_space<vmem>>
    %dma_start3A_104 = tpu.memref_squeeze %dma_start3A_103 : memref<1x8x512xf32, #tpu.memory_space<vmem>> -> memref<8x512xf32, #tpu.memory_space<vmem>>
    %dma_start3A_105 = arith.constant 0 : i32
    %dma_start3A_106 = tpu.memref_slice %arg2[%select_n3A, %dma_start3A_92, %add3A_44, %dma_start3A_105] : memref<4x21x512x512xf32, #tpu.memory_space<hbm>> -> memref<1x1x8x512xf32, #tpu.memory_space<hbm>>
    %dma_start3A_107 = tpu.memref_squeeze %dma_start3A_106 : memref<1x1x8x512xf32, #tpu.memory_space<hbm>> -> memref<8x512xf32, #tpu.memory_space<hbm>>
    tpu.enqueue_dma source(%dma_start3A_107 : memref<8x512xf32, #tpu.memory_space<hbm>>) target(%dma_start3A_104 : memref<8x512xf32, #tpu.memory_space<vmem>>) target_semaphore(%arg8 : memref<!tpu.dma_semaphore, #tpu.memory_space<semaphore_mem>>)
    %dma_start3A_108 = arith.constant 4 : i32
    %dma_start3A_109 = arith.constant 4 : i32
    %dma_start3A_110 = arith.constant 0 : i32
    %dma_start3A_111 = arith.constant 0 : i32
    %dma_start3A_112 = tpu.memref_slice %arg5[%dma_start3A_109, %dma_start3A_110, %dma_start3A_111] : memref<21x8x512xf32, #tpu.memory_space<vmem>> -> memref<1x8x512xf32, #tpu.memory_space<vmem>>
    %dma_start3A_113 = tpu.memref_squeeze %dma_start3A_112 : memref<1x8x512xf32, #tpu.memory_space<vmem>> -> memref<8x512xf32, #tpu.memory_space<vmem>>
    %dma_start3A_114 = arith.constant 0 : i32
    %dma_start3A_115 = tpu.memref_slice %arg2[%select_n3A, %dma_start3A_108, %add3A_44, %dma_start3A_114] : memref<4x21x512x512xf32, #tpu.memory_space<hbm>> -> memref<1x1x8x512xf32, #tpu.memory_space<hbm>>
    %dma_start3A_116 = tpu.memref_squeeze %dma_start3A_115 : memref<1x1x8x512xf32, #tpu.memory_space<hbm>> -> memref<8x512xf32, #tpu.memory_space<hbm>>
    %dma_start3A_117 = arith.constant 0 : i32
    %dma_start3A_118 = arith.constant 0 : i32
    %dma_start3A_119 = tpu.memref_slice %arg5[%dma_start3A_109, %dma_start3A_117, %dma_start3A_118] : memref<21x8x512xf32, #tpu.memory_space<vmem>> -> memref<1x8x512xf32, #tpu.memory_space<vmem>>
    %dma_start3A_120 = tpu.memref_squeeze %dma_start3A_119 : memref<1x8x512xf32, #tpu.memory_space<vmem>> -> memref<8x512xf32, #tpu.memory_space<vmem>>
    %dma_start3A_121 = arith.constant 0 : i32
    %dma_start3A_122 = tpu.memref_slice %arg2[%select_n3A, %dma_start3A_108, %add3A_44, %dma_start3A_121] : memref<4x21x512x512xf32, #tpu.memory_space<hbm>> -> memref<1x1x8x512xf32, #tpu.memory_space<hbm>>
    %dma_start3A_123 = tpu.memref_squeeze %dma_start3A_122 : memref<1x1x8x512xf32, #tpu.memory_space<hbm>> -> memref<8x512xf32, #tpu.memory_space<hbm>>
    tpu.enqueue_dma source(%dma_start3A_123 : memref<8x512xf32, #tpu.memory_space<hbm>>) target(%dma_start3A_120 : memref<8x512xf32, #tpu.memory_space<vmem>>) target_semaphore(%arg8 : memref<!tpu.dma_semaphore, #tpu.memory_space<semaphore_mem>>)
    %dma_start3A_124 = arith.constant 5 : i32
    %dma_start3A_125 = arith.constant 5 : i32
    %dma_start3A_126 = arith.constant 0 : i32
    %dma_start3A_127 = arith.constant 0 : i32
    %dma_start3A_128 = tpu.memref_slice %arg5[%dma_start3A_125, %dma_start3A_126, %dma_start3A_127] : memref<21x8x512xf32, #tpu.memory_space<vmem>> -> memref<1x8x512xf32, #tpu.memory_space<vmem>>
    %dma_start3A_129 = tpu.memref_squeeze %dma_start3A_128 : memref<1x8x512xf32, #tpu.memory_space<vmem>> -> memref<8x512xf32, #tpu.memory_space<vmem>>
    %dma_start3A_130 = arith.constant 0 : i32
    %dma_start3A_131 = tpu.memref_slice %arg2[%select_n3A, %dma_start3A_124, %add3A_44, %dma_start3A_130] : memref<4x21x512x512xf32, #tpu.memory_space<hbm>> -> memref<1x1x8x512xf32, #tpu.memory_space<hbm>>
    %dma_start3A_132 = tpu.memref_squeeze %dma_start3A_131 : memref<1x1x8x512xf32, #tpu.memory_space<hbm>> -> memref<8x512xf32, #tpu.memory_space<hbm>>
    %dma_start3A_133 = arith.constant 0 : i32
    %dma_start3A_134 = arith.constant 0 : i32
    %dma_start3A_135 = tpu.memref_slice %arg5[%dma_start3A_125, %dma_start3A_133, %dma_start3A_134] : memref<21x8x512xf32, #tpu.memory_space<vmem>> -> memref<1x8x512xf32, #tpu.memory_space<vmem>>
    %dma_start3A_136 = tpu.memref_squeeze %dma_start3A_135 : memref<1x8x512xf32, #tpu.memory_space<vmem>> -> memref<8x512xf32, #tpu.memory_space<vmem>>
    %dma_start3A_137 = arith.constant 0 : i32
    %dma_start3A_138 = tpu.memref_slice %arg2[%select_n3A, %dma_start3A_124, %add3A_44, %dma_start3A_137] : memref<4x21x512x512xf32, #tpu.memory_space<hbm>> -> memref<1x1x8x512xf32, #tpu.memory_space<hbm>>
    %dma_start3A_139 = tpu.memref_squeeze %dma_start3A_138 : memref<1x1x8x512xf32, #tpu.memory_space<hbm>> -> memref<8x512xf32, #tpu.memory_space<hbm>>
    tpu.enqueue_dma source(%dma_start3A_139 : memref<8x512xf32, #tpu.memory_space<hbm>>) target(%dma_start3A_136 : memref<8x512xf32, #tpu.memory_space<vmem>>) target_semaphore(%arg8 : memref<!tpu.dma_semaphore, #tpu.memory_space<semaphore_mem>>)
    %dma_start3A_140 = arith.constant 6 : i32
    %dma_start3A_141 = arith.constant 6 : i32
    %dma_start3A_142 = arith.constant 0 : i32
    %dma_start3A_143 = arith.constant 0 : i32
    %dma_start3A_144 = tpu.memref_slice %arg5[%dma_start3A_141, %dma_start3A_142, %dma_start3A_143] : memref<21x8x512xf32, #tpu.memory_space<vmem>> -> memref<1x8x512xf32, #tpu.memory_space<vmem>>
    %dma_start3A_145 = tpu.memref_squeeze %dma_start3A_144 : memref<1x8x512xf32, #tpu.memory_space<vmem>> -> memref<8x512xf32, #tpu.memory_space<vmem>>
    %dma_start3A_146 = arith.constant 0 : i32
    %dma_start3A_147 = tpu.memref_slice %arg2[%select_n3A, %dma_start3A_140, %add3A_44, %dma_start3A_146] : memref<4x21x512x512xf32, #tpu.memory_space<hbm>> -> memref<1x1x8x512xf32, #tpu.memory_space<hbm>>
    %dma_start3A_148 = tpu.memref_squeeze %dma_start3A_147 : memref<1x1x8x512xf32, #tpu.memory_space<hbm>> -> memref<8x512xf32, #tpu.memory_space<hbm>>
    %dma_start3A_149 = arith.constant 0 : i32
    %dma_start3A_150 = arith.constant 0 : i32
    %dma_start3A_151 = tpu.memref_slice %arg5[%dma_start3A_141, %dma_start3A_149, %dma_start3A_150] : memref<21x8x512xf32, #tpu.memory_space<vmem>> -> memref<1x8x512xf32, #tpu.memory_space<vmem>>
    %dma_start3A_152 = tpu.memref_squeeze %dma_start3A_151 : memref<1x8x512xf32, #tpu.memory_space<vmem>> -> memref<8x512xf32, #tpu.memory_space<vmem>>
    %dma_start3A_153 = arith.constant 0 : i32
    %dma_start3A_154 = tpu.memref_slice %arg2[%select_n3A, %dma_start3A_140, %add3A_44, %dma_start3A_153] : memref<4x21x512x512xf32, #tpu.memory_space<hbm>> -> memref<1x1x8x512xf32, #tpu.memory_space<hbm>>
    %dma_start3A_155 = tpu.memref_squeeze %dma_start3A_154 : memref<1x1x8x512xf32, #tpu.memory_space<hbm>> -> memref<8x512xf32, #tpu.memory_space<hbm>>
    tpu.enqueue_dma source(%dma_start3A_155 : memref<8x512xf32, #tpu.memory_space<hbm>>) target(%dma_start3A_152 : memref<8x512xf32, #tpu.memory_space<vmem>>) target_semaphore(%arg8 : memref<!tpu.dma_semaphore, #tpu.memory_space<semaphore_mem>>)
    %dma_start3A_156 = arith.constant 7 : i32
    %dma_start3A_157 = arith.constant 7 : i32
    %dma_start3A_158 = arith.constant 0 : i32
    %dma_start3A_159 = arith.constant 0 : i32
    %dma_start3A_160 = tpu.memref_slice %arg5[%dma_start3A_157, %dma_start3A_158, %dma_start3A_159] : memref<21x8x512xf32, #tpu.memory_space<vmem>> -> memref<1x8x512xf32, #tpu.memory_space<vmem>>
    %dma_start3A_161 = tpu.memref_squeeze %dma_start3A_160 : memref<1x8x512xf32, #tpu.memory_space<vmem>> -> memref<8x512xf32, #tpu.memory_space<vmem>>
    %dma_start3A_162 = arith.constant 0 : i32
    %dma_start3A_163 = tpu.memref_slice %arg2[%select_n3A, %dma_start3A_156, %add3A_44, %dma_start3A_162] : memref<4x21x512x512xf32, #tpu.memory_space<hbm>> -> memref<1x1x8x512xf32, #tpu.memory_space<hbm>>
    %dma_start3A_164 = tpu.memref_squeeze %dma_start3A_163 : memref<1x1x8x512xf32, #tpu.memory_space<hbm>> -> memref<8x512xf32, #tpu.memory_space<hbm>>
    %dma_start3A_165 = arith.constant 0 : i32
    %dma_start3A_166 = arith.constant 0 : i32
    %dma_start3A_167 = tpu.memref_slice %arg5[%dma_start3A_157, %dma_start3A_165, %dma_start3A_166] : memref<21x8x512xf32, #tpu.memory_space<vmem>> -> memref<1x8x512xf32, #tpu.memory_space<vmem>>
    %dma_start3A_168 = tpu.memref_squeeze %dma_start3A_167 : memref<1x8x512xf32, #tpu.memory_space<vmem>> -> memref<8x512xf32, #tpu.memory_space<vmem>>
    %dma_start3A_169 = arith.constant 0 : i32
    %dma_start3A_170 = tpu.memref_slice %arg2[%select_n3A, %dma_start3A_156, %add3A_44, %dma_start3A_169] : memref<4x21x512x512xf32, #tpu.memory_space<hbm>> -> memref<1x1x8x512xf32, #tpu.memory_space<hbm>>
    %dma_start3A_171 = tpu.memref_squeeze %dma_start3A_170 : memref<1x1x8x512xf32, #tpu.memory_space<hbm>> -> memref<8x512xf32, #tpu.memory_space<hbm>>
    tpu.enqueue_dma source(%dma_start3A_171 : memref<8x512xf32, #tpu.memory_space<hbm>>) target(%dma_start3A_168 : memref<8x512xf32, #tpu.memory_space<vmem>>) target_semaphore(%arg8 : memref<!tpu.dma_semaphore, #tpu.memory_space<semaphore_mem>>)
    %dma_start3A_172 = arith.constant 8 : i32
    %dma_start3A_173 = arith.constant 8 : i32
    %dma_start3A_174 = arith.constant 0 : i32
    %dma_start3A_175 = arith.constant 0 : i32
    %dma_start3A_176 = tpu.memref_slice %arg5[%dma_start3A_173, %dma_start3A_174, %dma_start3A_175] : memref<21x8x512xf32, #tpu.memory_space<vmem>> -> memref<1x8x512xf32, #tpu.memory_space<vmem>>
    %dma_start3A_177 = tpu.memref_squeeze %dma_start3A_176 : memref<1x8x512xf32, #tpu.memory_space<vmem>> -> memref<8x512xf32, #tpu.memory_space<vmem>>
    %dma_start3A_178 = arith.constant 0 : i32
    %dma_start3A_179 = tpu.memref_slice %arg2[%select_n3A, %dma_start3A_172, %add3A_44, %dma_start3A_178] : memref<4x21x512x512xf32, #tpu.memory_space<hbm>> -> memref<1x1x8x512xf32, #tpu.memory_space<hbm>>
    %dma_start3A_180 = tpu.memref_squeeze %dma_start3A_179 : memref<1x1x8x512xf32, #tpu.memory_space<hbm>> -> memref<8x512xf32, #tpu.memory_space<hbm>>
    %dma_start3A_181 = arith.constant 0 : i32
    %dma_start3A_182 = arith.constant 0 : i32
    %dma_start3A_183 = tpu.memref_slice %arg5[%dma_start3A_173, %dma_start3A_181, %dma_start3A_182] : memref<21x8x512xf32, #tpu.memory_space<vmem>> -> memref<1x8x512xf32, #tpu.memory_space<vmem>>
    %dma_start3A_184 = tpu.memref_squeeze %dma_start3A_183 : memref<1x8x512xf32, #tpu.memory_space<vmem>> -> memref<8x512xf32, #tpu.memory_space<vmem>>
    %dma_start3A_185 = arith.constant 0 : i32
    %dma_start3A_186 = tpu.memref_slice %arg2[%select_n3A, %dma_start3A_172, %add3A_44, %dma_start3A_185] : memref<4x21x512x512xf32, #tpu.memory_space<hbm>> -> memref<1x1x8x512xf32, #tpu.memory_space<hbm>>
    %dma_start3A_187 = tpu.memref_squeeze %dma_start3A_186 : memref<1x1x8x512xf32, #tpu.memory_space<hbm>> -> memref<8x512xf32, #tpu.memory_space<hbm>>
    tpu.enqueue_dma source(%dma_start3A_187 : memref<8x512xf32, #tpu.memory_space<hbm>>) target(%dma_start3A_184 : memref<8x512xf32, #tpu.memory_space<vmem>>) target_semaphore(%arg8 : memref<!tpu.dma_semaphore, #tpu.memory_space<semaphore_mem>>)
    %dma_start3A_188 = arith.constant 9 : i32
    %dma_start3A_189 = arith.constant 9 : i32
    %dma_start3A_190 = arith.constant 0 : i32
    %dma_start3A_191 = arith.constant 0 : i32
    %dma_start3A_192 = tpu.memref_slice %arg5[%dma_start3A_189, %dma_start3A_190, %dma_start3A_191] : memref<21x8x512xf32, #tpu.memory_space<vmem>> -> memref<1x8x512xf32, #tpu.memory_space<vmem>>
    %dma_start3A_193 = tpu.memref_squeeze %dma_start3A_192 : memref<1x8x512xf32, #tpu.memory_space<vmem>> -> memref<8x512xf32, #tpu.memory_space<vmem>>
    %dma_start3A_194 = arith.constant 0 : i32
    %dma_start3A_195 = tpu.memref_slice %arg2[%select_n3A, %dma_start3A_188, %add3A_44, %dma_start3A_194] : memref<4x21x512x512xf32, #tpu.memory_space<hbm>> -> memref<1x1x8x512xf32, #tpu.memory_space<hbm>>
    %dma_start3A_196 = tpu.memref_squeeze %dma_start3A_195 : memref<1x1x8x512xf32, #tpu.memory_space<hbm>> -> memref<8x512xf32, #tpu.memory_space<hbm>>
    %dma_start3A_197 = arith.constant 0 : i32
    %dma_start3A_198 = arith.constant 0 : i32
    %dma_start3A_199 = tpu.memref_slice %arg5[%dma_start3A_189, %dma_start3A_197, %dma_start3A_198] : memref<21x8x512xf32, #tpu.memory_space<vmem>> -> memref<1x8x512xf32, #tpu.memory_space<vmem>>
    %dma_start3A_200 = tpu.memref_squeeze %dma_start3A_199 : memref<1x8x512xf32, #tpu.memory_space<vmem>> -> memref<8x512xf32, #tpu.memory_space<vmem>>
    %dma_start3A_201 = arith.constant 0 : i32
    %dma_start3A_202 = tpu.memref_slice %arg2[%select_n3A, %dma_start3A_188, %add3A_44, %dma_start3A_201] : memref<4x21x512x512xf32, #tpu.memory_space<hbm>> -> memref<1x1x8x512xf32, #tpu.memory_space<hbm>>
    %dma_start3A_203 = tpu.memref_squeeze %dma_start3A_202 : memref<1x1x8x512xf32, #tpu.memory_space<hbm>> -> memref<8x512xf32, #tpu.memory_space<hbm>>
    tpu.enqueue_dma source(%dma_start3A_203 : memref<8x512xf32, #tpu.memory_space<hbm>>) target(%dma_start3A_200 : memref<8x512xf32, #tpu.memory_space<vmem>>) target_semaphore(%arg8 : memref<!tpu.dma_semaphore, #tpu.memory_space<semaphore_mem>>)
    %dma_start3A_204 = arith.constant 10 : i32
    %dma_start3A_205 = arith.constant 10 : i32
    %dma_start3A_206 = arith.constant 0 : i32
    %dma_start3A_207 = arith.constant 0 : i32
    %dma_start3A_208 = tpu.memref_slice %arg5[%dma_start3A_205, %dma_start3A_206, %dma_start3A_207] : memref<21x8x512xf32, #tpu.memory_space<vmem>> -> memref<1x8x512xf32, #tpu.memory_space<vmem>>
    %dma_start3A_209 = tpu.memref_squeeze %dma_start3A_208 : memref<1x8x512xf32, #tpu.memory_space<vmem>> -> memref<8x512xf32, #tpu.memory_space<vmem>>
    %dma_start3A_210 = arith.constant 0 : i32
    %dma_start3A_211 = tpu.memref_slice %arg2[%select_n3A, %dma_start3A_204, %add3A_44, %dma_start3A_210] : memref<4x21x512x512xf32, #tpu.memory_space<hbm>> -> memref<1x1x8x512xf32, #tpu.memory_space<hbm>>
    %dma_start3A_212 = tpu.memref_squeeze %dma_start3A_211 : memref<1x1x8x512xf32, #tpu.memory_space<hbm>> -> memref<8x512xf32, #tpu.memory_space<hbm>>
    %dma_start3A_213 = arith.constant 0 : i32
    %dma_start3A_214 = arith.constant 0 : i32
    %dma_start3A_215 = tpu.memref_slice %arg5[%dma_start3A_205, %dma_start3A_213, %dma_start3A_214] : memref<21x8x512xf32, #tpu.memory_space<vmem>> -> memref<1x8x512xf32, #tpu.memory_space<vmem>>
    %dma_start3A_216 = tpu.memref_squeeze %dma_start3A_215 : memref<1x8x512xf32, #tpu.memory_space<vmem>> -> memref<8x512xf32, #tpu.memory_space<vmem>>
    %dma_start3A_217 = arith.constant 0 : i32
    %dma_start3A_218 = tpu.memref_slice %arg2[%select_n3A, %dma_start3A_204, %add3A_44, %dma_start3A_217] : memref<4x21x512x512xf32, #tpu.memory_space<hbm>> -> memref<1x1x8x512xf32, #tpu.memory_space<hbm>>
    %dma_start3A_219 = tpu.memref_squeeze %dma_start3A_218 : memref<1x1x8x512xf32, #tpu.memory_space<hbm>> -> memref<8x512xf32, #tpu.memory_space<hbm>>
    tpu.enqueue_dma source(%dma_start3A_219 : memref<8x512xf32, #tpu.memory_space<hbm>>) target(%dma_start3A_216 : memref<8x512xf32, #tpu.memory_space<vmem>>) target_semaphore(%arg8 : memref<!tpu.dma_semaphore, #tpu.memory_space<semaphore_mem>>)
    %dma_start3A_220 = arith.constant 11 : i32
    %dma_start3A_221 = arith.constant 11 : i32
    %dma_start3A_222 = arith.constant 0 : i32
    %dma_start3A_223 = arith.constant 0 : i32
    %dma_start3A_224 = tpu.memref_slice %arg5[%dma_start3A_221, %dma_start3A_222, %dma_start3A_223] : memref<21x8x512xf32, #tpu.memory_space<vmem>> -> memref<1x8x512xf32, #tpu.memory_space<vmem>>
    %dma_start3A_225 = tpu.memref_squeeze %dma_start3A_224 : memref<1x8x512xf32, #tpu.memory_space<vmem>> -> memref<8x512xf32, #tpu.memory_space<vmem>>
    %dma_start3A_226 = arith.constant 0 : i32
    %dma_start3A_227 = tpu.memref_slice %arg2[%select_n3A, %dma_start3A_220, %add3A_44, %dma_start3A_226] : memref<4x21x512x512xf32, #tpu.memory_space<hbm>> -> memref<1x1x8x512xf32, #tpu.memory_space<hbm>>
    %dma_start3A_228 = tpu.memref_squeeze %dma_start3A_227 : memref<1x1x8x512xf32, #tpu.memory_space<hbm>> -> memref<8x512xf32, #tpu.memory_space<hbm>>
    %dma_start3A_229 = arith.constant 0 : i32
    %dma_start3A_230 = arith.constant 0 : i32
    %dma_start3A_231 = tpu.memref_slice %arg5[%dma_start3A_221, %dma_start3A_229, %dma_start3A_230] : memref<21x8x512xf32, #tpu.memory_space<vmem>> -> memref<1x8x512xf32, #tpu.memory_space<vmem>>
    %dma_start3A_232 = tpu.memref_squeeze %dma_start3A_231 : memref<1x8x512xf32, #tpu.memory_space<vmem>> -> memref<8x512xf32, #tpu.memory_space<vmem>>
    %dma_start3A_233 = arith.constant 0 : i32
    %dma_start3A_234 = tpu.memref_slice %arg2[%select_n3A, %dma_start3A_220, %add3A_44, %dma_start3A_233] : memref<4x21x512x512xf32, #tpu.memory_space<hbm>> -> memref<1x1x8x512xf32, #tpu.memory_space<hbm>>
    %dma_start3A_235 = tpu.memref_squeeze %dma_start3A_234 : memref<1x1x8x512xf32, #tpu.memory_space<hbm>> -> memref<8x512xf32, #tpu.memory_space<hbm>>
    tpu.enqueue_dma source(%dma_start3A_235 : memref<8x512xf32, #tpu.memory_space<hbm>>) target(%dma_start3A_232 : memref<8x512xf32, #tpu.memory_space<vmem>>) target_semaphore(%arg8 : memref<!tpu.dma_semaphore, #tpu.memory_space<semaphore_mem>>)
    %dma_start3A_236 = arith.constant 12 : i32
    %dma_start3A_237 = arith.constant 12 : i32
    %dma_start3A_238 = arith.constant 0 : i32
    %dma_start3A_239 = arith.constant 0 : i32
    %dma_start3A_240 = tpu.memref_slice %arg5[%dma_start3A_237, %dma_start3A_238, %dma_start3A_239] : memref<21x8x512xf32, #tpu.memory_space<vmem>> -> memref<1x8x512xf32, #tpu.memory_space<vmem>>
    %dma_start3A_241 = tpu.memref_squeeze %dma_start3A_240 : memref<1x8x512xf32, #tpu.memory_space<vmem>> -> memref<8x512xf32, #tpu.memory_space<vmem>>
    %dma_start3A_242 = arith.constant 0 : i32
    %dma_start3A_243 = tpu.memref_slice %arg2[%select_n3A, %dma_start3A_236, %add3A_44, %dma_start3A_242] : memref<4x21x512x512xf32, #tpu.memory_space<hbm>> -> memref<1x1x8x512xf32, #tpu.memory_space<hbm>>
    %dma_start3A_244 = tpu.memref_squeeze %dma_start3A_243 : memref<1x1x8x512xf32, #tpu.memory_space<hbm>> -> memref<8x512xf32, #tpu.memory_space<hbm>>
    %dma_start3A_245 = arith.constant 0 : i32
    %dma_start3A_246 = arith.constant 0 : i32
    %dma_start3A_247 = tpu.memref_slice %arg5[%dma_start3A_237, %dma_start3A_245, %dma_start3A_246] : memref<21x8x512xf32, #tpu.memory_space<vmem>> -> memref<1x8x512xf32, #tpu.memory_space<vmem>>
    %dma_start3A_248 = tpu.memref_squeeze %dma_start3A_247 : memref<1x8x512xf32, #tpu.memory_space<vmem>> -> memref<8x512xf32, #tpu.memory_space<vmem>>
    %dma_start3A_249 = arith.constant 0 : i32
    %dma_start3A_250 = tpu.memref_slice %arg2[%select_n3A, %dma_start3A_236, %add3A_44, %dma_start3A_249] : memref<4x21x512x512xf32, #tpu.memory_space<hbm>> -> memref<1x1x8x512xf32, #tpu.memory_space<hbm>>
    %dma_start3A_251 = tpu.memref_squeeze %dma_start3A_250 : memref<1x1x8x512xf32, #tpu.memory_space<hbm>> -> memref<8x512xf32, #tpu.memory_space<hbm>>
    tpu.enqueue_dma source(%dma_start3A_251 : memref<8x512xf32, #tpu.memory_space<hbm>>) target(%dma_start3A_248 : memref<8x512xf32, #tpu.memory_space<vmem>>) target_semaphore(%arg8 : memref<!tpu.dma_semaphore, #tpu.memory_space<semaphore_mem>>)
    %dma_start3A_252 = arith.constant 13 : i32
    %dma_start3A_253 = arith.constant 13 : i32
    %dma_start3A_254 = arith.constant 0 : i32
    %dma_start3A_255 = arith.constant 0 : i32
    %dma_start3A_256 = tpu.memref_slice %arg5[%dma_start3A_253, %dma_start3A_254, %dma_start3A_255] : memref<21x8x512xf32, #tpu.memory_space<vmem>> -> memref<1x8x512xf32, #tpu.memory_space<vmem>>
    %dma_start3A_257 = tpu.memref_squeeze %dma_start3A_256 : memref<1x8x512xf32, #tpu.memory_space<vmem>> -> memref<8x512xf32, #tpu.memory_space<vmem>>
    %dma_start3A_258 = arith.constant 0 : i32
    %dma_start3A_259 = tpu.memref_slice %arg2[%select_n3A, %dma_start3A_252, %add3A_44, %dma_start3A_258] : memref<4x21x512x512xf32, #tpu.memory_space<hbm>> -> memref<1x1x8x512xf32, #tpu.memory_space<hbm>>
    %dma_start3A_260 = tpu.memref_squeeze %dma_start3A_259 : memref<1x1x8x512xf32, #tpu.memory_space<hbm>> -> memref<8x512xf32, #tpu.memory_space<hbm>>
    %dma_start3A_261 = arith.constant 0 : i32
    %dma_start3A_262 = arith.constant 0 : i32
    %dma_start3A_263 = tpu.memref_slice %arg5[%dma_start3A_253, %dma_start3A_261, %dma_start3A_262] : memref<21x8x512xf32, #tpu.memory_space<vmem>> -> memref<1x8x512xf32, #tpu.memory_space<vmem>>
    %dma_start3A_264 = tpu.memref_squeeze %dma_start3A_263 : memref<1x8x512xf32, #tpu.memory_space<vmem>> -> memref<8x512xf32, #tpu.memory_space<vmem>>
    %dma_start3A_265 = arith.constant 0 : i32
    %dma_start3A_266 = tpu.memref_slice %arg2[%select_n3A, %dma_start3A_252, %add3A_44, %dma_start3A_265] : memref<4x21x512x512xf32, #tpu.memory_space<hbm>> -> memref<1x1x8x512xf32, #tpu.memory_space<hbm>>
    %dma_start3A_267 = tpu.memref_squeeze %dma_start3A_266 : memref<1x1x8x512xf32, #tpu.memory_space<hbm>> -> memref<8x512xf32, #tpu.memory_space<hbm>>
    tpu.enqueue_dma source(%dma_start3A_267 : memref<8x512xf32, #tpu.memory_space<hbm>>) target(%dma_start3A_264 : memref<8x512xf32, #tpu.memory_space<vmem>>) target_semaphore(%arg8 : memref<!tpu.dma_semaphore, #tpu.memory_space<semaphore_mem>>)
    %dma_start3A_268 = arith.constant 14 : i32
    %dma_start3A_269 = arith.constant 14 : i32
    %dma_start3A_270 = arith.constant 0 : i32
    %dma_start3A_271 = arith.constant 0 : i32
    %dma_start3A_272 = tpu.memref_slice %arg5[%dma_start3A_269, %dma_start3A_270, %dma_start3A_271] : memref<21x8x512xf32, #tpu.memory_space<vmem>> -> memref<1x8x512xf32, #tpu.memory_space<vmem>>
    %dma_start3A_273 = tpu.memref_squeeze %dma_start3A_272 : memref<1x8x512xf32, #tpu.memory_space<vmem>> -> memref<8x512xf32, #tpu.memory_space<vmem>>
    %dma_start3A_274 = arith.constant 0 : i32
    %dma_start3A_275 = tpu.memref_slice %arg2[%select_n3A, %dma_start3A_268, %add3A_44, %dma_start3A_274] : memref<4x21x512x512xf32, #tpu.memory_space<hbm>> -> memref<1x1x8x512xf32, #tpu.memory_space<hbm>>
    %dma_start3A_276 = tpu.memref_squeeze %dma_start3A_275 : memref<1x1x8x512xf32, #tpu.memory_space<hbm>> -> memref<8x512xf32, #tpu.memory_space<hbm>>
    %dma_start3A_277 = arith.constant 0 : i32
    %dma_start3A_278 = arith.constant 0 : i32
    %dma_start3A_279 = tpu.memref_slice %arg5[%dma_start3A_269, %dma_start3A_277, %dma_start3A_278] : memref<21x8x512xf32, #tpu.memory_space<vmem>> -> memref<1x8x512xf32, #tpu.memory_space<vmem>>
    %dma_start3A_280 = tpu.memref_squeeze %dma_start3A_279 : memref<1x8x512xf32, #tpu.memory_space<vmem>> -> memref<8x512xf32, #tpu.memory_space<vmem>>
    %dma_start3A_281 = arith.constant 0 : i32
    %dma_start3A_282 = tpu.memref_slice %arg2[%select_n3A, %dma_start3A_268, %add3A_44, %dma_start3A_281] : memref<4x21x512x512xf32, #tpu.memory_space<hbm>> -> memref<1x1x8x512xf32, #tpu.memory_space<hbm>>
    %dma_start3A_283 = tpu.memref_squeeze %dma_start3A_282 : memref<1x1x8x512xf32, #tpu.memory_space<hbm>> -> memref<8x512xf32, #tpu.memory_space<hbm>>
    tpu.enqueue_dma source(%dma_start3A_283 : memref<8x512xf32, #tpu.memory_space<hbm>>) target(%dma_start3A_280 : memref<8x512xf32, #tpu.memory_space<vmem>>) target_semaphore(%arg8 : memref<!tpu.dma_semaphore, #tpu.memory_space<semaphore_mem>>)
    %dma_start3A_284 = arith.constant 15 : i32
    %dma_start3A_285 = arith.constant 15 : i32
    %dma_start3A_286 = arith.constant 0 : i32
    %dma_start3A_287 = arith.constant 0 : i32
    %dma_start3A_288 = tpu.memref_slice %arg5[%dma_start3A_285, %dma_start3A_286, %dma_start3A_287] : memref<21x8x512xf32, #tpu.memory_space<vmem>> -> memref<1x8x512xf32, #tpu.memory_space<vmem>>
    %dma_start3A_289 = tpu.memref_squeeze %dma_start3A_288 : memref<1x8x512xf32, #tpu.memory_space<vmem>> -> memref<8x512xf32, #tpu.memory_space<vmem>>
    %dma_start3A_290 = arith.constant 0 : i32
    %dma_start3A_291 = tpu.memref_slice %arg2[%select_n3A, %dma_start3A_284, %add3A_44, %dma_start3A_290] : memref<4x21x512x512xf32, #tpu.memory_space<hbm>> -> memref<1x1x8x512xf32, #tpu.memory_space<hbm>>
    %dma_start3A_292 = tpu.memref_squeeze %dma_start3A_291 : memref<1x1x8x512xf32, #tpu.memory_space<hbm>> -> memref<8x512xf32, #tpu.memory_space<hbm>>
    %dma_start3A_293 = arith.constant 0 : i32
    %dma_start3A_294 = arith.constant 0 : i32
    %dma_start3A_295 = tpu.memref_slice %arg5[%dma_start3A_285, %dma_start3A_293, %dma_start3A_294] : memref<21x8x512xf32, #tpu.memory_space<vmem>> -> memref<1x8x512xf32, #tpu.memory_space<vmem>>
    %dma_start3A_296 = tpu.memref_squeeze %dma_start3A_295 : memref<1x8x512xf32, #tpu.memory_space<vmem>> -> memref<8x512xf32, #tpu.memory_space<vmem>>
    %dma_start3A_297 = arith.constant 0 : i32
    %dma_start3A_298 = tpu.memref_slice %arg2[%select_n3A, %dma_start3A_284, %add3A_44, %dma_start3A_297] : memref<4x21x512x512xf32, #tpu.memory_space<hbm>> -> memref<1x1x8x512xf32, #tpu.memory_space<hbm>>
    %dma_start3A_299 = tpu.memref_squeeze %dma_start3A_298 : memref<1x1x8x512xf32, #tpu.memory_space<hbm>> -> memref<8x512xf32, #tpu.memory_space<hbm>>
    tpu.enqueue_dma source(%dma_start3A_299 : memref<8x512xf32, #tpu.memory_space<hbm>>) target(%dma_start3A_296 : memref<8x512xf32, #tpu.memory_space<vmem>>) target_semaphore(%arg8 : memref<!tpu.dma_semaphore, #tpu.memory_space<semaphore_mem>>)
    %dma_start3A_300 = arith.constant 16 : i32
    %dma_start3A_301 = arith.constant 16 : i32
    %dma_start3A_302 = arith.constant 0 : i32
    %dma_start3A_303 = arith.constant 0 : i32
    %dma_start3A_304 = tpu.memref_slice %arg5[%dma_start3A_301, %dma_start3A_302, %dma_start3A_303] : memref<21x8x512xf32, #tpu.memory_space<vmem>> -> memref<1x8x512xf32, #tpu.memory_space<vmem>>
    %dma_start3A_305 = tpu.memref_squeeze %dma_start3A_304 : memref<1x8x512xf32, #tpu.memory_space<vmem>> -> memref<8x512xf32, #tpu.memory_space<vmem>>
    %dma_start3A_306 = arith.constant 0 : i32
    %dma_start3A_307 = tpu.memref_slice %arg2[%select_n3A, %dma_start3A_300, %add3A_44, %dma_start3A_306] : memref<4x21x512x512xf32, #tpu.memory_space<hbm>> -> memref<1x1x8x512xf32, #tpu.memory_space<hbm>>
    %dma_start3A_308 = tpu.memref_squeeze %dma_start3A_307 : memref<1x1x8x512xf32, #tpu.memory_space<hbm>> -> memref<8x512xf32, #tpu.memory_space<hbm>>
    %dma_start3A_309 = arith.constant 0 : i32
    %dma_start3A_310 = arith.constant 0 : i32
    %dma_start3A_311 = tpu.memref_slice %arg5[%dma_start3A_301, %dma_start3A_309, %dma_start3A_310] : memref<21x8x512xf32, #tpu.memory_space<vmem>> -> memref<1x8x512xf32, #tpu.memory_space<vmem>>
    %dma_start3A_312 = tpu.memref_squeeze %dma_start3A_311 : memref<1x8x512xf32, #tpu.memory_space<vmem>> -> memref<8x512xf32, #tpu.memory_space<vmem>>
    %dma_start3A_313 = arith.constant 0 : i32
    %dma_start3A_314 = tpu.memref_slice %arg2[%select_n3A, %dma_start3A_300, %add3A_44, %dma_start3A_313] : memref<4x21x512x512xf32, #tpu.memory_space<hbm>> -> memref<1x1x8x512xf32, #tpu.memory_space<hbm>>
    %dma_start3A_315 = tpu.memref_squeeze %dma_start3A_314 : memref<1x1x8x512xf32, #tpu.memory_space<hbm>> -> memref<8x512xf32, #tpu.memory_space<hbm>>
    tpu.enqueue_dma source(%dma_start3A_315 : memref<8x512xf32, #tpu.memory_space<hbm>>) target(%dma_start3A_312 : memref<8x512xf32, #tpu.memory_space<vmem>>) target_semaphore(%arg8 : memref<!tpu.dma_semaphore, #tpu.memory_space<semaphore_mem>>)
    %dma_start3A_316 = arith.constant 17 : i32
    %dma_start3A_317 = arith.constant 17 : i32
    %dma_start3A_318 = arith.constant 0 : i32
    %dma_start3A_319 = arith.constant 0 : i32
    %dma_start3A_320 = tpu.memref_slice %arg5[%dma_start3A_317, %dma_start3A_318, %dma_start3A_319] : memref<21x8x512xf32, #tpu.memory_space<vmem>> -> memref<1x8x512xf32, #tpu.memory_space<vmem>>
    %dma_start3A_321 = tpu.memref_squeeze %dma_start3A_320 : memref<1x8x512xf32, #tpu.memory_space<vmem>> -> memref<8x512xf32, #tpu.memory_space<vmem>>
    %dma_start3A_322 = arith.constant 0 : i32
    %dma_start3A_323 = tpu.memref_slice %arg2[%select_n3A, %dma_start3A_316, %add3A_44, %dma_start3A_322] : memref<4x21x512x512xf32, #tpu.memory_space<hbm>> -> memref<1x1x8x512xf32, #tpu.memory_space<hbm>>
    %dma_start3A_324 = tpu.memref_squeeze %dma_start3A_323 : memref<1x1x8x512xf32, #tpu.memory_space<hbm>> -> memref<8x512xf32, #tpu.memory_space<hbm>>
    %dma_start3A_325 = arith.constant 0 : i32
    %dma_start3A_326 = arith.constant 0 : i32
    %dma_start3A_327 = tpu.memref_slice %arg5[%dma_start3A_317, %dma_start3A_325, %dma_start3A_326] : memref<21x8x512xf32, #tpu.memory_space<vmem>> -> memref<1x8x512xf32, #tpu.memory_space<vmem>>
    %dma_start3A_328 = tpu.memref_squeeze %dma_start3A_327 : memref<1x8x512xf32, #tpu.memory_space<vmem>> -> memref<8x512xf32, #tpu.memory_space<vmem>>
    %dma_start3A_329 = arith.constant 0 : i32
    %dma_start3A_330 = tpu.memref_slice %arg2[%select_n3A, %dma_start3A_316, %add3A_44, %dma_start3A_329] : memref<4x21x512x512xf32, #tpu.memory_space<hbm>> -> memref<1x1x8x512xf32, #tpu.memory_space<hbm>>
    %dma_start3A_331 = tpu.memref_squeeze %dma_start3A_330 : memref<1x1x8x512xf32, #tpu.memory_space<hbm>> -> memref<8x512xf32, #tpu.memory_space<hbm>>
    tpu.enqueue_dma source(%dma_start3A_331 : memref<8x512xf32, #tpu.memory_space<hbm>>) target(%dma_start3A_328 : memref<8x512xf32, #tpu.memory_space<vmem>>) target_semaphore(%arg8 : memref<!tpu.dma_semaphore, #tpu.memory_space<semaphore_mem>>)
    %dma_start3A_332 = arith.constant 18 : i32
    %dma_start3A_333 = arith.constant 18 : i32
    %dma_start3A_334 = arith.constant 0 : i32
    %dma_start3A_335 = arith.constant 0 : i32
    %dma_start3A_336 = tpu.memref_slice %arg5[%dma_start3A_333, %dma_start3A_334, %dma_start3A_335] : memref<21x8x512xf32, #tpu.memory_space<vmem>> -> memref<1x8x512xf32, #tpu.memory_space<vmem>>
    %dma_start3A_337 = tpu.memref_squeeze %dma_start3A_336 : memref<1x8x512xf32, #tpu.memory_space<vmem>> -> memref<8x512xf32, #tpu.memory_space<vmem>>
    %dma_start3A_338 = arith.constant 0 : i32
    %dma_start3A_339 = tpu.memref_slice %arg2[%select_n3A, %dma_start3A_332, %add3A_44, %dma_start3A_338] : memref<4x21x512x512xf32, #tpu.memory_space<hbm>> -> memref<1x1x8x512xf32, #tpu.memory_space<hbm>>
    %dma_start3A_340 = tpu.memref_squeeze %dma_start3A_339 : memref<1x1x8x512xf32, #tpu.memory_space<hbm>> -> memref<8x512xf32, #tpu.memory_space<hbm>>
    %dma_start3A_341 = arith.constant 0 : i32
    %dma_start3A_342 = arith.constant 0 : i32
    %dma_start3A_343 = tpu.memref_slice %arg5[%dma_start3A_333, %dma_start3A_341, %dma_start3A_342] : memref<21x8x512xf32, #tpu.memory_space<vmem>> -> memref<1x8x512xf32, #tpu.memory_space<vmem>>
    %dma_start3A_344 = tpu.memref_squeeze %dma_start3A_343 : memref<1x8x512xf32, #tpu.memory_space<vmem>> -> memref<8x512xf32, #tpu.memory_space<vmem>>
    %dma_start3A_345 = arith.constant 0 : i32
    %dma_start3A_346 = tpu.memref_slice %arg2[%select_n3A, %dma_start3A_332, %add3A_44, %dma_start3A_345] : memref<4x21x512x512xf32, #tpu.memory_space<hbm>> -> memref<1x1x8x512xf32, #tpu.memory_space<hbm>>
    %dma_start3A_347 = tpu.memref_squeeze %dma_start3A_346 : memref<1x1x8x512xf32, #tpu.memory_space<hbm>> -> memref<8x512xf32, #tpu.memory_space<hbm>>
    tpu.enqueue_dma source(%dma_start3A_347 : memref<8x512xf32, #tpu.memory_space<hbm>>) target(%dma_start3A_344 : memref<8x512xf32, #tpu.memory_space<vmem>>) target_semaphore(%arg8 : memref<!tpu.dma_semaphore, #tpu.memory_space<semaphore_mem>>)
    %dma_start3A_348 = arith.constant 19 : i32
    %dma_start3A_349 = arith.constant 19 : i32
    %dma_start3A_350 = arith.constant 0 : i32
    %dma_start3A_351 = arith.constant 0 : i32
    %dma_start3A_352 = tpu.memref_slice %arg5[%dma_start3A_349, %dma_start3A_350, %dma_start3A_351] : memref<21x8x512xf32, #tpu.memory_space<vmem>> -> memref<1x8x512xf32, #tpu.memory_space<vmem>>
    %dma_start3A_353 = tpu.memref_squeeze %dma_start3A_352 : memref<1x8x512xf32, #tpu.memory_space<vmem>> -> memref<8x512xf32, #tpu.memory_space<vmem>>
    %dma_start3A_354 = arith.constant 0 : i32
    %dma_start3A_355 = tpu.memref_slice %arg2[%select_n3A, %dma_start3A_348, %add3A_44, %dma_start3A_354] : memref<4x21x512x512xf32, #tpu.memory_space<hbm>> -> memref<1x1x8x512xf32, #tpu.memory_space<hbm>>
    %dma_start3A_356 = tpu.memref_squeeze %dma_start3A_355 : memref<1x1x8x512xf32, #tpu.memory_space<hbm>> -> memref<8x512xf32, #tpu.memory_space<hbm>>
    %dma_start3A_357 = arith.constant 0 : i32
    %dma_start3A_358 = arith.constant 0 : i32
    %dma_start3A_359 = tpu.memref_slice %arg5[%dma_start3A_349, %dma_start3A_357, %dma_start3A_358] : memref<21x8x512xf32, #tpu.memory_space<vmem>> -> memref<1x8x512xf32, #tpu.memory_space<vmem>>
    %dma_start3A_360 = tpu.memref_squeeze %dma_start3A_359 : memref<1x8x512xf32, #tpu.memory_space<vmem>> -> memref<8x512xf32, #tpu.memory_space<vmem>>
    %dma_start3A_361 = arith.constant 0 : i32
    %dma_start3A_362 = tpu.memref_slice %arg2[%select_n3A, %dma_start3A_348, %add3A_44, %dma_start3A_361] : memref<4x21x512x512xf32, #tpu.memory_space<hbm>> -> memref<1x1x8x512xf32, #tpu.memory_space<hbm>>
    %dma_start3A_363 = tpu.memref_squeeze %dma_start3A_362 : memref<1x1x8x512xf32, #tpu.memory_space<hbm>> -> memref<8x512xf32, #tpu.memory_space<hbm>>
    tpu.enqueue_dma source(%dma_start3A_363 : memref<8x512xf32, #tpu.memory_space<hbm>>) target(%dma_start3A_360 : memref<8x512xf32, #tpu.memory_space<vmem>>) target_semaphore(%arg8 : memref<!tpu.dma_semaphore, #tpu.memory_space<semaphore_mem>>)
    %dma_start3A_364 = arith.constant 20 : i32
    %dma_start3A_365 = arith.constant 20 : i32
    %dma_start3A_366 = arith.constant 0 : i32
    %dma_start3A_367 = arith.constant 0 : i32
    %dma_start3A_368 = tpu.memref_slice %arg5[%dma_start3A_365, %dma_start3A_366, %dma_start3A_367] : memref<21x8x512xf32, #tpu.memory_space<vmem>> -> memref<1x8x512xf32, #tpu.memory_space<vmem>>
    %dma_start3A_369 = tpu.memref_squeeze %dma_start3A_368 : memref<1x8x512xf32, #tpu.memory_space<vmem>> -> memref<8x512xf32, #tpu.memory_space<vmem>>
    %dma_start3A_370 = arith.constant 0 : i32
    %dma_start3A_371 = tpu.memref_slice %arg2[%select_n3A, %dma_start3A_364, %add3A_44, %dma_start3A_370] : memref<4x21x512x512xf32, #tpu.memory_space<hbm>> -> memref<1x1x8x512xf32, #tpu.memory_space<hbm>>
    %dma_start3A_372 = tpu.memref_squeeze %dma_start3A_371 : memref<1x1x8x512xf32, #tpu.memory_space<hbm>> -> memref<8x512xf32, #tpu.memory_space<hbm>>
    %dma_start3A_373 = arith.constant 0 : i32
    %dma_start3A_374 = arith.constant 0 : i32
    %dma_start3A_375 = tpu.memref_slice %arg5[%dma_start3A_365, %dma_start3A_373, %dma_start3A_374] : memref<21x8x512xf32, #tpu.memory_space<vmem>> -> memref<1x8x512xf32, #tpu.memory_space<vmem>>
    %dma_start3A_376 = tpu.memref_squeeze %dma_start3A_375 : memref<1x8x512xf32, #tpu.memory_space<vmem>> -> memref<8x512xf32, #tpu.memory_space<vmem>>
    %dma_start3A_377 = arith.constant 0 : i32
    %dma_start3A_378 = tpu.memref_slice %arg2[%select_n3A, %dma_start3A_364, %add3A_44, %dma_start3A_377] : memref<4x21x512x512xf32, #tpu.memory_space<hbm>> -> memref<1x1x8x512xf32, #tpu.memory_space<hbm>>
    %dma_start3A_379 = tpu.memref_squeeze %dma_start3A_378 : memref<1x1x8x512xf32, #tpu.memory_space<hbm>> -> memref<8x512xf32, #tpu.memory_space<hbm>>
    tpu.enqueue_dma source(%dma_start3A_379 : memref<8x512xf32, #tpu.memory_space<hbm>>) target(%dma_start3A_376 : memref<8x512xf32, #tpu.memory_space<vmem>>) target_semaphore(%arg8 : memref<!tpu.dma_semaphore, #tpu.memory_space<semaphore_mem>>)
    %dma_start3A_380 = arith.constant 0 : i32
    %dma_start3A_381 = tpu.memref_slice %arg3[%select_n3A, %add3A_44, %dma_start3A_380] : memref<4x512x512xi32, #tpu.memory_space<hbm>> -> memref<1x8x512xi32, #tpu.memory_space<hbm>>
    %dma_start3A_382 = tpu.memref_squeeze %dma_start3A_381 : memref<1x8x512xi32, #tpu.memory_space<hbm>> -> memref<8x512xi32, #tpu.memory_space<hbm>>
    %dma_start3A_383 = arith.constant 0 : i32
    %dma_start3A_384 = tpu.memref_slice %arg3[%select_n3A, %add3A_44, %dma_start3A_383] : memref<4x512x512xi32, #tpu.memory_space<hbm>> -> memref<1x8x512xi32, #tpu.memory_space<hbm>>
    %dma_start3A_385 = tpu.memref_squeeze %dma_start3A_384 : memref<1x8x512xi32, #tpu.memory_space<hbm>> -> memref<8x512xi32, #tpu.memory_space<hbm>>
    tpu.enqueue_dma source(%dma_start3A_385 : memref<8x512xi32, #tpu.memory_space<hbm>>) target(%arg6 : memref<8x512xi32, #tpu.memory_space<vmem>>) target_semaphore(%arg8 : memref<!tpu.dma_semaphore, #tpu.memory_space<semaphore_mem>>)
    %dma_wait3A = arith.constant 0 : i32
    %dma_wait3A_386 = arith.constant 0 : i32
    %dma_wait3A_387 = arith.constant 0 : i32
    %dma_wait3A_388 = arith.constant 0 : i32
    %dma_wait3A_389 = tpu.memref_slice %arg5[%dma_wait3A_386, %dma_wait3A_387, %dma_wait3A_388] : memref<21x8x512xf32, #tpu.memory_space<vmem>> -> memref<1x8x512xf32, #tpu.memory_space<vmem>>
    %dma_wait3A_390 = tpu.memref_squeeze %dma_wait3A_389 : memref<1x8x512xf32, #tpu.memory_space<vmem>> -> memref<8x512xf32, #tpu.memory_space<vmem>>
    %dma_wait3A_391 = arith.constant 0 : i32
    %dma_wait3A_392 = tpu.memref_slice %arg2[%select_n3A, %dma_wait3A, %add3A_44, %dma_wait3A_391] : memref<4x21x512x512xf32, #tpu.memory_space<hbm>> -> memref<1x1x8x512xf32, #tpu.memory_space<hbm>>
    %dma_wait3A_393 = tpu.memref_squeeze %dma_wait3A_392 : memref<1x1x8x512xf32, #tpu.memory_space<hbm>> -> memref<8x512xf32, #tpu.memory_space<hbm>>
    %dma_wait3A_394 = arith.constant 0 : i32
    %dma_wait3A_395 = arith.constant 0 : i32
    %dma_wait3A_396 = tpu.memref_slice %arg5[%dma_wait3A_386, %dma_wait3A_394, %dma_wait3A_395] : memref<21x8x512xf32, #tpu.memory_space<vmem>> -> memref<1x8x512xf32, #tpu.memory_space<vmem>>
    %dma_wait3A_397 = tpu.memref_squeeze %dma_wait3A_396 : memref<1x8x512xf32, #tpu.memory_space<vmem>> -> memref<8x512xf32, #tpu.memory_space<vmem>>
    %dma_wait3A_398 = arith.constant 0 : i32
    %dma_wait3A_399 = tpu.memref_slice %arg2[%select_n3A, %dma_wait3A, %add3A_44, %dma_wait3A_398] : memref<4x21x512x512xf32, #tpu.memory_space<hbm>> -> memref<1x1x8x512xf32, #tpu.memory_space<hbm>>
    %dma_wait3A_400 = tpu.memref_squeeze %dma_wait3A_399 : memref<1x1x8x512xf32, #tpu.memory_space<hbm>> -> memref<8x512xf32, #tpu.memory_space<hbm>>
    tpu.wait_dma2 semaphore(%arg8 : memref<!tpu.dma_semaphore, #tpu.memory_space<semaphore_mem>>) src(%dma_wait3A_400 : memref<8x512xf32, #tpu.memory_space<hbm>>) dst(%dma_wait3A_397 : memref<8x512xf32, #tpu.memory_space<vmem>>)
    %dma_wait3A_401 = arith.constant 1 : i32
    %dma_wait3A_402 = arith.constant 1 : i32
    %dma_wait3A_403 = arith.constant 0 : i32
    %dma_wait3A_404 = arith.constant 0 : i32
    %dma_wait3A_405 = tpu.memref_slice %arg5[%dma_wait3A_402, %dma_wait3A_403, %dma_wait3A_404] : memref<21x8x512xf32, #tpu.memory_space<vmem>> -> memref<1x8x512xf32, #tpu.memory_space<vmem>>
    %dma_wait3A_406 = tpu.memref_squeeze %dma_wait3A_405 : memref<1x8x512xf32, #tpu.memory_space<vmem>> -> memref<8x512xf32, #tpu.memory_space<vmem>>
    %dma_wait3A_407 = arith.constant 0 : i32
    %dma_wait3A_408 = tpu.memref_slice %arg2[%select_n3A, %dma_wait3A_401, %add3A_44, %dma_wait3A_407] : memref<4x21x512x512xf32, #tpu.memory_space<hbm>> -> memref<1x1x8x512xf32, #tpu.memory_space<hbm>>
    %dma_wait3A_409 = tpu.memref_squeeze %dma_wait3A_408 : memref<1x1x8x512xf32, #tpu.memory_space<hbm>> -> memref<8x512xf32, #tpu.memory_space<hbm>>
    %dma_wait3A_410 = arith.constant 0 : i32
    %dma_wait3A_411 = arith.constant 0 : i32
    %dma_wait3A_412 = tpu.memref_slice %arg5[%dma_wait3A_402, %dma_wait3A_410, %dma_wait3A_411] : memref<21x8x512xf32, #tpu.memory_space<vmem>> -> memref<1x8x512xf32, #tpu.memory_space<vmem>>
    %dma_wait3A_413 = tpu.memref_squeeze %dma_wait3A_412 : memref<1x8x512xf32, #tpu.memory_space<vmem>> -> memref<8x512xf32, #tpu.memory_space<vmem>>
    %dma_wait3A_414 = arith.constant 0 : i32
    %dma_wait3A_415 = tpu.memref_slice %arg2[%select_n3A, %dma_wait3A_401, %add3A_44, %dma_wait3A_414] : memref<4x21x512x512xf32, #tpu.memory_space<hbm>> -> memref<1x1x8x512xf32, #tpu.memory_space<hbm>>
    %dma_wait3A_416 = tpu.memref_squeeze %dma_wait3A_415 : memref<1x1x8x512xf32, #tpu.memory_space<hbm>> -> memref<8x512xf32, #tpu.memory_space<hbm>>
    tpu.wait_dma2 semaphore(%arg8 : memref<!tpu.dma_semaphore, #tpu.memory_space<semaphore_mem>>) src(%dma_wait3A_416 : memref<8x512xf32, #tpu.memory_space<hbm>>) dst(%dma_wait3A_413 : memref<8x512xf32, #tpu.memory_space<vmem>>)
    %dma_wait3A_417 = arith.constant 2 : i32
    %dma_wait3A_418 = arith.constant 2 : i32
    %dma_wait3A_419 = arith.constant 0 : i32
    %dma_wait3A_420 = arith.constant 0 : i32
    %dma_wait3A_421 = tpu.memref_slice %arg5[%dma_wait3A_418, %dma_wait3A_419, %dma_wait3A_420] : memref<21x8x512xf32, #tpu.memory_space<vmem>> -> memref<1x8x512xf32, #tpu.memory_space<vmem>>
    %dma_wait3A_422 = tpu.memref_squeeze %dma_wait3A_421 : memref<1x8x512xf32, #tpu.memory_space<vmem>> -> memref<8x512xf32, #tpu.memory_space<vmem>>
    %dma_wait3A_423 = arith.constant 0 : i32
    %dma_wait3A_424 = tpu.memref_slice %arg2[%select_n3A, %dma_wait3A_417, %add3A_44, %dma_wait3A_423] : memref<4x21x512x512xf32, #tpu.memory_space<hbm>> -> memref<1x1x8x512xf32, #tpu.memory_space<hbm>>
    %dma_wait3A_425 = tpu.memref_squeeze %dma_wait3A_424 : memref<1x1x8x512xf32, #tpu.memory_space<hbm>> -> memref<8x512xf32, #tpu.memory_space<hbm>>
    %dma_wait3A_426 = arith.constant 0 : i32
    %dma_wait3A_427 = arith.constant 0 : i32
    %dma_wait3A_428 = tpu.memref_slice %arg5[%dma_wait3A_418, %dma_wait3A_426, %dma_wait3A_427] : memref<21x8x512xf32, #tpu.memory_space<vmem>> -> memref<1x8x512xf32, #tpu.memory_space<vmem>>
    %dma_wait3A_429 = tpu.memref_squeeze %dma_wait3A_428 : memref<1x8x512xf32, #tpu.memory_space<vmem>> -> memref<8x512xf32, #tpu.memory_space<vmem>>
    %dma_wait3A_430 = arith.constant 0 : i32
    %dma_wait3A_431 = tpu.memref_slice %arg2[%select_n3A, %dma_wait3A_417, %add3A_44, %dma_wait3A_430] : memref<4x21x512x512xf32, #tpu.memory_space<hbm>> -> memref<1x1x8x512xf32, #tpu.memory_space<hbm>>
    %dma_wait3A_432 = tpu.memref_squeeze %dma_wait3A_431 : memref<1x1x8x512xf32, #tpu.memory_space<hbm>> -> memref<8x512xf32, #tpu.memory_space<hbm>>
    tpu.wait_dma2 semaphore(%arg8 : memref<!tpu.dma_semaphore, #tpu.memory_space<semaphore_mem>>) src(%dma_wait3A_432 : memref<8x512xf32, #tpu.memory_space<hbm>>) dst(%dma_wait3A_429 : memref<8x512xf32, #tpu.memory_space<vmem>>)
    %dma_wait3A_433 = arith.constant 3 : i32
    %dma_wait3A_434 = arith.constant 3 : i32
    %dma_wait3A_435 = arith.constant 0 : i32
    %dma_wait3A_436 = arith.constant 0 : i32
    %dma_wait3A_437 = tpu.memref_slice %arg5[%dma_wait3A_434, %dma_wait3A_435, %dma_wait3A_436] : memref<21x8x512xf32, #tpu.memory_space<vmem>> -> memref<1x8x512xf32, #tpu.memory_space<vmem>>
    %dma_wait3A_438 = tpu.memref_squeeze %dma_wait3A_437 : memref<1x8x512xf32, #tpu.memory_space<vmem>> -> memref<8x512xf32, #tpu.memory_space<vmem>>
    %dma_wait3A_439 = arith.constant 0 : i32
    %dma_wait3A_440 = tpu.memref_slice %arg2[%select_n3A, %dma_wait3A_433, %add3A_44, %dma_wait3A_439] : memref<4x21x512x512xf32, #tpu.memory_space<hbm>> -> memref<1x1x8x512xf32, #tpu.memory_space<hbm>>
    %dma_wait3A_441 = tpu.memref_squeeze %dma_wait3A_440 : memref<1x1x8x512xf32, #tpu.memory_space<hbm>> -> memref<8x512xf32, #tpu.memory_space<hbm>>
    %dma_wait3A_442 = arith.constant 0 : i32
    %dma_wait3A_443 = arith.constant 0 : i32
    %dma_wait3A_444 = tpu.memref_slice %arg5[%dma_wait3A_434, %dma_wait3A_442, %dma_wait3A_443] : memref<21x8x512xf32, #tpu.memory_space<vmem>> -> memref<1x8x512xf32, #tpu.memory_space<vmem>>
    %dma_wait3A_445 = tpu.memref_squeeze %dma_wait3A_444 : memref<1x8x512xf32, #tpu.memory_space<vmem>> -> memref<8x512xf32, #tpu.memory_space<vmem>>
    %dma_wait3A_446 = arith.constant 0 : i32
    %dma_wait3A_447 = tpu.memref_slice %arg2[%select_n3A, %dma_wait3A_433, %add3A_44, %dma_wait3A_446] : memref<4x21x512x512xf32, #tpu.memory_space<hbm>> -> memref<1x1x8x512xf32, #tpu.memory_space<hbm>>
    %dma_wait3A_448 = tpu.memref_squeeze %dma_wait3A_447 : memref<1x1x8x512xf32, #tpu.memory_space<hbm>> -> memref<8x512xf32, #tpu.memory_space<hbm>>
    tpu.wait_dma2 semaphore(%arg8 : memref<!tpu.dma_semaphore, #tpu.memory_space<semaphore_mem>>) src(%dma_wait3A_448 : memref<8x512xf32, #tpu.memory_space<hbm>>) dst(%dma_wait3A_445 : memref<8x512xf32, #tpu.memory_space<vmem>>)
    %dma_wait3A_449 = arith.constant 4 : i32
    %dma_wait3A_450 = arith.constant 4 : i32
    %dma_wait3A_451 = arith.constant 0 : i32
    %dma_wait3A_452 = arith.constant 0 : i32
    %dma_wait3A_453 = tpu.memref_slice %arg5[%dma_wait3A_450, %dma_wait3A_451, %dma_wait3A_452] : memref<21x8x512xf32, #tpu.memory_space<vmem>> -> memref<1x8x512xf32, #tpu.memory_space<vmem>>
    %dma_wait3A_454 = tpu.memref_squeeze %dma_wait3A_453 : memref<1x8x512xf32, #tpu.memory_space<vmem>> -> memref<8x512xf32, #tpu.memory_space<vmem>>
    %dma_wait3A_455 = arith.constant 0 : i32
    %dma_wait3A_456 = tpu.memref_slice %arg2[%select_n3A, %dma_wait3A_449, %add3A_44, %dma_wait3A_455] : memref<4x21x512x512xf32, #tpu.memory_space<hbm>> -> memref<1x1x8x512xf32, #tpu.memory_space<hbm>>
    %dma_wait3A_457 = tpu.memref_squeeze %dma_wait3A_456 : memref<1x1x8x512xf32, #tpu.memory_space<hbm>> -> memref<8x512xf32, #tpu.memory_space<hbm>>
    %dma_wait3A_458 = arith.constant 0 : i32
    %dma_wait3A_459 = arith.constant 0 : i32
    %dma_wait3A_460 = tpu.memref_slice %arg5[%dma_wait3A_450, %dma_wait3A_458, %dma_wait3A_459] : memref<21x8x512xf32, #tpu.memory_space<vmem>> -> memref<1x8x512xf32, #tpu.memory_space<vmem>>
    %dma_wait3A_461 = tpu.memref_squeeze %dma_wait3A_460 : memref<1x8x512xf32, #tpu.memory_space<vmem>> -> memref<8x512xf32, #tpu.memory_space<vmem>>
    %dma_wait3A_462 = arith.constant 0 : i32
    %dma_wait3A_463 = tpu.memref_slice %arg2[%select_n3A, %dma_wait3A_449, %add3A_44, %dma_wait3A_462] : memref<4x21x512x512xf32, #tpu.memory_space<hbm>> -> memref<1x1x8x512xf32, #tpu.memory_space<hbm>>
    %dma_wait3A_464 = tpu.memref_squeeze %dma_wait3A_463 : memref<1x1x8x512xf32, #tpu.memory_space<hbm>> -> memref<8x512xf32, #tpu.memory_space<hbm>>
    tpu.wait_dma2 semaphore(%arg8 : memref<!tpu.dma_semaphore, #tpu.memory_space<semaphore_mem>>) src(%dma_wait3A_464 : memref<8x512xf32, #tpu.memory_space<hbm>>) dst(%dma_wait3A_461 : memref<8x512xf32, #tpu.memory_space<vmem>>)
    %dma_wait3A_465 = arith.constant 5 : i32
    %dma_wait3A_466 = arith.constant 5 : i32
    %dma_wait3A_467 = arith.constant 0 : i32
    %dma_wait3A_468 = arith.constant 0 : i32
    %dma_wait3A_469 = tpu.memref_slice %arg5[%dma_wait3A_466, %dma_wait3A_467, %dma_wait3A_468] : memref<21x8x512xf32, #tpu.memory_space<vmem>> -> memref<1x8x512xf32, #tpu.memory_space<vmem>>
    %dma_wait3A_470 = tpu.memref_squeeze %dma_wait3A_469 : memref<1x8x512xf32, #tpu.memory_space<vmem>> -> memref<8x512xf32, #tpu.memory_space<vmem>>
    %dma_wait3A_471 = arith.constant 0 : i32
    %dma_wait3A_472 = tpu.memref_slice %arg2[%select_n3A, %dma_wait3A_465, %add3A_44, %dma_wait3A_471] : memref<4x21x512x512xf32, #tpu.memory_space<hbm>> -> memref<1x1x8x512xf32, #tpu.memory_space<hbm>>
    %dma_wait3A_473 = tpu.memref_squeeze %dma_wait3A_472 : memref<1x1x8x512xf32, #tpu.memory_space<hbm>> -> memref<8x512xf32, #tpu.memory_space<hbm>>
    %dma_wait3A_474 = arith.constant 0 : i32
    %dma_wait3A_475 = arith.constant 0 : i32
    %dma_wait3A_476 = tpu.memref_slice %arg5[%dma_wait3A_466, %dma_wait3A_474, %dma_wait3A_475] : memref<21x8x512xf32, #tpu.memory_space<vmem>> -> memref<1x8x512xf32, #tpu.memory_space<vmem>>
    %dma_wait3A_477 = tpu.memref_squeeze %dma_wait3A_476 : memref<1x8x512xf32, #tpu.memory_space<vmem>> -> memref<8x512xf32, #tpu.memory_space<vmem>>
    %dma_wait3A_478 = arith.constant 0 : i32
    %dma_wait3A_479 = tpu.memref_slice %arg2[%select_n3A, %dma_wait3A_465, %add3A_44, %dma_wait3A_478] : memref<4x21x512x512xf32, #tpu.memory_space<hbm>> -> memref<1x1x8x512xf32, #tpu.memory_space<hbm>>
    %dma_wait3A_480 = tpu.memref_squeeze %dma_wait3A_479 : memref<1x1x8x512xf32, #tpu.memory_space<hbm>> -> memref<8x512xf32, #tpu.memory_space<hbm>>
    tpu.wait_dma2 semaphore(%arg8 : memref<!tpu.dma_semaphore, #tpu.memory_space<semaphore_mem>>) src(%dma_wait3A_480 : memref<8x512xf32, #tpu.memory_space<hbm>>) dst(%dma_wait3A_477 : memref<8x512xf32, #tpu.memory_space<vmem>>)
    %dma_wait3A_481 = arith.constant 6 : i32
    %dma_wait3A_482 = arith.constant 6 : i32
    %dma_wait3A_483 = arith.constant 0 : i32
    %dma_wait3A_484 = arith.constant 0 : i32
    %dma_wait3A_485 = tpu.memref_slice %arg5[%dma_wait3A_482, %dma_wait3A_483, %dma_wait3A_484] : memref<21x8x512xf32, #tpu.memory_space<vmem>> -> memref<1x8x512xf32, #tpu.memory_space<vmem>>
    %dma_wait3A_486 = tpu.memref_squeeze %dma_wait3A_485 : memref<1x8x512xf32, #tpu.memory_space<vmem>> -> memref<8x512xf32, #tpu.memory_space<vmem>>
    %dma_wait3A_487 = arith.constant 0 : i32
    %dma_wait3A_488 = tpu.memref_slice %arg2[%select_n3A, %dma_wait3A_481, %add3A_44, %dma_wait3A_487] : memref<4x21x512x512xf32, #tpu.memory_space<hbm>> -> memref<1x1x8x512xf32, #tpu.memory_space<hbm>>
    %dma_wait3A_489 = tpu.memref_squeeze %dma_wait3A_488 : memref<1x1x8x512xf32, #tpu.memory_space<hbm>> -> memref<8x512xf32, #tpu.memory_space<hbm>>
    %dma_wait3A_490 = arith.constant 0 : i32
    %dma_wait3A_491 = arith.constant 0 : i32
    %dma_wait3A_492 = tpu.memref_slice %arg5[%dma_wait3A_482, %dma_wait3A_490, %dma_wait3A_491] : memref<21x8x512xf32, #tpu.memory_space<vmem>> -> memref<1x8x512xf32, #tpu.memory_space<vmem>>
    %dma_wait3A_493 = tpu.memref_squeeze %dma_wait3A_492 : memref<1x8x512xf32, #tpu.memory_space<vmem>> -> memref<8x512xf32, #tpu.memory_space<vmem>>
    %dma_wait3A_494 = arith.constant 0 : i32
    %dma_wait3A_495 = tpu.memref_slice %arg2[%select_n3A, %dma_wait3A_481, %add3A_44, %dma_wait3A_494] : memref<4x21x512x512xf32, #tpu.memory_space<hbm>> -> memref<1x1x8x512xf32, #tpu.memory_space<hbm>>
    %dma_wait3A_496 = tpu.memref_squeeze %dma_wait3A_495 : memref<1x1x8x512xf32, #tpu.memory_space<hbm>> -> memref<8x512xf32, #tpu.memory_space<hbm>>
    tpu.wait_dma2 semaphore(%arg8 : memref<!tpu.dma_semaphore, #tpu.memory_space<semaphore_mem>>) src(%dma_wait3A_496 : memref<8x512xf32, #tpu.memory_space<hbm>>) dst(%dma_wait3A_493 : memref<8x512xf32, #tpu.memory_space<vmem>>)
    %dma_wait3A_497 = arith.constant 7 : i32
    %dma_wait3A_498 = arith.constant 7 : i32
    %dma_wait3A_499 = arith.constant 0 : i32
    %dma_wait3A_500 = arith.constant 0 : i32
    %dma_wait3A_501 = tpu.memref_slice %arg5[%dma_wait3A_498, %dma_wait3A_499, %dma_wait3A_500] : memref<21x8x512xf32, #tpu.memory_space<vmem>> -> memref<1x8x512xf32, #tpu.memory_space<vmem>>
    %dma_wait3A_502 = tpu.memref_squeeze %dma_wait3A_501 : memref<1x8x512xf32, #tpu.memory_space<vmem>> -> memref<8x512xf32, #tpu.memory_space<vmem>>
    %dma_wait3A_503 = arith.constant 0 : i32
    %dma_wait3A_504 = tpu.memref_slice %arg2[%select_n3A, %dma_wait3A_497, %add3A_44, %dma_wait3A_503] : memref<4x21x512x512xf32, #tpu.memory_space<hbm>> -> memref<1x1x8x512xf32, #tpu.memory_space<hbm>>
    %dma_wait3A_505 = tpu.memref_squeeze %dma_wait3A_504 : memref<1x1x8x512xf32, #tpu.memory_space<hbm>> -> memref<8x512xf32, #tpu.memory_space<hbm>>
    %dma_wait3A_506 = arith.constant 0 : i32
    %dma_wait3A_507 = arith.constant 0 : i32
    %dma_wait3A_508 = tpu.memref_slice %arg5[%dma_wait3A_498, %dma_wait3A_506, %dma_wait3A_507] : memref<21x8x512xf32, #tpu.memory_space<vmem>> -> memref<1x8x512xf32, #tpu.memory_space<vmem>>
    %dma_wait3A_509 = tpu.memref_squeeze %dma_wait3A_508 : memref<1x8x512xf32, #tpu.memory_space<vmem>> -> memref<8x512xf32, #tpu.memory_space<vmem>>
    %dma_wait3A_510 = arith.constant 0 : i32
    %dma_wait3A_511 = tpu.memref_slice %arg2[%select_n3A, %dma_wait3A_497, %add3A_44, %dma_wait3A_510] : memref<4x21x512x512xf32, #tpu.memory_space<hbm>> -> memref<1x1x8x512xf32, #tpu.memory_space<hbm>>
    %dma_wait3A_512 = tpu.memref_squeeze %dma_wait3A_511 : memref<1x1x8x512xf32, #tpu.memory_space<hbm>> -> memref<8x512xf32, #tpu.memory_space<hbm>>
    tpu.wait_dma2 semaphore(%arg8 : memref<!tpu.dma_semaphore, #tpu.memory_space<semaphore_mem>>) src(%dma_wait3A_512 : memref<8x512xf32, #tpu.memory_space<hbm>>) dst(%dma_wait3A_509 : memref<8x512xf32, #tpu.memory_space<vmem>>)
    %dma_wait3A_513 = arith.constant 8 : i32
    %dma_wait3A_514 = arith.constant 8 : i32
    %dma_wait3A_515 = arith.constant 0 : i32
    %dma_wait3A_516 = arith.constant 0 : i32
    %dma_wait3A_517 = tpu.memref_slice %arg5[%dma_wait3A_514, %dma_wait3A_515, %dma_wait3A_516] : memref<21x8x512xf32, #tpu.memory_space<vmem>> -> memref<1x8x512xf32, #tpu.memory_space<vmem>>
    %dma_wait3A_518 = tpu.memref_squeeze %dma_wait3A_517 : memref<1x8x512xf32, #tpu.memory_space<vmem>> -> memref<8x512xf32, #tpu.memory_space<vmem>>
    %dma_wait3A_519 = arith.constant 0 : i32
    %dma_wait3A_520 = tpu.memref_slice %arg2[%select_n3A, %dma_wait3A_513, %add3A_44, %dma_wait3A_519] : memref<4x21x512x512xf32, #tpu.memory_space<hbm>> -> memref<1x1x8x512xf32, #tpu.memory_space<hbm>>
    %dma_wait3A_521 = tpu.memref_squeeze %dma_wait3A_520 : memref<1x1x8x512xf32, #tpu.memory_space<hbm>> -> memref<8x512xf32, #tpu.memory_space<hbm>>
    %dma_wait3A_522 = arith.constant 0 : i32
    %dma_wait3A_523 = arith.constant 0 : i32
    %dma_wait3A_524 = tpu.memref_slice %arg5[%dma_wait3A_514, %dma_wait3A_522, %dma_wait3A_523] : memref<21x8x512xf32, #tpu.memory_space<vmem>> -> memref<1x8x512xf32, #tpu.memory_space<vmem>>
    %dma_wait3A_525 = tpu.memref_squeeze %dma_wait3A_524 : memref<1x8x512xf32, #tpu.memory_space<vmem>> -> memref<8x512xf32, #tpu.memory_space<vmem>>
    %dma_wait3A_526 = arith.constant 0 : i32
    %dma_wait3A_527 = tpu.memref_slice %arg2[%select_n3A, %dma_wait3A_513, %add3A_44, %dma_wait3A_526] : memref<4x21x512x512xf32, #tpu.memory_space<hbm>> -> memref<1x1x8x512xf32, #tpu.memory_space<hbm>>
    %dma_wait3A_528 = tpu.memref_squeeze %dma_wait3A_527 : memref<1x1x8x512xf32, #tpu.memory_space<hbm>> -> memref<8x512xf32, #tpu.memory_space<hbm>>
    tpu.wait_dma2 semaphore(%arg8 : memref<!tpu.dma_semaphore, #tpu.memory_space<semaphore_mem>>) src(%dma_wait3A_528 : memref<8x512xf32, #tpu.memory_space<hbm>>) dst(%dma_wait3A_525 : memref<8x512xf32, #tpu.memory_space<vmem>>)
    %dma_wait3A_529 = arith.constant 9 : i32
    %dma_wait3A_530 = arith.constant 9 : i32
    %dma_wait3A_531 = arith.constant 0 : i32
    %dma_wait3A_532 = arith.constant 0 : i32
    %dma_wait3A_533 = tpu.memref_slice %arg5[%dma_wait3A_530, %dma_wait3A_531, %dma_wait3A_532] : memref<21x8x512xf32, #tpu.memory_space<vmem>> -> memref<1x8x512xf32, #tpu.memory_space<vmem>>
    %dma_wait3A_534 = tpu.memref_squeeze %dma_wait3A_533 : memref<1x8x512xf32, #tpu.memory_space<vmem>> -> memref<8x512xf32, #tpu.memory_space<vmem>>
    %dma_wait3A_535 = arith.constant 0 : i32
    %dma_wait3A_536 = tpu.memref_slice %arg2[%select_n3A, %dma_wait3A_529, %add3A_44, %dma_wait3A_535] : memref<4x21x512x512xf32, #tpu.memory_space<hbm>> -> memref<1x1x8x512xf32, #tpu.memory_space<hbm>>
    %dma_wait3A_537 = tpu.memref_squeeze %dma_wait3A_536 : memref<1x1x8x512xf32, #tpu.memory_space<hbm>> -> memref<8x512xf32, #tpu.memory_space<hbm>>
    %dma_wait3A_538 = arith.constant 0 : i32
    %dma_wait3A_539 = arith.constant 0 : i32
    %dma_wait3A_540 = tpu.memref_slice %arg5[%dma_wait3A_530, %dma_wait3A_538, %dma_wait3A_539] : memref<21x8x512xf32, #tpu.memory_space<vmem>> -> memref<1x8x512xf32, #tpu.memory_space<vmem>>
    %dma_wait3A_541 = tpu.memref_squeeze %dma_wait3A_540 : memref<1x8x512xf32, #tpu.memory_space<vmem>> -> memref<8x512xf32, #tpu.memory_space<vmem>>
    %dma_wait3A_542 = arith.constant 0 : i32
    %dma_wait3A_543 = tpu.memref_slice %arg2[%select_n3A, %dma_wait3A_529, %add3A_44, %dma_wait3A_542] : memref<4x21x512x512xf32, #tpu.memory_space<hbm>> -> memref<1x1x8x512xf32, #tpu.memory_space<hbm>>
    %dma_wait3A_544 = tpu.memref_squeeze %dma_wait3A_543 : memref<1x1x8x512xf32, #tpu.memory_space<hbm>> -> memref<8x512xf32, #tpu.memory_space<hbm>>
    tpu.wait_dma2 semaphore(%arg8 : memref<!tpu.dma_semaphore, #tpu.memory_space<semaphore_mem>>) src(%dma_wait3A_544 : memref<8x512xf32, #tpu.memory_space<hbm>>) dst(%dma_wait3A_541 : memref<8x512xf32, #tpu.memory_space<vmem>>)
    %dma_wait3A_545 = arith.constant 10 : i32
    %dma_wait3A_546 = arith.constant 10 : i32
    %dma_wait3A_547 = arith.constant 0 : i32
    %dma_wait3A_548 = arith.constant 0 : i32
    %dma_wait3A_549 = tpu.memref_slice %arg5[%dma_wait3A_546, %dma_wait3A_547, %dma_wait3A_548] : memref<21x8x512xf32, #tpu.memory_space<vmem>> -> memref<1x8x512xf32, #tpu.memory_space<vmem>>
    %dma_wait3A_550 = tpu.memref_squeeze %dma_wait3A_549 : memref<1x8x512xf32, #tpu.memory_space<vmem>> -> memref<8x512xf32, #tpu.memory_space<vmem>>
    %dma_wait3A_551 = arith.constant 0 : i32
    %dma_wait3A_552 = tpu.memref_slice %arg2[%select_n3A, %dma_wait3A_545, %add3A_44, %dma_wait3A_551] : memref<4x21x512x512xf32, #tpu.memory_space<hbm>> -> memref<1x1x8x512xf32, #tpu.memory_space<hbm>>
    %dma_wait3A_553 = tpu.memref_squeeze %dma_wait3A_552 : memref<1x1x8x512xf32, #tpu.memory_space<hbm>> -> memref<8x512xf32, #tpu.memory_space<hbm>>
    %dma_wait3A_554 = arith.constant 0 : i32
    %dma_wait3A_555 = arith.constant 0 : i32
    %dma_wait3A_556 = tpu.memref_slice %arg5[%dma_wait3A_546, %dma_wait3A_554, %dma_wait3A_555] : memref<21x8x512xf32, #tpu.memory_space<vmem>> -> memref<1x8x512xf32, #tpu.memory_space<vmem>>
    %dma_wait3A_557 = tpu.memref_squeeze %dma_wait3A_556 : memref<1x8x512xf32, #tpu.memory_space<vmem>> -> memref<8x512xf32, #tpu.memory_space<vmem>>
    %dma_wait3A_558 = arith.constant 0 : i32
    %dma_wait3A_559 = tpu.memref_slice %arg2[%select_n3A, %dma_wait3A_545, %add3A_44, %dma_wait3A_558] : memref<4x21x512x512xf32, #tpu.memory_space<hbm>> -> memref<1x1x8x512xf32, #tpu.memory_space<hbm>>
    %dma_wait3A_560 = tpu.memref_squeeze %dma_wait3A_559 : memref<1x1x8x512xf32, #tpu.memory_space<hbm>> -> memref<8x512xf32, #tpu.memory_space<hbm>>
    tpu.wait_dma2 semaphore(%arg8 : memref<!tpu.dma_semaphore, #tpu.memory_space<semaphore_mem>>) src(%dma_wait3A_560 : memref<8x512xf32, #tpu.memory_space<hbm>>) dst(%dma_wait3A_557 : memref<8x512xf32, #tpu.memory_space<vmem>>)
    %dma_wait3A_561 = arith.constant 11 : i32
    %dma_wait3A_562 = arith.constant 11 : i32
    %dma_wait3A_563 = arith.constant 0 : i32
    %dma_wait3A_564 = arith.constant 0 : i32
    %dma_wait3A_565 = tpu.memref_slice %arg5[%dma_wait3A_562, %dma_wait3A_563, %dma_wait3A_564] : memref<21x8x512xf32, #tpu.memory_space<vmem>> -> memref<1x8x512xf32, #tpu.memory_space<vmem>>
    %dma_wait3A_566 = tpu.memref_squeeze %dma_wait3A_565 : memref<1x8x512xf32, #tpu.memory_space<vmem>> -> memref<8x512xf32, #tpu.memory_space<vmem>>
    %dma_wait3A_567 = arith.constant 0 : i32
    %dma_wait3A_568 = tpu.memref_slice %arg2[%select_n3A, %dma_wait3A_561, %add3A_44, %dma_wait3A_567] : memref<4x21x512x512xf32, #tpu.memory_space<hbm>> -> memref<1x1x8x512xf32, #tpu.memory_space<hbm>>
    %dma_wait3A_569 = tpu.memref_squeeze %dma_wait3A_568 : memref<1x1x8x512xf32, #tpu.memory_space<hbm>> -> memref<8x512xf32, #tpu.memory_space<hbm>>
    %dma_wait3A_570 = arith.constant 0 : i32
    %dma_wait3A_571 = arith.constant 0 : i32
    %dma_wait3A_572 = tpu.memref_slice %arg5[%dma_wait3A_562, %dma_wait3A_570, %dma_wait3A_571] : memref<21x8x512xf32, #tpu.memory_space<vmem>> -> memref<1x8x512xf32, #tpu.memory_space<vmem>>
    %dma_wait3A_573 = tpu.memref_squeeze %dma_wait3A_572 : memref<1x8x512xf32, #tpu.memory_space<vmem>> -> memref<8x512xf32, #tpu.memory_space<vmem>>
    %dma_wait3A_574 = arith.constant 0 : i32
    %dma_wait3A_575 = tpu.memref_slice %arg2[%select_n3A, %dma_wait3A_561, %add3A_44, %dma_wait3A_574] : memref<4x21x512x512xf32, #tpu.memory_space<hbm>> -> memref<1x1x8x512xf32, #tpu.memory_space<hbm>>
    %dma_wait3A_576 = tpu.memref_squeeze %dma_wait3A_575 : memref<1x1x8x512xf32, #tpu.memory_space<hbm>> -> memref<8x512xf32, #tpu.memory_space<hbm>>
    tpu.wait_dma2 semaphore(%arg8 : memref<!tpu.dma_semaphore, #tpu.memory_space<semaphore_mem>>) src(%dma_wait3A_576 : memref<8x512xf32, #tpu.memory_space<hbm>>) dst(%dma_wait3A_573 : memref<8x512xf32, #tpu.memory_space<vmem>>)
    %dma_wait3A_577 = arith.constant 12 : i32
    %dma_wait3A_578 = arith.constant 12 : i32
    %dma_wait3A_579 = arith.constant 0 : i32
    %dma_wait3A_580 = arith.constant 0 : i32
    %dma_wait3A_581 = tpu.memref_slice %arg5[%dma_wait3A_578, %dma_wait3A_579, %dma_wait3A_580] : memref<21x8x512xf32, #tpu.memory_space<vmem>> -> memref<1x8x512xf32, #tpu.memory_space<vmem>>
    %dma_wait3A_582 = tpu.memref_squeeze %dma_wait3A_581 : memref<1x8x512xf32, #tpu.memory_space<vmem>> -> memref<8x512xf32, #tpu.memory_space<vmem>>
    %dma_wait3A_583 = arith.constant 0 : i32
    %dma_wait3A_584 = tpu.memref_slice %arg2[%select_n3A, %dma_wait3A_577, %add3A_44, %dma_wait3A_583] : memref<4x21x512x512xf32, #tpu.memory_space<hbm>> -> memref<1x1x8x512xf32, #tpu.memory_space<hbm>>
    %dma_wait3A_585 = tpu.memref_squeeze %dma_wait3A_584 : memref<1x1x8x512xf32, #tpu.memory_space<hbm>> -> memref<8x512xf32, #tpu.memory_space<hbm>>
    %dma_wait3A_586 = arith.constant 0 : i32
    %dma_wait3A_587 = arith.constant 0 : i32
    %dma_wait3A_588 = tpu.memref_slice %arg5[%dma_wait3A_578, %dma_wait3A_586, %dma_wait3A_587] : memref<21x8x512xf32, #tpu.memory_space<vmem>> -> memref<1x8x512xf32, #tpu.memory_space<vmem>>
    %dma_wait3A_589 = tpu.memref_squeeze %dma_wait3A_588 : memref<1x8x512xf32, #tpu.memory_space<vmem>> -> memref<8x512xf32, #tpu.memory_space<vmem>>
    %dma_wait3A_590 = arith.constant 0 : i32
    %dma_wait3A_591 = tpu.memref_slice %arg2[%select_n3A, %dma_wait3A_577, %add3A_44, %dma_wait3A_590] : memref<4x21x512x512xf32, #tpu.memory_space<hbm>> -> memref<1x1x8x512xf32, #tpu.memory_space<hbm>>
    %dma_wait3A_592 = tpu.memref_squeeze %dma_wait3A_591 : memref<1x1x8x512xf32, #tpu.memory_space<hbm>> -> memref<8x512xf32, #tpu.memory_space<hbm>>
    tpu.wait_dma2 semaphore(%arg8 : memref<!tpu.dma_semaphore, #tpu.memory_space<semaphore_mem>>) src(%dma_wait3A_592 : memref<8x512xf32, #tpu.memory_space<hbm>>) dst(%dma_wait3A_589 : memref<8x512xf32, #tpu.memory_space<vmem>>)
    %dma_wait3A_593 = arith.constant 13 : i32
    %dma_wait3A_594 = arith.constant 13 : i32
    %dma_wait3A_595 = arith.constant 0 : i32
    %dma_wait3A_596 = arith.constant 0 : i32
    %dma_wait3A_597 = tpu.memref_slice %arg5[%dma_wait3A_594, %dma_wait3A_595, %dma_wait3A_596] : memref<21x8x512xf32, #tpu.memory_space<vmem>> -> memref<1x8x512xf32, #tpu.memory_space<vmem>>
    %dma_wait3A_598 = tpu.memref_squeeze %dma_wait3A_597 : memref<1x8x512xf32, #tpu.memory_space<vmem>> -> memref<8x512xf32, #tpu.memory_space<vmem>>
    %dma_wait3A_599 = arith.constant 0 : i32
    %dma_wait3A_600 = tpu.memref_slice %arg2[%select_n3A, %dma_wait3A_593, %add3A_44, %dma_wait3A_599] : memref<4x21x512x512xf32, #tpu.memory_space<hbm>> -> memref<1x1x8x512xf32, #tpu.memory_space<hbm>>
    %dma_wait3A_601 = tpu.memref_squeeze %dma_wait3A_600 : memref<1x1x8x512xf32, #tpu.memory_space<hbm>> -> memref<8x512xf32, #tpu.memory_space<hbm>>
    %dma_wait3A_602 = arith.constant 0 : i32
    %dma_wait3A_603 = arith.constant 0 : i32
    %dma_wait3A_604 = tpu.memref_slice %arg5[%dma_wait3A_594, %dma_wait3A_602, %dma_wait3A_603] : memref<21x8x512xf32, #tpu.memory_space<vmem>> -> memref<1x8x512xf32, #tpu.memory_space<vmem>>
    %dma_wait3A_605 = tpu.memref_squeeze %dma_wait3A_604 : memref<1x8x512xf32, #tpu.memory_space<vmem>> -> memref<8x512xf32, #tpu.memory_space<vmem>>
    %dma_wait3A_606 = arith.constant 0 : i32
    %dma_wait3A_607 = tpu.memref_slice %arg2[%select_n3A, %dma_wait3A_593, %add3A_44, %dma_wait3A_606] : memref<4x21x512x512xf32, #tpu.memory_space<hbm>> -> memref<1x1x8x512xf32, #tpu.memory_space<hbm>>
    %dma_wait3A_608 = tpu.memref_squeeze %dma_wait3A_607 : memref<1x1x8x512xf32, #tpu.memory_space<hbm>> -> memref<8x512xf32, #tpu.memory_space<hbm>>
    tpu.wait_dma2 semaphore(%arg8 : memref<!tpu.dma_semaphore, #tpu.memory_space<semaphore_mem>>) src(%dma_wait3A_608 : memref<8x512xf32, #tpu.memory_space<hbm>>) dst(%dma_wait3A_605 : memref<8x512xf32, #tpu.memory_space<vmem>>)
    %dma_wait3A_609 = arith.constant 14 : i32
    %dma_wait3A_610 = arith.constant 14 : i32
    %dma_wait3A_611 = arith.constant 0 : i32
    %dma_wait3A_612 = arith.constant 0 : i32
    %dma_wait3A_613 = tpu.memref_slice %arg5[%dma_wait3A_610, %dma_wait3A_611, %dma_wait3A_612] : memref<21x8x512xf32, #tpu.memory_space<vmem>> -> memref<1x8x512xf32, #tpu.memory_space<vmem>>
    %dma_wait3A_614 = tpu.memref_squeeze %dma_wait3A_613 : memref<1x8x512xf32, #tpu.memory_space<vmem>> -> memref<8x512xf32, #tpu.memory_space<vmem>>
    %dma_wait3A_615 = arith.constant 0 : i32
    %dma_wait3A_616 = tpu.memref_slice %arg2[%select_n3A, %dma_wait3A_609, %add3A_44, %dma_wait3A_615] : memref<4x21x512x512xf32, #tpu.memory_space<hbm>> -> memref<1x1x8x512xf32, #tpu.memory_space<hbm>>
    %dma_wait3A_617 = tpu.memref_squeeze %dma_wait3A_616 : memref<1x1x8x512xf32, #tpu.memory_space<hbm>> -> memref<8x512xf32, #tpu.memory_space<hbm>>
    %dma_wait3A_618 = arith.constant 0 : i32
    %dma_wait3A_619 = arith.constant 0 : i32
    %dma_wait3A_620 = tpu.memref_slice %arg5[%dma_wait3A_610, %dma_wait3A_618, %dma_wait3A_619] : memref<21x8x512xf32, #tpu.memory_space<vmem>> -> memref<1x8x512xf32, #tpu.memory_space<vmem>>
    %dma_wait3A_621 = tpu.memref_squeeze %dma_wait3A_620 : memref<1x8x512xf32, #tpu.memory_space<vmem>> -> memref<8x512xf32, #tpu.memory_space<vmem>>
    %dma_wait3A_622 = arith.constant 0 : i32
    %dma_wait3A_623 = tpu.memref_slice %arg2[%select_n3A, %dma_wait3A_609, %add3A_44, %dma_wait3A_622] : memref<4x21x512x512xf32, #tpu.memory_space<hbm>> -> memref<1x1x8x512xf32, #tpu.memory_space<hbm>>
    %dma_wait3A_624 = tpu.memref_squeeze %dma_wait3A_623 : memref<1x1x8x512xf32, #tpu.memory_space<hbm>> -> memref<8x512xf32, #tpu.memory_space<hbm>>
    tpu.wait_dma2 semaphore(%arg8 : memref<!tpu.dma_semaphore, #tpu.memory_space<semaphore_mem>>) src(%dma_wait3A_624 : memref<8x512xf32, #tpu.memory_space<hbm>>) dst(%dma_wait3A_621 : memref<8x512xf32, #tpu.memory_space<vmem>>)
    %dma_wait3A_625 = arith.constant 15 : i32
    %dma_wait3A_626 = arith.constant 15 : i32
    %dma_wait3A_627 = arith.constant 0 : i32
    %dma_wait3A_628 = arith.constant 0 : i32
    %dma_wait3A_629 = tpu.memref_slice %arg5[%dma_wait3A_626, %dma_wait3A_627, %dma_wait3A_628] : memref<21x8x512xf32, #tpu.memory_space<vmem>> -> memref<1x8x512xf32, #tpu.memory_space<vmem>>
    %dma_wait3A_630 = tpu.memref_squeeze %dma_wait3A_629 : memref<1x8x512xf32, #tpu.memory_space<vmem>> -> memref<8x512xf32, #tpu.memory_space<vmem>>
    %dma_wait3A_631 = arith.constant 0 : i32
    %dma_wait3A_632 = tpu.memref_slice %arg2[%select_n3A, %dma_wait3A_625, %add3A_44, %dma_wait3A_631] : memref<4x21x512x512xf32, #tpu.memory_space<hbm>> -> memref<1x1x8x512xf32, #tpu.memory_space<hbm>>
    %dma_wait3A_633 = tpu.memref_squeeze %dma_wait3A_632 : memref<1x1x8x512xf32, #tpu.memory_space<hbm>> -> memref<8x512xf32, #tpu.memory_space<hbm>>
    %dma_wait3A_634 = arith.constant 0 : i32
    %dma_wait3A_635 = arith.constant 0 : i32
    %dma_wait3A_636 = tpu.memref_slice %arg5[%dma_wait3A_626, %dma_wait3A_634, %dma_wait3A_635] : memref<21x8x512xf32, #tpu.memory_space<vmem>> -> memref<1x8x512xf32, #tpu.memory_space<vmem>>
    %dma_wait3A_637 = tpu.memref_squeeze %dma_wait3A_636 : memref<1x8x512xf32, #tpu.memory_space<vmem>> -> memref<8x512xf32, #tpu.memory_space<vmem>>
    %dma_wait3A_638 = arith.constant 0 : i32
    %dma_wait3A_639 = tpu.memref_slice %arg2[%select_n3A, %dma_wait3A_625, %add3A_44, %dma_wait3A_638] : memref<4x21x512x512xf32, #tpu.memory_space<hbm>> -> memref<1x1x8x512xf32, #tpu.memory_space<hbm>>
    %dma_wait3A_640 = tpu.memref_squeeze %dma_wait3A_639 : memref<1x1x8x512xf32, #tpu.memory_space<hbm>> -> memref<8x512xf32, #tpu.memory_space<hbm>>
    tpu.wait_dma2 semaphore(%arg8 : memref<!tpu.dma_semaphore, #tpu.memory_space<semaphore_mem>>) src(%dma_wait3A_640 : memref<8x512xf32, #tpu.memory_space<hbm>>) dst(%dma_wait3A_637 : memref<8x512xf32, #tpu.memory_space<vmem>>)
    %dma_wait3A_641 = arith.constant 16 : i32
    %dma_wait3A_642 = arith.constant 16 : i32
    %dma_wait3A_643 = arith.constant 0 : i32
    %dma_wait3A_644 = arith.constant 0 : i32
    %dma_wait3A_645 = tpu.memref_slice %arg5[%dma_wait3A_642, %dma_wait3A_643, %dma_wait3A_644] : memref<21x8x512xf32, #tpu.memory_space<vmem>> -> memref<1x8x512xf32, #tpu.memory_space<vmem>>
    %dma_wait3A_646 = tpu.memref_squeeze %dma_wait3A_645 : memref<1x8x512xf32, #tpu.memory_space<vmem>> -> memref<8x512xf32, #tpu.memory_space<vmem>>
    %dma_wait3A_647 = arith.constant 0 : i32
    %dma_wait3A_648 = tpu.memref_slice %arg2[%select_n3A, %dma_wait3A_641, %add3A_44, %dma_wait3A_647] : memref<4x21x512x512xf32, #tpu.memory_space<hbm>> -> memref<1x1x8x512xf32, #tpu.memory_space<hbm>>
    %dma_wait3A_649 = tpu.memref_squeeze %dma_wait3A_648 : memref<1x1x8x512xf32, #tpu.memory_space<hbm>> -> memref<8x512xf32, #tpu.memory_space<hbm>>
    %dma_wait3A_650 = arith.constant 0 : i32
    %dma_wait3A_651 = arith.constant 0 : i32
    %dma_wait3A_652 = tpu.memref_slice %arg5[%dma_wait3A_642, %dma_wait3A_650, %dma_wait3A_651] : memref<21x8x512xf32, #tpu.memory_space<vmem>> -> memref<1x8x512xf32, #tpu.memory_space<vmem>>
    %dma_wait3A_653 = tpu.memref_squeeze %dma_wait3A_652 : memref<1x8x512xf32, #tpu.memory_space<vmem>> -> memref<8x512xf32, #tpu.memory_space<vmem>>
    %dma_wait3A_654 = arith.constant 0 : i32
    %dma_wait3A_655 = tpu.memref_slice %arg2[%select_n3A, %dma_wait3A_641, %add3A_44, %dma_wait3A_654] : memref<4x21x512x512xf32, #tpu.memory_space<hbm>> -> memref<1x1x8x512xf32, #tpu.memory_space<hbm>>
    %dma_wait3A_656 = tpu.memref_squeeze %dma_wait3A_655 : memref<1x1x8x512xf32, #tpu.memory_space<hbm>> -> memref<8x512xf32, #tpu.memory_space<hbm>>
    tpu.wait_dma2 semaphore(%arg8 : memref<!tpu.dma_semaphore, #tpu.memory_space<semaphore_mem>>) src(%dma_wait3A_656 : memref<8x512xf32, #tpu.memory_space<hbm>>) dst(%dma_wait3A_653 : memref<8x512xf32, #tpu.memory_space<vmem>>)
    %dma_wait3A_657 = arith.constant 17 : i32
    %dma_wait3A_658 = arith.constant 17 : i32
    %dma_wait3A_659 = arith.constant 0 : i32
    %dma_wait3A_660 = arith.constant 0 : i32
    %dma_wait3A_661 = tpu.memref_slice %arg5[%dma_wait3A_658, %dma_wait3A_659, %dma_wait3A_660] : memref<21x8x512xf32, #tpu.memory_space<vmem>> -> memref<1x8x512xf32, #tpu.memory_space<vmem>>
    %dma_wait3A_662 = tpu.memref_squeeze %dma_wait3A_661 : memref<1x8x512xf32, #tpu.memory_space<vmem>> -> memref<8x512xf32, #tpu.memory_space<vmem>>
    %dma_wait3A_663 = arith.constant 0 : i32
    %dma_wait3A_664 = tpu.memref_slice %arg2[%select_n3A, %dma_wait3A_657, %add3A_44, %dma_wait3A_663] : memref<4x21x512x512xf32, #tpu.memory_space<hbm>> -> memref<1x1x8x512xf32, #tpu.memory_space<hbm>>
    %dma_wait3A_665 = tpu.memref_squeeze %dma_wait3A_664 : memref<1x1x8x512xf32, #tpu.memory_space<hbm>> -> memref<8x512xf32, #tpu.memory_space<hbm>>
    %dma_wait3A_666 = arith.constant 0 : i32
    %dma_wait3A_667 = arith.constant 0 : i32
    %dma_wait3A_668 = tpu.memref_slice %arg5[%dma_wait3A_658, %dma_wait3A_666, %dma_wait3A_667] : memref<21x8x512xf32, #tpu.memory_space<vmem>> -> memref<1x8x512xf32, #tpu.memory_space<vmem>>
    %dma_wait3A_669 = tpu.memref_squeeze %dma_wait3A_668 : memref<1x8x512xf32, #tpu.memory_space<vmem>> -> memref<8x512xf32, #tpu.memory_space<vmem>>
    %dma_wait3A_670 = arith.constant 0 : i32
    %dma_wait3A_671 = tpu.memref_slice %arg2[%select_n3A, %dma_wait3A_657, %add3A_44, %dma_wait3A_670] : memref<4x21x512x512xf32, #tpu.memory_space<hbm>> -> memref<1x1x8x512xf32, #tpu.memory_space<hbm>>
    %dma_wait3A_672 = tpu.memref_squeeze %dma_wait3A_671 : memref<1x1x8x512xf32, #tpu.memory_space<hbm>> -> memref<8x512xf32, #tpu.memory_space<hbm>>
    tpu.wait_dma2 semaphore(%arg8 : memref<!tpu.dma_semaphore, #tpu.memory_space<semaphore_mem>>) src(%dma_wait3A_672 : memref<8x512xf32, #tpu.memory_space<hbm>>) dst(%dma_wait3A_669 : memref<8x512xf32, #tpu.memory_space<vmem>>)
    %dma_wait3A_673 = arith.constant 18 : i32
    %dma_wait3A_674 = arith.constant 18 : i32
    %dma_wait3A_675 = arith.constant 0 : i32
    %dma_wait3A_676 = arith.constant 0 : i32
    %dma_wait3A_677 = tpu.memref_slice %arg5[%dma_wait3A_674, %dma_wait3A_675, %dma_wait3A_676] : memref<21x8x512xf32, #tpu.memory_space<vmem>> -> memref<1x8x512xf32, #tpu.memory_space<vmem>>
    %dma_wait3A_678 = tpu.memref_squeeze %dma_wait3A_677 : memref<1x8x512xf32, #tpu.memory_space<vmem>> -> memref<8x512xf32, #tpu.memory_space<vmem>>
    %dma_wait3A_679 = arith.constant 0 : i32
    %dma_wait3A_680 = tpu.memref_slice %arg2[%select_n3A, %dma_wait3A_673, %add3A_44, %dma_wait3A_679] : memref<4x21x512x512xf32, #tpu.memory_space<hbm>> -> memref<1x1x8x512xf32, #tpu.memory_space<hbm>>
    %dma_wait3A_681 = tpu.memref_squeeze %dma_wait3A_680 : memref<1x1x8x512xf32, #tpu.memory_space<hbm>> -> memref<8x512xf32, #tpu.memory_space<hbm>>
    %dma_wait3A_682 = arith.constant 0 : i32
    %dma_wait3A_683 = arith.constant 0 : i32
    %dma_wait3A_684 = tpu.memref_slice %arg5[%dma_wait3A_674, %dma_wait3A_682, %dma_wait3A_683] : memref<21x8x512xf32, #tpu.memory_space<vmem>> -> memref<1x8x512xf32, #tpu.memory_space<vmem>>
    %dma_wait3A_685 = tpu.memref_squeeze %dma_wait3A_684 : memref<1x8x512xf32, #tpu.memory_space<vmem>> -> memref<8x512xf32, #tpu.memory_space<vmem>>
    %dma_wait3A_686 = arith.constant 0 : i32
    %dma_wait3A_687 = tpu.memref_slice %arg2[%select_n3A, %dma_wait3A_673, %add3A_44, %dma_wait3A_686] : memref<4x21x512x512xf32, #tpu.memory_space<hbm>> -> memref<1x1x8x512xf32, #tpu.memory_space<hbm>>
    %dma_wait3A_688 = tpu.memref_squeeze %dma_wait3A_687 : memref<1x1x8x512xf32, #tpu.memory_space<hbm>> -> memref<8x512xf32, #tpu.memory_space<hbm>>
    tpu.wait_dma2 semaphore(%arg8 : memref<!tpu.dma_semaphore, #tpu.memory_space<semaphore_mem>>) src(%dma_wait3A_688 : memref<8x512xf32, #tpu.memory_space<hbm>>) dst(%dma_wait3A_685 : memref<8x512xf32, #tpu.memory_space<vmem>>)
    %dma_wait3A_689 = arith.constant 19 : i32
    %dma_wait3A_690 = arith.constant 19 : i32
    %dma_wait3A_691 = arith.constant 0 : i32
    %dma_wait3A_692 = arith.constant 0 : i32
    %dma_wait3A_693 = tpu.memref_slice %arg5[%dma_wait3A_690, %dma_wait3A_691, %dma_wait3A_692] : memref<21x8x512xf32, #tpu.memory_space<vmem>> -> memref<1x8x512xf32, #tpu.memory_space<vmem>>
    %dma_wait3A_694 = tpu.memref_squeeze %dma_wait3A_693 : memref<1x8x512xf32, #tpu.memory_space<vmem>> -> memref<8x512xf32, #tpu.memory_space<vmem>>
    %dma_wait3A_695 = arith.constant 0 : i32
    %dma_wait3A_696 = tpu.memref_slice %arg2[%select_n3A, %dma_wait3A_689, %add3A_44, %dma_wait3A_695] : memref<4x21x512x512xf32, #tpu.memory_space<hbm>> -> memref<1x1x8x512xf32, #tpu.memory_space<hbm>>
    %dma_wait3A_697 = tpu.memref_squeeze %dma_wait3A_696 : memref<1x1x8x512xf32, #tpu.memory_space<hbm>> -> memref<8x512xf32, #tpu.memory_space<hbm>>
    %dma_wait3A_698 = arith.constant 0 : i32
    %dma_wait3A_699 = arith.constant 0 : i32
    %dma_wait3A_700 = tpu.memref_slice %arg5[%dma_wait3A_690, %dma_wait3A_698, %dma_wait3A_699] : memref<21x8x512xf32, #tpu.memory_space<vmem>> -> memref<1x8x512xf32, #tpu.memory_space<vmem>>
    %dma_wait3A_701 = tpu.memref_squeeze %dma_wait3A_700 : memref<1x8x512xf32, #tpu.memory_space<vmem>> -> memref<8x512xf32, #tpu.memory_space<vmem>>
    %dma_wait3A_702 = arith.constant 0 : i32
    %dma_wait3A_703 = tpu.memref_slice %arg2[%select_n3A, %dma_wait3A_689, %add3A_44, %dma_wait3A_702] : memref<4x21x512x512xf32, #tpu.memory_space<hbm>> -> memref<1x1x8x512xf32, #tpu.memory_space<hbm>>
    %dma_wait3A_704 = tpu.memref_squeeze %dma_wait3A_703 : memref<1x1x8x512xf32, #tpu.memory_space<hbm>> -> memref<8x512xf32, #tpu.memory_space<hbm>>
    tpu.wait_dma2 semaphore(%arg8 : memref<!tpu.dma_semaphore, #tpu.memory_space<semaphore_mem>>) src(%dma_wait3A_704 : memref<8x512xf32, #tpu.memory_space<hbm>>) dst(%dma_wait3A_701 : memref<8x512xf32, #tpu.memory_space<vmem>>)
    %dma_wait3A_705 = arith.constant 20 : i32
    %dma_wait3A_706 = arith.constant 20 : i32
    %dma_wait3A_707 = arith.constant 0 : i32
    %dma_wait3A_708 = arith.constant 0 : i32
    %dma_wait3A_709 = tpu.memref_slice %arg5[%dma_wait3A_706, %dma_wait3A_707, %dma_wait3A_708] : memref<21x8x512xf32, #tpu.memory_space<vmem>> -> memref<1x8x512xf32, #tpu.memory_space<vmem>>
    %dma_wait3A_710 = tpu.memref_squeeze %dma_wait3A_709 : memref<1x8x512xf32, #tpu.memory_space<vmem>> -> memref<8x512xf32, #tpu.memory_space<vmem>>
    %dma_wait3A_711 = arith.constant 0 : i32
    %dma_wait3A_712 = tpu.memref_slice %arg2[%select_n3A, %dma_wait3A_705, %add3A_44, %dma_wait3A_711] : memref<4x21x512x512xf32, #tpu.memory_space<hbm>> -> memref<1x1x8x512xf32, #tpu.memory_space<hbm>>
    %dma_wait3A_713 = tpu.memref_squeeze %dma_wait3A_712 : memref<1x1x8x512xf32, #tpu.memory_space<hbm>> -> memref<8x512xf32, #tpu.memory_space<hbm>>
    %dma_wait3A_714 = arith.constant 0 : i32
    %dma_wait3A_715 = arith.constant 0 : i32
    %dma_wait3A_716 = tpu.memref_slice %arg5[%dma_wait3A_706, %dma_wait3A_714, %dma_wait3A_715] : memref<21x8x512xf32, #tpu.memory_space<vmem>> -> memref<1x8x512xf32, #tpu.memory_space<vmem>>
    %dma_wait3A_717 = tpu.memref_squeeze %dma_wait3A_716 : memref<1x8x512xf32, #tpu.memory_space<vmem>> -> memref<8x512xf32, #tpu.memory_space<vmem>>
    %dma_wait3A_718 = arith.constant 0 : i32
    %dma_wait3A_719 = tpu.memref_slice %arg2[%select_n3A, %dma_wait3A_705, %add3A_44, %dma_wait3A_718] : memref<4x21x512x512xf32, #tpu.memory_space<hbm>> -> memref<1x1x8x512xf32, #tpu.memory_space<hbm>>
    %dma_wait3A_720 = tpu.memref_squeeze %dma_wait3A_719 : memref<1x1x8x512xf32, #tpu.memory_space<hbm>> -> memref<8x512xf32, #tpu.memory_space<hbm>>
    tpu.wait_dma2 semaphore(%arg8 : memref<!tpu.dma_semaphore, #tpu.memory_space<semaphore_mem>>) src(%dma_wait3A_720 : memref<8x512xf32, #tpu.memory_space<hbm>>) dst(%dma_wait3A_717 : memref<8x512xf32, #tpu.memory_space<vmem>>)
    %dma_wait3A_721 = arith.constant 0 : i32
    %dma_wait3A_722 = tpu.memref_slice %arg3[%select_n3A, %add3A_44, %dma_wait3A_721] : memref<4x512x512xi32, #tpu.memory_space<hbm>> -> memref<1x8x512xi32, #tpu.memory_space<hbm>>
    %dma_wait3A_723 = tpu.memref_squeeze %dma_wait3A_722 : memref<1x8x512xi32, #tpu.memory_space<hbm>> -> memref<8x512xi32, #tpu.memory_space<hbm>>
    %dma_wait3A_724 = arith.constant 0 : i32
    %dma_wait3A_725 = tpu.memref_slice %arg3[%select_n3A, %add3A_44, %dma_wait3A_724] : memref<4x512x512xi32, #tpu.memory_space<hbm>> -> memref<1x8x512xi32, #tpu.memory_space<hbm>>
    %dma_wait3A_726 = tpu.memref_squeeze %dma_wait3A_725 : memref<1x8x512xi32, #tpu.memory_space<hbm>> -> memref<8x512xi32, #tpu.memory_space<hbm>>
    tpu.wait_dma2 semaphore(%arg8 : memref<!tpu.dma_semaphore, #tpu.memory_space<semaphore_mem>>) src(%dma_wait3A_726 : memref<8x512xi32, #tpu.memory_space<hbm>>) dst(%arg6 : memref<8x512xi32, #tpu.memory_space<vmem>>)
    %scan3A_727 = arith.constant 0 : i32
    %scan3A_728 = arith.constant 0 : i32
    %scan3A_729 = arith.constant 8 : i32
    %scan3A_730 = arith.addi %scan3A_728, %scan3A_729 : i32
    %scan3A_731 = arith.constant 1 : i32
    scf.for %scan3A_733 = %scan3A_728 to %scan3A_730 step %scan3A_731  : i32 {
      %scan3A_734 = arith.constant 0 : i32
      %scan3A_735 = arith.constant 32 : i32
      %scan3A_736 = arith.addi %scan3A_734, %scan3A_735 : i32
      %scan3A_737 = arith.constant 1 : i32
      scf.for %scan3A_739 = %scan3A_734 to %scan3A_736 step %scan3A_737  : i32 {
        %mul3A_740 = arith.constant 16 : i32
        %mul3A_741 = arith.muli %scan3A_739, %mul3A_740 : i32
        %get3A = arith.index_cast %scan3A_733 : i32 to index
        %get3A_742 = arith.index_cast %mul3A_741 : i32 to index
        %get3A_743 = tpu.vector_load %arg6[%get3A, %get3A_742] {strides = array<i32>} : memref<8x512xi32, #tpu.memory_space<vmem>>, vector<16xi32>,
        %mul3A_744 = arith.constant 16 : i32
        %mul3A_745 = arith.muli %scan3A_739, %mul3A_744 : i32
        %get3A_746 = arith.constant 0 : i32
        %get3A_747 = arith.index_cast %get3A_746 : i32 to index
        %get3A_748 = arith.index_cast %scan3A_733 : i32 to index
        %get3A_749 = arith.index_cast %mul3A_745 : i32 to index
        %get3A_750 = tpu.vector_load %arg5[%get3A_747, %get3A_748, %get3A_749] {strides = array<i32>} : memref<21x8x512xf32, #tpu.memory_space<vmem>>, vector<16xf32>,
        %mul3A_751 = arith.constant 16 : i32
        %mul3A_752 = arith.muli %scan3A_739, %mul3A_751 : i32
        %get3A_753 = arith.constant 1 : i32
        %get3A_754 = arith.index_cast %get3A_753 : i32 to index
        %get3A_755 = arith.index_cast %scan3A_733 : i32 to index
        %get3A_756 = arith.index_cast %mul3A_752 : i32 to index
        %get3A_757 = tpu.vector_load %arg5[%get3A_754, %get3A_755, %get3A_756] {strides = array<i32>} : memref<21x8x512xf32, #tpu.memory_space<vmem>>, vector<16xf32>,
        %gt3A = arith.cmpf ogt, %get3A_757, %get3A_750 : vector<16xf32>
        %jit3A_758 = arith.constant 1 : i32
        %broadcast_in_dim3A_759 = vector.broadcast %jit3A_758 : i32 to vector<16xi32>
        %select_n3A_760 = arith.select %gt3A, %broadcast_in_dim3A_759, %broadcast_in_dim3A_35 : vector<16xi1>, vector<16xi32>
        %select_n3A_761 = arith.select %gt3A, %get3A_757, %get3A_750 : vector<16xi1>, vector<16xf32>
        %mul3A_762 = arith.constant 16 : i32
        %mul3A_763 = arith.muli %scan3A_739, %mul3A_762 : i32
        %get3A_764 = arith.constant 2 : i32
        %get3A_765 = arith.index_cast %get3A_764 : i32 to index
        %get3A_766 = arith.index_cast %scan3A_733 : i32 to index
        %get3A_767 = arith.index_cast %mul3A_763 : i32 to index
        %get3A_768 = tpu.vector_load %arg5[%get3A_765, %get3A_766, %get3A_767] {strides = array<i32>} : memref<21x8x512xf32, #tpu.memory_space<vmem>>, vector<16xf32>,
        %gt3A_769 = arith.cmpf ogt, %get3A_768, %select_n3A_761 : vector<16xf32>
        %jit3A_770 = arith.constant 2 : i32
        %broadcast_in_dim3A_771 = vector.broadcast %jit3A_770 : i32 to vector<16xi32>
        %select_n3A_772 = arith.select %gt3A_769, %broadcast_in_dim3A_771, %select_n3A_760 : vector<16xi1>, vector<16xi32>
        %select_n3A_773 = arith.select %gt3A_769, %get3A_768, %select_n3A_761 : vector<16xi1>, vector<16xf32>
        %mul3A_774 = arith.constant 16 : i32
        %mul3A_775 = arith.muli %scan3A_739, %mul3A_774 : i32
        %get3A_776 = arith.constant 3 : i32
        %get3A_777 = arith.index_cast %get3A_776 : i32 to index
        %get3A_778 = arith.index_cast %scan3A_733 : i32 to index
        %get3A_779 = arith.index_cast %mul3A_775 : i32 to index
        %get3A_780 = tpu.vector_load %arg5[%get3A_777, %get3A_778, %get3A_779] {strides = array<i32>} : memref<21x8x512xf32, #tpu.memory_space<vmem>>, vector<16xf32>,
        %gt3A_781 = arith.cmpf ogt, %get3A_780, %select_n3A_773 : vector<16xf32>
        %jit3A_782 = arith.constant 3 : i32
        %broadcast_in_dim3A_783 = vector.broadcast %jit3A_782 : i32 to vector<16xi32>
        %select_n3A_784 = arith.select %gt3A_781, %broadcast_in_dim3A_783, %select_n3A_772 : vector<16xi1>, vector<16xi32>
        %select_n3A_785 = arith.select %gt3A_781, %get3A_780, %select_n3A_773 : vector<16xi1>, vector<16xf32>
        %mul3A_786 = arith.constant 16 : i32
        %mul3A_787 = arith.muli %scan3A_739, %mul3A_786 : i32
        %get3A_788 = arith.constant 4 : i32
        %get3A_789 = arith.index_cast %get3A_788 : i32 to index
        %get3A_790 = arith.index_cast %scan3A_733 : i32 to index
        %get3A_791 = arith.index_cast %mul3A_787 : i32 to index
        %get3A_792 = tpu.vector_load %arg5[%get3A_789, %get3A_790, %get3A_791] {strides = array<i32>} : memref<21x8x512xf32, #tpu.memory_space<vmem>>, vector<16xf32>,
        %gt3A_793 = arith.cmpf ogt, %get3A_792, %select_n3A_785 : vector<16xf32>
        %jit3A_794 = arith.constant 4 : i32
        %broadcast_in_dim3A_795 = vector.broadcast %jit3A_794 : i32 to vector<16xi32>
        %select_n3A_796 = arith.select %gt3A_793, %broadcast_in_dim3A_795, %select_n3A_784 : vector<16xi1>, vector<16xi32>
        %select_n3A_797 = arith.select %gt3A_793, %get3A_792, %select_n3A_785 : vector<16xi1>, vector<16xf32>
        %mul3A_798 = arith.constant 16 : i32
        %mul3A_799 = arith.muli %scan3A_739, %mul3A_798 : i32
        %get3A_800 = arith.constant 5 : i32
        %get3A_801 = arith.index_cast %get3A_800 : i32 to index
        %get3A_802 = arith.index_cast %scan3A_733 : i32 to index
        %get3A_803 = arith.index_cast %mul3A_799 : i32 to index
        %get3A_804 = tpu.vector_load %arg5[%get3A_801, %get3A_802, %get3A_803] {strides = array<i32>} : memref<21x8x512xf32, #tpu.memory_space<vmem>>, vector<16xf32>,
        %gt3A_805 = arith.cmpf ogt, %get3A_804, %select_n3A_797 : vector<16xf32>
        %jit3A_806 = arith.constant 5 : i32
        %broadcast_in_dim3A_807 = vector.broadcast %jit3A_806 : i32 to vector<16xi32>
        %select_n3A_808 = arith.select %gt3A_805, %broadcast_in_dim3A_807, %select_n3A_796 : vector<16xi1>, vector<16xi32>
        %select_n3A_809 = arith.select %gt3A_805, %get3A_804, %select_n3A_797 : vector<16xi1>, vector<16xf32>
        %mul3A_810 = arith.constant 16 : i32
        %mul3A_811 = arith.muli %scan3A_739, %mul3A_810 : i32
        %get3A_812 = arith.constant 6 : i32
        %get3A_813 = arith.index_cast %get3A_812 : i32 to index
        %get3A_814 = arith.index_cast %scan3A_733 : i32 to index
        %get3A_815 = arith.index_cast %mul3A_811 : i32 to index
        %get3A_816 = tpu.vector_load %arg5[%get3A_813, %get3A_814, %get3A_815] {strides = array<i32>} : memref<21x8x512xf32, #tpu.memory_space<vmem>>, vector<16xf32>,
        %gt3A_817 = arith.cmpf ogt, %get3A_816, %select_n3A_809 : vector<16xf32>
        %jit3A_818 = arith.constant 6 : i32
        %broadcast_in_dim3A_819 = vector.broadcast %jit3A_818 : i32 to vector<16xi32>
        %select_n3A_820 = arith.select %gt3A_817, %broadcast_in_dim3A_819, %select_n3A_808 : vector<16xi1>, vector<16xi32>
        %select_n3A_821 = arith.select %gt3A_817, %get3A_816, %select_n3A_809 : vector<16xi1>, vector<16xf32>
        %mul3A_822 = arith.constant 16 : i32
        %mul3A_823 = arith.muli %scan3A_739, %mul3A_822 : i32
        %get3A_824 = arith.constant 7 : i32
        %get3A_825 = arith.index_cast %get3A_824 : i32 to index
        %get3A_826 = arith.index_cast %scan3A_733 : i32 to index
        %get3A_827 = arith.index_cast %mul3A_823 : i32 to index
        %get3A_828 = tpu.vector_load %arg5[%get3A_825, %get3A_826, %get3A_827] {strides = array<i32>} : memref<21x8x512xf32, #tpu.memory_space<vmem>>, vector<16xf32>,
        %gt3A_829 = arith.cmpf ogt, %get3A_828, %select_n3A_821 : vector<16xf32>
        %jit3A_830 = arith.constant 7 : i32
        %broadcast_in_dim3A_831 = vector.broadcast %jit3A_830 : i32 to vector<16xi32>
        %select_n3A_832 = arith.select %gt3A_829, %broadcast_in_dim3A_831, %select_n3A_820 : vector<16xi1>, vector<16xi32>
        %select_n3A_833 = arith.select %gt3A_829, %get3A_828, %select_n3A_821 : vector<16xi1>, vector<16xf32>
        %mul3A_834 = arith.constant 16 : i32
        %mul3A_835 = arith.muli %scan3A_739, %mul3A_834 : i32
        %get3A_836 = arith.constant 8 : i32
        %get3A_837 = arith.index_cast %get3A_836 : i32 to index
        %get3A_838 = arith.index_cast %scan3A_733 : i32 to index
        %get3A_839 = arith.index_cast %mul3A_835 : i32 to index
        %get3A_840 = tpu.vector_load %arg5[%get3A_837, %get3A_838, %get3A_839] {strides = array<i32>} : memref<21x8x512xf32, #tpu.memory_space<vmem>>, vector<16xf32>,
        %gt3A_841 = arith.cmpf ogt, %get3A_840, %select_n3A_833 : vector<16xf32>
        %jit3A_842 = arith.constant 8 : i32
        %broadcast_in_dim3A_843 = vector.broadcast %jit3A_842 : i32 to vector<16xi32>
        %select_n3A_844 = arith.select %gt3A_841, %broadcast_in_dim3A_843, %select_n3A_832 : vector<16xi1>, vector<16xi32>
        %select_n3A_845 = arith.select %gt3A_841, %get3A_840, %select_n3A_833 : vector<16xi1>, vector<16xf32>
        %mul3A_846 = arith.constant 16 : i32
        %mul3A_847 = arith.muli %scan3A_739, %mul3A_846 : i32
        %get3A_848 = arith.constant 9 : i32
        %get3A_849 = arith.index_cast %get3A_848 : i32 to index
        %get3A_850 = arith.index_cast %scan3A_733 : i32 to index
        %get3A_851 = arith.index_cast %mul3A_847 : i32 to index
        %get3A_852 = tpu.vector_load %arg5[%get3A_849, %get3A_850, %get3A_851] {strides = array<i32>} : memref<21x8x512xf32, #tpu.memory_space<vmem>>, vector<16xf32>,
        %gt3A_853 = arith.cmpf ogt, %get3A_852, %select_n3A_845 : vector<16xf32>
        %jit3A_854 = arith.constant 9 : i32
        %broadcast_in_dim3A_855 = vector.broadcast %jit3A_854 : i32 to vector<16xi32>
        %select_n3A_856 = arith.select %gt3A_853, %broadcast_in_dim3A_855, %select_n3A_844 : vector<16xi1>, vector<16xi32>
        %select_n3A_857 = arith.select %gt3A_853, %get3A_852, %select_n3A_845 : vector<16xi1>, vector<16xf32>
        %mul3A_858 = arith.constant 16 : i32
        %mul3A_859 = arith.muli %scan3A_739, %mul3A_858 : i32
        %get3A_860 = arith.constant 10 : i32
        %get3A_861 = arith.index_cast %get3A_860 : i32 to index
        %get3A_862 = arith.index_cast %scan3A_733 : i32 to index
        %get3A_863 = arith.index_cast %mul3A_859 : i32 to index
        %get3A_864 = tpu.vector_load %arg5[%get3A_861, %get3A_862, %get3A_863] {strides = array<i32>} : memref<21x8x512xf32, #tpu.memory_space<vmem>>, vector<16xf32>,
        %gt3A_865 = arith.cmpf ogt, %get3A_864, %select_n3A_857 : vector<16xf32>
        %jit3A_866 = arith.constant 10 : i32
        %broadcast_in_dim3A_867 = vector.broadcast %jit3A_866 : i32 to vector<16xi32>
        %select_n3A_868 = arith.select %gt3A_865, %broadcast_in_dim3A_867, %select_n3A_856 : vector<16xi1>, vector<16xi32>
        %select_n3A_869 = arith.select %gt3A_865, %get3A_864, %select_n3A_857 : vector<16xi1>, vector<16xf32>
        %mul3A_870 = arith.constant 16 : i32
        %mul3A_871 = arith.muli %scan3A_739, %mul3A_870 : i32
        %get3A_872 = arith.constant 11 : i32
        %get3A_873 = arith.index_cast %get3A_872 : i32 to index
        %get3A_874 = arith.index_cast %scan3A_733 : i32 to index
        %get3A_875 = arith.index_cast %mul3A_871 : i32 to index
        %get3A_876 = tpu.vector_load %arg5[%get3A_873, %get3A_874, %get3A_875] {strides = array<i32>} : memref<21x8x512xf32, #tpu.memory_space<vmem>>, vector<16xf32>,
        %gt3A_877 = arith.cmpf ogt, %get3A_876, %select_n3A_869 : vector<16xf32>
        %jit3A_878 = arith.constant 11 : i32
        %broadcast_in_dim3A_879 = vector.broadcast %jit3A_878 : i32 to vector<16xi32>
        %select_n3A_880 = arith.select %gt3A_877, %broadcast_in_dim3A_879, %select_n3A_868 : vector<16xi1>, vector<16xi32>
        %select_n3A_881 = arith.select %gt3A_877, %get3A_876, %select_n3A_869 : vector<16xi1>, vector<16xf32>
        %mul3A_882 = arith.constant 16 : i32
        %mul3A_883 = arith.muli %scan3A_739, %mul3A_882 : i32
        %get3A_884 = arith.constant 12 : i32
        %get3A_885 = arith.index_cast %get3A_884 : i32 to index
        %get3A_886 = arith.index_cast %scan3A_733 : i32 to index
        %get3A_887 = arith.index_cast %mul3A_883 : i32 to index
        %get3A_888 = tpu.vector_load %arg5[%get3A_885, %get3A_886, %get3A_887] {strides = array<i32>} : memref<21x8x512xf32, #tpu.memory_space<vmem>>, vector<16xf32>,
        %gt3A_889 = arith.cmpf ogt, %get3A_888, %select_n3A_881 : vector<16xf32>
        %jit3A_890 = arith.constant 12 : i32
        %broadcast_in_dim3A_891 = vector.broadcast %jit3A_890 : i32 to vector<16xi32>
        %select_n3A_892 = arith.select %gt3A_889, %broadcast_in_dim3A_891, %select_n3A_880 : vector<16xi1>, vector<16xi32>
        %select_n3A_893 = arith.select %gt3A_889, %get3A_888, %select_n3A_881 : vector<16xi1>, vector<16xf32>
        %mul3A_894 = arith.constant 16 : i32
        %mul3A_895 = arith.muli %scan3A_739, %mul3A_894 : i32
        %get3A_896 = arith.constant 13 : i32
        %get3A_897 = arith.index_cast %get3A_896 : i32 to index
        %get3A_898 = arith.index_cast %scan3A_733 : i32 to index
        %get3A_899 = arith.index_cast %mul3A_895 : i32 to index
        %get3A_900 = tpu.vector_load %arg5[%get3A_897, %get3A_898, %get3A_899] {strides = array<i32>} : memref<21x8x512xf32, #tpu.memory_space<vmem>>, vector<16xf32>,
        %gt3A_901 = arith.cmpf ogt, %get3A_900, %select_n3A_893 : vector<16xf32>
        %jit3A_902 = arith.constant 13 : i32
        %broadcast_in_dim3A_903 = vector.broadcast %jit3A_902 : i32 to vector<16xi32>
        %select_n3A_904 = arith.select %gt3A_901, %broadcast_in_dim3A_903, %select_n3A_892 : vector<16xi1>, vector<16xi32>
        %select_n3A_905 = arith.select %gt3A_901, %get3A_900, %select_n3A_893 : vector<16xi1>, vector<16xf32>
        %mul3A_906 = arith.constant 16 : i32
        %mul3A_907 = arith.muli %scan3A_739, %mul3A_906 : i32
        %get3A_908 = arith.constant 14 : i32
        %get3A_909 = arith.index_cast %get3A_908 : i32 to index
        %get3A_910 = arith.index_cast %scan3A_733 : i32 to index
        %get3A_911 = arith.index_cast %mul3A_907 : i32 to index
        %get3A_912 = tpu.vector_load %arg5[%get3A_909, %get3A_910, %get3A_911] {strides = array<i32>} : memref<21x8x512xf32, #tpu.memory_space<vmem>>, vector<16xf32>,
        %gt3A_913 = arith.cmpf ogt, %get3A_912, %select_n3A_905 : vector<16xf32>
        %jit3A_914 = arith.constant 14 : i32
        %broadcast_in_dim3A_915 = vector.broadcast %jit3A_914 : i32 to vector<16xi32>
        %select_n3A_916 = arith.select %gt3A_913, %broadcast_in_dim3A_915, %select_n3A_904 : vector<16xi1>, vector<16xi32>
        %select_n3A_917 = arith.select %gt3A_913, %get3A_912, %select_n3A_905 : vector<16xi1>, vector<16xf32>
        %mul3A_918 = arith.constant 16 : i32
        %mul3A_919 = arith.muli %scan3A_739, %mul3A_918 : i32
        %get3A_920 = arith.constant 15 : i32
        %get3A_921 = arith.index_cast %get3A_920 : i32 to index
        %get3A_922 = arith.index_cast %scan3A_733 : i32 to index
        %get3A_923 = arith.index_cast %mul3A_919 : i32 to index
        %get3A_924 = tpu.vector_load %arg5[%get3A_921, %get3A_922, %get3A_923] {strides = array<i32>} : memref<21x8x512xf32, #tpu.memory_space<vmem>>, vector<16xf32>,
        %gt3A_925 = arith.cmpf ogt, %get3A_924, %select_n3A_917 : vector<16xf32>
        %jit3A_926 = arith.constant 15 : i32
        %broadcast_in_dim3A_927 = vector.broadcast %jit3A_926 : i32 to vector<16xi32>
        %select_n3A_928 = arith.select %gt3A_925, %broadcast_in_dim3A_927, %select_n3A_916 : vector<16xi1>, vector<16xi32>
        %select_n3A_929 = arith.select %gt3A_925, %get3A_924, %select_n3A_917 : vector<16xi1>, vector<16xf32>
        %mul3A_930 = arith.constant 16 : i32
        %mul3A_931 = arith.muli %scan3A_739, %mul3A_930 : i32
        %get3A_932 = arith.constant 16 : i32
        %get3A_933 = arith.index_cast %get3A_932 : i32 to index
        %get3A_934 = arith.index_cast %scan3A_733 : i32 to index
        %get3A_935 = arith.index_cast %mul3A_931 : i32 to index
        %get3A_936 = tpu.vector_load %arg5[%get3A_933, %get3A_934, %get3A_935] {strides = array<i32>} : memref<21x8x512xf32, #tpu.memory_space<vmem>>, vector<16xf32>,
        %gt3A_937 = arith.cmpf ogt, %get3A_936, %select_n3A_929 : vector<16xf32>
        %jit3A_938 = arith.constant 16 : i32
        %broadcast_in_dim3A_939 = vector.broadcast %jit3A_938 : i32 to vector<16xi32>
        %select_n3A_940 = arith.select %gt3A_937, %broadcast_in_dim3A_939, %select_n3A_928 : vector<16xi1>, vector<16xi32>
        %select_n3A_941 = arith.select %gt3A_937, %get3A_936, %select_n3A_929 : vector<16xi1>, vector<16xf32>
        %mul3A_942 = arith.constant 16 : i32
        %mul3A_943 = arith.muli %scan3A_739, %mul3A_942 : i32
        %get3A_944 = arith.constant 17 : i32
        %get3A_945 = arith.index_cast %get3A_944 : i32 to index
        %get3A_946 = arith.index_cast %scan3A_733 : i32 to index
        %get3A_947 = arith.index_cast %mul3A_943 : i32 to index
        %get3A_948 = tpu.vector_load %arg5[%get3A_945, %get3A_946, %get3A_947] {strides = array<i32>} : memref<21x8x512xf32, #tpu.memory_space<vmem>>, vector<16xf32>,
        %gt3A_949 = arith.cmpf ogt, %get3A_948, %select_n3A_941 : vector<16xf32>
        %jit3A_950 = arith.constant 17 : i32
        %broadcast_in_dim3A_951 = vector.broadcast %jit3A_950 : i32 to vector<16xi32>
        %select_n3A_952 = arith.select %gt3A_949, %broadcast_in_dim3A_951, %select_n3A_940 : vector<16xi1>, vector<16xi32>
        %select_n3A_953 = arith.select %gt3A_949, %get3A_948, %select_n3A_941 : vector<16xi1>, vector<16xf32>
        %mul3A_954 = arith.constant 16 : i32
        %mul3A_955 = arith.muli %scan3A_739, %mul3A_954 : i32
        %get3A_956 = arith.constant 18 : i32
        %get3A_957 = arith.index_cast %get3A_956 : i32 to index
        %get3A_958 = arith.index_cast %scan3A_733 : i32 to index
        %get3A_959 = arith.index_cast %mul3A_955 : i32 to index
        %get3A_960 = tpu.vector_load %arg5[%get3A_957, %get3A_958, %get3A_959] {strides = array<i32>} : memref<21x8x512xf32, #tpu.memory_space<vmem>>, vector<16xf32>,
        %gt3A_961 = arith.cmpf ogt, %get3A_960, %select_n3A_953 : vector<16xf32>
        %jit3A_962 = arith.constant 18 : i32
        %broadcast_in_dim3A_963 = vector.broadcast %jit3A_962 : i32 to vector<16xi32>
        %select_n3A_964 = arith.select %gt3A_961, %broadcast_in_dim3A_963, %select_n3A_952 : vector<16xi1>, vector<16xi32>
        %select_n3A_965 = arith.select %gt3A_961, %get3A_960, %select_n3A_953 : vector<16xi1>, vector<16xf32>
        %mul3A_966 = arith.constant 16 : i32
        %mul3A_967 = arith.muli %scan3A_739, %mul3A_966 : i32
        %get3A_968 = arith.constant 19 : i32
        %get3A_969 = arith.index_cast %get3A_968 : i32 to index
        %get3A_970 = arith.index_cast %scan3A_733 : i32 to index
        %get3A_971 = arith.index_cast %mul3A_967 : i32 to index
        %get3A_972 = tpu.vector_load %arg5[%get3A_969, %get3A_970, %get3A_971] {strides = array<i32>} : memref<21x8x512xf32, #tpu.memory_space<vmem>>, vector<16xf32>,
        %gt3A_973 = arith.cmpf ogt, %get3A_972, %select_n3A_965 : vector<16xf32>
        %jit3A_974 = arith.constant 19 : i32
        %broadcast_in_dim3A_975 = vector.broadcast %jit3A_974 : i32 to vector<16xi32>
        %select_n3A_976 = arith.select %gt3A_973, %broadcast_in_dim3A_975, %select_n3A_964 : vector<16xi1>, vector<16xi32>
        %select_n3A_977 = arith.select %gt3A_973, %get3A_972, %select_n3A_965 : vector<16xi1>, vector<16xf32>
        %mul3A_978 = arith.constant 16 : i32
        %mul3A_979 = arith.muli %scan3A_739, %mul3A_978 : i32
        %get3A_980 = arith.constant 20 : i32
        %get3A_981 = arith.index_cast %get3A_980 : i32 to index
        %get3A_982 = arith.index_cast %scan3A_733 : i32 to index
        %get3A_983 = arith.index_cast %mul3A_979 : i32 to index
        %get3A_984 = tpu.vector_load %arg5[%get3A_981, %get3A_982, %get3A_983] {strides = array<i32>} : memref<21x8x512xf32, #tpu.memory_space<vmem>>, vector<16xf32>,
        %gt3A_985 = arith.cmpf ogt, %get3A_984, %select_n3A_977 : vector<16xf32>
        %jit3A_986 = arith.constant 20 : i32
        %broadcast_in_dim3A_987 = vector.broadcast %jit3A_986 : i32 to vector<16xi32>
        %select_n3A_988 = arith.select %gt3A_985, %broadcast_in_dim3A_987, %select_n3A_976 : vector<16xi1>, vector<16xi32>
        %select_n3A_989 = arith.select %gt3A_985, %get3A_984, %select_n3A_977 : vector<16xi1>, vector<16xf32>
        %eq3A_990 = arith.cmpi eq, %select_n3A_988, %get3A_743 : vector<16xi32>
        %select_n3A_991 = arith.select %eq3A_990, %broadcast_in_dim3A_37, %broadcast_in_dim3A_35 : vector<16xi1>, vector<16xi32>
        %mul3A_992 = arith.constant 16 : i32
        %mul3A_993 = vector.broadcast %mul3A_992 : i32 to vector<16xi32>
        %mul3A_994 = arith.muli %get3A_743, %mul3A_993 : vector<16xi32>
        %add3A_995 = arith.addi %mul3A_994, %iota3A : vector<16xi32>
        tpu.vector_store_idx %arg7[%add3A_995], %broadcast_in_dim3A_37 {add = true} : memref<1024xi32, #tpu.memory_space<vmem>>[vector<16xi32>], vector<16xi32>,
        %add3A_996 = arith.constant 512 : i32
        %add3A_997 = vector.broadcast %add3A_996 : i32 to vector<16xi32>
        %add3A_998 = arith.addi %add3A_995, %add3A_997 : vector<16xi32>
        tpu.vector_store_idx %arg7[%add3A_998], %select_n3A_991 {add = true} : memref<1024xi32, #tpu.memory_space<vmem>>[vector<16xi32>], vector<16xi32>,
      }
      %scan3A_738 = arith.constant 32 : i32
    }
    %scan3A_732 = arith.constant 8 : i32
    "tpu.region"() ({
      %run_scoped3A = tpu.sem_alloc : memref<!tpu.dma_semaphore, #tpu.memory_space<semaphore_mem>>
      %dma_start3A_733 = arith.constant 0 : i32
      %dma_start3A_734 = tpu.memref_slice %arg4[%add3A, %dma_start3A_733] : memref<32x1024xi32, #tpu.memory_space<hbm>> -> memref<1x1024xi32, #tpu.memory_space<hbm>>
      %dma_start3A_735 = tpu.memref_squeeze %dma_start3A_734 : memref<1x1024xi32, #tpu.memory_space<hbm>> -> memref<1024xi32, #tpu.memory_space<hbm>>
      %dma_start3A_736 = arith.constant 0 : i32
      %dma_start3A_737 = tpu.memref_slice %arg4[%add3A, %dma_start3A_736] : memref<32x1024xi32, #tpu.memory_space<hbm>> -> memref<1x1024xi32, #tpu.memory_space<hbm>>
      %dma_start3A_738 = tpu.memref_squeeze %dma_start3A_737 : memref<1x1024xi32, #tpu.memory_space<hbm>> -> memref<1024xi32, #tpu.memory_space<hbm>>
      tpu.enqueue_dma source(%arg7 : memref<1024xi32, #tpu.memory_space<vmem>>) target(%dma_start3A_738 : memref<1024xi32, #tpu.memory_space<hbm>>) target_semaphore(%run_scoped3A : memref<!tpu.dma_semaphore, #tpu.memory_space<semaphore_mem>>)
      %dma_wait3A_739 = arith.constant 0 : i32
      %dma_wait3A_740 = tpu.memref_slice %arg4[%add3A, %dma_wait3A_739] : memref<32x1024xi32, #tpu.memory_space<hbm>> -> memref<1x1024xi32, #tpu.memory_space<hbm>>
      %dma_wait3A_741 = tpu.memref_squeeze %dma_wait3A_740 : memref<1x1024xi32, #tpu.memory_space<hbm>> -> memref<1024xi32, #tpu.memory_space<hbm>>
      %dma_wait3A_742 = arith.constant 0 : i32
      %dma_wait3A_743 = tpu.memref_slice %arg4[%add3A, %dma_wait3A_742] : memref<32x1024xi32, #tpu.memory_space<hbm>> -> memref<1x1024xi32, #tpu.memory_space<hbm>>
      %dma_wait3A_744 = tpu.memref_squeeze %dma_wait3A_743 : memref<1x1024xi32, #tpu.memory_space<hbm>> -> memref<1024xi32, #tpu.memory_space<hbm>>
      tpu.wait_dma2 semaphore(%run_scoped3A : memref<!tpu.dma_semaphore, #tpu.memory_space<semaphore_mem>>) src(%arg7 : memref<1024xi32, #tpu.memory_space<vmem>>) dst(%dma_wait3A_744 : memref<1024xi32, #tpu.memory_space<hbm>>)
      tpu.yield
    }) : () -> ()
    return
  }
}

module attributes {stable_mosaic.version = 14 : i64} {
  func.func @_final_body(%arg0: memref<4x24x8x128xi32, #tpu.memory_space<vmem>>, %arg1: memref<32x1024xi32, #tpu.memory_space<vmem>>, %arg2: memref<1x1xf32, #tpu.memory_space<smem>>) attributes {dimension_semantics = [], scalar_prefetch = 0 : i64, scratch_operands = 0 : i64, tpu.core_type = #tpu.core_type<tc>} {
    %get3A = arith.constant 0 : index
    %get3A_0 = arith.constant 0 : index
    %get3A_1 = arith.constant 0 : index
    %get3A_2 = arith.constant 0 : index
    %get3A_3 = vector.load %arg0[%get3A, %get3A_0, %get3A_1, %get3A_2] : memref<4x24x8x128xi32, #tpu.memory_space<vmem>>, vector<4x24x8x128xi32>
    %jit3A = arith.constant 4096 : i32
    %div3A = vector.broadcast %jit3A : i32 to vector<4x24x8x128xi32>
    %div3A_4 = arith.divsi %get3A_3, %div3A : vector<4x24x8x128xi32>
    %sign3A = arith.constant 0 : i32
    %sign3A_5 = vector.broadcast %sign3A : i32 to vector<4x24x8x128xi32>
    %sign3A_6 = arith.cmpi sgt, %get3A_3, %sign3A_5 : vector<4x24x8x128xi32>
    %sign3A_7 = arith.extui %sign3A_6 : vector<4x24x8x128xi1> to vector<4x24x8x128xi32>
    %sign3A_8 = arith.constant 0 : i32
    %sign3A_9 = vector.broadcast %sign3A_8 : i32 to vector<4x24x8x128xi32>
    %sign3A_10 = arith.cmpi slt, %get3A_3, %sign3A_9 : vector<4x24x8x128xi32>
    %sign3A_11 = arith.extui %sign3A_10 : vector<4x24x8x128xi1> to vector<4x24x8x128xi32>
    %sign3A_12 = arith.subi %sign3A_7, %sign3A_11 : vector<4x24x8x128xi32>
    %sign3A_13 = arith.constant 0 : i32
    %sign3A_14 = arith.cmpi sgt, %jit3A, %sign3A_13 : i32
    %sign3A_15 = arith.extui %sign3A_14 : i1 to i32
    %sign3A_16 = arith.constant 0 : i32
    %sign3A_17 = arith.cmpi slt, %jit3A, %sign3A_16 : i32
    %sign3A_18 = arith.extui %sign3A_17 : i1 to i32
    %sign3A_19 = arith.subi %sign3A_15, %sign3A_18 : i32
    %ne3A = vector.broadcast %sign3A_19 : i32 to vector<4x24x8x128xi32>
    %ne3A_20 = arith.cmpi ne, %sign3A_12, %ne3A : vector<4x24x8x128xi32>
    %rem3A = vector.broadcast %jit3A : i32 to vector<4x24x8x128xi32>
    %rem3A_21 = arith.remsi %get3A_3, %rem3A : vector<4x24x8x128xi32>
    %ne3A_22 = arith.constant 0 : i32
    %ne3A_23 = vector.broadcast %ne3A_22 : i32 to vector<4x24x8x128xi32>
    %ne3A_24 = arith.cmpi ne, %rem3A_21, %ne3A_23 : vector<4x24x8x128xi32>
    %and3A = arith.andi %ne3A_20, %ne3A_24 : vector<4x24x8x128xi1>
    %sub3A = arith.constant 1 : i32
    %sub3A_25 = vector.broadcast %sub3A : i32 to vector<4x24x8x128xi32>
    %sub3A_26 = arith.subi %div3A_4, %sub3A_25 : vector<4x24x8x128xi32>
    %select_n3A = arith.select %and3A, %sub3A_26, %div3A_4 : vector<4x24x8x128xi1>, vector<4x24x8x128xi32>
    %mul3A = arith.constant 4096 : i32
    %mul3A_27 = vector.broadcast %mul3A : i32 to vector<4x24x8x128xi32>
    %mul3A_28 = arith.muli %select_n3A, %mul3A_27 : vector<4x24x8x128xi32>
    %sub3A_29 = arith.subi %get3A_3, %mul3A_28 : vector<4x24x8x128xi32>
    %convert_element_type3A = arith.sitofp %select_n3A : vector<4x24x8x128xi32> to vector<4x24x8x128xf32>
    %reduce_sum3A = arith.constant dense<0.000000e+00> : vector<4x24xf32>
    %reduce_sum3A_30 = vector.multi_reduction <add>, %convert_element_type3A, %reduce_sum3A [2, 3] : vector<4x24x8x128xf32> to vector<4x24xf32>
    %convert_element_type3A_31 = arith.sitofp %sub3A_29 : vector<4x24x8x128xi32> to vector<4x24x8x128xf32>
    %reduce_sum3A_32 = arith.constant dense<0.000000e+00> : vector<4x24xf32>
    %reduce_sum3A_33 = vector.multi_reduction <add>, %convert_element_type3A_31, %reduce_sum3A_32 [2, 3] : vector<4x24x8x128xf32> to vector<4x24xf32>
    %get3A_34 = arith.constant 0 : index
    %get3A_35 = arith.constant 0 : index
    %get3A_36 = vector.load %arg1[%get3A_34, %get3A_35] : memref<32x1024xi32, #tpu.memory_space<vmem>>, vector<32x1024xi32>
    %convert_element_type3A_37 = arith.sitofp %get3A_36 : vector<32x1024xi32> to vector<32x1024xf32>
    %slice3A = vector.extract_strided_slice %convert_element_type3A_37 {offsets = [0, 0], sizes = [32, 512], strides = [1, 1]} : vector<32x1024xf32> to vector<32x512xf32>
    %reshape3A = vector.shape_cast %slice3A : vector<32x512xf32> to vector<32x32x16xf32>
    %slice3A_38 = vector.extract_strided_slice %convert_element_type3A_37 {offsets = [0, 512], sizes = [32, 512], strides = [1, 1]} : vector<32x1024xf32> to vector<32x512xf32>
    %reshape3A_39 = vector.shape_cast %slice3A_38 : vector<32x512xf32> to vector<32x32x16xf32>
    %reduce_sum3A_40 = arith.constant dense<0.000000e+00> : vector<32x32xf32>
    %reduce_sum3A_41 = vector.multi_reduction <add>, %reshape3A, %reduce_sum3A_40 [2] : vector<32x32x16xf32> to vector<32x32xf32>
    %reshape3A_42 = vector.shape_cast %reduce_sum3A_41 : vector<32x32xf32> to vector<4x8x32xf32>
    %reduce_sum3A_43 = arith.constant dense<0.000000e+00> : vector<4x32xf32>
    %reduce_sum3A_44 = vector.multi_reduction <add>, %reshape3A_42, %reduce_sum3A_43 [1] : vector<4x8x32xf32> to vector<4x32xf32>
    %reduce_sum3A_45 = arith.constant dense<0.000000e+00> : vector<32x32xf32>
    %reduce_sum3A_46 = vector.multi_reduction <add>, %reshape3A_39, %reduce_sum3A_45 [2] : vector<32x32x16xf32> to vector<32x32xf32>
    %reshape3A_47 = vector.shape_cast %reduce_sum3A_46 : vector<32x32xf32> to vector<4x8x32xf32>
    %reduce_sum3A_48 = arith.constant dense<0.000000e+00> : vector<4x32xf32>
    %reduce_sum3A_49 = vector.multi_reduction <add>, %reshape3A_47, %reduce_sum3A_48 [1] : vector<4x8x32xf32> to vector<4x32xf32>
    %slice3A_50 = vector.extract_strided_slice %reduce_sum3A_44 {offsets = [0, 0], sizes = [4, 24], strides = [1, 1]} : vector<4x32xf32> to vector<4x24xf32>
    %add3A = arith.addf %reduce_sum3A_33, %slice3A_50 : vector<4x24xf32>
    %slice3A_51 = vector.extract_strided_slice %reduce_sum3A_49 {offsets = [0, 0], sizes = [4, 24], strides = [1, 1]} : vector<4x32xf32> to vector<4x24xf32>
    %add3A_52 = arith.addf %reduce_sum3A_30, %slice3A_51 : vector<4x24xf32>
    %add3A_53 = arith.constant 9.99999974E-6 : f32
    %add3A_54 = vector.broadcast %add3A_53 : f32 to vector<4x24xf32>
    %add3A_55 = arith.addf %add3A_52, %add3A_54 : vector<4x24xf32>
    %add3A_56 = arith.constant 9.99999974E-6 : f32
    %add3A_57 = vector.broadcast %add3A_56 : f32 to vector<4x24xf32>
    %add3A_58 = arith.addf %add3A, %add3A_57 : vector<4x24xf32>
    %div3A_59 = arith.divf %add3A_55, %add3A_58 : vector<4x24xf32>
    %iota3A = tpu.iota {dimensions = array<i32: 1>} : vector<4x24xi32>
    %lt3A = arith.constant 21 : i32
    %lt3A_60 = vector.broadcast %lt3A : i32 to vector<4x24xi32>
    %lt3A_61 = arith.cmpi slt, %iota3A, %lt3A_60 : vector<4x24xi32>
    %jit3A_62 = arith.constant 0.000000e+00 : f32
    %broadcast_in_dim3A = vector.broadcast %jit3A_62 : f32 to vector<4x24xf32>
    %select_n3A_63 = arith.select %lt3A_61, %div3A_59, %broadcast_in_dim3A : vector<4x24xi1>, vector<4x24xf32>
    %reduce_sum3A_64 = vector.shape_cast %select_n3A_63 : vector<4x24xf32> to vector<1x4x24xf32>
    %reduce_sum3A_65 = arith.constant dense<0.000000e+00> : vector<1xf32>
    %reduce_sum3A_66 = vector.multi_reduction <add>, %reduce_sum3A_64, %reduce_sum3A_65 [1, 2] : vector<1x4x24xf32> to vector<1xf32>
    %reduce_sum3A_67 = vector.shape_cast %reduce_sum3A_66 : vector<1xf32> to vector<1x1x1xf32>
    %reduce_sum3A_68 = vector.extract %reduce_sum3A_67[0, 0, 0] : f32 from vector<1x1x1xf32>
    %div3A_69 = arith.constant 8.400000e+01 : f32
    %div3A_70 = arith.divf %reduce_sum3A_68, %div3A_69 : f32
    %sub3A_71 = arith.constant 1.000000e+00 : f32
    %sub3A_72 = arith.subf %sub3A_71, %div3A_70 : f32
    %swap3A = arith.constant 0 : index
    %swap3A_73 = arith.constant 0 : index
    %swap3A_74 = memref.load %arg2[%swap3A, %swap3A_73] : memref<1x1xf32, #tpu.memory_space<smem>>
    memref.store %sub3A_72, %arg2[%swap3A, %swap3A_73] : memref<1x1xf32, #tpu.memory_space<smem>>
    return
  }
}

module attributes {stable_mosaic.version = 14 : i64} {
  func.func @_tc_body(%arg0: i32, %arg1: memref<1x21x224x512xf32, #tpu.memory_space<vmem>>, %arg2: memref<1x224x512xi32, #tpu.memory_space<vmem>>, %arg3: memref<1x24x8x128xi32, #tpu.memory_space<vmem>>) attributes {dimension_semantics = [#tpu.dimension_semantics<arbitrary>], iteration_bounds = array<i64: 8>, scalar_prefetch = 0 : i64, scratch_operands = 0 : i64, tpu.core_type = #tpu.core_type<tc>, window_params = [{transform_indices = @transform_0, window_bounds = array<i64: 1, 21, 224, 512>}, {transform_indices = @transform_1, window_bounds = array<i64: 1, 224, 512>}, {transform_indices = @transform_2, window_bounds = array<i64: 1, 24, 8, 128>}]} {
    %jit3A = arith.constant 2 : i32
    %eq3A = arith.constant 0 : i32
    %eq3A_0 = arith.cmpi eq, %jit3A, %eq3A : i32
    %jit3A_1 = arith.constant 1 : i32
    %select_n3A = arith.select %eq3A_0, %jit3A_1, %jit3A : i32
    %rem3A = arith.remsi %arg0, %select_n3A : i32
    %ne3A = arith.constant 0 : i32
    %ne3A_2 = arith.cmpi ne, %rem3A, %ne3A : i32
    %lt3A = arith.constant 0 : i32
    %lt3A_3 = arith.cmpi slt, %rem3A, %lt3A : i32
    %lt3A_4 = arith.constant 0 : i32
    %lt3A_5 = arith.cmpi slt, %select_n3A, %lt3A_4 : i32
    %ne3A_6 = arith.xori %lt3A_3, %lt3A_5 : i1
    %and3A = arith.andi %ne3A_6, %ne3A_2 : i1
    %add3A = arith.addi %rem3A, %select_n3A : i32
    %select_n3A_7 = arith.select %and3A, %add3A, %rem3A : i32
    %eq3A_8 = arith.constant 0 : i32
    %eq3A_9 = arith.cmpi eq, %select_n3A_7, %eq3A_8 : i32
    %convert_element_type3A = arith.extui %eq3A_9 : i1 to i32
    %cond3A = arith.constant 0 : i32
    %cond3A_10 = arith.cmpi ne, %convert_element_type3A, %cond3A : i32
    scf.if %cond3A_10 {
      %broadcast_in_dim3A_1965 = arith.constant 0 : i32
      %broadcast_in_dim3A_1966 = vector.broadcast %broadcast_in_dim3A_1965 : i32 to vector<1x24x8x128xi32>
      %swap3A_1967 = arith.constant 0 : index
      %swap3A_1968 = arith.constant 0 : index
      %swap3A_1969 = arith.constant 0 : index
      %swap3A_1970 = arith.constant 0 : index
      %swap3A_1971 = vector.load %arg3[%swap3A_1967, %swap3A_1968, %swap3A_1969, %swap3A_1970] : memref<1x24x8x128xi32, #tpu.memory_space<vmem>>, vector<1x24x8x128xi32>
      tpu.vector_store %arg3[%swap3A_1967, %swap3A_1968, %swap3A_1969, %swap3A_1970], %broadcast_in_dim3A_1966 {strides = array<i32>} : memref<1x24x8x128xi32, #tpu.memory_space<vmem>>, vector<1x24x8x128xi32>,
    } else {
    }
    %get3A = arith.constant 0 : index
    %get3A_11 = arith.constant 0 : index
    %get3A_12 = arith.constant 0 : index
    %get3A_13 = vector.load %arg2[%get3A, %get3A_11, %get3A_12] : memref<1x224x512xi32, #tpu.memory_space<vmem>>, vector<1x224x512xi32>
    %get3A_14 = vector.shape_cast %get3A_13 : vector<1x224x512xi32> to vector<224x512xi32>
    %get3A_15 = arith.constant 0 : index
    %get3A_16 = arith.constant 0 : index
    %get3A_17 = arith.constant 0 : index
    %get3A_18 = arith.constant 0 : index
    %get3A_19 = vector.load %arg1[%get3A_15, %get3A_16, %get3A_17, %get3A_18] : memref<1x21x224x512xf32, #tpu.memory_space<vmem>>, vector<1x1x224x512xf32>
    %get3A_20 = vector.shape_cast %get3A_19 : vector<1x1x224x512xf32> to vector<224x512xf32>
    %broadcast_in_dim3A = arith.constant 0 : i32
    %broadcast_in_dim3A_21 = vector.broadcast %broadcast_in_dim3A : i32 to vector<224x512xi32>
    %get3A_22 = arith.constant 0 : index
    %get3A_23 = arith.constant 1 : index
    %get3A_24 = arith.constant 0 : index
    %get3A_25 = arith.constant 0 : index
    %get3A_26 = vector.load %arg1[%get3A_22, %get3A_23, %get3A_24, %get3A_25] : memref<1x21x224x512xf32, #tpu.memory_space<vmem>>, vector<1x1x224x512xf32>
    %get3A_27 = vector.shape_cast %get3A_26 : vector<1x1x224x512xf32> to vector<224x512xf32>
    %gt3A = arith.cmpf ogt, %get3A_27, %get3A_20 : vector<224x512xf32>
    %jit3A_28 = arith.constant 1 : i32
    %broadcast_in_dim3A_29 = vector.broadcast %jit3A_28 : i32 to vector<224x512xi32>
    %select_n3A_30 = arith.select %gt3A, %broadcast_in_dim3A_29, %broadcast_in_dim3A_21 : vector<224x512xi1>, vector<224x512xi32>
    %max3A = arith.maximumf %get3A_27, %get3A_20 : vector<224x512xf32>
    %get3A_31 = arith.constant 0 : index
    %get3A_32 = arith.constant 2 : index
    %get3A_33 = arith.constant 0 : index
    %get3A_34 = arith.constant 0 : index
    %get3A_35 = vector.load %arg1[%get3A_31, %get3A_32, %get3A_33, %get3A_34] : memref<1x21x224x512xf32, #tpu.memory_space<vmem>>, vector<1x1x224x512xf32>
    %get3A_36 = vector.shape_cast %get3A_35 : vector<1x1x224x512xf32> to vector<224x512xf32>
    %gt3A_37 = arith.cmpf ogt, %get3A_36, %max3A : vector<224x512xf32>
    %jit3A_38 = arith.constant 2 : i32
    %broadcast_in_dim3A_39 = vector.broadcast %jit3A_38 : i32 to vector<224x512xi32>
    %select_n3A_40 = arith.select %gt3A_37, %broadcast_in_dim3A_39, %select_n3A_30 : vector<224x512xi1>, vector<224x512xi32>
    %max3A_41 = arith.maximumf %get3A_36, %max3A : vector<224x512xf32>
    %get3A_42 = arith.constant 0 : index
    %get3A_43 = arith.constant 3 : index
    %get3A_44 = arith.constant 0 : index
    %get3A_45 = arith.constant 0 : index
    %get3A_46 = vector.load %arg1[%get3A_42, %get3A_43, %get3A_44, %get3A_45] : memref<1x21x224x512xf32, #tpu.memory_space<vmem>>, vector<1x1x224x512xf32>
    %get3A_47 = vector.shape_cast %get3A_46 : vector<1x1x224x512xf32> to vector<224x512xf32>
    %gt3A_48 = arith.cmpf ogt, %get3A_47, %max3A_41 : vector<224x512xf32>
    %jit3A_49 = arith.constant 3 : i32
    %broadcast_in_dim3A_50 = vector.broadcast %jit3A_49 : i32 to vector<224x512xi32>
    %select_n3A_51 = arith.select %gt3A_48, %broadcast_in_dim3A_50, %select_n3A_40 : vector<224x512xi1>, vector<224x512xi32>
    %max3A_52 = arith.maximumf %get3A_47, %max3A_41 : vector<224x512xf32>
    %get3A_53 = arith.constant 0 : index
    %get3A_54 = arith.constant 4 : index
    %get3A_55 = arith.constant 0 : index
    %get3A_56 = arith.constant 0 : index
    %get3A_57 = vector.load %arg1[%get3A_53, %get3A_54, %get3A_55, %get3A_56] : memref<1x21x224x512xf32, #tpu.memory_space<vmem>>, vector<1x1x224x512xf32>
    %get3A_58 = vector.shape_cast %get3A_57 : vector<1x1x224x512xf32> to vector<224x512xf32>
    %gt3A_59 = arith.cmpf ogt, %get3A_58, %max3A_52 : vector<224x512xf32>
    %jit3A_60 = arith.constant 4 : i32
    %broadcast_in_dim3A_61 = vector.broadcast %jit3A_60 : i32 to vector<224x512xi32>
    %select_n3A_62 = arith.select %gt3A_59, %broadcast_in_dim3A_61, %select_n3A_51 : vector<224x512xi1>, vector<224x512xi32>
    %max3A_63 = arith.maximumf %get3A_58, %max3A_52 : vector<224x512xf32>
    %get3A_64 = arith.constant 0 : index
    %get3A_65 = arith.constant 5 : index
    %get3A_66 = arith.constant 0 : index
    %get3A_67 = arith.constant 0 : index
    %get3A_68 = vector.load %arg1[%get3A_64, %get3A_65, %get3A_66, %get3A_67] : memref<1x21x224x512xf32, #tpu.memory_space<vmem>>, vector<1x1x224x512xf32>
    %get3A_69 = vector.shape_cast %get3A_68 : vector<1x1x224x512xf32> to vector<224x512xf32>
    %gt3A_70 = arith.cmpf ogt, %get3A_69, %max3A_63 : vector<224x512xf32>
    %jit3A_71 = arith.constant 5 : i32
    %broadcast_in_dim3A_72 = vector.broadcast %jit3A_71 : i32 to vector<224x512xi32>
    %select_n3A_73 = arith.select %gt3A_70, %broadcast_in_dim3A_72, %select_n3A_62 : vector<224x512xi1>, vector<224x512xi32>
    %max3A_74 = arith.maximumf %get3A_69, %max3A_63 : vector<224x512xf32>
    %get3A_75 = arith.constant 0 : index
    %get3A_76 = arith.constant 6 : index
    %get3A_77 = arith.constant 0 : index
    %get3A_78 = arith.constant 0 : index
    %get3A_79 = vector.load %arg1[%get3A_75, %get3A_76, %get3A_77, %get3A_78] : memref<1x21x224x512xf32, #tpu.memory_space<vmem>>, vector<1x1x224x512xf32>
    %get3A_80 = vector.shape_cast %get3A_79 : vector<1x1x224x512xf32> to vector<224x512xf32>
    %gt3A_81 = arith.cmpf ogt, %get3A_80, %max3A_74 : vector<224x512xf32>
    %jit3A_82 = arith.constant 6 : i32
    %broadcast_in_dim3A_83 = vector.broadcast %jit3A_82 : i32 to vector<224x512xi32>
    %select_n3A_84 = arith.select %gt3A_81, %broadcast_in_dim3A_83, %select_n3A_73 : vector<224x512xi1>, vector<224x512xi32>
    %max3A_85 = arith.maximumf %get3A_80, %max3A_74 : vector<224x512xf32>
    %get3A_86 = arith.constant 0 : index
    %get3A_87 = arith.constant 7 : index
    %get3A_88 = arith.constant 0 : index
    %get3A_89 = arith.constant 0 : index
    %get3A_90 = vector.load %arg1[%get3A_86, %get3A_87, %get3A_88, %get3A_89] : memref<1x21x224x512xf32, #tpu.memory_space<vmem>>, vector<1x1x224x512xf32>
    %get3A_91 = vector.shape_cast %get3A_90 : vector<1x1x224x512xf32> to vector<224x512xf32>
    %gt3A_92 = arith.cmpf ogt, %get3A_91, %max3A_85 : vector<224x512xf32>
    %jit3A_93 = arith.constant 7 : i32
    %broadcast_in_dim3A_94 = vector.broadcast %jit3A_93 : i32 to vector<224x512xi32>
    %select_n3A_95 = arith.select %gt3A_92, %broadcast_in_dim3A_94, %select_n3A_84 : vector<224x512xi1>, vector<224x512xi32>
    %max3A_96 = arith.maximumf %get3A_91, %max3A_85 : vector<224x512xf32>
    %get3A_97 = arith.constant 0 : index
    %get3A_98 = arith.constant 8 : index
    %get3A_99 = arith.constant 0 : index
    %get3A_100 = arith.constant 0 : index
    %get3A_101 = vector.load %arg1[%get3A_97, %get3A_98, %get3A_99, %get3A_100] : memref<1x21x224x512xf32, #tpu.memory_space<vmem>>, vector<1x1x224x512xf32>
    %get3A_102 = vector.shape_cast %get3A_101 : vector<1x1x224x512xf32> to vector<224x512xf32>
    %gt3A_103 = arith.cmpf ogt, %get3A_102, %max3A_96 : vector<224x512xf32>
    %jit3A_104 = arith.constant 8 : i32
    %broadcast_in_dim3A_105 = vector.broadcast %jit3A_104 : i32 to vector<224x512xi32>
    %select_n3A_106 = arith.select %gt3A_103, %broadcast_in_dim3A_105, %select_n3A_95 : vector<224x512xi1>, vector<224x512xi32>
    %max3A_107 = arith.maximumf %get3A_102, %max3A_96 : vector<224x512xf32>
    %get3A_108 = arith.constant 0 : index
    %get3A_109 = arith.constant 9 : index
    %get3A_110 = arith.constant 0 : index
    %get3A_111 = arith.constant 0 : index
    %get3A_112 = vector.load %arg1[%get3A_108, %get3A_109, %get3A_110, %get3A_111] : memref<1x21x224x512xf32, #tpu.memory_space<vmem>>, vector<1x1x224x512xf32>
    %get3A_113 = vector.shape_cast %get3A_112 : vector<1x1x224x512xf32> to vector<224x512xf32>
    %gt3A_114 = arith.cmpf ogt, %get3A_113, %max3A_107 : vector<224x512xf32>
    %jit3A_115 = arith.constant 9 : i32
    %broadcast_in_dim3A_116 = vector.broadcast %jit3A_115 : i32 to vector<224x512xi32>
    %select_n3A_117 = arith.select %gt3A_114, %broadcast_in_dim3A_116, %select_n3A_106 : vector<224x512xi1>, vector<224x512xi32>
    %max3A_118 = arith.maximumf %get3A_113, %max3A_107 : vector<224x512xf32>
    %get3A_119 = arith.constant 0 : index
    %get3A_120 = arith.constant 10 : index
    %get3A_121 = arith.constant 0 : index
    %get3A_122 = arith.constant 0 : index
    %get3A_123 = vector.load %arg1[%get3A_119, %get3A_120, %get3A_121, %get3A_122] : memref<1x21x224x512xf32, #tpu.memory_space<vmem>>, vector<1x1x224x512xf32>
    %get3A_124 = vector.shape_cast %get3A_123 : vector<1x1x224x512xf32> to vector<224x512xf32>
    %gt3A_125 = arith.cmpf ogt, %get3A_124, %max3A_118 : vector<224x512xf32>
    %jit3A_126 = arith.constant 10 : i32
    %broadcast_in_dim3A_127 = vector.broadcast %jit3A_126 : i32 to vector<224x512xi32>
    %select_n3A_128 = arith.select %gt3A_125, %broadcast_in_dim3A_127, %select_n3A_117 : vector<224x512xi1>, vector<224x512xi32>
    %max3A_129 = arith.maximumf %get3A_124, %max3A_118 : vector<224x512xf32>
    %get3A_130 = arith.constant 0 : index
    %get3A_131 = arith.constant 11 : index
    %get3A_132 = arith.constant 0 : index
    %get3A_133 = arith.constant 0 : index
    %get3A_134 = vector.load %arg1[%get3A_130, %get3A_131, %get3A_132, %get3A_133] : memref<1x21x224x512xf32, #tpu.memory_space<vmem>>, vector<1x1x224x512xf32>
    %get3A_135 = vector.shape_cast %get3A_134 : vector<1x1x224x512xf32> to vector<224x512xf32>
    %gt3A_136 = arith.cmpf ogt, %get3A_135, %max3A_129 : vector<224x512xf32>
    %jit3A_137 = arith.constant 11 : i32
    %broadcast_in_dim3A_138 = vector.broadcast %jit3A_137 : i32 to vector<224x512xi32>
    %select_n3A_139 = arith.select %gt3A_136, %broadcast_in_dim3A_138, %select_n3A_128 : vector<224x512xi1>, vector<224x512xi32>
    %max3A_140 = arith.maximumf %get3A_135, %max3A_129 : vector<224x512xf32>
    %get3A_141 = arith.constant 0 : index
    %get3A_142 = arith.constant 12 : index
    %get3A_143 = arith.constant 0 : index
    %get3A_144 = arith.constant 0 : index
    %get3A_145 = vector.load %arg1[%get3A_141, %get3A_142, %get3A_143, %get3A_144] : memref<1x21x224x512xf32, #tpu.memory_space<vmem>>, vector<1x1x224x512xf32>
    %get3A_146 = vector.shape_cast %get3A_145 : vector<1x1x224x512xf32> to vector<224x512xf32>
    %gt3A_147 = arith.cmpf ogt, %get3A_146, %max3A_140 : vector<224x512xf32>
    %jit3A_148 = arith.constant 12 : i32
    %broadcast_in_dim3A_149 = vector.broadcast %jit3A_148 : i32 to vector<224x512xi32>
    %select_n3A_150 = arith.select %gt3A_147, %broadcast_in_dim3A_149, %select_n3A_139 : vector<224x512xi1>, vector<224x512xi32>
    %max3A_151 = arith.maximumf %get3A_146, %max3A_140 : vector<224x512xf32>
    %get3A_152 = arith.constant 0 : index
    %get3A_153 = arith.constant 13 : index
    %get3A_154 = arith.constant 0 : index
    %get3A_155 = arith.constant 0 : index
    %get3A_156 = vector.load %arg1[%get3A_152, %get3A_153, %get3A_154, %get3A_155] : memref<1x21x224x512xf32, #tpu.memory_space<vmem>>, vector<1x1x224x512xf32>
    %get3A_157 = vector.shape_cast %get3A_156 : vector<1x1x224x512xf32> to vector<224x512xf32>
    %gt3A_158 = arith.cmpf ogt, %get3A_157, %max3A_151 : vector<224x512xf32>
    %jit3A_159 = arith.constant 13 : i32
    %broadcast_in_dim3A_160 = vector.broadcast %jit3A_159 : i32 to vector<224x512xi32>
    %select_n3A_161 = arith.select %gt3A_158, %broadcast_in_dim3A_160, %select_n3A_150 : vector<224x512xi1>, vector<224x512xi32>
    %max3A_162 = arith.maximumf %get3A_157, %max3A_151 : vector<224x512xf32>
    %get3A_163 = arith.constant 0 : index
    %get3A_164 = arith.constant 14 : index
    %get3A_165 = arith.constant 0 : index
    %get3A_166 = arith.constant 0 : index
    %get3A_167 = vector.load %arg1[%get3A_163, %get3A_164, %get3A_165, %get3A_166] : memref<1x21x224x512xf32, #tpu.memory_space<vmem>>, vector<1x1x224x512xf32>
    %get3A_168 = vector.shape_cast %get3A_167 : vector<1x1x224x512xf32> to vector<224x512xf32>
    %gt3A_169 = arith.cmpf ogt, %get3A_168, %max3A_162 : vector<224x512xf32>
    %jit3A_170 = arith.constant 14 : i32
    %broadcast_in_dim3A_171 = vector.broadcast %jit3A_170 : i32 to vector<224x512xi32>
    %select_n3A_172 = arith.select %gt3A_169, %broadcast_in_dim3A_171, %select_n3A_161 : vector<224x512xi1>, vector<224x512xi32>
    %max3A_173 = arith.maximumf %get3A_168, %max3A_162 : vector<224x512xf32>
    %get3A_174 = arith.constant 0 : index
    %get3A_175 = arith.constant 15 : index
    %get3A_176 = arith.constant 0 : index
    %get3A_177 = arith.constant 0 : index
    %get3A_178 = vector.load %arg1[%get3A_174, %get3A_175, %get3A_176, %get3A_177] : memref<1x21x224x512xf32, #tpu.memory_space<vmem>>, vector<1x1x224x512xf32>
    %get3A_179 = vector.shape_cast %get3A_178 : vector<1x1x224x512xf32> to vector<224x512xf32>
    %gt3A_180 = arith.cmpf ogt, %get3A_179, %max3A_173 : vector<224x512xf32>
    %jit3A_181 = arith.constant 15 : i32
    %broadcast_in_dim3A_182 = vector.broadcast %jit3A_181 : i32 to vector<224x512xi32>
    %select_n3A_183 = arith.select %gt3A_180, %broadcast_in_dim3A_182, %select_n3A_172 : vector<224x512xi1>, vector<224x512xi32>
    %max3A_184 = arith.maximumf %get3A_179, %max3A_173 : vector<224x512xf32>
    %get3A_185 = arith.constant 0 : index
    %get3A_186 = arith.constant 16 : index
    %get3A_187 = arith.constant 0 : index
    %get3A_188 = arith.constant 0 : index
    %get3A_189 = vector.load %arg1[%get3A_185, %get3A_186, %get3A_187, %get3A_188] : memref<1x21x224x512xf32, #tpu.memory_space<vmem>>, vector<1x1x224x512xf32>
    %get3A_190 = vector.shape_cast %get3A_189 : vector<1x1x224x512xf32> to vector<224x512xf32>
    %gt3A_191 = arith.cmpf ogt, %get3A_190, %max3A_184 : vector<224x512xf32>
    %jit3A_192 = arith.constant 16 : i32
    %broadcast_in_dim3A_193 = vector.broadcast %jit3A_192 : i32 to vector<224x512xi32>
    %select_n3A_194 = arith.select %gt3A_191, %broadcast_in_dim3A_193, %select_n3A_183 : vector<224x512xi1>, vector<224x512xi32>
    %max3A_195 = arith.maximumf %get3A_190, %max3A_184 : vector<224x512xf32>
    %get3A_196 = arith.constant 0 : index
    %get3A_197 = arith.constant 17 : index
    %get3A_198 = arith.constant 0 : index
    %get3A_199 = arith.constant 0 : index
    %get3A_200 = vector.load %arg1[%get3A_196, %get3A_197, %get3A_198, %get3A_199] : memref<1x21x224x512xf32, #tpu.memory_space<vmem>>, vector<1x1x224x512xf32>
    %get3A_201 = vector.shape_cast %get3A_200 : vector<1x1x224x512xf32> to vector<224x512xf32>
    %gt3A_202 = arith.cmpf ogt, %get3A_201, %max3A_195 : vector<224x512xf32>
    %jit3A_203 = arith.constant 17 : i32
    %broadcast_in_dim3A_204 = vector.broadcast %jit3A_203 : i32 to vector<224x512xi32>
    %select_n3A_205 = arith.select %gt3A_202, %broadcast_in_dim3A_204, %select_n3A_194 : vector<224x512xi1>, vector<224x512xi32>
    %max3A_206 = arith.maximumf %get3A_201, %max3A_195 : vector<224x512xf32>
    %get3A_207 = arith.constant 0 : index
    %get3A_208 = arith.constant 18 : index
    %get3A_209 = arith.constant 0 : index
    %get3A_210 = arith.constant 0 : index
    %get3A_211 = vector.load %arg1[%get3A_207, %get3A_208, %get3A_209, %get3A_210] : memref<1x21x224x512xf32, #tpu.memory_space<vmem>>, vector<1x1x224x512xf32>
    %get3A_212 = vector.shape_cast %get3A_211 : vector<1x1x224x512xf32> to vector<224x512xf32>
    %gt3A_213 = arith.cmpf ogt, %get3A_212, %max3A_206 : vector<224x512xf32>
    %jit3A_214 = arith.constant 18 : i32
    %broadcast_in_dim3A_215 = vector.broadcast %jit3A_214 : i32 to vector<224x512xi32>
    %select_n3A_216 = arith.select %gt3A_213, %broadcast_in_dim3A_215, %select_n3A_205 : vector<224x512xi1>, vector<224x512xi32>
    %max3A_217 = arith.maximumf %get3A_212, %max3A_206 : vector<224x512xf32>
    %get3A_218 = arith.constant 0 : index
    %get3A_219 = arith.constant 19 : index
    %get3A_220 = arith.constant 0 : index
    %get3A_221 = arith.constant 0 : index
    %get3A_222 = vector.load %arg1[%get3A_218, %get3A_219, %get3A_220, %get3A_221] : memref<1x21x224x512xf32, #tpu.memory_space<vmem>>, vector<1x1x224x512xf32>
    %get3A_223 = vector.shape_cast %get3A_222 : vector<1x1x224x512xf32> to vector<224x512xf32>
    %gt3A_224 = arith.cmpf ogt, %get3A_223, %max3A_217 : vector<224x512xf32>
    %jit3A_225 = arith.constant 19 : i32
    %broadcast_in_dim3A_226 = vector.broadcast %jit3A_225 : i32 to vector<224x512xi32>
    %select_n3A_227 = arith.select %gt3A_224, %broadcast_in_dim3A_226, %select_n3A_216 : vector<224x512xi1>, vector<224x512xi32>
    %max3A_228 = arith.maximumf %get3A_223, %max3A_217 : vector<224x512xf32>
    %get3A_229 = arith.constant 0 : index
    %get3A_230 = arith.constant 20 : index
    %get3A_231 = arith.constant 0 : index
    %get3A_232 = arith.constant 0 : index
    %get3A_233 = vector.load %arg1[%get3A_229, %get3A_230, %get3A_231, %get3A_232] : memref<1x21x224x512xf32, #tpu.memory_space<vmem>>, vector<1x1x224x512xf32>
    %get3A_234 = vector.shape_cast %get3A_233 : vector<1x1x224x512xf32> to vector<224x512xf32>
    %gt3A_235 = arith.cmpf ogt, %get3A_234, %max3A_228 : vector<224x512xf32>
    %jit3A_236 = arith.constant 20 : i32
    %broadcast_in_dim3A_237 = vector.broadcast %jit3A_236 : i32 to vector<224x512xi32>
    %select_n3A_238 = arith.select %gt3A_235, %broadcast_in_dim3A_237, %select_n3A_227 : vector<224x512xi1>, vector<224x512xi32>
    %eq3A_239 = arith.cmpi eq, %select_n3A_238, %get3A_14 : vector<224x512xi32>
    %jit3A_240 = arith.constant 4097 : i32
    %jit3A_241 = arith.constant 1 : i32
    %broadcast_in_dim3A_242 = vector.broadcast %jit3A_240 : i32 to vector<224x512xi32>
    %broadcast_in_dim3A_243 = vector.broadcast %jit3A_241 : i32 to vector<224x512xi32>
    %select_n3A_244 = arith.select %eq3A_239, %broadcast_in_dim3A_242, %broadcast_in_dim3A_243 : vector<224x512xi1>, vector<224x512xi32>
    %eq3A_245 = arith.constant 0 : i32
    %eq3A_246 = vector.broadcast %eq3A_245 : i32 to vector<224x512xi32>
    %eq3A_247 = arith.cmpi eq, %get3A_14, %eq3A_246 : vector<224x512xi32>
    %jit3A_248 = arith.constant 0 : i32
    %broadcast_in_dim3A_249 = vector.broadcast %jit3A_248 : i32 to vector<224x512xi32>
    %select_n3A_250 = arith.select %eq3A_247, %select_n3A_244, %broadcast_in_dim3A_249 : vector<224x512xi1>, vector<224x512xi32>
    %slice3A = vector.extract_strided_slice %select_n3A_250 {offsets = [0, 0], sizes = [8, 512], strides = [1, 1]} : vector<224x512xi32> to vector<8x512xi32>
    %slice3A_251 = vector.extract_strided_slice %select_n3A_250 {offsets = [8, 0], sizes = [8, 512], strides = [1, 1]} : vector<224x512xi32> to vector<8x512xi32>
    %add3A_252 = arith.addi %slice3A, %slice3A_251 : vector<8x512xi32>
    %slice3A_253 = vector.extract_strided_slice %select_n3A_250 {offsets = [16, 0], sizes = [8, 512], strides = [1, 1]} : vector<224x512xi32> to vector<8x512xi32>
    %add3A_254 = arith.addi %add3A_252, %slice3A_253 : vector<8x512xi32>
    %slice3A_255 = vector.extract_strided_slice %select_n3A_250 {offsets = [24, 0], sizes = [8, 512], strides = [1, 1]} : vector<224x512xi32> to vector<8x512xi32>
    %add3A_256 = arith.addi %add3A_254, %slice3A_255 : vector<8x512xi32>
    %slice3A_257 = vector.extract_strided_slice %select_n3A_250 {offsets = [32, 0], sizes = [8, 512], strides = [1, 1]} : vector<224x512xi32> to vector<8x512xi32>
    %add3A_258 = arith.addi %add3A_256, %slice3A_257 : vector<8x512xi32>
    %slice3A_259 = vector.extract_strided_slice %select_n3A_250 {offsets = [40, 0], sizes = [8, 512], strides = [1, 1]} : vector<224x512xi32> to vector<8x512xi32>
    %add3A_260 = arith.addi %add3A_258, %slice3A_259 : vector<8x512xi32>
    %slice3A_261 = vector.extract_strided_slice %select_n3A_250 {offsets = [48, 0], sizes = [8, 512], strides = [1, 1]} : vector<224x512xi32> to vector<8x512xi32>
    %add3A_262 = arith.addi %add3A_260, %slice3A_261 : vector<8x512xi32>
    %slice3A_263 = vector.extract_strided_slice %select_n3A_250 {offsets = [56, 0], sizes = [8, 512], strides = [1, 1]} : vector<224x512xi32> to vector<8x512xi32>
    %add3A_264 = arith.addi %add3A_262, %slice3A_263 : vector<8x512xi32>
    %slice3A_265 = vector.extract_strided_slice %select_n3A_250 {offsets = [64, 0], sizes = [8, 512], strides = [1, 1]} : vector<224x512xi32> to vector<8x512xi32>
    %add3A_266 = arith.addi %add3A_264, %slice3A_265 : vector<8x512xi32>
    %slice3A_267 = vector.extract_strided_slice %select_n3A_250 {offsets = [72, 0], sizes = [8, 512], strides = [1, 1]} : vector<224x512xi32> to vector<8x512xi32>
    %add3A_268 = arith.addi %add3A_266, %slice3A_267 : vector<8x512xi32>
    %slice3A_269 = vector.extract_strided_slice %select_n3A_250 {offsets = [80, 0], sizes = [8, 512], strides = [1, 1]} : vector<224x512xi32> to vector<8x512xi32>
    %add3A_270 = arith.addi %add3A_268, %slice3A_269 : vector<8x512xi32>
    %slice3A_271 = vector.extract_strided_slice %select_n3A_250 {offsets = [88, 0], sizes = [8, 512], strides = [1, 1]} : vector<224x512xi32> to vector<8x512xi32>
    %add3A_272 = arith.addi %add3A_270, %slice3A_271 : vector<8x512xi32>
    %slice3A_273 = vector.extract_strided_slice %select_n3A_250 {offsets = [96, 0], sizes = [8, 512], strides = [1, 1]} : vector<224x512xi32> to vector<8x512xi32>
    %add3A_274 = arith.addi %add3A_272, %slice3A_273 : vector<8x512xi32>
    %slice3A_275 = vector.extract_strided_slice %select_n3A_250 {offsets = [104, 0], sizes = [8, 512], strides = [1, 1]} : vector<224x512xi32> to vector<8x512xi32>
    %add3A_276 = arith.addi %add3A_274, %slice3A_275 : vector<8x512xi32>
    %slice3A_277 = vector.extract_strided_slice %select_n3A_250 {offsets = [112, 0], sizes = [8, 512], strides = [1, 1]} : vector<224x512xi32> to vector<8x512xi32>
    %add3A_278 = arith.addi %add3A_276, %slice3A_277 : vector<8x512xi32>
    %slice3A_279 = vector.extract_strided_slice %select_n3A_250 {offsets = [120, 0], sizes = [8, 512], strides = [1, 1]} : vector<224x512xi32> to vector<8x512xi32>
    %add3A_280 = arith.addi %add3A_278, %slice3A_279 : vector<8x512xi32>
    %slice3A_281 = vector.extract_strided_slice %select_n3A_250 {offsets = [128, 0], sizes = [8, 512], strides = [1, 1]} : vector<224x512xi32> to vector<8x512xi32>
    %add3A_282 = arith.addi %add3A_280, %slice3A_281 : vector<8x512xi32>
    %slice3A_283 = vector.extract_strided_slice %select_n3A_250 {offsets = [136, 0], sizes = [8, 512], strides = [1, 1]} : vector<224x512xi32> to vector<8x512xi32>
    %add3A_284 = arith.addi %add3A_282, %slice3A_283 : vector<8x512xi32>
    %slice3A_285 = vector.extract_strided_slice %select_n3A_250 {offsets = [144, 0], sizes = [8, 512], strides = [1, 1]} : vector<224x512xi32> to vector<8x512xi32>
    %add3A_286 = arith.addi %add3A_284, %slice3A_285 : vector<8x512xi32>
    %slice3A_287 = vector.extract_strided_slice %select_n3A_250 {offsets = [152, 0], sizes = [8, 512], strides = [1, 1]} : vector<224x512xi32> to vector<8x512xi32>
    %add3A_288 = arith.addi %add3A_286, %slice3A_287 : vector<8x512xi32>
    %slice3A_289 = vector.extract_strided_slice %select_n3A_250 {offsets = [160, 0], sizes = [8, 512], strides = [1, 1]} : vector<224x512xi32> to vector<8x512xi32>
    %add3A_290 = arith.addi %add3A_288, %slice3A_289 : vector<8x512xi32>
    %slice3A_291 = vector.extract_strided_slice %select_n3A_250 {offsets = [168, 0], sizes = [8, 512], strides = [1, 1]} : vector<224x512xi32> to vector<8x512xi32>
    %add3A_292 = arith.addi %add3A_290, %slice3A_291 : vector<8x512xi32>
    %slice3A_293 = vector.extract_strided_slice %select_n3A_250 {offsets = [176, 0], sizes = [8, 512], strides = [1, 1]} : vector<224x512xi32> to vector<8x512xi32>
    %add3A_294 = arith.addi %add3A_292, %slice3A_293 : vector<8x512xi32>
    %slice3A_295 = vector.extract_strided_slice %select_n3A_250 {offsets = [184, 0], sizes = [8, 512], strides = [1, 1]} : vector<224x512xi32> to vector<8x512xi32>
    %add3A_296 = arith.addi %add3A_294, %slice3A_295 : vector<8x512xi32>
    %slice3A_297 = vector.extract_strided_slice %select_n3A_250 {offsets = [192, 0], sizes = [8, 512], strides = [1, 1]} : vector<224x512xi32> to vector<8x512xi32>
    %add3A_298 = arith.addi %add3A_296, %slice3A_297 : vector<8x512xi32>
    %slice3A_299 = vector.extract_strided_slice %select_n3A_250 {offsets = [200, 0], sizes = [8, 512], strides = [1, 1]} : vector<224x512xi32> to vector<8x512xi32>
    %add3A_300 = arith.addi %add3A_298, %slice3A_299 : vector<8x512xi32>
    %slice3A_301 = vector.extract_strided_slice %select_n3A_250 {offsets = [208, 0], sizes = [8, 512], strides = [1, 1]} : vector<224x512xi32> to vector<8x512xi32>
    %add3A_302 = arith.addi %add3A_300, %slice3A_301 : vector<8x512xi32>
    %slice3A_303 = vector.extract_strided_slice %select_n3A_250 {offsets = [216, 0], sizes = [8, 512], strides = [1, 1]} : vector<224x512xi32> to vector<8x512xi32>
    %add3A_304 = arith.addi %add3A_302, %slice3A_303 : vector<8x512xi32>
    %slice3A_305 = vector.extract_strided_slice %add3A_304 {offsets = [0, 0], sizes = [8, 128], strides = [1, 1]} : vector<8x512xi32> to vector<8x128xi32>
    %slice3A_306 = vector.extract_strided_slice %add3A_304 {offsets = [0, 128], sizes = [8, 128], strides = [1, 1]} : vector<8x512xi32> to vector<8x128xi32>
    %add3A_307 = arith.addi %slice3A_305, %slice3A_306 : vector<8x128xi32>
    %slice3A_308 = vector.extract_strided_slice %add3A_304 {offsets = [0, 256], sizes = [8, 128], strides = [1, 1]} : vector<8x512xi32> to vector<8x128xi32>
    %slice3A_309 = vector.extract_strided_slice %add3A_304 {offsets = [0, 384], sizes = [8, 128], strides = [1, 1]} : vector<8x512xi32> to vector<8x128xi32>
    %add3A_310 = arith.addi %slice3A_308, %slice3A_309 : vector<8x128xi32>
    %add3A_311 = arith.addi %add3A_307, %add3A_310 : vector<8x128xi32>
    %get3A_312 = arith.constant 0 : index
    %get3A_313 = arith.constant 0 : index
    %get3A_314 = arith.constant 0 : index
    %get3A_315 = arith.constant 0 : index
    %get3A_316 = vector.load %arg3[%get3A_312, %get3A_313, %get3A_314, %get3A_315] : memref<1x24x8x128xi32, #tpu.memory_space<vmem>>, vector<1x1x8x128xi32>
    %get3A_317 = vector.shape_cast %get3A_316 : vector<1x1x8x128xi32> to vector<8x128xi32>
    %add3A_318 = arith.addi %get3A_317, %add3A_311 : vector<8x128xi32>
    %swap3A = arith.constant 0 : index
    %swap3A_319 = arith.constant 0 : index
    %swap3A_320 = arith.constant 0 : index
    %swap3A_321 = arith.constant 0 : index
    %swap3A_322 = vector.load %arg3[%swap3A, %swap3A_319, %swap3A_320, %swap3A_321] : memref<1x24x8x128xi32, #tpu.memory_space<vmem>>, vector<1x1x8x128xi32>
    %swap3A_323 = vector.shape_cast %swap3A_322 : vector<1x1x8x128xi32> to vector<8x128xi32>
    %swap3A_324 = vector.shape_cast %add3A_318 : vector<8x128xi32> to vector<1x1x8x128xi32>
    tpu.vector_store %arg3[%swap3A, %swap3A_319, %swap3A_320, %swap3A_321], %swap3A_324 {strides = array<i32>} : memref<1x24x8x128xi32, #tpu.memory_space<vmem>>, vector<1x1x8x128xi32>,
    %eq3A_325 = arith.constant 1 : i32
    %eq3A_326 = vector.broadcast %eq3A_325 : i32 to vector<224x512xi32>
    %eq3A_327 = arith.cmpi eq, %get3A_14, %eq3A_326 : vector<224x512xi32>
    %jit3A_328 = arith.constant 0 : i32
    %broadcast_in_dim3A_329 = vector.broadcast %jit3A_328 : i32 to vector<224x512xi32>
    %select_n3A_330 = arith.select %eq3A_327, %select_n3A_244, %broadcast_in_dim3A_329 : vector<224x512xi1>, vector<224x512xi32>
    %slice3A_331 = vector.extract_strided_slice %select_n3A_330 {offsets = [0, 0], sizes = [8, 512], strides = [1, 1]} : vector<224x512xi32> to vector<8x512xi32>
    %slice3A_332 = vector.extract_strided_slice %select_n3A_330 {offsets = [8, 0], sizes = [8, 512], strides = [1, 1]} : vector<224x512xi32> to vector<8x512xi32>
    %add3A_333 = arith.addi %slice3A_331, %slice3A_332 : vector<8x512xi32>
    %slice3A_334 = vector.extract_strided_slice %select_n3A_330 {offsets = [16, 0], sizes = [8, 512], strides = [1, 1]} : vector<224x512xi32> to vector<8x512xi32>
    %add3A_335 = arith.addi %add3A_333, %slice3A_334 : vector<8x512xi32>
    %slice3A_336 = vector.extract_strided_slice %select_n3A_330 {offsets = [24, 0], sizes = [8, 512], strides = [1, 1]} : vector<224x512xi32> to vector<8x512xi32>
    %add3A_337 = arith.addi %add3A_335, %slice3A_336 : vector<8x512xi32>
    %slice3A_338 = vector.extract_strided_slice %select_n3A_330 {offsets = [32, 0], sizes = [8, 512], strides = [1, 1]} : vector<224x512xi32> to vector<8x512xi32>
    %add3A_339 = arith.addi %add3A_337, %slice3A_338 : vector<8x512xi32>
    %slice3A_340 = vector.extract_strided_slice %select_n3A_330 {offsets = [40, 0], sizes = [8, 512], strides = [1, 1]} : vector<224x512xi32> to vector<8x512xi32>
    %add3A_341 = arith.addi %add3A_339, %slice3A_340 : vector<8x512xi32>
    %slice3A_342 = vector.extract_strided_slice %select_n3A_330 {offsets = [48, 0], sizes = [8, 512], strides = [1, 1]} : vector<224x512xi32> to vector<8x512xi32>
    %add3A_343 = arith.addi %add3A_341, %slice3A_342 : vector<8x512xi32>
    %slice3A_344 = vector.extract_strided_slice %select_n3A_330 {offsets = [56, 0], sizes = [8, 512], strides = [1, 1]} : vector<224x512xi32> to vector<8x512xi32>
    %add3A_345 = arith.addi %add3A_343, %slice3A_344 : vector<8x512xi32>
    %slice3A_346 = vector.extract_strided_slice %select_n3A_330 {offsets = [64, 0], sizes = [8, 512], strides = [1, 1]} : vector<224x512xi32> to vector<8x512xi32>
    %add3A_347 = arith.addi %add3A_345, %slice3A_346 : vector<8x512xi32>
    %slice3A_348 = vector.extract_strided_slice %select_n3A_330 {offsets = [72, 0], sizes = [8, 512], strides = [1, 1]} : vector<224x512xi32> to vector<8x512xi32>
    %add3A_349 = arith.addi %add3A_347, %slice3A_348 : vector<8x512xi32>
    %slice3A_350 = vector.extract_strided_slice %select_n3A_330 {offsets = [80, 0], sizes = [8, 512], strides = [1, 1]} : vector<224x512xi32> to vector<8x512xi32>
    %add3A_351 = arith.addi %add3A_349, %slice3A_350 : vector<8x512xi32>
    %slice3A_352 = vector.extract_strided_slice %select_n3A_330 {offsets = [88, 0], sizes = [8, 512], strides = [1, 1]} : vector<224x512xi32> to vector<8x512xi32>
    %add3A_353 = arith.addi %add3A_351, %slice3A_352 : vector<8x512xi32>
    %slice3A_354 = vector.extract_strided_slice %select_n3A_330 {offsets = [96, 0], sizes = [8, 512], strides = [1, 1]} : vector<224x512xi32> to vector<8x512xi32>
    %add3A_355 = arith.addi %add3A_353, %slice3A_354 : vector<8x512xi32>
    %slice3A_356 = vector.extract_strided_slice %select_n3A_330 {offsets = [104, 0], sizes = [8, 512], strides = [1, 1]} : vector<224x512xi32> to vector<8x512xi32>
    %add3A_357 = arith.addi %add3A_355, %slice3A_356 : vector<8x512xi32>
    %slice3A_358 = vector.extract_strided_slice %select_n3A_330 {offsets = [112, 0], sizes = [8, 512], strides = [1, 1]} : vector<224x512xi32> to vector<8x512xi32>
    %add3A_359 = arith.addi %add3A_357, %slice3A_358 : vector<8x512xi32>
    %slice3A_360 = vector.extract_strided_slice %select_n3A_330 {offsets = [120, 0], sizes = [8, 512], strides = [1, 1]} : vector<224x512xi32> to vector<8x512xi32>
    %add3A_361 = arith.addi %add3A_359, %slice3A_360 : vector<8x512xi32>
    %slice3A_362 = vector.extract_strided_slice %select_n3A_330 {offsets = [128, 0], sizes = [8, 512], strides = [1, 1]} : vector<224x512xi32> to vector<8x512xi32>
    %add3A_363 = arith.addi %add3A_361, %slice3A_362 : vector<8x512xi32>
    %slice3A_364 = vector.extract_strided_slice %select_n3A_330 {offsets = [136, 0], sizes = [8, 512], strides = [1, 1]} : vector<224x512xi32> to vector<8x512xi32>
    %add3A_365 = arith.addi %add3A_363, %slice3A_364 : vector<8x512xi32>
    %slice3A_366 = vector.extract_strided_slice %select_n3A_330 {offsets = [144, 0], sizes = [8, 512], strides = [1, 1]} : vector<224x512xi32> to vector<8x512xi32>
    %add3A_367 = arith.addi %add3A_365, %slice3A_366 : vector<8x512xi32>
    %slice3A_368 = vector.extract_strided_slice %select_n3A_330 {offsets = [152, 0], sizes = [8, 512], strides = [1, 1]} : vector<224x512xi32> to vector<8x512xi32>
    %add3A_369 = arith.addi %add3A_367, %slice3A_368 : vector<8x512xi32>
    %slice3A_370 = vector.extract_strided_slice %select_n3A_330 {offsets = [160, 0], sizes = [8, 512], strides = [1, 1]} : vector<224x512xi32> to vector<8x512xi32>
    %add3A_371 = arith.addi %add3A_369, %slice3A_370 : vector<8x512xi32>
    %slice3A_372 = vector.extract_strided_slice %select_n3A_330 {offsets = [168, 0], sizes = [8, 512], strides = [1, 1]} : vector<224x512xi32> to vector<8x512xi32>
    %add3A_373 = arith.addi %add3A_371, %slice3A_372 : vector<8x512xi32>
    %slice3A_374 = vector.extract_strided_slice %select_n3A_330 {offsets = [176, 0], sizes = [8, 512], strides = [1, 1]} : vector<224x512xi32> to vector<8x512xi32>
    %add3A_375 = arith.addi %add3A_373, %slice3A_374 : vector<8x512xi32>
    %slice3A_376 = vector.extract_strided_slice %select_n3A_330 {offsets = [184, 0], sizes = [8, 512], strides = [1, 1]} : vector<224x512xi32> to vector<8x512xi32>
    %add3A_377 = arith.addi %add3A_375, %slice3A_376 : vector<8x512xi32>
    %slice3A_378 = vector.extract_strided_slice %select_n3A_330 {offsets = [192, 0], sizes = [8, 512], strides = [1, 1]} : vector<224x512xi32> to vector<8x512xi32>
    %add3A_379 = arith.addi %add3A_377, %slice3A_378 : vector<8x512xi32>
    %slice3A_380 = vector.extract_strided_slice %select_n3A_330 {offsets = [200, 0], sizes = [8, 512], strides = [1, 1]} : vector<224x512xi32> to vector<8x512xi32>
    %add3A_381 = arith.addi %add3A_379, %slice3A_380 : vector<8x512xi32>
    %slice3A_382 = vector.extract_strided_slice %select_n3A_330 {offsets = [208, 0], sizes = [8, 512], strides = [1, 1]} : vector<224x512xi32> to vector<8x512xi32>
    %add3A_383 = arith.addi %add3A_381, %slice3A_382 : vector<8x512xi32>
    %slice3A_384 = vector.extract_strided_slice %select_n3A_330 {offsets = [216, 0], sizes = [8, 512], strides = [1, 1]} : vector<224x512xi32> to vector<8x512xi32>
    %add3A_385 = arith.addi %add3A_383, %slice3A_384 : vector<8x512xi32>
    %slice3A_386 = vector.extract_strided_slice %add3A_385 {offsets = [0, 0], sizes = [8, 128], strides = [1, 1]} : vector<8x512xi32> to vector<8x128xi32>
    %slice3A_387 = vector.extract_strided_slice %add3A_385 {offsets = [0, 128], sizes = [8, 128], strides = [1, 1]} : vector<8x512xi32> to vector<8x128xi32>
    %add3A_388 = arith.addi %slice3A_386, %slice3A_387 : vector<8x128xi32>
    %slice3A_389 = vector.extract_strided_slice %add3A_385 {offsets = [0, 256], sizes = [8, 128], strides = [1, 1]} : vector<8x512xi32> to vector<8x128xi32>
    %slice3A_390 = vector.extract_strided_slice %add3A_385 {offsets = [0, 384], sizes = [8, 128], strides = [1, 1]} : vector<8x512xi32> to vector<8x128xi32>
    %add3A_391 = arith.addi %slice3A_389, %slice3A_390 : vector<8x128xi32>
    %add3A_392 = arith.addi %add3A_388, %add3A_391 : vector<8x128xi32>
    %get3A_393 = arith.constant 0 : index
    %get3A_394 = arith.constant 1 : index
    %get3A_395 = arith.constant 0 : index
    %get3A_396 = arith.constant 0 : index
    %get3A_397 = vector.load %arg3[%get3A_393, %get3A_394, %get3A_395, %get3A_396] : memref<1x24x8x128xi32, #tpu.memory_space<vmem>>, vector<1x1x8x128xi32>
    %get3A_398 = vector.shape_cast %get3A_397 : vector<1x1x8x128xi32> to vector<8x128xi32>
    %add3A_399 = arith.addi %get3A_398, %add3A_392 : vector<8x128xi32>
    %swap3A_400 = arith.constant 0 : index
    %swap3A_401 = arith.constant 1 : index
    %swap3A_402 = arith.constant 0 : index
    %swap3A_403 = arith.constant 0 : index
    %swap3A_404 = vector.load %arg3[%swap3A_400, %swap3A_401, %swap3A_402, %swap3A_403] : memref<1x24x8x128xi32, #tpu.memory_space<vmem>>, vector<1x1x8x128xi32>
    %swap3A_405 = vector.shape_cast %swap3A_404 : vector<1x1x8x128xi32> to vector<8x128xi32>
    %swap3A_406 = vector.shape_cast %add3A_399 : vector<8x128xi32> to vector<1x1x8x128xi32>
    tpu.vector_store %arg3[%swap3A_400, %swap3A_401, %swap3A_402, %swap3A_403], %swap3A_406 {strides = array<i32>} : memref<1x24x8x128xi32, #tpu.memory_space<vmem>>, vector<1x1x8x128xi32>,
    %eq3A_407 = arith.constant 2 : i32
    %eq3A_408 = vector.broadcast %eq3A_407 : i32 to vector<224x512xi32>
    %eq3A_409 = arith.cmpi eq, %get3A_14, %eq3A_408 : vector<224x512xi32>
    %jit3A_410 = arith.constant 0 : i32
    %broadcast_in_dim3A_411 = vector.broadcast %jit3A_410 : i32 to vector<224x512xi32>
    %select_n3A_412 = arith.select %eq3A_409, %select_n3A_244, %broadcast_in_dim3A_411 : vector<224x512xi1>, vector<224x512xi32>
    %slice3A_413 = vector.extract_strided_slice %select_n3A_412 {offsets = [0, 0], sizes = [8, 512], strides = [1, 1]} : vector<224x512xi32> to vector<8x512xi32>
    %slice3A_414 = vector.extract_strided_slice %select_n3A_412 {offsets = [8, 0], sizes = [8, 512], strides = [1, 1]} : vector<224x512xi32> to vector<8x512xi32>
    %add3A_415 = arith.addi %slice3A_413, %slice3A_414 : vector<8x512xi32>
    %slice3A_416 = vector.extract_strided_slice %select_n3A_412 {offsets = [16, 0], sizes = [8, 512], strides = [1, 1]} : vector<224x512xi32> to vector<8x512xi32>
    %add3A_417 = arith.addi %add3A_415, %slice3A_416 : vector<8x512xi32>
    %slice3A_418 = vector.extract_strided_slice %select_n3A_412 {offsets = [24, 0], sizes = [8, 512], strides = [1, 1]} : vector<224x512xi32> to vector<8x512xi32>
    %add3A_419 = arith.addi %add3A_417, %slice3A_418 : vector<8x512xi32>
    %slice3A_420 = vector.extract_strided_slice %select_n3A_412 {offsets = [32, 0], sizes = [8, 512], strides = [1, 1]} : vector<224x512xi32> to vector<8x512xi32>
    %add3A_421 = arith.addi %add3A_419, %slice3A_420 : vector<8x512xi32>
    %slice3A_422 = vector.extract_strided_slice %select_n3A_412 {offsets = [40, 0], sizes = [8, 512], strides = [1, 1]} : vector<224x512xi32> to vector<8x512xi32>
    %add3A_423 = arith.addi %add3A_421, %slice3A_422 : vector<8x512xi32>
    %slice3A_424 = vector.extract_strided_slice %select_n3A_412 {offsets = [48, 0], sizes = [8, 512], strides = [1, 1]} : vector<224x512xi32> to vector<8x512xi32>
    %add3A_425 = arith.addi %add3A_423, %slice3A_424 : vector<8x512xi32>
    %slice3A_426 = vector.extract_strided_slice %select_n3A_412 {offsets = [56, 0], sizes = [8, 512], strides = [1, 1]} : vector<224x512xi32> to vector<8x512xi32>
    %add3A_427 = arith.addi %add3A_425, %slice3A_426 : vector<8x512xi32>
    %slice3A_428 = vector.extract_strided_slice %select_n3A_412 {offsets = [64, 0], sizes = [8, 512], strides = [1, 1]} : vector<224x512xi32> to vector<8x512xi32>
    %add3A_429 = arith.addi %add3A_427, %slice3A_428 : vector<8x512xi32>
    %slice3A_430 = vector.extract_strided_slice %select_n3A_412 {offsets = [72, 0], sizes = [8, 512], strides = [1, 1]} : vector<224x512xi32> to vector<8x512xi32>
    %add3A_431 = arith.addi %add3A_429, %slice3A_430 : vector<8x512xi32>
    %slice3A_432 = vector.extract_strided_slice %select_n3A_412 {offsets = [80, 0], sizes = [8, 512], strides = [1, 1]} : vector<224x512xi32> to vector<8x512xi32>
    %add3A_433 = arith.addi %add3A_431, %slice3A_432 : vector<8x512xi32>
    %slice3A_434 = vector.extract_strided_slice %select_n3A_412 {offsets = [88, 0], sizes = [8, 512], strides = [1, 1]} : vector<224x512xi32> to vector<8x512xi32>
    %add3A_435 = arith.addi %add3A_433, %slice3A_434 : vector<8x512xi32>
    %slice3A_436 = vector.extract_strided_slice %select_n3A_412 {offsets = [96, 0], sizes = [8, 512], strides = [1, 1]} : vector<224x512xi32> to vector<8x512xi32>
    %add3A_437 = arith.addi %add3A_435, %slice3A_436 : vector<8x512xi32>
    %slice3A_438 = vector.extract_strided_slice %select_n3A_412 {offsets = [104, 0], sizes = [8, 512], strides = [1, 1]} : vector<224x512xi32> to vector<8x512xi32>
    %add3A_439 = arith.addi %add3A_437, %slice3A_438 : vector<8x512xi32>
    %slice3A_440 = vector.extract_strided_slice %select_n3A_412 {offsets = [112, 0], sizes = [8, 512], strides = [1, 1]} : vector<224x512xi32> to vector<8x512xi32>
    %add3A_441 = arith.addi %add3A_439, %slice3A_440 : vector<8x512xi32>
    %slice3A_442 = vector.extract_strided_slice %select_n3A_412 {offsets = [120, 0], sizes = [8, 512], strides = [1, 1]} : vector<224x512xi32> to vector<8x512xi32>
    %add3A_443 = arith.addi %add3A_441, %slice3A_442 : vector<8x512xi32>
    %slice3A_444 = vector.extract_strided_slice %select_n3A_412 {offsets = [128, 0], sizes = [8, 512], strides = [1, 1]} : vector<224x512xi32> to vector<8x512xi32>
    %add3A_445 = arith.addi %add3A_443, %slice3A_444 : vector<8x512xi32>
    %slice3A_446 = vector.extract_strided_slice %select_n3A_412 {offsets = [136, 0], sizes = [8, 512], strides = [1, 1]} : vector<224x512xi32> to vector<8x512xi32>
    %add3A_447 = arith.addi %add3A_445, %slice3A_446 : vector<8x512xi32>
    %slice3A_448 = vector.extract_strided_slice %select_n3A_412 {offsets = [144, 0], sizes = [8, 512], strides = [1, 1]} : vector<224x512xi32> to vector<8x512xi32>
    %add3A_449 = arith.addi %add3A_447, %slice3A_448 : vector<8x512xi32>
    %slice3A_450 = vector.extract_strided_slice %select_n3A_412 {offsets = [152, 0], sizes = [8, 512], strides = [1, 1]} : vector<224x512xi32> to vector<8x512xi32>
    %add3A_451 = arith.addi %add3A_449, %slice3A_450 : vector<8x512xi32>
    %slice3A_452 = vector.extract_strided_slice %select_n3A_412 {offsets = [160, 0], sizes = [8, 512], strides = [1, 1]} : vector<224x512xi32> to vector<8x512xi32>
    %add3A_453 = arith.addi %add3A_451, %slice3A_452 : vector<8x512xi32>
    %slice3A_454 = vector.extract_strided_slice %select_n3A_412 {offsets = [168, 0], sizes = [8, 512], strides = [1, 1]} : vector<224x512xi32> to vector<8x512xi32>
    %add3A_455 = arith.addi %add3A_453, %slice3A_454 : vector<8x512xi32>
    %slice3A_456 = vector.extract_strided_slice %select_n3A_412 {offsets = [176, 0], sizes = [8, 512], strides = [1, 1]} : vector<224x512xi32> to vector<8x512xi32>
    %add3A_457 = arith.addi %add3A_455, %slice3A_456 : vector<8x512xi32>
    %slice3A_458 = vector.extract_strided_slice %select_n3A_412 {offsets = [184, 0], sizes = [8, 512], strides = [1, 1]} : vector<224x512xi32> to vector<8x512xi32>
    %add3A_459 = arith.addi %add3A_457, %slice3A_458 : vector<8x512xi32>
    %slice3A_460 = vector.extract_strided_slice %select_n3A_412 {offsets = [192, 0], sizes = [8, 512], strides = [1, 1]} : vector<224x512xi32> to vector<8x512xi32>
    %add3A_461 = arith.addi %add3A_459, %slice3A_460 : vector<8x512xi32>
    %slice3A_462 = vector.extract_strided_slice %select_n3A_412 {offsets = [200, 0], sizes = [8, 512], strides = [1, 1]} : vector<224x512xi32> to vector<8x512xi32>
    %add3A_463 = arith.addi %add3A_461, %slice3A_462 : vector<8x512xi32>
    %slice3A_464 = vector.extract_strided_slice %select_n3A_412 {offsets = [208, 0], sizes = [8, 512], strides = [1, 1]} : vector<224x512xi32> to vector<8x512xi32>
    %add3A_465 = arith.addi %add3A_463, %slice3A_464 : vector<8x512xi32>
    %slice3A_466 = vector.extract_strided_slice %select_n3A_412 {offsets = [216, 0], sizes = [8, 512], strides = [1, 1]} : vector<224x512xi32> to vector<8x512xi32>
    %add3A_467 = arith.addi %add3A_465, %slice3A_466 : vector<8x512xi32>
    %slice3A_468 = vector.extract_strided_slice %add3A_467 {offsets = [0, 0], sizes = [8, 128], strides = [1, 1]} : vector<8x512xi32> to vector<8x128xi32>
    %slice3A_469 = vector.extract_strided_slice %add3A_467 {offsets = [0, 128], sizes = [8, 128], strides = [1, 1]} : vector<8x512xi32> to vector<8x128xi32>
    %add3A_470 = arith.addi %slice3A_468, %slice3A_469 : vector<8x128xi32>
    %slice3A_471 = vector.extract_strided_slice %add3A_467 {offsets = [0, 256], sizes = [8, 128], strides = [1, 1]} : vector<8x512xi32> to vector<8x128xi32>
    %slice3A_472 = vector.extract_strided_slice %add3A_467 {offsets = [0, 384], sizes = [8, 128], strides = [1, 1]} : vector<8x512xi32> to vector<8x128xi32>
    %add3A_473 = arith.addi %slice3A_471, %slice3A_472 : vector<8x128xi32>
    %add3A_474 = arith.addi %add3A_470, %add3A_473 : vector<8x128xi32>
    %get3A_475 = arith.constant 0 : index
    %get3A_476 = arith.constant 2 : index
    %get3A_477 = arith.constant 0 : index
    %get3A_478 = arith.constant 0 : index
    %get3A_479 = vector.load %arg3[%get3A_475, %get3A_476, %get3A_477, %get3A_478] : memref<1x24x8x128xi32, #tpu.memory_space<vmem>>, vector<1x1x8x128xi32>
    %get3A_480 = vector.shape_cast %get3A_479 : vector<1x1x8x128xi32> to vector<8x128xi32>
    %add3A_481 = arith.addi %get3A_480, %add3A_474 : vector<8x128xi32>
    %swap3A_482 = arith.constant 0 : index
    %swap3A_483 = arith.constant 2 : index
    %swap3A_484 = arith.constant 0 : index
    %swap3A_485 = arith.constant 0 : index
    %swap3A_486 = vector.load %arg3[%swap3A_482, %swap3A_483, %swap3A_484, %swap3A_485] : memref<1x24x8x128xi32, #tpu.memory_space<vmem>>, vector<1x1x8x128xi32>
    %swap3A_487 = vector.shape_cast %swap3A_486 : vector<1x1x8x128xi32> to vector<8x128xi32>
    %swap3A_488 = vector.shape_cast %add3A_481 : vector<8x128xi32> to vector<1x1x8x128xi32>
    tpu.vector_store %arg3[%swap3A_482, %swap3A_483, %swap3A_484, %swap3A_485], %swap3A_488 {strides = array<i32>} : memref<1x24x8x128xi32, #tpu.memory_space<vmem>>, vector<1x1x8x128xi32>,
    %eq3A_489 = arith.constant 3 : i32
    %eq3A_490 = vector.broadcast %eq3A_489 : i32 to vector<224x512xi32>
    %eq3A_491 = arith.cmpi eq, %get3A_14, %eq3A_490 : vector<224x512xi32>
    %jit3A_492 = arith.constant 0 : i32
    %broadcast_in_dim3A_493 = vector.broadcast %jit3A_492 : i32 to vector<224x512xi32>
    %select_n3A_494 = arith.select %eq3A_491, %select_n3A_244, %broadcast_in_dim3A_493 : vector<224x512xi1>, vector<224x512xi32>
    %slice3A_495 = vector.extract_strided_slice %select_n3A_494 {offsets = [0, 0], sizes = [8, 512], strides = [1, 1]} : vector<224x512xi32> to vector<8x512xi32>
    %slice3A_496 = vector.extract_strided_slice %select_n3A_494 {offsets = [8, 0], sizes = [8, 512], strides = [1, 1]} : vector<224x512xi32> to vector<8x512xi32>
    %add3A_497 = arith.addi %slice3A_495, %slice3A_496 : vector<8x512xi32>
    %slice3A_498 = vector.extract_strided_slice %select_n3A_494 {offsets = [16, 0], sizes = [8, 512], strides = [1, 1]} : vector<224x512xi32> to vector<8x512xi32>
    %add3A_499 = arith.addi %add3A_497, %slice3A_498 : vector<8x512xi32>
    %slice3A_500 = vector.extract_strided_slice %select_n3A_494 {offsets = [24, 0], sizes = [8, 512], strides = [1, 1]} : vector<224x512xi32> to vector<8x512xi32>
    %add3A_501 = arith.addi %add3A_499, %slice3A_500 : vector<8x512xi32>
    %slice3A_502 = vector.extract_strided_slice %select_n3A_494 {offsets = [32, 0], sizes = [8, 512], strides = [1, 1]} : vector<224x512xi32> to vector<8x512xi32>
    %add3A_503 = arith.addi %add3A_501, %slice3A_502 : vector<8x512xi32>
    %slice3A_504 = vector.extract_strided_slice %select_n3A_494 {offsets = [40, 0], sizes = [8, 512], strides = [1, 1]} : vector<224x512xi32> to vector<8x512xi32>
    %add3A_505 = arith.addi %add3A_503, %slice3A_504 : vector<8x512xi32>
    %slice3A_506 = vector.extract_strided_slice %select_n3A_494 {offsets = [48, 0], sizes = [8, 512], strides = [1, 1]} : vector<224x512xi32> to vector<8x512xi32>
    %add3A_507 = arith.addi %add3A_505, %slice3A_506 : vector<8x512xi32>
    %slice3A_508 = vector.extract_strided_slice %select_n3A_494 {offsets = [56, 0], sizes = [8, 512], strides = [1, 1]} : vector<224x512xi32> to vector<8x512xi32>
    %add3A_509 = arith.addi %add3A_507, %slice3A_508 : vector<8x512xi32>
    %slice3A_510 = vector.extract_strided_slice %select_n3A_494 {offsets = [64, 0], sizes = [8, 512], strides = [1, 1]} : vector<224x512xi32> to vector<8x512xi32>
    %add3A_511 = arith.addi %add3A_509, %slice3A_510 : vector<8x512xi32>
    %slice3A_512 = vector.extract_strided_slice %select_n3A_494 {offsets = [72, 0], sizes = [8, 512], strides = [1, 1]} : vector<224x512xi32> to vector<8x512xi32>
    %add3A_513 = arith.addi %add3A_511, %slice3A_512 : vector<8x512xi32>
    %slice3A_514 = vector.extract_strided_slice %select_n3A_494 {offsets = [80, 0], sizes = [8, 512], strides = [1, 1]} : vector<224x512xi32> to vector<8x512xi32>
    %add3A_515 = arith.addi %add3A_513, %slice3A_514 : vector<8x512xi32>
    %slice3A_516 = vector.extract_strided_slice %select_n3A_494 {offsets = [88, 0], sizes = [8, 512], strides = [1, 1]} : vector<224x512xi32> to vector<8x512xi32>
    %add3A_517 = arith.addi %add3A_515, %slice3A_516 : vector<8x512xi32>
    %slice3A_518 = vector.extract_strided_slice %select_n3A_494 {offsets = [96, 0], sizes = [8, 512], strides = [1, 1]} : vector<224x512xi32> to vector<8x512xi32>
    %add3A_519 = arith.addi %add3A_517, %slice3A_518 : vector<8x512xi32>
    %slice3A_520 = vector.extract_strided_slice %select_n3A_494 {offsets = [104, 0], sizes = [8, 512], strides = [1, 1]} : vector<224x512xi32> to vector<8x512xi32>
    %add3A_521 = arith.addi %add3A_519, %slice3A_520 : vector<8x512xi32>
    %slice3A_522 = vector.extract_strided_slice %select_n3A_494 {offsets = [112, 0], sizes = [8, 512], strides = [1, 1]} : vector<224x512xi32> to vector<8x512xi32>
    %add3A_523 = arith.addi %add3A_521, %slice3A_522 : vector<8x512xi32>
    %slice3A_524 = vector.extract_strided_slice %select_n3A_494 {offsets = [120, 0], sizes = [8, 512], strides = [1, 1]} : vector<224x512xi32> to vector<8x512xi32>
    %add3A_525 = arith.addi %add3A_523, %slice3A_524 : vector<8x512xi32>
    %slice3A_526 = vector.extract_strided_slice %select_n3A_494 {offsets = [128, 0], sizes = [8, 512], strides = [1, 1]} : vector<224x512xi32> to vector<8x512xi32>
    %add3A_527 = arith.addi %add3A_525, %slice3A_526 : vector<8x512xi32>
    %slice3A_528 = vector.extract_strided_slice %select_n3A_494 {offsets = [136, 0], sizes = [8, 512], strides = [1, 1]} : vector<224x512xi32> to vector<8x512xi32>
    %add3A_529 = arith.addi %add3A_527, %slice3A_528 : vector<8x512xi32>
    %slice3A_530 = vector.extract_strided_slice %select_n3A_494 {offsets = [144, 0], sizes = [8, 512], strides = [1, 1]} : vector<224x512xi32> to vector<8x512xi32>
    %add3A_531 = arith.addi %add3A_529, %slice3A_530 : vector<8x512xi32>
    %slice3A_532 = vector.extract_strided_slice %select_n3A_494 {offsets = [152, 0], sizes = [8, 512], strides = [1, 1]} : vector<224x512xi32> to vector<8x512xi32>
    %add3A_533 = arith.addi %add3A_531, %slice3A_532 : vector<8x512xi32>
    %slice3A_534 = vector.extract_strided_slice %select_n3A_494 {offsets = [160, 0], sizes = [8, 512], strides = [1, 1]} : vector<224x512xi32> to vector<8x512xi32>
    %add3A_535 = arith.addi %add3A_533, %slice3A_534 : vector<8x512xi32>
    %slice3A_536 = vector.extract_strided_slice %select_n3A_494 {offsets = [168, 0], sizes = [8, 512], strides = [1, 1]} : vector<224x512xi32> to vector<8x512xi32>
    %add3A_537 = arith.addi %add3A_535, %slice3A_536 : vector<8x512xi32>
    %slice3A_538 = vector.extract_strided_slice %select_n3A_494 {offsets = [176, 0], sizes = [8, 512], strides = [1, 1]} : vector<224x512xi32> to vector<8x512xi32>
    %add3A_539 = arith.addi %add3A_537, %slice3A_538 : vector<8x512xi32>
    %slice3A_540 = vector.extract_strided_slice %select_n3A_494 {offsets = [184, 0], sizes = [8, 512], strides = [1, 1]} : vector<224x512xi32> to vector<8x512xi32>
    %add3A_541 = arith.addi %add3A_539, %slice3A_540 : vector<8x512xi32>
    %slice3A_542 = vector.extract_strided_slice %select_n3A_494 {offsets = [192, 0], sizes = [8, 512], strides = [1, 1]} : vector<224x512xi32> to vector<8x512xi32>
    %add3A_543 = arith.addi %add3A_541, %slice3A_542 : vector<8x512xi32>
    %slice3A_544 = vector.extract_strided_slice %select_n3A_494 {offsets = [200, 0], sizes = [8, 512], strides = [1, 1]} : vector<224x512xi32> to vector<8x512xi32>
    %add3A_545 = arith.addi %add3A_543, %slice3A_544 : vector<8x512xi32>
    %slice3A_546 = vector.extract_strided_slice %select_n3A_494 {offsets = [208, 0], sizes = [8, 512], strides = [1, 1]} : vector<224x512xi32> to vector<8x512xi32>
    %add3A_547 = arith.addi %add3A_545, %slice3A_546 : vector<8x512xi32>
    %slice3A_548 = vector.extract_strided_slice %select_n3A_494 {offsets = [216, 0], sizes = [8, 512], strides = [1, 1]} : vector<224x512xi32> to vector<8x512xi32>
    %add3A_549 = arith.addi %add3A_547, %slice3A_548 : vector<8x512xi32>
    %slice3A_550 = vector.extract_strided_slice %add3A_549 {offsets = [0, 0], sizes = [8, 128], strides = [1, 1]} : vector<8x512xi32> to vector<8x128xi32>
    %slice3A_551 = vector.extract_strided_slice %add3A_549 {offsets = [0, 128], sizes = [8, 128], strides = [1, 1]} : vector<8x512xi32> to vector<8x128xi32>
    %add3A_552 = arith.addi %slice3A_550, %slice3A_551 : vector<8x128xi32>
    %slice3A_553 = vector.extract_strided_slice %add3A_549 {offsets = [0, 256], sizes = [8, 128], strides = [1, 1]} : vector<8x512xi32> to vector<8x128xi32>
    %slice3A_554 = vector.extract_strided_slice %add3A_549 {offsets = [0, 384], sizes = [8, 128], strides = [1, 1]} : vector<8x512xi32> to vector<8x128xi32>
    %add3A_555 = arith.addi %slice3A_553, %slice3A_554 : vector<8x128xi32>
    %add3A_556 = arith.addi %add3A_552, %add3A_555 : vector<8x128xi32>
    %get3A_557 = arith.constant 0 : index
    %get3A_558 = arith.constant 3 : index
    %get3A_559 = arith.constant 0 : index
    %get3A_560 = arith.constant 0 : index
    %get3A_561 = vector.load %arg3[%get3A_557, %get3A_558, %get3A_559, %get3A_560] : memref<1x24x8x128xi32, #tpu.memory_space<vmem>>, vector<1x1x8x128xi32>
    %get3A_562 = vector.shape_cast %get3A_561 : vector<1x1x8x128xi32> to vector<8x128xi32>
    %add3A_563 = arith.addi %get3A_562, %add3A_556 : vector<8x128xi32>
    %swap3A_564 = arith.constant 0 : index
    %swap3A_565 = arith.constant 3 : index
    %swap3A_566 = arith.constant 0 : index
    %swap3A_567 = arith.constant 0 : index
    %swap3A_568 = vector.load %arg3[%swap3A_564, %swap3A_565, %swap3A_566, %swap3A_567] : memref<1x24x8x128xi32, #tpu.memory_space<vmem>>, vector<1x1x8x128xi32>
    %swap3A_569 = vector.shape_cast %swap3A_568 : vector<1x1x8x128xi32> to vector<8x128xi32>
    %swap3A_570 = vector.shape_cast %add3A_563 : vector<8x128xi32> to vector<1x1x8x128xi32>
    tpu.vector_store %arg3[%swap3A_564, %swap3A_565, %swap3A_566, %swap3A_567], %swap3A_570 {strides = array<i32>} : memref<1x24x8x128xi32, #tpu.memory_space<vmem>>, vector<1x1x8x128xi32>,
    %eq3A_571 = arith.constant 4 : i32
    %eq3A_572 = vector.broadcast %eq3A_571 : i32 to vector<224x512xi32>
    %eq3A_573 = arith.cmpi eq, %get3A_14, %eq3A_572 : vector<224x512xi32>
    %jit3A_574 = arith.constant 0 : i32
    %broadcast_in_dim3A_575 = vector.broadcast %jit3A_574 : i32 to vector<224x512xi32>
    %select_n3A_576 = arith.select %eq3A_573, %select_n3A_244, %broadcast_in_dim3A_575 : vector<224x512xi1>, vector<224x512xi32>
    %slice3A_577 = vector.extract_strided_slice %select_n3A_576 {offsets = [0, 0], sizes = [8, 512], strides = [1, 1]} : vector<224x512xi32> to vector<8x512xi32>
    %slice3A_578 = vector.extract_strided_slice %select_n3A_576 {offsets = [8, 0], sizes = [8, 512], strides = [1, 1]} : vector<224x512xi32> to vector<8x512xi32>
    %add3A_579 = arith.addi %slice3A_577, %slice3A_578 : vector<8x512xi32>
    %slice3A_580 = vector.extract_strided_slice %select_n3A_576 {offsets = [16, 0], sizes = [8, 512], strides = [1, 1]} : vector<224x512xi32> to vector<8x512xi32>
    %add3A_581 = arith.addi %add3A_579, %slice3A_580 : vector<8x512xi32>
    %slice3A_582 = vector.extract_strided_slice %select_n3A_576 {offsets = [24, 0], sizes = [8, 512], strides = [1, 1]} : vector<224x512xi32> to vector<8x512xi32>
    %add3A_583 = arith.addi %add3A_581, %slice3A_582 : vector<8x512xi32>
    %slice3A_584 = vector.extract_strided_slice %select_n3A_576 {offsets = [32, 0], sizes = [8, 512], strides = [1, 1]} : vector<224x512xi32> to vector<8x512xi32>
    %add3A_585 = arith.addi %add3A_583, %slice3A_584 : vector<8x512xi32>
    %slice3A_586 = vector.extract_strided_slice %select_n3A_576 {offsets = [40, 0], sizes = [8, 512], strides = [1, 1]} : vector<224x512xi32> to vector<8x512xi32>
    %add3A_587 = arith.addi %add3A_585, %slice3A_586 : vector<8x512xi32>
    %slice3A_588 = vector.extract_strided_slice %select_n3A_576 {offsets = [48, 0], sizes = [8, 512], strides = [1, 1]} : vector<224x512xi32> to vector<8x512xi32>
    %add3A_589 = arith.addi %add3A_587, %slice3A_588 : vector<8x512xi32>
    %slice3A_590 = vector.extract_strided_slice %select_n3A_576 {offsets = [56, 0], sizes = [8, 512], strides = [1, 1]} : vector<224x512xi32> to vector<8x512xi32>
    %add3A_591 = arith.addi %add3A_589, %slice3A_590 : vector<8x512xi32>
    %slice3A_592 = vector.extract_strided_slice %select_n3A_576 {offsets = [64, 0], sizes = [8, 512], strides = [1, 1]} : vector<224x512xi32> to vector<8x512xi32>
    %add3A_593 = arith.addi %add3A_591, %slice3A_592 : vector<8x512xi32>
    %slice3A_594 = vector.extract_strided_slice %select_n3A_576 {offsets = [72, 0], sizes = [8, 512], strides = [1, 1]} : vector<224x512xi32> to vector<8x512xi32>
    %add3A_595 = arith.addi %add3A_593, %slice3A_594 : vector<8x512xi32>
    %slice3A_596 = vector.extract_strided_slice %select_n3A_576 {offsets = [80, 0], sizes = [8, 512], strides = [1, 1]} : vector<224x512xi32> to vector<8x512xi32>
    %add3A_597 = arith.addi %add3A_595, %slice3A_596 : vector<8x512xi32>
    %slice3A_598 = vector.extract_strided_slice %select_n3A_576 {offsets = [88, 0], sizes = [8, 512], strides = [1, 1]} : vector<224x512xi32> to vector<8x512xi32>
    %add3A_599 = arith.addi %add3A_597, %slice3A_598 : vector<8x512xi32>
    %slice3A_600 = vector.extract_strided_slice %select_n3A_576 {offsets = [96, 0], sizes = [8, 512], strides = [1, 1]} : vector<224x512xi32> to vector<8x512xi32>
    %add3A_601 = arith.addi %add3A_599, %slice3A_600 : vector<8x512xi32>
    %slice3A_602 = vector.extract_strided_slice %select_n3A_576 {offsets = [104, 0], sizes = [8, 512], strides = [1, 1]} : vector<224x512xi32> to vector<8x512xi32>
    %add3A_603 = arith.addi %add3A_601, %slice3A_602 : vector<8x512xi32>
    %slice3A_604 = vector.extract_strided_slice %select_n3A_576 {offsets = [112, 0], sizes = [8, 512], strides = [1, 1]} : vector<224x512xi32> to vector<8x512xi32>
    %add3A_605 = arith.addi %add3A_603, %slice3A_604 : vector<8x512xi32>
    %slice3A_606 = vector.extract_strided_slice %select_n3A_576 {offsets = [120, 0], sizes = [8, 512], strides = [1, 1]} : vector<224x512xi32> to vector<8x512xi32>
    %add3A_607 = arith.addi %add3A_605, %slice3A_606 : vector<8x512xi32>
    %slice3A_608 = vector.extract_strided_slice %select_n3A_576 {offsets = [128, 0], sizes = [8, 512], strides = [1, 1]} : vector<224x512xi32> to vector<8x512xi32>
    %add3A_609 = arith.addi %add3A_607, %slice3A_608 : vector<8x512xi32>
    %slice3A_610 = vector.extract_strided_slice %select_n3A_576 {offsets = [136, 0], sizes = [8, 512], strides = [1, 1]} : vector<224x512xi32> to vector<8x512xi32>
    %add3A_611 = arith.addi %add3A_609, %slice3A_610 : vector<8x512xi32>
    %slice3A_612 = vector.extract_strided_slice %select_n3A_576 {offsets = [144, 0], sizes = [8, 512], strides = [1, 1]} : vector<224x512xi32> to vector<8x512xi32>
    %add3A_613 = arith.addi %add3A_611, %slice3A_612 : vector<8x512xi32>
    %slice3A_614 = vector.extract_strided_slice %select_n3A_576 {offsets = [152, 0], sizes = [8, 512], strides = [1, 1]} : vector<224x512xi32> to vector<8x512xi32>
    %add3A_615 = arith.addi %add3A_613, %slice3A_614 : vector<8x512xi32>
    %slice3A_616 = vector.extract_strided_slice %select_n3A_576 {offsets = [160, 0], sizes = [8, 512], strides = [1, 1]} : vector<224x512xi32> to vector<8x512xi32>
    %add3A_617 = arith.addi %add3A_615, %slice3A_616 : vector<8x512xi32>
    %slice3A_618 = vector.extract_strided_slice %select_n3A_576 {offsets = [168, 0], sizes = [8, 512], strides = [1, 1]} : vector<224x512xi32> to vector<8x512xi32>
    %add3A_619 = arith.addi %add3A_617, %slice3A_618 : vector<8x512xi32>
    %slice3A_620 = vector.extract_strided_slice %select_n3A_576 {offsets = [176, 0], sizes = [8, 512], strides = [1, 1]} : vector<224x512xi32> to vector<8x512xi32>
    %add3A_621 = arith.addi %add3A_619, %slice3A_620 : vector<8x512xi32>
    %slice3A_622 = vector.extract_strided_slice %select_n3A_576 {offsets = [184, 0], sizes = [8, 512], strides = [1, 1]} : vector<224x512xi32> to vector<8x512xi32>
    %add3A_623 = arith.addi %add3A_621, %slice3A_622 : vector<8x512xi32>
    %slice3A_624 = vector.extract_strided_slice %select_n3A_576 {offsets = [192, 0], sizes = [8, 512], strides = [1, 1]} : vector<224x512xi32> to vector<8x512xi32>
    %add3A_625 = arith.addi %add3A_623, %slice3A_624 : vector<8x512xi32>
    %slice3A_626 = vector.extract_strided_slice %select_n3A_576 {offsets = [200, 0], sizes = [8, 512], strides = [1, 1]} : vector<224x512xi32> to vector<8x512xi32>
    %add3A_627 = arith.addi %add3A_625, %slice3A_626 : vector<8x512xi32>
    %slice3A_628 = vector.extract_strided_slice %select_n3A_576 {offsets = [208, 0], sizes = [8, 512], strides = [1, 1]} : vector<224x512xi32> to vector<8x512xi32>
    %add3A_629 = arith.addi %add3A_627, %slice3A_628 : vector<8x512xi32>
    %slice3A_630 = vector.extract_strided_slice %select_n3A_576 {offsets = [216, 0], sizes = [8, 512], strides = [1, 1]} : vector<224x512xi32> to vector<8x512xi32>
    %add3A_631 = arith.addi %add3A_629, %slice3A_630 : vector<8x512xi32>
    %slice3A_632 = vector.extract_strided_slice %add3A_631 {offsets = [0, 0], sizes = [8, 128], strides = [1, 1]} : vector<8x512xi32> to vector<8x128xi32>
    %slice3A_633 = vector.extract_strided_slice %add3A_631 {offsets = [0, 128], sizes = [8, 128], strides = [1, 1]} : vector<8x512xi32> to vector<8x128xi32>
    %add3A_634 = arith.addi %slice3A_632, %slice3A_633 : vector<8x128xi32>
    %slice3A_635 = vector.extract_strided_slice %add3A_631 {offsets = [0, 256], sizes = [8, 128], strides = [1, 1]} : vector<8x512xi32> to vector<8x128xi32>
    %slice3A_636 = vector.extract_strided_slice %add3A_631 {offsets = [0, 384], sizes = [8, 128], strides = [1, 1]} : vector<8x512xi32> to vector<8x128xi32>
    %add3A_637 = arith.addi %slice3A_635, %slice3A_636 : vector<8x128xi32>
    %add3A_638 = arith.addi %add3A_634, %add3A_637 : vector<8x128xi32>
    %get3A_639 = arith.constant 0 : index
    %get3A_640 = arith.constant 4 : index
    %get3A_641 = arith.constant 0 : index
    %get3A_642 = arith.constant 0 : index
    %get3A_643 = vector.load %arg3[%get3A_639, %get3A_640, %get3A_641, %get3A_642] : memref<1x24x8x128xi32, #tpu.memory_space<vmem>>, vector<1x1x8x128xi32>
    %get3A_644 = vector.shape_cast %get3A_643 : vector<1x1x8x128xi32> to vector<8x128xi32>
    %add3A_645 = arith.addi %get3A_644, %add3A_638 : vector<8x128xi32>
    %swap3A_646 = arith.constant 0 : index
    %swap3A_647 = arith.constant 4 : index
    %swap3A_648 = arith.constant 0 : index
    %swap3A_649 = arith.constant 0 : index
    %swap3A_650 = vector.load %arg3[%swap3A_646, %swap3A_647, %swap3A_648, %swap3A_649] : memref<1x24x8x128xi32, #tpu.memory_space<vmem>>, vector<1x1x8x128xi32>
    %swap3A_651 = vector.shape_cast %swap3A_650 : vector<1x1x8x128xi32> to vector<8x128xi32>
    %swap3A_652 = vector.shape_cast %add3A_645 : vector<8x128xi32> to vector<1x1x8x128xi32>
    tpu.vector_store %arg3[%swap3A_646, %swap3A_647, %swap3A_648, %swap3A_649], %swap3A_652 {strides = array<i32>} : memref<1x24x8x128xi32, #tpu.memory_space<vmem>>, vector<1x1x8x128xi32>,
    %eq3A_653 = arith.constant 5 : i32
    %eq3A_654 = vector.broadcast %eq3A_653 : i32 to vector<224x512xi32>
    %eq3A_655 = arith.cmpi eq, %get3A_14, %eq3A_654 : vector<224x512xi32>
    %jit3A_656 = arith.constant 0 : i32
    %broadcast_in_dim3A_657 = vector.broadcast %jit3A_656 : i32 to vector<224x512xi32>
    %select_n3A_658 = arith.select %eq3A_655, %select_n3A_244, %broadcast_in_dim3A_657 : vector<224x512xi1>, vector<224x512xi32>
    %slice3A_659 = vector.extract_strided_slice %select_n3A_658 {offsets = [0, 0], sizes = [8, 512], strides = [1, 1]} : vector<224x512xi32> to vector<8x512xi32>
    %slice3A_660 = vector.extract_strided_slice %select_n3A_658 {offsets = [8, 0], sizes = [8, 512], strides = [1, 1]} : vector<224x512xi32> to vector<8x512xi32>
    %add3A_661 = arith.addi %slice3A_659, %slice3A_660 : vector<8x512xi32>
    %slice3A_662 = vector.extract_strided_slice %select_n3A_658 {offsets = [16, 0], sizes = [8, 512], strides = [1, 1]} : vector<224x512xi32> to vector<8x512xi32>
    %add3A_663 = arith.addi %add3A_661, %slice3A_662 : vector<8x512xi32>
    %slice3A_664 = vector.extract_strided_slice %select_n3A_658 {offsets = [24, 0], sizes = [8, 512], strides = [1, 1]} : vector<224x512xi32> to vector<8x512xi32>
    %add3A_665 = arith.addi %add3A_663, %slice3A_664 : vector<8x512xi32>
    %slice3A_666 = vector.extract_strided_slice %select_n3A_658 {offsets = [32, 0], sizes = [8, 512], strides = [1, 1]} : vector<224x512xi32> to vector<8x512xi32>
    %add3A_667 = arith.addi %add3A_665, %slice3A_666 : vector<8x512xi32>
    %slice3A_668 = vector.extract_strided_slice %select_n3A_658 {offsets = [40, 0], sizes = [8, 512], strides = [1, 1]} : vector<224x512xi32> to vector<8x512xi32>
    %add3A_669 = arith.addi %add3A_667, %slice3A_668 : vector<8x512xi32>
    %slice3A_670 = vector.extract_strided_slice %select_n3A_658 {offsets = [48, 0], sizes = [8, 512], strides = [1, 1]} : vector<224x512xi32> to vector<8x512xi32>
    %add3A_671 = arith.addi %add3A_669, %slice3A_670 : vector<8x512xi32>
    %slice3A_672 = vector.extract_strided_slice %select_n3A_658 {offsets = [56, 0], sizes = [8, 512], strides = [1, 1]} : vector<224x512xi32> to vector<8x512xi32>
    %add3A_673 = arith.addi %add3A_671, %slice3A_672 : vector<8x512xi32>
    %slice3A_674 = vector.extract_strided_slice %select_n3A_658 {offsets = [64, 0], sizes = [8, 512], strides = [1, 1]} : vector<224x512xi32> to vector<8x512xi32>
    %add3A_675 = arith.addi %add3A_673, %slice3A_674 : vector<8x512xi32>
    %slice3A_676 = vector.extract_strided_slice %select_n3A_658 {offsets = [72, 0], sizes = [8, 512], strides = [1, 1]} : vector<224x512xi32> to vector<8x512xi32>
    %add3A_677 = arith.addi %add3A_675, %slice3A_676 : vector<8x512xi32>
    %slice3A_678 = vector.extract_strided_slice %select_n3A_658 {offsets = [80, 0], sizes = [8, 512], strides = [1, 1]} : vector<224x512xi32> to vector<8x512xi32>
    %add3A_679 = arith.addi %add3A_677, %slice3A_678 : vector<8x512xi32>
    %slice3A_680 = vector.extract_strided_slice %select_n3A_658 {offsets = [88, 0], sizes = [8, 512], strides = [1, 1]} : vector<224x512xi32> to vector<8x512xi32>
    %add3A_681 = arith.addi %add3A_679, %slice3A_680 : vector<8x512xi32>
    %slice3A_682 = vector.extract_strided_slice %select_n3A_658 {offsets = [96, 0], sizes = [8, 512], strides = [1, 1]} : vector<224x512xi32> to vector<8x512xi32>
    %add3A_683 = arith.addi %add3A_681, %slice3A_682 : vector<8x512xi32>
    %slice3A_684 = vector.extract_strided_slice %select_n3A_658 {offsets = [104, 0], sizes = [8, 512], strides = [1, 1]} : vector<224x512xi32> to vector<8x512xi32>
    %add3A_685 = arith.addi %add3A_683, %slice3A_684 : vector<8x512xi32>
    %slice3A_686 = vector.extract_strided_slice %select_n3A_658 {offsets = [112, 0], sizes = [8, 512], strides = [1, 1]} : vector<224x512xi32> to vector<8x512xi32>
    %add3A_687 = arith.addi %add3A_685, %slice3A_686 : vector<8x512xi32>
    %slice3A_688 = vector.extract_strided_slice %select_n3A_658 {offsets = [120, 0], sizes = [8, 512], strides = [1, 1]} : vector<224x512xi32> to vector<8x512xi32>
    %add3A_689 = arith.addi %add3A_687, %slice3A_688 : vector<8x512xi32>
    %slice3A_690 = vector.extract_strided_slice %select_n3A_658 {offsets = [128, 0], sizes = [8, 512], strides = [1, 1]} : vector<224x512xi32> to vector<8x512xi32>
    %add3A_691 = arith.addi %add3A_689, %slice3A_690 : vector<8x512xi32>
    %slice3A_692 = vector.extract_strided_slice %select_n3A_658 {offsets = [136, 0], sizes = [8, 512], strides = [1, 1]} : vector<224x512xi32> to vector<8x512xi32>
    %add3A_693 = arith.addi %add3A_691, %slice3A_692 : vector<8x512xi32>
    %slice3A_694 = vector.extract_strided_slice %select_n3A_658 {offsets = [144, 0], sizes = [8, 512], strides = [1, 1]} : vector<224x512xi32> to vector<8x512xi32>
    %add3A_695 = arith.addi %add3A_693, %slice3A_694 : vector<8x512xi32>
    %slice3A_696 = vector.extract_strided_slice %select_n3A_658 {offsets = [152, 0], sizes = [8, 512], strides = [1, 1]} : vector<224x512xi32> to vector<8x512xi32>
    %add3A_697 = arith.addi %add3A_695, %slice3A_696 : vector<8x512xi32>
    %slice3A_698 = vector.extract_strided_slice %select_n3A_658 {offsets = [160, 0], sizes = [8, 512], strides = [1, 1]} : vector<224x512xi32> to vector<8x512xi32>
    %add3A_699 = arith.addi %add3A_697, %slice3A_698 : vector<8x512xi32>
    %slice3A_700 = vector.extract_strided_slice %select_n3A_658 {offsets = [168, 0], sizes = [8, 512], strides = [1, 1]} : vector<224x512xi32> to vector<8x512xi32>
    %add3A_701 = arith.addi %add3A_699, %slice3A_700 : vector<8x512xi32>
    %slice3A_702 = vector.extract_strided_slice %select_n3A_658 {offsets = [176, 0], sizes = [8, 512], strides = [1, 1]} : vector<224x512xi32> to vector<8x512xi32>
    %add3A_703 = arith.addi %add3A_701, %slice3A_702 : vector<8x512xi32>
    %slice3A_704 = vector.extract_strided_slice %select_n3A_658 {offsets = [184, 0], sizes = [8, 512], strides = [1, 1]} : vector<224x512xi32> to vector<8x512xi32>
    %add3A_705 = arith.addi %add3A_703, %slice3A_704 : vector<8x512xi32>
    %slice3A_706 = vector.extract_strided_slice %select_n3A_658 {offsets = [192, 0], sizes = [8, 512], strides = [1, 1]} : vector<224x512xi32> to vector<8x512xi32>
    %add3A_707 = arith.addi %add3A_705, %slice3A_706 : vector<8x512xi32>
    %slice3A_708 = vector.extract_strided_slice %select_n3A_658 {offsets = [200, 0], sizes = [8, 512], strides = [1, 1]} : vector<224x512xi32> to vector<8x512xi32>
    %add3A_709 = arith.addi %add3A_707, %slice3A_708 : vector<8x512xi32>
    %slice3A_710 = vector.extract_strided_slice %select_n3A_658 {offsets = [208, 0], sizes = [8, 512], strides = [1, 1]} : vector<224x512xi32> to vector<8x512xi32>
    %add3A_711 = arith.addi %add3A_709, %slice3A_710 : vector<8x512xi32>
    %slice3A_712 = vector.extract_strided_slice %select_n3A_658 {offsets = [216, 0], sizes = [8, 512], strides = [1, 1]} : vector<224x512xi32> to vector<8x512xi32>
    %add3A_713 = arith.addi %add3A_711, %slice3A_712 : vector<8x512xi32>
    %slice3A_714 = vector.extract_strided_slice %add3A_713 {offsets = [0, 0], sizes = [8, 128], strides = [1, 1]} : vector<8x512xi32> to vector<8x128xi32>
    %slice3A_715 = vector.extract_strided_slice %add3A_713 {offsets = [0, 128], sizes = [8, 128], strides = [1, 1]} : vector<8x512xi32> to vector<8x128xi32>
    %add3A_716 = arith.addi %slice3A_714, %slice3A_715 : vector<8x128xi32>
    %slice3A_717 = vector.extract_strided_slice %add3A_713 {offsets = [0, 256], sizes = [8, 128], strides = [1, 1]} : vector<8x512xi32> to vector<8x128xi32>
    %slice3A_718 = vector.extract_strided_slice %add3A_713 {offsets = [0, 384], sizes = [8, 128], strides = [1, 1]} : vector<8x512xi32> to vector<8x128xi32>
    %add3A_719 = arith.addi %slice3A_717, %slice3A_718 : vector<8x128xi32>
    %add3A_720 = arith.addi %add3A_716, %add3A_719 : vector<8x128xi32>
    %get3A_721 = arith.constant 0 : index
    %get3A_722 = arith.constant 5 : index
    %get3A_723 = arith.constant 0 : index
    %get3A_724 = arith.constant 0 : index
    %get3A_725 = vector.load %arg3[%get3A_721, %get3A_722, %get3A_723, %get3A_724] : memref<1x24x8x128xi32, #tpu.memory_space<vmem>>, vector<1x1x8x128xi32>
    %get3A_726 = vector.shape_cast %get3A_725 : vector<1x1x8x128xi32> to vector<8x128xi32>
    %add3A_727 = arith.addi %get3A_726, %add3A_720 : vector<8x128xi32>
    %swap3A_728 = arith.constant 0 : index
    %swap3A_729 = arith.constant 5 : index
    %swap3A_730 = arith.constant 0 : index
    %swap3A_731 = arith.constant 0 : index
    %swap3A_732 = vector.load %arg3[%swap3A_728, %swap3A_729, %swap3A_730, %swap3A_731] : memref<1x24x8x128xi32, #tpu.memory_space<vmem>>, vector<1x1x8x128xi32>
    %swap3A_733 = vector.shape_cast %swap3A_732 : vector<1x1x8x128xi32> to vector<8x128xi32>
    %swap3A_734 = vector.shape_cast %add3A_727 : vector<8x128xi32> to vector<1x1x8x128xi32>
    tpu.vector_store %arg3[%swap3A_728, %swap3A_729, %swap3A_730, %swap3A_731], %swap3A_734 {strides = array<i32>} : memref<1x24x8x128xi32, #tpu.memory_space<vmem>>, vector<1x1x8x128xi32>,
    %eq3A_735 = arith.constant 6 : i32
    %eq3A_736 = vector.broadcast %eq3A_735 : i32 to vector<224x512xi32>
    %eq3A_737 = arith.cmpi eq, %get3A_14, %eq3A_736 : vector<224x512xi32>
    %jit3A_738 = arith.constant 0 : i32
    %broadcast_in_dim3A_739 = vector.broadcast %jit3A_738 : i32 to vector<224x512xi32>
    %select_n3A_740 = arith.select %eq3A_737, %select_n3A_244, %broadcast_in_dim3A_739 : vector<224x512xi1>, vector<224x512xi32>
    %slice3A_741 = vector.extract_strided_slice %select_n3A_740 {offsets = [0, 0], sizes = [8, 512], strides = [1, 1]} : vector<224x512xi32> to vector<8x512xi32>
    %slice3A_742 = vector.extract_strided_slice %select_n3A_740 {offsets = [8, 0], sizes = [8, 512], strides = [1, 1]} : vector<224x512xi32> to vector<8x512xi32>
    %add3A_743 = arith.addi %slice3A_741, %slice3A_742 : vector<8x512xi32>
    %slice3A_744 = vector.extract_strided_slice %select_n3A_740 {offsets = [16, 0], sizes = [8, 512], strides = [1, 1]} : vector<224x512xi32> to vector<8x512xi32>
    %add3A_745 = arith.addi %add3A_743, %slice3A_744 : vector<8x512xi32>
    %slice3A_746 = vector.extract_strided_slice %select_n3A_740 {offsets = [24, 0], sizes = [8, 512], strides = [1, 1]} : vector<224x512xi32> to vector<8x512xi32>
    %add3A_747 = arith.addi %add3A_745, %slice3A_746 : vector<8x512xi32>
    %slice3A_748 = vector.extract_strided_slice %select_n3A_740 {offsets = [32, 0], sizes = [8, 512], strides = [1, 1]} : vector<224x512xi32> to vector<8x512xi32>
    %add3A_749 = arith.addi %add3A_747, %slice3A_748 : vector<8x512xi32>
    %slice3A_750 = vector.extract_strided_slice %select_n3A_740 {offsets = [40, 0], sizes = [8, 512], strides = [1, 1]} : vector<224x512xi32> to vector<8x512xi32>
    %add3A_751 = arith.addi %add3A_749, %slice3A_750 : vector<8x512xi32>
    %slice3A_752 = vector.extract_strided_slice %select_n3A_740 {offsets = [48, 0], sizes = [8, 512], strides = [1, 1]} : vector<224x512xi32> to vector<8x512xi32>
    %add3A_753 = arith.addi %add3A_751, %slice3A_752 : vector<8x512xi32>
    %slice3A_754 = vector.extract_strided_slice %select_n3A_740 {offsets = [56, 0], sizes = [8, 512], strides = [1, 1]} : vector<224x512xi32> to vector<8x512xi32>
    %add3A_755 = arith.addi %add3A_753, %slice3A_754 : vector<8x512xi32>
    %slice3A_756 = vector.extract_strided_slice %select_n3A_740 {offsets = [64, 0], sizes = [8, 512], strides = [1, 1]} : vector<224x512xi32> to vector<8x512xi32>
    %add3A_757 = arith.addi %add3A_755, %slice3A_756 : vector<8x512xi32>
    %slice3A_758 = vector.extract_strided_slice %select_n3A_740 {offsets = [72, 0], sizes = [8, 512], strides = [1, 1]} : vector<224x512xi32> to vector<8x512xi32>
    %add3A_759 = arith.addi %add3A_757, %slice3A_758 : vector<8x512xi32>
    %slice3A_760 = vector.extract_strided_slice %select_n3A_740 {offsets = [80, 0], sizes = [8, 512], strides = [1, 1]} : vector<224x512xi32> to vector<8x512xi32>
    %add3A_761 = arith.addi %add3A_759, %slice3A_760 : vector<8x512xi32>
    %slice3A_762 = vector.extract_strided_slice %select_n3A_740 {offsets = [88, 0], sizes = [8, 512], strides = [1, 1]} : vector<224x512xi32> to vector<8x512xi32>
    %add3A_763 = arith.addi %add3A_761, %slice3A_762 : vector<8x512xi32>
    %slice3A_764 = vector.extract_strided_slice %select_n3A_740 {offsets = [96, 0], sizes = [8, 512], strides = [1, 1]} : vector<224x512xi32> to vector<8x512xi32>
    %add3A_765 = arith.addi %add3A_763, %slice3A_764 : vector<8x512xi32>
    %slice3A_766 = vector.extract_strided_slice %select_n3A_740 {offsets = [104, 0], sizes = [8, 512], strides = [1, 1]} : vector<224x512xi32> to vector<8x512xi32>
    %add3A_767 = arith.addi %add3A_765, %slice3A_766 : vector<8x512xi32>
    %slice3A_768 = vector.extract_strided_slice %select_n3A_740 {offsets = [112, 0], sizes = [8, 512], strides = [1, 1]} : vector<224x512xi32> to vector<8x512xi32>
    %add3A_769 = arith.addi %add3A_767, %slice3A_768 : vector<8x512xi32>
    %slice3A_770 = vector.extract_strided_slice %select_n3A_740 {offsets = [120, 0], sizes = [8, 512], strides = [1, 1]} : vector<224x512xi32> to vector<8x512xi32>
    %add3A_771 = arith.addi %add3A_769, %slice3A_770 : vector<8x512xi32>
    %slice3A_772 = vector.extract_strided_slice %select_n3A_740 {offsets = [128, 0], sizes = [8, 512], strides = [1, 1]} : vector<224x512xi32> to vector<8x512xi32>
    %add3A_773 = arith.addi %add3A_771, %slice3A_772 : vector<8x512xi32>
    %slice3A_774 = vector.extract_strided_slice %select_n3A_740 {offsets = [136, 0], sizes = [8, 512], strides = [1, 1]} : vector<224x512xi32> to vector<8x512xi32>
    %add3A_775 = arith.addi %add3A_773, %slice3A_774 : vector<8x512xi32>
    %slice3A_776 = vector.extract_strided_slice %select_n3A_740 {offsets = [144, 0], sizes = [8, 512], strides = [1, 1]} : vector<224x512xi32> to vector<8x512xi32>
    %add3A_777 = arith.addi %add3A_775, %slice3A_776 : vector<8x512xi32>
    %slice3A_778 = vector.extract_strided_slice %select_n3A_740 {offsets = [152, 0], sizes = [8, 512], strides = [1, 1]} : vector<224x512xi32> to vector<8x512xi32>
    %add3A_779 = arith.addi %add3A_777, %slice3A_778 : vector<8x512xi32>
    %slice3A_780 = vector.extract_strided_slice %select_n3A_740 {offsets = [160, 0], sizes = [8, 512], strides = [1, 1]} : vector<224x512xi32> to vector<8x512xi32>
    %add3A_781 = arith.addi %add3A_779, %slice3A_780 : vector<8x512xi32>
    %slice3A_782 = vector.extract_strided_slice %select_n3A_740 {offsets = [168, 0], sizes = [8, 512], strides = [1, 1]} : vector<224x512xi32> to vector<8x512xi32>
    %add3A_783 = arith.addi %add3A_781, %slice3A_782 : vector<8x512xi32>
    %slice3A_784 = vector.extract_strided_slice %select_n3A_740 {offsets = [176, 0], sizes = [8, 512], strides = [1, 1]} : vector<224x512xi32> to vector<8x512xi32>
    %add3A_785 = arith.addi %add3A_783, %slice3A_784 : vector<8x512xi32>
    %slice3A_786 = vector.extract_strided_slice %select_n3A_740 {offsets = [184, 0], sizes = [8, 512], strides = [1, 1]} : vector<224x512xi32> to vector<8x512xi32>
    %add3A_787 = arith.addi %add3A_785, %slice3A_786 : vector<8x512xi32>
    %slice3A_788 = vector.extract_strided_slice %select_n3A_740 {offsets = [192, 0], sizes = [8, 512], strides = [1, 1]} : vector<224x512xi32> to vector<8x512xi32>
    %add3A_789 = arith.addi %add3A_787, %slice3A_788 : vector<8x512xi32>
    %slice3A_790 = vector.extract_strided_slice %select_n3A_740 {offsets = [200, 0], sizes = [8, 512], strides = [1, 1]} : vector<224x512xi32> to vector<8x512xi32>
    %add3A_791 = arith.addi %add3A_789, %slice3A_790 : vector<8x512xi32>
    %slice3A_792 = vector.extract_strided_slice %select_n3A_740 {offsets = [208, 0], sizes = [8, 512], strides = [1, 1]} : vector<224x512xi32> to vector<8x512xi32>
    %add3A_793 = arith.addi %add3A_791, %slice3A_792 : vector<8x512xi32>
    %slice3A_794 = vector.extract_strided_slice %select_n3A_740 {offsets = [216, 0], sizes = [8, 512], strides = [1, 1]} : vector<224x512xi32> to vector<8x512xi32>
    %add3A_795 = arith.addi %add3A_793, %slice3A_794 : vector<8x512xi32>
    %slice3A_796 = vector.extract_strided_slice %add3A_795 {offsets = [0, 0], sizes = [8, 128], strides = [1, 1]} : vector<8x512xi32> to vector<8x128xi32>
    %slice3A_797 = vector.extract_strided_slice %add3A_795 {offsets = [0, 128], sizes = [8, 128], strides = [1, 1]} : vector<8x512xi32> to vector<8x128xi32>
    %add3A_798 = arith.addi %slice3A_796, %slice3A_797 : vector<8x128xi32>
    %slice3A_799 = vector.extract_strided_slice %add3A_795 {offsets = [0, 256], sizes = [8, 128], strides = [1, 1]} : vector<8x512xi32> to vector<8x128xi32>
    %slice3A_800 = vector.extract_strided_slice %add3A_795 {offsets = [0, 384], sizes = [8, 128], strides = [1, 1]} : vector<8x512xi32> to vector<8x128xi32>
    %add3A_801 = arith.addi %slice3A_799, %slice3A_800 : vector<8x128xi32>
    %add3A_802 = arith.addi %add3A_798, %add3A_801 : vector<8x128xi32>
    %get3A_803 = arith.constant 0 : index
    %get3A_804 = arith.constant 6 : index
    %get3A_805 = arith.constant 0 : index
    %get3A_806 = arith.constant 0 : index
    %get3A_807 = vector.load %arg3[%get3A_803, %get3A_804, %get3A_805, %get3A_806] : memref<1x24x8x128xi32, #tpu.memory_space<vmem>>, vector<1x1x8x128xi32>
    %get3A_808 = vector.shape_cast %get3A_807 : vector<1x1x8x128xi32> to vector<8x128xi32>
    %add3A_809 = arith.addi %get3A_808, %add3A_802 : vector<8x128xi32>
    %swap3A_810 = arith.constant 0 : index
    %swap3A_811 = arith.constant 6 : index
    %swap3A_812 = arith.constant 0 : index
    %swap3A_813 = arith.constant 0 : index
    %swap3A_814 = vector.load %arg3[%swap3A_810, %swap3A_811, %swap3A_812, %swap3A_813] : memref<1x24x8x128xi32, #tpu.memory_space<vmem>>, vector<1x1x8x128xi32>
    %swap3A_815 = vector.shape_cast %swap3A_814 : vector<1x1x8x128xi32> to vector<8x128xi32>
    %swap3A_816 = vector.shape_cast %add3A_809 : vector<8x128xi32> to vector<1x1x8x128xi32>
    tpu.vector_store %arg3[%swap3A_810, %swap3A_811, %swap3A_812, %swap3A_813], %swap3A_816 {strides = array<i32>} : memref<1x24x8x128xi32, #tpu.memory_space<vmem>>, vector<1x1x8x128xi32>,
    %eq3A_817 = arith.constant 7 : i32
    %eq3A_818 = vector.broadcast %eq3A_817 : i32 to vector<224x512xi32>
    %eq3A_819 = arith.cmpi eq, %get3A_14, %eq3A_818 : vector<224x512xi32>
    %jit3A_820 = arith.constant 0 : i32
    %broadcast_in_dim3A_821 = vector.broadcast %jit3A_820 : i32 to vector<224x512xi32>
    %select_n3A_822 = arith.select %eq3A_819, %select_n3A_244, %broadcast_in_dim3A_821 : vector<224x512xi1>, vector<224x512xi32>
    %slice3A_823 = vector.extract_strided_slice %select_n3A_822 {offsets = [0, 0], sizes = [8, 512], strides = [1, 1]} : vector<224x512xi32> to vector<8x512xi32>
    %slice3A_824 = vector.extract_strided_slice %select_n3A_822 {offsets = [8, 0], sizes = [8, 512], strides = [1, 1]} : vector<224x512xi32> to vector<8x512xi32>
    %add3A_825 = arith.addi %slice3A_823, %slice3A_824 : vector<8x512xi32>
    %slice3A_826 = vector.extract_strided_slice %select_n3A_822 {offsets = [16, 0], sizes = [8, 512], strides = [1, 1]} : vector<224x512xi32> to vector<8x512xi32>
    %add3A_827 = arith.addi %add3A_825, %slice3A_826 : vector<8x512xi32>
    %slice3A_828 = vector.extract_strided_slice %select_n3A_822 {offsets = [24, 0], sizes = [8, 512], strides = [1, 1]} : vector<224x512xi32> to vector<8x512xi32>
    %add3A_829 = arith.addi %add3A_827, %slice3A_828 : vector<8x512xi32>
    %slice3A_830 = vector.extract_strided_slice %select_n3A_822 {offsets = [32, 0], sizes = [8, 512], strides = [1, 1]} : vector<224x512xi32> to vector<8x512xi32>
    %add3A_831 = arith.addi %add3A_829, %slice3A_830 : vector<8x512xi32>
    %slice3A_832 = vector.extract_strided_slice %select_n3A_822 {offsets = [40, 0], sizes = [8, 512], strides = [1, 1]} : vector<224x512xi32> to vector<8x512xi32>
    %add3A_833 = arith.addi %add3A_831, %slice3A_832 : vector<8x512xi32>
    %slice3A_834 = vector.extract_strided_slice %select_n3A_822 {offsets = [48, 0], sizes = [8, 512], strides = [1, 1]} : vector<224x512xi32> to vector<8x512xi32>
    %add3A_835 = arith.addi %add3A_833, %slice3A_834 : vector<8x512xi32>
    %slice3A_836 = vector.extract_strided_slice %select_n3A_822 {offsets = [56, 0], sizes = [8, 512], strides = [1, 1]} : vector<224x512xi32> to vector<8x512xi32>
    %add3A_837 = arith.addi %add3A_835, %slice3A_836 : vector<8x512xi32>
    %slice3A_838 = vector.extract_strided_slice %select_n3A_822 {offsets = [64, 0], sizes = [8, 512], strides = [1, 1]} : vector<224x512xi32> to vector<8x512xi32>
    %add3A_839 = arith.addi %add3A_837, %slice3A_838 : vector<8x512xi32>
    %slice3A_840 = vector.extract_strided_slice %select_n3A_822 {offsets = [72, 0], sizes = [8, 512], strides = [1, 1]} : vector<224x512xi32> to vector<8x512xi32>
    %add3A_841 = arith.addi %add3A_839, %slice3A_840 : vector<8x512xi32>
    %slice3A_842 = vector.extract_strided_slice %select_n3A_822 {offsets = [80, 0], sizes = [8, 512], strides = [1, 1]} : vector<224x512xi32> to vector<8x512xi32>
    %add3A_843 = arith.addi %add3A_841, %slice3A_842 : vector<8x512xi32>
    %slice3A_844 = vector.extract_strided_slice %select_n3A_822 {offsets = [88, 0], sizes = [8, 512], strides = [1, 1]} : vector<224x512xi32> to vector<8x512xi32>
    %add3A_845 = arith.addi %add3A_843, %slice3A_844 : vector<8x512xi32>
    %slice3A_846 = vector.extract_strided_slice %select_n3A_822 {offsets = [96, 0], sizes = [8, 512], strides = [1, 1]} : vector<224x512xi32> to vector<8x512xi32>
    %add3A_847 = arith.addi %add3A_845, %slice3A_846 : vector<8x512xi32>
    %slice3A_848 = vector.extract_strided_slice %select_n3A_822 {offsets = [104, 0], sizes = [8, 512], strides = [1, 1]} : vector<224x512xi32> to vector<8x512xi32>
    %add3A_849 = arith.addi %add3A_847, %slice3A_848 : vector<8x512xi32>
    %slice3A_850 = vector.extract_strided_slice %select_n3A_822 {offsets = [112, 0], sizes = [8, 512], strides = [1, 1]} : vector<224x512xi32> to vector<8x512xi32>
    %add3A_851 = arith.addi %add3A_849, %slice3A_850 : vector<8x512xi32>
    %slice3A_852 = vector.extract_strided_slice %select_n3A_822 {offsets = [120, 0], sizes = [8, 512], strides = [1, 1]} : vector<224x512xi32> to vector<8x512xi32>
    %add3A_853 = arith.addi %add3A_851, %slice3A_852 : vector<8x512xi32>
    %slice3A_854 = vector.extract_strided_slice %select_n3A_822 {offsets = [128, 0], sizes = [8, 512], strides = [1, 1]} : vector<224x512xi32> to vector<8x512xi32>
    %add3A_855 = arith.addi %add3A_853, %slice3A_854 : vector<8x512xi32>
    %slice3A_856 = vector.extract_strided_slice %select_n3A_822 {offsets = [136, 0], sizes = [8, 512], strides = [1, 1]} : vector<224x512xi32> to vector<8x512xi32>
    %add3A_857 = arith.addi %add3A_855, %slice3A_856 : vector<8x512xi32>
    %slice3A_858 = vector.extract_strided_slice %select_n3A_822 {offsets = [144, 0], sizes = [8, 512], strides = [1, 1]} : vector<224x512xi32> to vector<8x512xi32>
    %add3A_859 = arith.addi %add3A_857, %slice3A_858 : vector<8x512xi32>
    %slice3A_860 = vector.extract_strided_slice %select_n3A_822 {offsets = [152, 0], sizes = [8, 512], strides = [1, 1]} : vector<224x512xi32> to vector<8x512xi32>
    %add3A_861 = arith.addi %add3A_859, %slice3A_860 : vector<8x512xi32>
    %slice3A_862 = vector.extract_strided_slice %select_n3A_822 {offsets = [160, 0], sizes = [8, 512], strides = [1, 1]} : vector<224x512xi32> to vector<8x512xi32>
    %add3A_863 = arith.addi %add3A_861, %slice3A_862 : vector<8x512xi32>
    %slice3A_864 = vector.extract_strided_slice %select_n3A_822 {offsets = [168, 0], sizes = [8, 512], strides = [1, 1]} : vector<224x512xi32> to vector<8x512xi32>
    %add3A_865 = arith.addi %add3A_863, %slice3A_864 : vector<8x512xi32>
    %slice3A_866 = vector.extract_strided_slice %select_n3A_822 {offsets = [176, 0], sizes = [8, 512], strides = [1, 1]} : vector<224x512xi32> to vector<8x512xi32>
    %add3A_867 = arith.addi %add3A_865, %slice3A_866 : vector<8x512xi32>
    %slice3A_868 = vector.extract_strided_slice %select_n3A_822 {offsets = [184, 0], sizes = [8, 512], strides = [1, 1]} : vector<224x512xi32> to vector<8x512xi32>
    %add3A_869 = arith.addi %add3A_867, %slice3A_868 : vector<8x512xi32>
    %slice3A_870 = vector.extract_strided_slice %select_n3A_822 {offsets = [192, 0], sizes = [8, 512], strides = [1, 1]} : vector<224x512xi32> to vector<8x512xi32>
    %add3A_871 = arith.addi %add3A_869, %slice3A_870 : vector<8x512xi32>
    %slice3A_872 = vector.extract_strided_slice %select_n3A_822 {offsets = [200, 0], sizes = [8, 512], strides = [1, 1]} : vector<224x512xi32> to vector<8x512xi32>
    %add3A_873 = arith.addi %add3A_871, %slice3A_872 : vector<8x512xi32>
    %slice3A_874 = vector.extract_strided_slice %select_n3A_822 {offsets = [208, 0], sizes = [8, 512], strides = [1, 1]} : vector<224x512xi32> to vector<8x512xi32>
    %add3A_875 = arith.addi %add3A_873, %slice3A_874 : vector<8x512xi32>
    %slice3A_876 = vector.extract_strided_slice %select_n3A_822 {offsets = [216, 0], sizes = [8, 512], strides = [1, 1]} : vector<224x512xi32> to vector<8x512xi32>
    %add3A_877 = arith.addi %add3A_875, %slice3A_876 : vector<8x512xi32>
    %slice3A_878 = vector.extract_strided_slice %add3A_877 {offsets = [0, 0], sizes = [8, 128], strides = [1, 1]} : vector<8x512xi32> to vector<8x128xi32>
    %slice3A_879 = vector.extract_strided_slice %add3A_877 {offsets = [0, 128], sizes = [8, 128], strides = [1, 1]} : vector<8x512xi32> to vector<8x128xi32>
    %add3A_880 = arith.addi %slice3A_878, %slice3A_879 : vector<8x128xi32>
    %slice3A_881 = vector.extract_strided_slice %add3A_877 {offsets = [0, 256], sizes = [8, 128], strides = [1, 1]} : vector<8x512xi32> to vector<8x128xi32>
    %slice3A_882 = vector.extract_strided_slice %add3A_877 {offsets = [0, 384], sizes = [8, 128], strides = [1, 1]} : vector<8x512xi32> to vector<8x128xi32>
    %add3A_883 = arith.addi %slice3A_881, %slice3A_882 : vector<8x128xi32>
    %add3A_884 = arith.addi %add3A_880, %add3A_883 : vector<8x128xi32>
    %get3A_885 = arith.constant 0 : index
    %get3A_886 = arith.constant 7 : index
    %get3A_887 = arith.constant 0 : index
    %get3A_888 = arith.constant 0 : index
    %get3A_889 = vector.load %arg3[%get3A_885, %get3A_886, %get3A_887, %get3A_888] : memref<1x24x8x128xi32, #tpu.memory_space<vmem>>, vector<1x1x8x128xi32>
    %get3A_890 = vector.shape_cast %get3A_889 : vector<1x1x8x128xi32> to vector<8x128xi32>
    %add3A_891 = arith.addi %get3A_890, %add3A_884 : vector<8x128xi32>
    %swap3A_892 = arith.constant 0 : index
    %swap3A_893 = arith.constant 7 : index
    %swap3A_894 = arith.constant 0 : index
    %swap3A_895 = arith.constant 0 : index
    %swap3A_896 = vector.load %arg3[%swap3A_892, %swap3A_893, %swap3A_894, %swap3A_895] : memref<1x24x8x128xi32, #tpu.memory_space<vmem>>, vector<1x1x8x128xi32>
    %swap3A_897 = vector.shape_cast %swap3A_896 : vector<1x1x8x128xi32> to vector<8x128xi32>
    %swap3A_898 = vector.shape_cast %add3A_891 : vector<8x128xi32> to vector<1x1x8x128xi32>
    tpu.vector_store %arg3[%swap3A_892, %swap3A_893, %swap3A_894, %swap3A_895], %swap3A_898 {strides = array<i32>} : memref<1x24x8x128xi32, #tpu.memory_space<vmem>>, vector<1x1x8x128xi32>,
    %eq3A_899 = arith.constant 8 : i32
    %eq3A_900 = vector.broadcast %eq3A_899 : i32 to vector<224x512xi32>
    %eq3A_901 = arith.cmpi eq, %get3A_14, %eq3A_900 : vector<224x512xi32>
    %jit3A_902 = arith.constant 0 : i32
    %broadcast_in_dim3A_903 = vector.broadcast %jit3A_902 : i32 to vector<224x512xi32>
    %select_n3A_904 = arith.select %eq3A_901, %select_n3A_244, %broadcast_in_dim3A_903 : vector<224x512xi1>, vector<224x512xi32>
    %slice3A_905 = vector.extract_strided_slice %select_n3A_904 {offsets = [0, 0], sizes = [8, 512], strides = [1, 1]} : vector<224x512xi32> to vector<8x512xi32>
    %slice3A_906 = vector.extract_strided_slice %select_n3A_904 {offsets = [8, 0], sizes = [8, 512], strides = [1, 1]} : vector<224x512xi32> to vector<8x512xi32>
    %add3A_907 = arith.addi %slice3A_905, %slice3A_906 : vector<8x512xi32>
    %slice3A_908 = vector.extract_strided_slice %select_n3A_904 {offsets = [16, 0], sizes = [8, 512], strides = [1, 1]} : vector<224x512xi32> to vector<8x512xi32>
    %add3A_909 = arith.addi %add3A_907, %slice3A_908 : vector<8x512xi32>
    %slice3A_910 = vector.extract_strided_slice %select_n3A_904 {offsets = [24, 0], sizes = [8, 512], strides = [1, 1]} : vector<224x512xi32> to vector<8x512xi32>
    %add3A_911 = arith.addi %add3A_909, %slice3A_910 : vector<8x512xi32>
    %slice3A_912 = vector.extract_strided_slice %select_n3A_904 {offsets = [32, 0], sizes = [8, 512], strides = [1, 1]} : vector<224x512xi32> to vector<8x512xi32>
    %add3A_913 = arith.addi %add3A_911, %slice3A_912 : vector<8x512xi32>
    %slice3A_914 = vector.extract_strided_slice %select_n3A_904 {offsets = [40, 0], sizes = [8, 512], strides = [1, 1]} : vector<224x512xi32> to vector<8x512xi32>
    %add3A_915 = arith.addi %add3A_913, %slice3A_914 : vector<8x512xi32>
    %slice3A_916 = vector.extract_strided_slice %select_n3A_904 {offsets = [48, 0], sizes = [8, 512], strides = [1, 1]} : vector<224x512xi32> to vector<8x512xi32>
    %add3A_917 = arith.addi %add3A_915, %slice3A_916 : vector<8x512xi32>
    %slice3A_918 = vector.extract_strided_slice %select_n3A_904 {offsets = [56, 0], sizes = [8, 512], strides = [1, 1]} : vector<224x512xi32> to vector<8x512xi32>
    %add3A_919 = arith.addi %add3A_917, %slice3A_918 : vector<8x512xi32>
    %slice3A_920 = vector.extract_strided_slice %select_n3A_904 {offsets = [64, 0], sizes = [8, 512], strides = [1, 1]} : vector<224x512xi32> to vector<8x512xi32>
    %add3A_921 = arith.addi %add3A_919, %slice3A_920 : vector<8x512xi32>
    %slice3A_922 = vector.extract_strided_slice %select_n3A_904 {offsets = [72, 0], sizes = [8, 512], strides = [1, 1]} : vector<224x512xi32> to vector<8x512xi32>
    %add3A_923 = arith.addi %add3A_921, %slice3A_922 : vector<8x512xi32>
    %slice3A_924 = vector.extract_strided_slice %select_n3A_904 {offsets = [80, 0], sizes = [8, 512], strides = [1, 1]} : vector<224x512xi32> to vector<8x512xi32>
    %add3A_925 = arith.addi %add3A_923, %slice3A_924 : vector<8x512xi32>
    %slice3A_926 = vector.extract_strided_slice %select_n3A_904 {offsets = [88, 0], sizes = [8, 512], strides = [1, 1]} : vector<224x512xi32> to vector<8x512xi32>
    %add3A_927 = arith.addi %add3A_925, %slice3A_926 : vector<8x512xi32>
    %slice3A_928 = vector.extract_strided_slice %select_n3A_904 {offsets = [96, 0], sizes = [8, 512], strides = [1, 1]} : vector<224x512xi32> to vector<8x512xi32>
    %add3A_929 = arith.addi %add3A_927, %slice3A_928 : vector<8x512xi32>
    %slice3A_930 = vector.extract_strided_slice %select_n3A_904 {offsets = [104, 0], sizes = [8, 512], strides = [1, 1]} : vector<224x512xi32> to vector<8x512xi32>
    %add3A_931 = arith.addi %add3A_929, %slice3A_930 : vector<8x512xi32>
    %slice3A_932 = vector.extract_strided_slice %select_n3A_904 {offsets = [112, 0], sizes = [8, 512], strides = [1, 1]} : vector<224x512xi32> to vector<8x512xi32>
    %add3A_933 = arith.addi %add3A_931, %slice3A_932 : vector<8x512xi32>
    %slice3A_934 = vector.extract_strided_slice %select_n3A_904 {offsets = [120, 0], sizes = [8, 512], strides = [1, 1]} : vector<224x512xi32> to vector<8x512xi32>
    %add3A_935 = arith.addi %add3A_933, %slice3A_934 : vector<8x512xi32>
    %slice3A_936 = vector.extract_strided_slice %select_n3A_904 {offsets = [128, 0], sizes = [8, 512], strides = [1, 1]} : vector<224x512xi32> to vector<8x512xi32>
    %add3A_937 = arith.addi %add3A_935, %slice3A_936 : vector<8x512xi32>
    %slice3A_938 = vector.extract_strided_slice %select_n3A_904 {offsets = [136, 0], sizes = [8, 512], strides = [1, 1]} : vector<224x512xi32> to vector<8x512xi32>
    %add3A_939 = arith.addi %add3A_937, %slice3A_938 : vector<8x512xi32>
    %slice3A_940 = vector.extract_strided_slice %select_n3A_904 {offsets = [144, 0], sizes = [8, 512], strides = [1, 1]} : vector<224x512xi32> to vector<8x512xi32>
    %add3A_941 = arith.addi %add3A_939, %slice3A_940 : vector<8x512xi32>
    %slice3A_942 = vector.extract_strided_slice %select_n3A_904 {offsets = [152, 0], sizes = [8, 512], strides = [1, 1]} : vector<224x512xi32> to vector<8x512xi32>
    %add3A_943 = arith.addi %add3A_941, %slice3A_942 : vector<8x512xi32>
    %slice3A_944 = vector.extract_strided_slice %select_n3A_904 {offsets = [160, 0], sizes = [8, 512], strides = [1, 1]} : vector<224x512xi32> to vector<8x512xi32>
    %add3A_945 = arith.addi %add3A_943, %slice3A_944 : vector<8x512xi32>
    %slice3A_946 = vector.extract_strided_slice %select_n3A_904 {offsets = [168, 0], sizes = [8, 512], strides = [1, 1]} : vector<224x512xi32> to vector<8x512xi32>
    %add3A_947 = arith.addi %add3A_945, %slice3A_946 : vector<8x512xi32>
    %slice3A_948 = vector.extract_strided_slice %select_n3A_904 {offsets = [176, 0], sizes = [8, 512], strides = [1, 1]} : vector<224x512xi32> to vector<8x512xi32>
    %add3A_949 = arith.addi %add3A_947, %slice3A_948 : vector<8x512xi32>
    %slice3A_950 = vector.extract_strided_slice %select_n3A_904 {offsets = [184, 0], sizes = [8, 512], strides = [1, 1]} : vector<224x512xi32> to vector<8x512xi32>
    %add3A_951 = arith.addi %add3A_949, %slice3A_950 : vector<8x512xi32>
    %slice3A_952 = vector.extract_strided_slice %select_n3A_904 {offsets = [192, 0], sizes = [8, 512], strides = [1, 1]} : vector<224x512xi32> to vector<8x512xi32>
    %add3A_953 = arith.addi %add3A_951, %slice3A_952 : vector<8x512xi32>
    %slice3A_954 = vector.extract_strided_slice %select_n3A_904 {offsets = [200, 0], sizes = [8, 512], strides = [1, 1]} : vector<224x512xi32> to vector<8x512xi32>
    %add3A_955 = arith.addi %add3A_953, %slice3A_954 : vector<8x512xi32>
    %slice3A_956 = vector.extract_strided_slice %select_n3A_904 {offsets = [208, 0], sizes = [8, 512], strides = [1, 1]} : vector<224x512xi32> to vector<8x512xi32>
    %add3A_957 = arith.addi %add3A_955, %slice3A_956 : vector<8x512xi32>
    %slice3A_958 = vector.extract_strided_slice %select_n3A_904 {offsets = [216, 0], sizes = [8, 512], strides = [1, 1]} : vector<224x512xi32> to vector<8x512xi32>
    %add3A_959 = arith.addi %add3A_957, %slice3A_958 : vector<8x512xi32>
    %slice3A_960 = vector.extract_strided_slice %add3A_959 {offsets = [0, 0], sizes = [8, 128], strides = [1, 1]} : vector<8x512xi32> to vector<8x128xi32>
    %slice3A_961 = vector.extract_strided_slice %add3A_959 {offsets = [0, 128], sizes = [8, 128], strides = [1, 1]} : vector<8x512xi32> to vector<8x128xi32>
    %add3A_962 = arith.addi %slice3A_960, %slice3A_961 : vector<8x128xi32>
    %slice3A_963 = vector.extract_strided_slice %add3A_959 {offsets = [0, 256], sizes = [8, 128], strides = [1, 1]} : vector<8x512xi32> to vector<8x128xi32>
    %slice3A_964 = vector.extract_strided_slice %add3A_959 {offsets = [0, 384], sizes = [8, 128], strides = [1, 1]} : vector<8x512xi32> to vector<8x128xi32>
    %add3A_965 = arith.addi %slice3A_963, %slice3A_964 : vector<8x128xi32>
    %add3A_966 = arith.addi %add3A_962, %add3A_965 : vector<8x128xi32>
    %get3A_967 = arith.constant 0 : index
    %get3A_968 = arith.constant 8 : index
    %get3A_969 = arith.constant 0 : index
    %get3A_970 = arith.constant 0 : index
    %get3A_971 = vector.load %arg3[%get3A_967, %get3A_968, %get3A_969, %get3A_970] : memref<1x24x8x128xi32, #tpu.memory_space<vmem>>, vector<1x1x8x128xi32>
    %get3A_972 = vector.shape_cast %get3A_971 : vector<1x1x8x128xi32> to vector<8x128xi32>
    %add3A_973 = arith.addi %get3A_972, %add3A_966 : vector<8x128xi32>
    %swap3A_974 = arith.constant 0 : index
    %swap3A_975 = arith.constant 8 : index
    %swap3A_976 = arith.constant 0 : index
    %swap3A_977 = arith.constant 0 : index
    %swap3A_978 = vector.load %arg3[%swap3A_974, %swap3A_975, %swap3A_976, %swap3A_977] : memref<1x24x8x128xi32, #tpu.memory_space<vmem>>, vector<1x1x8x128xi32>
    %swap3A_979 = vector.shape_cast %swap3A_978 : vector<1x1x8x128xi32> to vector<8x128xi32>
    %swap3A_980 = vector.shape_cast %add3A_973 : vector<8x128xi32> to vector<1x1x8x128xi32>
    tpu.vector_store %arg3[%swap3A_974, %swap3A_975, %swap3A_976, %swap3A_977], %swap3A_980 {strides = array<i32>} : memref<1x24x8x128xi32, #tpu.memory_space<vmem>>, vector<1x1x8x128xi32>,
    %eq3A_981 = arith.constant 9 : i32
    %eq3A_982 = vector.broadcast %eq3A_981 : i32 to vector<224x512xi32>
    %eq3A_983 = arith.cmpi eq, %get3A_14, %eq3A_982 : vector<224x512xi32>
    %jit3A_984 = arith.constant 0 : i32
    %broadcast_in_dim3A_985 = vector.broadcast %jit3A_984 : i32 to vector<224x512xi32>
    %select_n3A_986 = arith.select %eq3A_983, %select_n3A_244, %broadcast_in_dim3A_985 : vector<224x512xi1>, vector<224x512xi32>
    %slice3A_987 = vector.extract_strided_slice %select_n3A_986 {offsets = [0, 0], sizes = [8, 512], strides = [1, 1]} : vector<224x512xi32> to vector<8x512xi32>
    %slice3A_988 = vector.extract_strided_slice %select_n3A_986 {offsets = [8, 0], sizes = [8, 512], strides = [1, 1]} : vector<224x512xi32> to vector<8x512xi32>
    %add3A_989 = arith.addi %slice3A_987, %slice3A_988 : vector<8x512xi32>
    %slice3A_990 = vector.extract_strided_slice %select_n3A_986 {offsets = [16, 0], sizes = [8, 512], strides = [1, 1]} : vector<224x512xi32> to vector<8x512xi32>
    %add3A_991 = arith.addi %add3A_989, %slice3A_990 : vector<8x512xi32>
    %slice3A_992 = vector.extract_strided_slice %select_n3A_986 {offsets = [24, 0], sizes = [8, 512], strides = [1, 1]} : vector<224x512xi32> to vector<8x512xi32>
    %add3A_993 = arith.addi %add3A_991, %slice3A_992 : vector<8x512xi32>
    %slice3A_994 = vector.extract_strided_slice %select_n3A_986 {offsets = [32, 0], sizes = [8, 512], strides = [1, 1]} : vector<224x512xi32> to vector<8x512xi32>
    %add3A_995 = arith.addi %add3A_993, %slice3A_994 : vector<8x512xi32>
    %slice3A_996 = vector.extract_strided_slice %select_n3A_986 {offsets = [40, 0], sizes = [8, 512], strides = [1, 1]} : vector<224x512xi32> to vector<8x512xi32>
    %add3A_997 = arith.addi %add3A_995, %slice3A_996 : vector<8x512xi32>
    %slice3A_998 = vector.extract_strided_slice %select_n3A_986 {offsets = [48, 0], sizes = [8, 512], strides = [1, 1]} : vector<224x512xi32> to vector<8x512xi32>
    %add3A_999 = arith.addi %add3A_997, %slice3A_998 : vector<8x512xi32>
    %slice3A_1000 = vector.extract_strided_slice %select_n3A_986 {offsets = [56, 0], sizes = [8, 512], strides = [1, 1]} : vector<224x512xi32> to vector<8x512xi32>
    %add3A_1001 = arith.addi %add3A_999, %slice3A_1000 : vector<8x512xi32>
    %slice3A_1002 = vector.extract_strided_slice %select_n3A_986 {offsets = [64, 0], sizes = [8, 512], strides = [1, 1]} : vector<224x512xi32> to vector<8x512xi32>
    %add3A_1003 = arith.addi %add3A_1001, %slice3A_1002 : vector<8x512xi32>
    %slice3A_1004 = vector.extract_strided_slice %select_n3A_986 {offsets = [72, 0], sizes = [8, 512], strides = [1, 1]} : vector<224x512xi32> to vector<8x512xi32>
    %add3A_1005 = arith.addi %add3A_1003, %slice3A_1004 : vector<8x512xi32>
    %slice3A_1006 = vector.extract_strided_slice %select_n3A_986 {offsets = [80, 0], sizes = [8, 512], strides = [1, 1]} : vector<224x512xi32> to vector<8x512xi32>
    %add3A_1007 = arith.addi %add3A_1005, %slice3A_1006 : vector<8x512xi32>
    %slice3A_1008 = vector.extract_strided_slice %select_n3A_986 {offsets = [88, 0], sizes = [8, 512], strides = [1, 1]} : vector<224x512xi32> to vector<8x512xi32>
    %add3A_1009 = arith.addi %add3A_1007, %slice3A_1008 : vector<8x512xi32>
    %slice3A_1010 = vector.extract_strided_slice %select_n3A_986 {offsets = [96, 0], sizes = [8, 512], strides = [1, 1]} : vector<224x512xi32> to vector<8x512xi32>
    %add3A_1011 = arith.addi %add3A_1009, %slice3A_1010 : vector<8x512xi32>
    %slice3A_1012 = vector.extract_strided_slice %select_n3A_986 {offsets = [104, 0], sizes = [8, 512], strides = [1, 1]} : vector<224x512xi32> to vector<8x512xi32>
    %add3A_1013 = arith.addi %add3A_1011, %slice3A_1012 : vector<8x512xi32>
    %slice3A_1014 = vector.extract_strided_slice %select_n3A_986 {offsets = [112, 0], sizes = [8, 512], strides = [1, 1]} : vector<224x512xi32> to vector<8x512xi32>
    %add3A_1015 = arith.addi %add3A_1013, %slice3A_1014 : vector<8x512xi32>
    %slice3A_1016 = vector.extract_strided_slice %select_n3A_986 {offsets = [120, 0], sizes = [8, 512], strides = [1, 1]} : vector<224x512xi32> to vector<8x512xi32>
    %add3A_1017 = arith.addi %add3A_1015, %slice3A_1016 : vector<8x512xi32>
    %slice3A_1018 = vector.extract_strided_slice %select_n3A_986 {offsets = [128, 0], sizes = [8, 512], strides = [1, 1]} : vector<224x512xi32> to vector<8x512xi32>
    %add3A_1019 = arith.addi %add3A_1017, %slice3A_1018 : vector<8x512xi32>
    %slice3A_1020 = vector.extract_strided_slice %select_n3A_986 {offsets = [136, 0], sizes = [8, 512], strides = [1, 1]} : vector<224x512xi32> to vector<8x512xi32>
    %add3A_1021 = arith.addi %add3A_1019, %slice3A_1020 : vector<8x512xi32>
    %slice3A_1022 = vector.extract_strided_slice %select_n3A_986 {offsets = [144, 0], sizes = [8, 512], strides = [1, 1]} : vector<224x512xi32> to vector<8x512xi32>
    %add3A_1023 = arith.addi %add3A_1021, %slice3A_1022 : vector<8x512xi32>
    %slice3A_1024 = vector.extract_strided_slice %select_n3A_986 {offsets = [152, 0], sizes = [8, 512], strides = [1, 1]} : vector<224x512xi32> to vector<8x512xi32>
    %add3A_1025 = arith.addi %add3A_1023, %slice3A_1024 : vector<8x512xi32>
    %slice3A_1026 = vector.extract_strided_slice %select_n3A_986 {offsets = [160, 0], sizes = [8, 512], strides = [1, 1]} : vector<224x512xi32> to vector<8x512xi32>
    %add3A_1027 = arith.addi %add3A_1025, %slice3A_1026 : vector<8x512xi32>
    %slice3A_1028 = vector.extract_strided_slice %select_n3A_986 {offsets = [168, 0], sizes = [8, 512], strides = [1, 1]} : vector<224x512xi32> to vector<8x512xi32>
    %add3A_1029 = arith.addi %add3A_1027, %slice3A_1028 : vector<8x512xi32>
    %slice3A_1030 = vector.extract_strided_slice %select_n3A_986 {offsets = [176, 0], sizes = [8, 512], strides = [1, 1]} : vector<224x512xi32> to vector<8x512xi32>
    %add3A_1031 = arith.addi %add3A_1029, %slice3A_1030 : vector<8x512xi32>
    %slice3A_1032 = vector.extract_strided_slice %select_n3A_986 {offsets = [184, 0], sizes = [8, 512], strides = [1, 1]} : vector<224x512xi32> to vector<8x512xi32>
    %add3A_1033 = arith.addi %add3A_1031, %slice3A_1032 : vector<8x512xi32>
    %slice3A_1034 = vector.extract_strided_slice %select_n3A_986 {offsets = [192, 0], sizes = [8, 512], strides = [1, 1]} : vector<224x512xi32> to vector<8x512xi32>
    %add3A_1035 = arith.addi %add3A_1033, %slice3A_1034 : vector<8x512xi32>
    %slice3A_1036 = vector.extract_strided_slice %select_n3A_986 {offsets = [200, 0], sizes = [8, 512], strides = [1, 1]} : vector<224x512xi32> to vector<8x512xi32>
    %add3A_1037 = arith.addi %add3A_1035, %slice3A_1036 : vector<8x512xi32>
    %slice3A_1038 = vector.extract_strided_slice %select_n3A_986 {offsets = [208, 0], sizes = [8, 512], strides = [1, 1]} : vector<224x512xi32> to vector<8x512xi32>
    %add3A_1039 = arith.addi %add3A_1037, %slice3A_1038 : vector<8x512xi32>
    %slice3A_1040 = vector.extract_strided_slice %select_n3A_986 {offsets = [216, 0], sizes = [8, 512], strides = [1, 1]} : vector<224x512xi32> to vector<8x512xi32>
    %add3A_1041 = arith.addi %add3A_1039, %slice3A_1040 : vector<8x512xi32>
    %slice3A_1042 = vector.extract_strided_slice %add3A_1041 {offsets = [0, 0], sizes = [8, 128], strides = [1, 1]} : vector<8x512xi32> to vector<8x128xi32>
    %slice3A_1043 = vector.extract_strided_slice %add3A_1041 {offsets = [0, 128], sizes = [8, 128], strides = [1, 1]} : vector<8x512xi32> to vector<8x128xi32>
    %add3A_1044 = arith.addi %slice3A_1042, %slice3A_1043 : vector<8x128xi32>
    %slice3A_1045 = vector.extract_strided_slice %add3A_1041 {offsets = [0, 256], sizes = [8, 128], strides = [1, 1]} : vector<8x512xi32> to vector<8x128xi32>
    %slice3A_1046 = vector.extract_strided_slice %add3A_1041 {offsets = [0, 384], sizes = [8, 128], strides = [1, 1]} : vector<8x512xi32> to vector<8x128xi32>
    %add3A_1047 = arith.addi %slice3A_1045, %slice3A_1046 : vector<8x128xi32>
    %add3A_1048 = arith.addi %add3A_1044, %add3A_1047 : vector<8x128xi32>
    %get3A_1049 = arith.constant 0 : index
    %get3A_1050 = arith.constant 9 : index
    %get3A_1051 = arith.constant 0 : index
    %get3A_1052 = arith.constant 0 : index
    %get3A_1053 = vector.load %arg3[%get3A_1049, %get3A_1050, %get3A_1051, %get3A_1052] : memref<1x24x8x128xi32, #tpu.memory_space<vmem>>, vector<1x1x8x128xi32>
    %get3A_1054 = vector.shape_cast %get3A_1053 : vector<1x1x8x128xi32> to vector<8x128xi32>
    %add3A_1055 = arith.addi %get3A_1054, %add3A_1048 : vector<8x128xi32>
    %swap3A_1056 = arith.constant 0 : index
    %swap3A_1057 = arith.constant 9 : index
    %swap3A_1058 = arith.constant 0 : index
    %swap3A_1059 = arith.constant 0 : index
    %swap3A_1060 = vector.load %arg3[%swap3A_1056, %swap3A_1057, %swap3A_1058, %swap3A_1059] : memref<1x24x8x128xi32, #tpu.memory_space<vmem>>, vector<1x1x8x128xi32>
    %swap3A_1061 = vector.shape_cast %swap3A_1060 : vector<1x1x8x128xi32> to vector<8x128xi32>
    %swap3A_1062 = vector.shape_cast %add3A_1055 : vector<8x128xi32> to vector<1x1x8x128xi32>
    tpu.vector_store %arg3[%swap3A_1056, %swap3A_1057, %swap3A_1058, %swap3A_1059], %swap3A_1062 {strides = array<i32>} : memref<1x24x8x128xi32, #tpu.memory_space<vmem>>, vector<1x1x8x128xi32>,
    %eq3A_1063 = arith.constant 10 : i32
    %eq3A_1064 = vector.broadcast %eq3A_1063 : i32 to vector<224x512xi32>
    %eq3A_1065 = arith.cmpi eq, %get3A_14, %eq3A_1064 : vector<224x512xi32>
    %jit3A_1066 = arith.constant 0 : i32
    %broadcast_in_dim3A_1067 = vector.broadcast %jit3A_1066 : i32 to vector<224x512xi32>
    %select_n3A_1068 = arith.select %eq3A_1065, %select_n3A_244, %broadcast_in_dim3A_1067 : vector<224x512xi1>, vector<224x512xi32>
    %slice3A_1069 = vector.extract_strided_slice %select_n3A_1068 {offsets = [0, 0], sizes = [8, 512], strides = [1, 1]} : vector<224x512xi32> to vector<8x512xi32>
    %slice3A_1070 = vector.extract_strided_slice %select_n3A_1068 {offsets = [8, 0], sizes = [8, 512], strides = [1, 1]} : vector<224x512xi32> to vector<8x512xi32>
    %add3A_1071 = arith.addi %slice3A_1069, %slice3A_1070 : vector<8x512xi32>
    %slice3A_1072 = vector.extract_strided_slice %select_n3A_1068 {offsets = [16, 0], sizes = [8, 512], strides = [1, 1]} : vector<224x512xi32> to vector<8x512xi32>
    %add3A_1073 = arith.addi %add3A_1071, %slice3A_1072 : vector<8x512xi32>
    %slice3A_1074 = vector.extract_strided_slice %select_n3A_1068 {offsets = [24, 0], sizes = [8, 512], strides = [1, 1]} : vector<224x512xi32> to vector<8x512xi32>
    %add3A_1075 = arith.addi %add3A_1073, %slice3A_1074 : vector<8x512xi32>
    %slice3A_1076 = vector.extract_strided_slice %select_n3A_1068 {offsets = [32, 0], sizes = [8, 512], strides = [1, 1]} : vector<224x512xi32> to vector<8x512xi32>
    %add3A_1077 = arith.addi %add3A_1075, %slice3A_1076 : vector<8x512xi32>
    %slice3A_1078 = vector.extract_strided_slice %select_n3A_1068 {offsets = [40, 0], sizes = [8, 512], strides = [1, 1]} : vector<224x512xi32> to vector<8x512xi32>
    %add3A_1079 = arith.addi %add3A_1077, %slice3A_1078 : vector<8x512xi32>
    %slice3A_1080 = vector.extract_strided_slice %select_n3A_1068 {offsets = [48, 0], sizes = [8, 512], strides = [1, 1]} : vector<224x512xi32> to vector<8x512xi32>
    %add3A_1081 = arith.addi %add3A_1079, %slice3A_1080 : vector<8x512xi32>
    %slice3A_1082 = vector.extract_strided_slice %select_n3A_1068 {offsets = [56, 0], sizes = [8, 512], strides = [1, 1]} : vector<224x512xi32> to vector<8x512xi32>
    %add3A_1083 = arith.addi %add3A_1081, %slice3A_1082 : vector<8x512xi32>
    %slice3A_1084 = vector.extract_strided_slice %select_n3A_1068 {offsets = [64, 0], sizes = [8, 512], strides = [1, 1]} : vector<224x512xi32> to vector<8x512xi32>
    %add3A_1085 = arith.addi %add3A_1083, %slice3A_1084 : vector<8x512xi32>
    %slice3A_1086 = vector.extract_strided_slice %select_n3A_1068 {offsets = [72, 0], sizes = [8, 512], strides = [1, 1]} : vector<224x512xi32> to vector<8x512xi32>
    %add3A_1087 = arith.addi %add3A_1085, %slice3A_1086 : vector<8x512xi32>
    %slice3A_1088 = vector.extract_strided_slice %select_n3A_1068 {offsets = [80, 0], sizes = [8, 512], strides = [1, 1]} : vector<224x512xi32> to vector<8x512xi32>
    %add3A_1089 = arith.addi %add3A_1087, %slice3A_1088 : vector<8x512xi32>
    %slice3A_1090 = vector.extract_strided_slice %select_n3A_1068 {offsets = [88, 0], sizes = [8, 512], strides = [1, 1]} : vector<224x512xi32> to vector<8x512xi32>
    %add3A_1091 = arith.addi %add3A_1089, %slice3A_1090 : vector<8x512xi32>
    %slice3A_1092 = vector.extract_strided_slice %select_n3A_1068 {offsets = [96, 0], sizes = [8, 512], strides = [1, 1]} : vector<224x512xi32> to vector<8x512xi32>
    %add3A_1093 = arith.addi %add3A_1091, %slice3A_1092 : vector<8x512xi32>
    %slice3A_1094 = vector.extract_strided_slice %select_n3A_1068 {offsets = [104, 0], sizes = [8, 512], strides = [1, 1]} : vector<224x512xi32> to vector<8x512xi32>
    %add3A_1095 = arith.addi %add3A_1093, %slice3A_1094 : vector<8x512xi32>
    %slice3A_1096 = vector.extract_strided_slice %select_n3A_1068 {offsets = [112, 0], sizes = [8, 512], strides = [1, 1]} : vector<224x512xi32> to vector<8x512xi32>
    %add3A_1097 = arith.addi %add3A_1095, %slice3A_1096 : vector<8x512xi32>
    %slice3A_1098 = vector.extract_strided_slice %select_n3A_1068 {offsets = [120, 0], sizes = [8, 512], strides = [1, 1]} : vector<224x512xi32> to vector<8x512xi32>
    %add3A_1099 = arith.addi %add3A_1097, %slice3A_1098 : vector<8x512xi32>
    %slice3A_1100 = vector.extract_strided_slice %select_n3A_1068 {offsets = [128, 0], sizes = [8, 512], strides = [1, 1]} : vector<224x512xi32> to vector<8x512xi32>
    %add3A_1101 = arith.addi %add3A_1099, %slice3A_1100 : vector<8x512xi32>
    %slice3A_1102 = vector.extract_strided_slice %select_n3A_1068 {offsets = [136, 0], sizes = [8, 512], strides = [1, 1]} : vector<224x512xi32> to vector<8x512xi32>
    %add3A_1103 = arith.addi %add3A_1101, %slice3A_1102 : vector<8x512xi32>
    %slice3A_1104 = vector.extract_strided_slice %select_n3A_1068 {offsets = [144, 0], sizes = [8, 512], strides = [1, 1]} : vector<224x512xi32> to vector<8x512xi32>
    %add3A_1105 = arith.addi %add3A_1103, %slice3A_1104 : vector<8x512xi32>
    %slice3A_1106 = vector.extract_strided_slice %select_n3A_1068 {offsets = [152, 0], sizes = [8, 512], strides = [1, 1]} : vector<224x512xi32> to vector<8x512xi32>
    %add3A_1107 = arith.addi %add3A_1105, %slice3A_1106 : vector<8x512xi32>
    %slice3A_1108 = vector.extract_strided_slice %select_n3A_1068 {offsets = [160, 0], sizes = [8, 512], strides = [1, 1]} : vector<224x512xi32> to vector<8x512xi32>
    %add3A_1109 = arith.addi %add3A_1107, %slice3A_1108 : vector<8x512xi32>
    %slice3A_1110 = vector.extract_strided_slice %select_n3A_1068 {offsets = [168, 0], sizes = [8, 512], strides = [1, 1]} : vector<224x512xi32> to vector<8x512xi32>
    %add3A_1111 = arith.addi %add3A_1109, %slice3A_1110 : vector<8x512xi32>
    %slice3A_1112 = vector.extract_strided_slice %select_n3A_1068 {offsets = [176, 0], sizes = [8, 512], strides = [1, 1]} : vector<224x512xi32> to vector<8x512xi32>
    %add3A_1113 = arith.addi %add3A_1111, %slice3A_1112 : vector<8x512xi32>
    %slice3A_1114 = vector.extract_strided_slice %select_n3A_1068 {offsets = [184, 0], sizes = [8, 512], strides = [1, 1]} : vector<224x512xi32> to vector<8x512xi32>
    %add3A_1115 = arith.addi %add3A_1113, %slice3A_1114 : vector<8x512xi32>
    %slice3A_1116 = vector.extract_strided_slice %select_n3A_1068 {offsets = [192, 0], sizes = [8, 512], strides = [1, 1]} : vector<224x512xi32> to vector<8x512xi32>
    %add3A_1117 = arith.addi %add3A_1115, %slice3A_1116 : vector<8x512xi32>
    %slice3A_1118 = vector.extract_strided_slice %select_n3A_1068 {offsets = [200, 0], sizes = [8, 512], strides = [1, 1]} : vector<224x512xi32> to vector<8x512xi32>
    %add3A_1119 = arith.addi %add3A_1117, %slice3A_1118 : vector<8x512xi32>
    %slice3A_1120 = vector.extract_strided_slice %select_n3A_1068 {offsets = [208, 0], sizes = [8, 512], strides = [1, 1]} : vector<224x512xi32> to vector<8x512xi32>
    %add3A_1121 = arith.addi %add3A_1119, %slice3A_1120 : vector<8x512xi32>
    %slice3A_1122 = vector.extract_strided_slice %select_n3A_1068 {offsets = [216, 0], sizes = [8, 512], strides = [1, 1]} : vector<224x512xi32> to vector<8x512xi32>
    %add3A_1123 = arith.addi %add3A_1121, %slice3A_1122 : vector<8x512xi32>
    %slice3A_1124 = vector.extract_strided_slice %add3A_1123 {offsets = [0, 0], sizes = [8, 128], strides = [1, 1]} : vector<8x512xi32> to vector<8x128xi32>
    %slice3A_1125 = vector.extract_strided_slice %add3A_1123 {offsets = [0, 128], sizes = [8, 128], strides = [1, 1]} : vector<8x512xi32> to vector<8x128xi32>
    %add3A_1126 = arith.addi %slice3A_1124, %slice3A_1125 : vector<8x128xi32>
    %slice3A_1127 = vector.extract_strided_slice %add3A_1123 {offsets = [0, 256], sizes = [8, 128], strides = [1, 1]} : vector<8x512xi32> to vector<8x128xi32>
    %slice3A_1128 = vector.extract_strided_slice %add3A_1123 {offsets = [0, 384], sizes = [8, 128], strides = [1, 1]} : vector<8x512xi32> to vector<8x128xi32>
    %add3A_1129 = arith.addi %slice3A_1127, %slice3A_1128 : vector<8x128xi32>
    %add3A_1130 = arith.addi %add3A_1126, %add3A_1129 : vector<8x128xi32>
    %get3A_1131 = arith.constant 0 : index
    %get3A_1132 = arith.constant 10 : index
    %get3A_1133 = arith.constant 0 : index
    %get3A_1134 = arith.constant 0 : index
    %get3A_1135 = vector.load %arg3[%get3A_1131, %get3A_1132, %get3A_1133, %get3A_1134] : memref<1x24x8x128xi32, #tpu.memory_space<vmem>>, vector<1x1x8x128xi32>
    %get3A_1136 = vector.shape_cast %get3A_1135 : vector<1x1x8x128xi32> to vector<8x128xi32>
    %add3A_1137 = arith.addi %get3A_1136, %add3A_1130 : vector<8x128xi32>
    %swap3A_1138 = arith.constant 0 : index
    %swap3A_1139 = arith.constant 10 : index
    %swap3A_1140 = arith.constant 0 : index
    %swap3A_1141 = arith.constant 0 : index
    %swap3A_1142 = vector.load %arg3[%swap3A_1138, %swap3A_1139, %swap3A_1140, %swap3A_1141] : memref<1x24x8x128xi32, #tpu.memory_space<vmem>>, vector<1x1x8x128xi32>
    %swap3A_1143 = vector.shape_cast %swap3A_1142 : vector<1x1x8x128xi32> to vector<8x128xi32>
    %swap3A_1144 = vector.shape_cast %add3A_1137 : vector<8x128xi32> to vector<1x1x8x128xi32>
    tpu.vector_store %arg3[%swap3A_1138, %swap3A_1139, %swap3A_1140, %swap3A_1141], %swap3A_1144 {strides = array<i32>} : memref<1x24x8x128xi32, #tpu.memory_space<vmem>>, vector<1x1x8x128xi32>,
    %eq3A_1145 = arith.constant 11 : i32
    %eq3A_1146 = vector.broadcast %eq3A_1145 : i32 to vector<224x512xi32>
    %eq3A_1147 = arith.cmpi eq, %get3A_14, %eq3A_1146 : vector<224x512xi32>
    %jit3A_1148 = arith.constant 0 : i32
    %broadcast_in_dim3A_1149 = vector.broadcast %jit3A_1148 : i32 to vector<224x512xi32>
    %select_n3A_1150 = arith.select %eq3A_1147, %select_n3A_244, %broadcast_in_dim3A_1149 : vector<224x512xi1>, vector<224x512xi32>
    %slice3A_1151 = vector.extract_strided_slice %select_n3A_1150 {offsets = [0, 0], sizes = [8, 512], strides = [1, 1]} : vector<224x512xi32> to vector<8x512xi32>
    %slice3A_1152 = vector.extract_strided_slice %select_n3A_1150 {offsets = [8, 0], sizes = [8, 512], strides = [1, 1]} : vector<224x512xi32> to vector<8x512xi32>
    %add3A_1153 = arith.addi %slice3A_1151, %slice3A_1152 : vector<8x512xi32>
    %slice3A_1154 = vector.extract_strided_slice %select_n3A_1150 {offsets = [16, 0], sizes = [8, 512], strides = [1, 1]} : vector<224x512xi32> to vector<8x512xi32>
    %add3A_1155 = arith.addi %add3A_1153, %slice3A_1154 : vector<8x512xi32>
    %slice3A_1156 = vector.extract_strided_slice %select_n3A_1150 {offsets = [24, 0], sizes = [8, 512], strides = [1, 1]} : vector<224x512xi32> to vector<8x512xi32>
    %add3A_1157 = arith.addi %add3A_1155, %slice3A_1156 : vector<8x512xi32>
    %slice3A_1158 = vector.extract_strided_slice %select_n3A_1150 {offsets = [32, 0], sizes = [8, 512], strides = [1, 1]} : vector<224x512xi32> to vector<8x512xi32>
    %add3A_1159 = arith.addi %add3A_1157, %slice3A_1158 : vector<8x512xi32>
    %slice3A_1160 = vector.extract_strided_slice %select_n3A_1150 {offsets = [40, 0], sizes = [8, 512], strides = [1, 1]} : vector<224x512xi32> to vector<8x512xi32>
    %add3A_1161 = arith.addi %add3A_1159, %slice3A_1160 : vector<8x512xi32>
    %slice3A_1162 = vector.extract_strided_slice %select_n3A_1150 {offsets = [48, 0], sizes = [8, 512], strides = [1, 1]} : vector<224x512xi32> to vector<8x512xi32>
    %add3A_1163 = arith.addi %add3A_1161, %slice3A_1162 : vector<8x512xi32>
    %slice3A_1164 = vector.extract_strided_slice %select_n3A_1150 {offsets = [56, 0], sizes = [8, 512], strides = [1, 1]} : vector<224x512xi32> to vector<8x512xi32>
    %add3A_1165 = arith.addi %add3A_1163, %slice3A_1164 : vector<8x512xi32>
    %slice3A_1166 = vector.extract_strided_slice %select_n3A_1150 {offsets = [64, 0], sizes = [8, 512], strides = [1, 1]} : vector<224x512xi32> to vector<8x512xi32>
    %add3A_1167 = arith.addi %add3A_1165, %slice3A_1166 : vector<8x512xi32>
    %slice3A_1168 = vector.extract_strided_slice %select_n3A_1150 {offsets = [72, 0], sizes = [8, 512], strides = [1, 1]} : vector<224x512xi32> to vector<8x512xi32>
    %add3A_1169 = arith.addi %add3A_1167, %slice3A_1168 : vector<8x512xi32>
    %slice3A_1170 = vector.extract_strided_slice %select_n3A_1150 {offsets = [80, 0], sizes = [8, 512], strides = [1, 1]} : vector<224x512xi32> to vector<8x512xi32>
    %add3A_1171 = arith.addi %add3A_1169, %slice3A_1170 : vector<8x512xi32>
    %slice3A_1172 = vector.extract_strided_slice %select_n3A_1150 {offsets = [88, 0], sizes = [8, 512], strides = [1, 1]} : vector<224x512xi32> to vector<8x512xi32>
    %add3A_1173 = arith.addi %add3A_1171, %slice3A_1172 : vector<8x512xi32>
    %slice3A_1174 = vector.extract_strided_slice %select_n3A_1150 {offsets = [96, 0], sizes = [8, 512], strides = [1, 1]} : vector<224x512xi32> to vector<8x512xi32>
    %add3A_1175 = arith.addi %add3A_1173, %slice3A_1174 : vector<8x512xi32>
    %slice3A_1176 = vector.extract_strided_slice %select_n3A_1150 {offsets = [104, 0], sizes = [8, 512], strides = [1, 1]} : vector<224x512xi32> to vector<8x512xi32>
    %add3A_1177 = arith.addi %add3A_1175, %slice3A_1176 : vector<8x512xi32>
    %slice3A_1178 = vector.extract_strided_slice %select_n3A_1150 {offsets = [112, 0], sizes = [8, 512], strides = [1, 1]} : vector<224x512xi32> to vector<8x512xi32>
    %add3A_1179 = arith.addi %add3A_1177, %slice3A_1178 : vector<8x512xi32>
    %slice3A_1180 = vector.extract_strided_slice %select_n3A_1150 {offsets = [120, 0], sizes = [8, 512], strides = [1, 1]} : vector<224x512xi32> to vector<8x512xi32>
    %add3A_1181 = arith.addi %add3A_1179, %slice3A_1180 : vector<8x512xi32>
    %slice3A_1182 = vector.extract_strided_slice %select_n3A_1150 {offsets = [128, 0], sizes = [8, 512], strides = [1, 1]} : vector<224x512xi32> to vector<8x512xi32>
    %add3A_1183 = arith.addi %add3A_1181, %slice3A_1182 : vector<8x512xi32>
    %slice3A_1184 = vector.extract_strided_slice %select_n3A_1150 {offsets = [136, 0], sizes = [8, 512], strides = [1, 1]} : vector<224x512xi32> to vector<8x512xi32>
    %add3A_1185 = arith.addi %add3A_1183, %slice3A_1184 : vector<8x512xi32>
    %slice3A_1186 = vector.extract_strided_slice %select_n3A_1150 {offsets = [144, 0], sizes = [8, 512], strides = [1, 1]} : vector<224x512xi32> to vector<8x512xi32>
    %add3A_1187 = arith.addi %add3A_1185, %slice3A_1186 : vector<8x512xi32>
    %slice3A_1188 = vector.extract_strided_slice %select_n3A_1150 {offsets = [152, 0], sizes = [8, 512], strides = [1, 1]} : vector<224x512xi32> to vector<8x512xi32>
    %add3A_1189 = arith.addi %add3A_1187, %slice3A_1188 : vector<8x512xi32>
    %slice3A_1190 = vector.extract_strided_slice %select_n3A_1150 {offsets = [160, 0], sizes = [8, 512], strides = [1, 1]} : vector<224x512xi32> to vector<8x512xi32>
    %add3A_1191 = arith.addi %add3A_1189, %slice3A_1190 : vector<8x512xi32>
    %slice3A_1192 = vector.extract_strided_slice %select_n3A_1150 {offsets = [168, 0], sizes = [8, 512], strides = [1, 1]} : vector<224x512xi32> to vector<8x512xi32>
    %add3A_1193 = arith.addi %add3A_1191, %slice3A_1192 : vector<8x512xi32>
    %slice3A_1194 = vector.extract_strided_slice %select_n3A_1150 {offsets = [176, 0], sizes = [8, 512], strides = [1, 1]} : vector<224x512xi32> to vector<8x512xi32>
    %add3A_1195 = arith.addi %add3A_1193, %slice3A_1194 : vector<8x512xi32>
    %slice3A_1196 = vector.extract_strided_slice %select_n3A_1150 {offsets = [184, 0], sizes = [8, 512], strides = [1, 1]} : vector<224x512xi32> to vector<8x512xi32>
    %add3A_1197 = arith.addi %add3A_1195, %slice3A_1196 : vector<8x512xi32>
    %slice3A_1198 = vector.extract_strided_slice %select_n3A_1150 {offsets = [192, 0], sizes = [8, 512], strides = [1, 1]} : vector<224x512xi32> to vector<8x512xi32>
    %add3A_1199 = arith.addi %add3A_1197, %slice3A_1198 : vector<8x512xi32>
    %slice3A_1200 = vector.extract_strided_slice %select_n3A_1150 {offsets = [200, 0], sizes = [8, 512], strides = [1, 1]} : vector<224x512xi32> to vector<8x512xi32>
    %add3A_1201 = arith.addi %add3A_1199, %slice3A_1200 : vector<8x512xi32>
    %slice3A_1202 = vector.extract_strided_slice %select_n3A_1150 {offsets = [208, 0], sizes = [8, 512], strides = [1, 1]} : vector<224x512xi32> to vector<8x512xi32>
    %add3A_1203 = arith.addi %add3A_1201, %slice3A_1202 : vector<8x512xi32>
    %slice3A_1204 = vector.extract_strided_slice %select_n3A_1150 {offsets = [216, 0], sizes = [8, 512], strides = [1, 1]} : vector<224x512xi32> to vector<8x512xi32>
    %add3A_1205 = arith.addi %add3A_1203, %slice3A_1204 : vector<8x512xi32>
    %slice3A_1206 = vector.extract_strided_slice %add3A_1205 {offsets = [0, 0], sizes = [8, 128], strides = [1, 1]} : vector<8x512xi32> to vector<8x128xi32>
    %slice3A_1207 = vector.extract_strided_slice %add3A_1205 {offsets = [0, 128], sizes = [8, 128], strides = [1, 1]} : vector<8x512xi32> to vector<8x128xi32>
    %add3A_1208 = arith.addi %slice3A_1206, %slice3A_1207 : vector<8x128xi32>
    %slice3A_1209 = vector.extract_strided_slice %add3A_1205 {offsets = [0, 256], sizes = [8, 128], strides = [1, 1]} : vector<8x512xi32> to vector<8x128xi32>
    %slice3A_1210 = vector.extract_strided_slice %add3A_1205 {offsets = [0, 384], sizes = [8, 128], strides = [1, 1]} : vector<8x512xi32> to vector<8x128xi32>
    %add3A_1211 = arith.addi %slice3A_1209, %slice3A_1210 : vector<8x128xi32>
    %add3A_1212 = arith.addi %add3A_1208, %add3A_1211 : vector<8x128xi32>
    %get3A_1213 = arith.constant 0 : index
    %get3A_1214 = arith.constant 11 : index
    %get3A_1215 = arith.constant 0 : index
    %get3A_1216 = arith.constant 0 : index
    %get3A_1217 = vector.load %arg3[%get3A_1213, %get3A_1214, %get3A_1215, %get3A_1216] : memref<1x24x8x128xi32, #tpu.memory_space<vmem>>, vector<1x1x8x128xi32>
    %get3A_1218 = vector.shape_cast %get3A_1217 : vector<1x1x8x128xi32> to vector<8x128xi32>
    %add3A_1219 = arith.addi %get3A_1218, %add3A_1212 : vector<8x128xi32>
    %swap3A_1220 = arith.constant 0 : index
    %swap3A_1221 = arith.constant 11 : index
    %swap3A_1222 = arith.constant 0 : index
    %swap3A_1223 = arith.constant 0 : index
    %swap3A_1224 = vector.load %arg3[%swap3A_1220, %swap3A_1221, %swap3A_1222, %swap3A_1223] : memref<1x24x8x128xi32, #tpu.memory_space<vmem>>, vector<1x1x8x128xi32>
    %swap3A_1225 = vector.shape_cast %swap3A_1224 : vector<1x1x8x128xi32> to vector<8x128xi32>
    %swap3A_1226 = vector.shape_cast %add3A_1219 : vector<8x128xi32> to vector<1x1x8x128xi32>
    tpu.vector_store %arg3[%swap3A_1220, %swap3A_1221, %swap3A_1222, %swap3A_1223], %swap3A_1226 {strides = array<i32>} : memref<1x24x8x128xi32, #tpu.memory_space<vmem>>, vector<1x1x8x128xi32>,
    %eq3A_1227 = arith.constant 12 : i32
    %eq3A_1228 = vector.broadcast %eq3A_1227 : i32 to vector<224x512xi32>
    %eq3A_1229 = arith.cmpi eq, %get3A_14, %eq3A_1228 : vector<224x512xi32>
    %jit3A_1230 = arith.constant 0 : i32
    %broadcast_in_dim3A_1231 = vector.broadcast %jit3A_1230 : i32 to vector<224x512xi32>
    %select_n3A_1232 = arith.select %eq3A_1229, %select_n3A_244, %broadcast_in_dim3A_1231 : vector<224x512xi1>, vector<224x512xi32>
    %slice3A_1233 = vector.extract_strided_slice %select_n3A_1232 {offsets = [0, 0], sizes = [8, 512], strides = [1, 1]} : vector<224x512xi32> to vector<8x512xi32>
    %slice3A_1234 = vector.extract_strided_slice %select_n3A_1232 {offsets = [8, 0], sizes = [8, 512], strides = [1, 1]} : vector<224x512xi32> to vector<8x512xi32>
    %add3A_1235 = arith.addi %slice3A_1233, %slice3A_1234 : vector<8x512xi32>
    %slice3A_1236 = vector.extract_strided_slice %select_n3A_1232 {offsets = [16, 0], sizes = [8, 512], strides = [1, 1]} : vector<224x512xi32> to vector<8x512xi32>
    %add3A_1237 = arith.addi %add3A_1235, %slice3A_1236 : vector<8x512xi32>
    %slice3A_1238 = vector.extract_strided_slice %select_n3A_1232 {offsets = [24, 0], sizes = [8, 512], strides = [1, 1]} : vector<224x512xi32> to vector<8x512xi32>
    %add3A_1239 = arith.addi %add3A_1237, %slice3A_1238 : vector<8x512xi32>
    %slice3A_1240 = vector.extract_strided_slice %select_n3A_1232 {offsets = [32, 0], sizes = [8, 512], strides = [1, 1]} : vector<224x512xi32> to vector<8x512xi32>
    %add3A_1241 = arith.addi %add3A_1239, %slice3A_1240 : vector<8x512xi32>
    %slice3A_1242 = vector.extract_strided_slice %select_n3A_1232 {offsets = [40, 0], sizes = [8, 512], strides = [1, 1]} : vector<224x512xi32> to vector<8x512xi32>
    %add3A_1243 = arith.addi %add3A_1241, %slice3A_1242 : vector<8x512xi32>
    %slice3A_1244 = vector.extract_strided_slice %select_n3A_1232 {offsets = [48, 0], sizes = [8, 512], strides = [1, 1]} : vector<224x512xi32> to vector<8x512xi32>
    %add3A_1245 = arith.addi %add3A_1243, %slice3A_1244 : vector<8x512xi32>
    %slice3A_1246 = vector.extract_strided_slice %select_n3A_1232 {offsets = [56, 0], sizes = [8, 512], strides = [1, 1]} : vector<224x512xi32> to vector<8x512xi32>
    %add3A_1247 = arith.addi %add3A_1245, %slice3A_1246 : vector<8x512xi32>
    %slice3A_1248 = vector.extract_strided_slice %select_n3A_1232 {offsets = [64, 0], sizes = [8, 512], strides = [1, 1]} : vector<224x512xi32> to vector<8x512xi32>
    %add3A_1249 = arith.addi %add3A_1247, %slice3A_1248 : vector<8x512xi32>
    %slice3A_1250 = vector.extract_strided_slice %select_n3A_1232 {offsets = [72, 0], sizes = [8, 512], strides = [1, 1]} : vector<224x512xi32> to vector<8x512xi32>
    %add3A_1251 = arith.addi %add3A_1249, %slice3A_1250 : vector<8x512xi32>
    %slice3A_1252 = vector.extract_strided_slice %select_n3A_1232 {offsets = [80, 0], sizes = [8, 512], strides = [1, 1]} : vector<224x512xi32> to vector<8x512xi32>
    %add3A_1253 = arith.addi %add3A_1251, %slice3A_1252 : vector<8x512xi32>
    %slice3A_1254 = vector.extract_strided_slice %select_n3A_1232 {offsets = [88, 0], sizes = [8, 512], strides = [1, 1]} : vector<224x512xi32> to vector<8x512xi32>
    %add3A_1255 = arith.addi %add3A_1253, %slice3A_1254 : vector<8x512xi32>
    %slice3A_1256 = vector.extract_strided_slice %select_n3A_1232 {offsets = [96, 0], sizes = [8, 512], strides = [1, 1]} : vector<224x512xi32> to vector<8x512xi32>
    %add3A_1257 = arith.addi %add3A_1255, %slice3A_1256 : vector<8x512xi32>
    %slice3A_1258 = vector.extract_strided_slice %select_n3A_1232 {offsets = [104, 0], sizes = [8, 512], strides = [1, 1]} : vector<224x512xi32> to vector<8x512xi32>
    %add3A_1259 = arith.addi %add3A_1257, %slice3A_1258 : vector<8x512xi32>
    %slice3A_1260 = vector.extract_strided_slice %select_n3A_1232 {offsets = [112, 0], sizes = [8, 512], strides = [1, 1]} : vector<224x512xi32> to vector<8x512xi32>
    %add3A_1261 = arith.addi %add3A_1259, %slice3A_1260 : vector<8x512xi32>
    %slice3A_1262 = vector.extract_strided_slice %select_n3A_1232 {offsets = [120, 0], sizes = [8, 512], strides = [1, 1]} : vector<224x512xi32> to vector<8x512xi32>
    %add3A_1263 = arith.addi %add3A_1261, %slice3A_1262 : vector<8x512xi32>
    %slice3A_1264 = vector.extract_strided_slice %select_n3A_1232 {offsets = [128, 0], sizes = [8, 512], strides = [1, 1]} : vector<224x512xi32> to vector<8x512xi32>
    %add3A_1265 = arith.addi %add3A_1263, %slice3A_1264 : vector<8x512xi32>
    %slice3A_1266 = vector.extract_strided_slice %select_n3A_1232 {offsets = [136, 0], sizes = [8, 512], strides = [1, 1]} : vector<224x512xi32> to vector<8x512xi32>
    %add3A_1267 = arith.addi %add3A_1265, %slice3A_1266 : vector<8x512xi32>
    %slice3A_1268 = vector.extract_strided_slice %select_n3A_1232 {offsets = [144, 0], sizes = [8, 512], strides = [1, 1]} : vector<224x512xi32> to vector<8x512xi32>
    %add3A_1269 = arith.addi %add3A_1267, %slice3A_1268 : vector<8x512xi32>
    %slice3A_1270 = vector.extract_strided_slice %select_n3A_1232 {offsets = [152, 0], sizes = [8, 512], strides = [1, 1]} : vector<224x512xi32> to vector<8x512xi32>
    %add3A_1271 = arith.addi %add3A_1269, %slice3A_1270 : vector<8x512xi32>
    %slice3A_1272 = vector.extract_strided_slice %select_n3A_1232 {offsets = [160, 0], sizes = [8, 512], strides = [1, 1]} : vector<224x512xi32> to vector<8x512xi32>
    %add3A_1273 = arith.addi %add3A_1271, %slice3A_1272 : vector<8x512xi32>
    %slice3A_1274 = vector.extract_strided_slice %select_n3A_1232 {offsets = [168, 0], sizes = [8, 512], strides = [1, 1]} : vector<224x512xi32> to vector<8x512xi32>
    %add3A_1275 = arith.addi %add3A_1273, %slice3A_1274 : vector<8x512xi32>
    %slice3A_1276 = vector.extract_strided_slice %select_n3A_1232 {offsets = [176, 0], sizes = [8, 512], strides = [1, 1]} : vector<224x512xi32> to vector<8x512xi32>
    %add3A_1277 = arith.addi %add3A_1275, %slice3A_1276 : vector<8x512xi32>
    %slice3A_1278 = vector.extract_strided_slice %select_n3A_1232 {offsets = [184, 0], sizes = [8, 512], strides = [1, 1]} : vector<224x512xi32> to vector<8x512xi32>
    %add3A_1279 = arith.addi %add3A_1277, %slice3A_1278 : vector<8x512xi32>
    %slice3A_1280 = vector.extract_strided_slice %select_n3A_1232 {offsets = [192, 0], sizes = [8, 512], strides = [1, 1]} : vector<224x512xi32> to vector<8x512xi32>
    %add3A_1281 = arith.addi %add3A_1279, %slice3A_1280 : vector<8x512xi32>
    %slice3A_1282 = vector.extract_strided_slice %select_n3A_1232 {offsets = [200, 0], sizes = [8, 512], strides = [1, 1]} : vector<224x512xi32> to vector<8x512xi32>
    %add3A_1283 = arith.addi %add3A_1281, %slice3A_1282 : vector<8x512xi32>
    %slice3A_1284 = vector.extract_strided_slice %select_n3A_1232 {offsets = [208, 0], sizes = [8, 512], strides = [1, 1]} : vector<224x512xi32> to vector<8x512xi32>
    %add3A_1285 = arith.addi %add3A_1283, %slice3A_1284 : vector<8x512xi32>
    %slice3A_1286 = vector.extract_strided_slice %select_n3A_1232 {offsets = [216, 0], sizes = [8, 512], strides = [1, 1]} : vector<224x512xi32> to vector<8x512xi32>
    %add3A_1287 = arith.addi %add3A_1285, %slice3A_1286 : vector<8x512xi32>
    %slice3A_1288 = vector.extract_strided_slice %add3A_1287 {offsets = [0, 0], sizes = [8, 128], strides = [1, 1]} : vector<8x512xi32> to vector<8x128xi32>
    %slice3A_1289 = vector.extract_strided_slice %add3A_1287 {offsets = [0, 128], sizes = [8, 128], strides = [1, 1]} : vector<8x512xi32> to vector<8x128xi32>
    %add3A_1290 = arith.addi %slice3A_1288, %slice3A_1289 : vector<8x128xi32>
    %slice3A_1291 = vector.extract_strided_slice %add3A_1287 {offsets = [0, 256], sizes = [8, 128], strides = [1, 1]} : vector<8x512xi32> to vector<8x128xi32>
    %slice3A_1292 = vector.extract_strided_slice %add3A_1287 {offsets = [0, 384], sizes = [8, 128], strides = [1, 1]} : vector<8x512xi32> to vector<8x128xi32>
    %add3A_1293 = arith.addi %slice3A_1291, %slice3A_1292 : vector<8x128xi32>
    %add3A_1294 = arith.addi %add3A_1290, %add3A_1293 : vector<8x128xi32>
    %get3A_1295 = arith.constant 0 : index
    %get3A_1296 = arith.constant 12 : index
    %get3A_1297 = arith.constant 0 : index
    %get3A_1298 = arith.constant 0 : index
    %get3A_1299 = vector.load %arg3[%get3A_1295, %get3A_1296, %get3A_1297, %get3A_1298] : memref<1x24x8x128xi32, #tpu.memory_space<vmem>>, vector<1x1x8x128xi32>
    %get3A_1300 = vector.shape_cast %get3A_1299 : vector<1x1x8x128xi32> to vector<8x128xi32>
    %add3A_1301 = arith.addi %get3A_1300, %add3A_1294 : vector<8x128xi32>
    %swap3A_1302 = arith.constant 0 : index
    %swap3A_1303 = arith.constant 12 : index
    %swap3A_1304 = arith.constant 0 : index
    %swap3A_1305 = arith.constant 0 : index
    %swap3A_1306 = vector.load %arg3[%swap3A_1302, %swap3A_1303, %swap3A_1304, %swap3A_1305] : memref<1x24x8x128xi32, #tpu.memory_space<vmem>>, vector<1x1x8x128xi32>
    %swap3A_1307 = vector.shape_cast %swap3A_1306 : vector<1x1x8x128xi32> to vector<8x128xi32>
    %swap3A_1308 = vector.shape_cast %add3A_1301 : vector<8x128xi32> to vector<1x1x8x128xi32>
    tpu.vector_store %arg3[%swap3A_1302, %swap3A_1303, %swap3A_1304, %swap3A_1305], %swap3A_1308 {strides = array<i32>} : memref<1x24x8x128xi32, #tpu.memory_space<vmem>>, vector<1x1x8x128xi32>,
    %eq3A_1309 = arith.constant 13 : i32
    %eq3A_1310 = vector.broadcast %eq3A_1309 : i32 to vector<224x512xi32>
    %eq3A_1311 = arith.cmpi eq, %get3A_14, %eq3A_1310 : vector<224x512xi32>
    %jit3A_1312 = arith.constant 0 : i32
    %broadcast_in_dim3A_1313 = vector.broadcast %jit3A_1312 : i32 to vector<224x512xi32>
    %select_n3A_1314 = arith.select %eq3A_1311, %select_n3A_244, %broadcast_in_dim3A_1313 : vector<224x512xi1>, vector<224x512xi32>
    %slice3A_1315 = vector.extract_strided_slice %select_n3A_1314 {offsets = [0, 0], sizes = [8, 512], strides = [1, 1]} : vector<224x512xi32> to vector<8x512xi32>
    %slice3A_1316 = vector.extract_strided_slice %select_n3A_1314 {offsets = [8, 0], sizes = [8, 512], strides = [1, 1]} : vector<224x512xi32> to vector<8x512xi32>
    %add3A_1317 = arith.addi %slice3A_1315, %slice3A_1316 : vector<8x512xi32>
    %slice3A_1318 = vector.extract_strided_slice %select_n3A_1314 {offsets = [16, 0], sizes = [8, 512], strides = [1, 1]} : vector<224x512xi32> to vector<8x512xi32>
    %add3A_1319 = arith.addi %add3A_1317, %slice3A_1318 : vector<8x512xi32>
    %slice3A_1320 = vector.extract_strided_slice %select_n3A_1314 {offsets = [24, 0], sizes = [8, 512], strides = [1, 1]} : vector<224x512xi32> to vector<8x512xi32>
    %add3A_1321 = arith.addi %add3A_1319, %slice3A_1320 : vector<8x512xi32>
    %slice3A_1322 = vector.extract_strided_slice %select_n3A_1314 {offsets = [32, 0], sizes = [8, 512], strides = [1, 1]} : vector<224x512xi32> to vector<8x512xi32>
    %add3A_1323 = arith.addi %add3A_1321, %slice3A_1322 : vector<8x512xi32>
    %slice3A_1324 = vector.extract_strided_slice %select_n3A_1314 {offsets = [40, 0], sizes = [8, 512], strides = [1, 1]} : vector<224x512xi32> to vector<8x512xi32>
    %add3A_1325 = arith.addi %add3A_1323, %slice3A_1324 : vector<8x512xi32>
    %slice3A_1326 = vector.extract_strided_slice %select_n3A_1314 {offsets = [48, 0], sizes = [8, 512], strides = [1, 1]} : vector<224x512xi32> to vector<8x512xi32>
    %add3A_1327 = arith.addi %add3A_1325, %slice3A_1326 : vector<8x512xi32>
    %slice3A_1328 = vector.extract_strided_slice %select_n3A_1314 {offsets = [56, 0], sizes = [8, 512], strides = [1, 1]} : vector<224x512xi32> to vector<8x512xi32>
    %add3A_1329 = arith.addi %add3A_1327, %slice3A_1328 : vector<8x512xi32>
    %slice3A_1330 = vector.extract_strided_slice %select_n3A_1314 {offsets = [64, 0], sizes = [8, 512], strides = [1, 1]} : vector<224x512xi32> to vector<8x512xi32>
    %add3A_1331 = arith.addi %add3A_1329, %slice3A_1330 : vector<8x512xi32>
    %slice3A_1332 = vector.extract_strided_slice %select_n3A_1314 {offsets = [72, 0], sizes = [8, 512], strides = [1, 1]} : vector<224x512xi32> to vector<8x512xi32>
    %add3A_1333 = arith.addi %add3A_1331, %slice3A_1332 : vector<8x512xi32>
    %slice3A_1334 = vector.extract_strided_slice %select_n3A_1314 {offsets = [80, 0], sizes = [8, 512], strides = [1, 1]} : vector<224x512xi32> to vector<8x512xi32>
    %add3A_1335 = arith.addi %add3A_1333, %slice3A_1334 : vector<8x512xi32>
    %slice3A_1336 = vector.extract_strided_slice %select_n3A_1314 {offsets = [88, 0], sizes = [8, 512], strides = [1, 1]} : vector<224x512xi32> to vector<8x512xi32>
    %add3A_1337 = arith.addi %add3A_1335, %slice3A_1336 : vector<8x512xi32>
    %slice3A_1338 = vector.extract_strided_slice %select_n3A_1314 {offsets = [96, 0], sizes = [8, 512], strides = [1, 1]} : vector<224x512xi32> to vector<8x512xi32>
    %add3A_1339 = arith.addi %add3A_1337, %slice3A_1338 : vector<8x512xi32>
    %slice3A_1340 = vector.extract_strided_slice %select_n3A_1314 {offsets = [104, 0], sizes = [8, 512], strides = [1, 1]} : vector<224x512xi32> to vector<8x512xi32>
    %add3A_1341 = arith.addi %add3A_1339, %slice3A_1340 : vector<8x512xi32>
    %slice3A_1342 = vector.extract_strided_slice %select_n3A_1314 {offsets = [112, 0], sizes = [8, 512], strides = [1, 1]} : vector<224x512xi32> to vector<8x512xi32>
    %add3A_1343 = arith.addi %add3A_1341, %slice3A_1342 : vector<8x512xi32>
    %slice3A_1344 = vector.extract_strided_slice %select_n3A_1314 {offsets = [120, 0], sizes = [8, 512], strides = [1, 1]} : vector<224x512xi32> to vector<8x512xi32>
    %add3A_1345 = arith.addi %add3A_1343, %slice3A_1344 : vector<8x512xi32>
    %slice3A_1346 = vector.extract_strided_slice %select_n3A_1314 {offsets = [128, 0], sizes = [8, 512], strides = [1, 1]} : vector<224x512xi32> to vector<8x512xi32>
    %add3A_1347 = arith.addi %add3A_1345, %slice3A_1346 : vector<8x512xi32>
    %slice3A_1348 = vector.extract_strided_slice %select_n3A_1314 {offsets = [136, 0], sizes = [8, 512], strides = [1, 1]} : vector<224x512xi32> to vector<8x512xi32>
    %add3A_1349 = arith.addi %add3A_1347, %slice3A_1348 : vector<8x512xi32>
    %slice3A_1350 = vector.extract_strided_slice %select_n3A_1314 {offsets = [144, 0], sizes = [8, 512], strides = [1, 1]} : vector<224x512xi32> to vector<8x512xi32>
    %add3A_1351 = arith.addi %add3A_1349, %slice3A_1350 : vector<8x512xi32>
    %slice3A_1352 = vector.extract_strided_slice %select_n3A_1314 {offsets = [152, 0], sizes = [8, 512], strides = [1, 1]} : vector<224x512xi32> to vector<8x512xi32>
    %add3A_1353 = arith.addi %add3A_1351, %slice3A_1352 : vector<8x512xi32>
    %slice3A_1354 = vector.extract_strided_slice %select_n3A_1314 {offsets = [160, 0], sizes = [8, 512], strides = [1, 1]} : vector<224x512xi32> to vector<8x512xi32>
    %add3A_1355 = arith.addi %add3A_1353, %slice3A_1354 : vector<8x512xi32>
    %slice3A_1356 = vector.extract_strided_slice %select_n3A_1314 {offsets = [168, 0], sizes = [8, 512], strides = [1, 1]} : vector<224x512xi32> to vector<8x512xi32>
    %add3A_1357 = arith.addi %add3A_1355, %slice3A_1356 : vector<8x512xi32>
    %slice3A_1358 = vector.extract_strided_slice %select_n3A_1314 {offsets = [176, 0], sizes = [8, 512], strides = [1, 1]} : vector<224x512xi32> to vector<8x512xi32>
    %add3A_1359 = arith.addi %add3A_1357, %slice3A_1358 : vector<8x512xi32>
    %slice3A_1360 = vector.extract_strided_slice %select_n3A_1314 {offsets = [184, 0], sizes = [8, 512], strides = [1, 1]} : vector<224x512xi32> to vector<8x512xi32>
    %add3A_1361 = arith.addi %add3A_1359, %slice3A_1360 : vector<8x512xi32>
    %slice3A_1362 = vector.extract_strided_slice %select_n3A_1314 {offsets = [192, 0], sizes = [8, 512], strides = [1, 1]} : vector<224x512xi32> to vector<8x512xi32>
    %add3A_1363 = arith.addi %add3A_1361, %slice3A_1362 : vector<8x512xi32>
    %slice3A_1364 = vector.extract_strided_slice %select_n3A_1314 {offsets = [200, 0], sizes = [8, 512], strides = [1, 1]} : vector<224x512xi32> to vector<8x512xi32>
    %add3A_1365 = arith.addi %add3A_1363, %slice3A_1364 : vector<8x512xi32>
    %slice3A_1366 = vector.extract_strided_slice %select_n3A_1314 {offsets = [208, 0], sizes = [8, 512], strides = [1, 1]} : vector<224x512xi32> to vector<8x512xi32>
    %add3A_1367 = arith.addi %add3A_1365, %slice3A_1366 : vector<8x512xi32>
    %slice3A_1368 = vector.extract_strided_slice %select_n3A_1314 {offsets = [216, 0], sizes = [8, 512], strides = [1, 1]} : vector<224x512xi32> to vector<8x512xi32>
    %add3A_1369 = arith.addi %add3A_1367, %slice3A_1368 : vector<8x512xi32>
    %slice3A_1370 = vector.extract_strided_slice %add3A_1369 {offsets = [0, 0], sizes = [8, 128], strides = [1, 1]} : vector<8x512xi32> to vector<8x128xi32>
    %slice3A_1371 = vector.extract_strided_slice %add3A_1369 {offsets = [0, 128], sizes = [8, 128], strides = [1, 1]} : vector<8x512xi32> to vector<8x128xi32>
    %add3A_1372 = arith.addi %slice3A_1370, %slice3A_1371 : vector<8x128xi32>
    %slice3A_1373 = vector.extract_strided_slice %add3A_1369 {offsets = [0, 256], sizes = [8, 128], strides = [1, 1]} : vector<8x512xi32> to vector<8x128xi32>
    %slice3A_1374 = vector.extract_strided_slice %add3A_1369 {offsets = [0, 384], sizes = [8, 128], strides = [1, 1]} : vector<8x512xi32> to vector<8x128xi32>
    %add3A_1375 = arith.addi %slice3A_1373, %slice3A_1374 : vector<8x128xi32>
    %add3A_1376 = arith.addi %add3A_1372, %add3A_1375 : vector<8x128xi32>
    %get3A_1377 = arith.constant 0 : index
    %get3A_1378 = arith.constant 13 : index
    %get3A_1379 = arith.constant 0 : index
    %get3A_1380 = arith.constant 0 : index
    %get3A_1381 = vector.load %arg3[%get3A_1377, %get3A_1378, %get3A_1379, %get3A_1380] : memref<1x24x8x128xi32, #tpu.memory_space<vmem>>, vector<1x1x8x128xi32>
    %get3A_1382 = vector.shape_cast %get3A_1381 : vector<1x1x8x128xi32> to vector<8x128xi32>
    %add3A_1383 = arith.addi %get3A_1382, %add3A_1376 : vector<8x128xi32>
    %swap3A_1384 = arith.constant 0 : index
    %swap3A_1385 = arith.constant 13 : index
    %swap3A_1386 = arith.constant 0 : index
    %swap3A_1387 = arith.constant 0 : index
    %swap3A_1388 = vector.load %arg3[%swap3A_1384, %swap3A_1385, %swap3A_1386, %swap3A_1387] : memref<1x24x8x128xi32, #tpu.memory_space<vmem>>, vector<1x1x8x128xi32>
    %swap3A_1389 = vector.shape_cast %swap3A_1388 : vector<1x1x8x128xi32> to vector<8x128xi32>
    %swap3A_1390 = vector.shape_cast %add3A_1383 : vector<8x128xi32> to vector<1x1x8x128xi32>
    tpu.vector_store %arg3[%swap3A_1384, %swap3A_1385, %swap3A_1386, %swap3A_1387], %swap3A_1390 {strides = array<i32>} : memref<1x24x8x128xi32, #tpu.memory_space<vmem>>, vector<1x1x8x128xi32>,
    %eq3A_1391 = arith.constant 14 : i32
    %eq3A_1392 = vector.broadcast %eq3A_1391 : i32 to vector<224x512xi32>
    %eq3A_1393 = arith.cmpi eq, %get3A_14, %eq3A_1392 : vector<224x512xi32>
    %jit3A_1394 = arith.constant 0 : i32
    %broadcast_in_dim3A_1395 = vector.broadcast %jit3A_1394 : i32 to vector<224x512xi32>
    %select_n3A_1396 = arith.select %eq3A_1393, %select_n3A_244, %broadcast_in_dim3A_1395 : vector<224x512xi1>, vector<224x512xi32>
    %slice3A_1397 = vector.extract_strided_slice %select_n3A_1396 {offsets = [0, 0], sizes = [8, 512], strides = [1, 1]} : vector<224x512xi32> to vector<8x512xi32>
    %slice3A_1398 = vector.extract_strided_slice %select_n3A_1396 {offsets = [8, 0], sizes = [8, 512], strides = [1, 1]} : vector<224x512xi32> to vector<8x512xi32>
    %add3A_1399 = arith.addi %slice3A_1397, %slice3A_1398 : vector<8x512xi32>
    %slice3A_1400 = vector.extract_strided_slice %select_n3A_1396 {offsets = [16, 0], sizes = [8, 512], strides = [1, 1]} : vector<224x512xi32> to vector<8x512xi32>
    %add3A_1401 = arith.addi %add3A_1399, %slice3A_1400 : vector<8x512xi32>
    %slice3A_1402 = vector.extract_strided_slice %select_n3A_1396 {offsets = [24, 0], sizes = [8, 512], strides = [1, 1]} : vector<224x512xi32> to vector<8x512xi32>
    %add3A_1403 = arith.addi %add3A_1401, %slice3A_1402 : vector<8x512xi32>
    %slice3A_1404 = vector.extract_strided_slice %select_n3A_1396 {offsets = [32, 0], sizes = [8, 512], strides = [1, 1]} : vector<224x512xi32> to vector<8x512xi32>
    %add3A_1405 = arith.addi %add3A_1403, %slice3A_1404 : vector<8x512xi32>
    %slice3A_1406 = vector.extract_strided_slice %select_n3A_1396 {offsets = [40, 0], sizes = [8, 512], strides = [1, 1]} : vector<224x512xi32> to vector<8x512xi32>
    %add3A_1407 = arith.addi %add3A_1405, %slice3A_1406 : vector<8x512xi32>
    %slice3A_1408 = vector.extract_strided_slice %select_n3A_1396 {offsets = [48, 0], sizes = [8, 512], strides = [1, 1]} : vector<224x512xi32> to vector<8x512xi32>
    %add3A_1409 = arith.addi %add3A_1407, %slice3A_1408 : vector<8x512xi32>
    %slice3A_1410 = vector.extract_strided_slice %select_n3A_1396 {offsets = [56, 0], sizes = [8, 512], strides = [1, 1]} : vector<224x512xi32> to vector<8x512xi32>
    %add3A_1411 = arith.addi %add3A_1409, %slice3A_1410 : vector<8x512xi32>
    %slice3A_1412 = vector.extract_strided_slice %select_n3A_1396 {offsets = [64, 0], sizes = [8, 512], strides = [1, 1]} : vector<224x512xi32> to vector<8x512xi32>
    %add3A_1413 = arith.addi %add3A_1411, %slice3A_1412 : vector<8x512xi32>
    %slice3A_1414 = vector.extract_strided_slice %select_n3A_1396 {offsets = [72, 0], sizes = [8, 512], strides = [1, 1]} : vector<224x512xi32> to vector<8x512xi32>
    %add3A_1415 = arith.addi %add3A_1413, %slice3A_1414 : vector<8x512xi32>
    %slice3A_1416 = vector.extract_strided_slice %select_n3A_1396 {offsets = [80, 0], sizes = [8, 512], strides = [1, 1]} : vector<224x512xi32> to vector<8x512xi32>
    %add3A_1417 = arith.addi %add3A_1415, %slice3A_1416 : vector<8x512xi32>
    %slice3A_1418 = vector.extract_strided_slice %select_n3A_1396 {offsets = [88, 0], sizes = [8, 512], strides = [1, 1]} : vector<224x512xi32> to vector<8x512xi32>
    %add3A_1419 = arith.addi %add3A_1417, %slice3A_1418 : vector<8x512xi32>
    %slice3A_1420 = vector.extract_strided_slice %select_n3A_1396 {offsets = [96, 0], sizes = [8, 512], strides = [1, 1]} : vector<224x512xi32> to vector<8x512xi32>
    %add3A_1421 = arith.addi %add3A_1419, %slice3A_1420 : vector<8x512xi32>
    %slice3A_1422 = vector.extract_strided_slice %select_n3A_1396 {offsets = [104, 0], sizes = [8, 512], strides = [1, 1]} : vector<224x512xi32> to vector<8x512xi32>
    %add3A_1423 = arith.addi %add3A_1421, %slice3A_1422 : vector<8x512xi32>
    %slice3A_1424 = vector.extract_strided_slice %select_n3A_1396 {offsets = [112, 0], sizes = [8, 512], strides = [1, 1]} : vector<224x512xi32> to vector<8x512xi32>
    %add3A_1425 = arith.addi %add3A_1423, %slice3A_1424 : vector<8x512xi32>
    %slice3A_1426 = vector.extract_strided_slice %select_n3A_1396 {offsets = [120, 0], sizes = [8, 512], strides = [1, 1]} : vector<224x512xi32> to vector<8x512xi32>
    %add3A_1427 = arith.addi %add3A_1425, %slice3A_1426 : vector<8x512xi32>
    %slice3A_1428 = vector.extract_strided_slice %select_n3A_1396 {offsets = [128, 0], sizes = [8, 512], strides = [1, 1]} : vector<224x512xi32> to vector<8x512xi32>
    %add3A_1429 = arith.addi %add3A_1427, %slice3A_1428 : vector<8x512xi32>
    %slice3A_1430 = vector.extract_strided_slice %select_n3A_1396 {offsets = [136, 0], sizes = [8, 512], strides = [1, 1]} : vector<224x512xi32> to vector<8x512xi32>
    %add3A_1431 = arith.addi %add3A_1429, %slice3A_1430 : vector<8x512xi32>
    %slice3A_1432 = vector.extract_strided_slice %select_n3A_1396 {offsets = [144, 0], sizes = [8, 512], strides = [1, 1]} : vector<224x512xi32> to vector<8x512xi32>
    %add3A_1433 = arith.addi %add3A_1431, %slice3A_1432 : vector<8x512xi32>
    %slice3A_1434 = vector.extract_strided_slice %select_n3A_1396 {offsets = [152, 0], sizes = [8, 512], strides = [1, 1]} : vector<224x512xi32> to vector<8x512xi32>
    %add3A_1435 = arith.addi %add3A_1433, %slice3A_1434 : vector<8x512xi32>
    %slice3A_1436 = vector.extract_strided_slice %select_n3A_1396 {offsets = [160, 0], sizes = [8, 512], strides = [1, 1]} : vector<224x512xi32> to vector<8x512xi32>
    %add3A_1437 = arith.addi %add3A_1435, %slice3A_1436 : vector<8x512xi32>
    %slice3A_1438 = vector.extract_strided_slice %select_n3A_1396 {offsets = [168, 0], sizes = [8, 512], strides = [1, 1]} : vector<224x512xi32> to vector<8x512xi32>
    %add3A_1439 = arith.addi %add3A_1437, %slice3A_1438 : vector<8x512xi32>
    %slice3A_1440 = vector.extract_strided_slice %select_n3A_1396 {offsets = [176, 0], sizes = [8, 512], strides = [1, 1]} : vector<224x512xi32> to vector<8x512xi32>
    %add3A_1441 = arith.addi %add3A_1439, %slice3A_1440 : vector<8x512xi32>
    %slice3A_1442 = vector.extract_strided_slice %select_n3A_1396 {offsets = [184, 0], sizes = [8, 512], strides = [1, 1]} : vector<224x512xi32> to vector<8x512xi32>
    %add3A_1443 = arith.addi %add3A_1441, %slice3A_1442 : vector<8x512xi32>
    %slice3A_1444 = vector.extract_strided_slice %select_n3A_1396 {offsets = [192, 0], sizes = [8, 512], strides = [1, 1]} : vector<224x512xi32> to vector<8x512xi32>
    %add3A_1445 = arith.addi %add3A_1443, %slice3A_1444 : vector<8x512xi32>
    %slice3A_1446 = vector.extract_strided_slice %select_n3A_1396 {offsets = [200, 0], sizes = [8, 512], strides = [1, 1]} : vector<224x512xi32> to vector<8x512xi32>
    %add3A_1447 = arith.addi %add3A_1445, %slice3A_1446 : vector<8x512xi32>
    %slice3A_1448 = vector.extract_strided_slice %select_n3A_1396 {offsets = [208, 0], sizes = [8, 512], strides = [1, 1]} : vector<224x512xi32> to vector<8x512xi32>
    %add3A_1449 = arith.addi %add3A_1447, %slice3A_1448 : vector<8x512xi32>
    %slice3A_1450 = vector.extract_strided_slice %select_n3A_1396 {offsets = [216, 0], sizes = [8, 512], strides = [1, 1]} : vector<224x512xi32> to vector<8x512xi32>
    %add3A_1451 = arith.addi %add3A_1449, %slice3A_1450 : vector<8x512xi32>
    %slice3A_1452 = vector.extract_strided_slice %add3A_1451 {offsets = [0, 0], sizes = [8, 128], strides = [1, 1]} : vector<8x512xi32> to vector<8x128xi32>
    %slice3A_1453 = vector.extract_strided_slice %add3A_1451 {offsets = [0, 128], sizes = [8, 128], strides = [1, 1]} : vector<8x512xi32> to vector<8x128xi32>
    %add3A_1454 = arith.addi %slice3A_1452, %slice3A_1453 : vector<8x128xi32>
    %slice3A_1455 = vector.extract_strided_slice %add3A_1451 {offsets = [0, 256], sizes = [8, 128], strides = [1, 1]} : vector<8x512xi32> to vector<8x128xi32>
    %slice3A_1456 = vector.extract_strided_slice %add3A_1451 {offsets = [0, 384], sizes = [8, 128], strides = [1, 1]} : vector<8x512xi32> to vector<8x128xi32>
    %add3A_1457 = arith.addi %slice3A_1455, %slice3A_1456 : vector<8x128xi32>
    %add3A_1458 = arith.addi %add3A_1454, %add3A_1457 : vector<8x128xi32>
    %get3A_1459 = arith.constant 0 : index
    %get3A_1460 = arith.constant 14 : index
    %get3A_1461 = arith.constant 0 : index
    %get3A_1462 = arith.constant 0 : index
    %get3A_1463 = vector.load %arg3[%get3A_1459, %get3A_1460, %get3A_1461, %get3A_1462] : memref<1x24x8x128xi32, #tpu.memory_space<vmem>>, vector<1x1x8x128xi32>
    %get3A_1464 = vector.shape_cast %get3A_1463 : vector<1x1x8x128xi32> to vector<8x128xi32>
    %add3A_1465 = arith.addi %get3A_1464, %add3A_1458 : vector<8x128xi32>
    %swap3A_1466 = arith.constant 0 : index
    %swap3A_1467 = arith.constant 14 : index
    %swap3A_1468 = arith.constant 0 : index
    %swap3A_1469 = arith.constant 0 : index
    %swap3A_1470 = vector.load %arg3[%swap3A_1466, %swap3A_1467, %swap3A_1468, %swap3A_1469] : memref<1x24x8x128xi32, #tpu.memory_space<vmem>>, vector<1x1x8x128xi32>
    %swap3A_1471 = vector.shape_cast %swap3A_1470 : vector<1x1x8x128xi32> to vector<8x128xi32>
    %swap3A_1472 = vector.shape_cast %add3A_1465 : vector<8x128xi32> to vector<1x1x8x128xi32>
    tpu.vector_store %arg3[%swap3A_1466, %swap3A_1467, %swap3A_1468, %swap3A_1469], %swap3A_1472 {strides = array<i32>} : memref<1x24x8x128xi32, #tpu.memory_space<vmem>>, vector<1x1x8x128xi32>,
    %eq3A_1473 = arith.constant 15 : i32
    %eq3A_1474 = vector.broadcast %eq3A_1473 : i32 to vector<224x512xi32>
    %eq3A_1475 = arith.cmpi eq, %get3A_14, %eq3A_1474 : vector<224x512xi32>
    %jit3A_1476 = arith.constant 0 : i32
    %broadcast_in_dim3A_1477 = vector.broadcast %jit3A_1476 : i32 to vector<224x512xi32>
    %select_n3A_1478 = arith.select %eq3A_1475, %select_n3A_244, %broadcast_in_dim3A_1477 : vector<224x512xi1>, vector<224x512xi32>
    %slice3A_1479 = vector.extract_strided_slice %select_n3A_1478 {offsets = [0, 0], sizes = [8, 512], strides = [1, 1]} : vector<224x512xi32> to vector<8x512xi32>
    %slice3A_1480 = vector.extract_strided_slice %select_n3A_1478 {offsets = [8, 0], sizes = [8, 512], strides = [1, 1]} : vector<224x512xi32> to vector<8x512xi32>
    %add3A_1481 = arith.addi %slice3A_1479, %slice3A_1480 : vector<8x512xi32>
    %slice3A_1482 = vector.extract_strided_slice %select_n3A_1478 {offsets = [16, 0], sizes = [8, 512], strides = [1, 1]} : vector<224x512xi32> to vector<8x512xi32>
    %add3A_1483 = arith.addi %add3A_1481, %slice3A_1482 : vector<8x512xi32>
    %slice3A_1484 = vector.extract_strided_slice %select_n3A_1478 {offsets = [24, 0], sizes = [8, 512], strides = [1, 1]} : vector<224x512xi32> to vector<8x512xi32>
    %add3A_1485 = arith.addi %add3A_1483, %slice3A_1484 : vector<8x512xi32>
    %slice3A_1486 = vector.extract_strided_slice %select_n3A_1478 {offsets = [32, 0], sizes = [8, 512], strides = [1, 1]} : vector<224x512xi32> to vector<8x512xi32>
    %add3A_1487 = arith.addi %add3A_1485, %slice3A_1486 : vector<8x512xi32>
    %slice3A_1488 = vector.extract_strided_slice %select_n3A_1478 {offsets = [40, 0], sizes = [8, 512], strides = [1, 1]} : vector<224x512xi32> to vector<8x512xi32>
    %add3A_1489 = arith.addi %add3A_1487, %slice3A_1488 : vector<8x512xi32>
    %slice3A_1490 = vector.extract_strided_slice %select_n3A_1478 {offsets = [48, 0], sizes = [8, 512], strides = [1, 1]} : vector<224x512xi32> to vector<8x512xi32>
    %add3A_1491 = arith.addi %add3A_1489, %slice3A_1490 : vector<8x512xi32>
    %slice3A_1492 = vector.extract_strided_slice %select_n3A_1478 {offsets = [56, 0], sizes = [8, 512], strides = [1, 1]} : vector<224x512xi32> to vector<8x512xi32>
    %add3A_1493 = arith.addi %add3A_1491, %slice3A_1492 : vector<8x512xi32>
    %slice3A_1494 = vector.extract_strided_slice %select_n3A_1478 {offsets = [64, 0], sizes = [8, 512], strides = [1, 1]} : vector<224x512xi32> to vector<8x512xi32>
    %add3A_1495 = arith.addi %add3A_1493, %slice3A_1494 : vector<8x512xi32>
    %slice3A_1496 = vector.extract_strided_slice %select_n3A_1478 {offsets = [72, 0], sizes = [8, 512], strides = [1, 1]} : vector<224x512xi32> to vector<8x512xi32>
    %add3A_1497 = arith.addi %add3A_1495, %slice3A_1496 : vector<8x512xi32>
    %slice3A_1498 = vector.extract_strided_slice %select_n3A_1478 {offsets = [80, 0], sizes = [8, 512], strides = [1, 1]} : vector<224x512xi32> to vector<8x512xi32>
    %add3A_1499 = arith.addi %add3A_1497, %slice3A_1498 : vector<8x512xi32>
    %slice3A_1500 = vector.extract_strided_slice %select_n3A_1478 {offsets = [88, 0], sizes = [8, 512], strides = [1, 1]} : vector<224x512xi32> to vector<8x512xi32>
    %add3A_1501 = arith.addi %add3A_1499, %slice3A_1500 : vector<8x512xi32>
    %slice3A_1502 = vector.extract_strided_slice %select_n3A_1478 {offsets = [96, 0], sizes = [8, 512], strides = [1, 1]} : vector<224x512xi32> to vector<8x512xi32>
    %add3A_1503 = arith.addi %add3A_1501, %slice3A_1502 : vector<8x512xi32>
    %slice3A_1504 = vector.extract_strided_slice %select_n3A_1478 {offsets = [104, 0], sizes = [8, 512], strides = [1, 1]} : vector<224x512xi32> to vector<8x512xi32>
    %add3A_1505 = arith.addi %add3A_1503, %slice3A_1504 : vector<8x512xi32>
    %slice3A_1506 = vector.extract_strided_slice %select_n3A_1478 {offsets = [112, 0], sizes = [8, 512], strides = [1, 1]} : vector<224x512xi32> to vector<8x512xi32>
    %add3A_1507 = arith.addi %add3A_1505, %slice3A_1506 : vector<8x512xi32>
    %slice3A_1508 = vector.extract_strided_slice %select_n3A_1478 {offsets = [120, 0], sizes = [8, 512], strides = [1, 1]} : vector<224x512xi32> to vector<8x512xi32>
    %add3A_1509 = arith.addi %add3A_1507, %slice3A_1508 : vector<8x512xi32>
    %slice3A_1510 = vector.extract_strided_slice %select_n3A_1478 {offsets = [128, 0], sizes = [8, 512], strides = [1, 1]} : vector<224x512xi32> to vector<8x512xi32>
    %add3A_1511 = arith.addi %add3A_1509, %slice3A_1510 : vector<8x512xi32>
    %slice3A_1512 = vector.extract_strided_slice %select_n3A_1478 {offsets = [136, 0], sizes = [8, 512], strides = [1, 1]} : vector<224x512xi32> to vector<8x512xi32>
    %add3A_1513 = arith.addi %add3A_1511, %slice3A_1512 : vector<8x512xi32>
    %slice3A_1514 = vector.extract_strided_slice %select_n3A_1478 {offsets = [144, 0], sizes = [8, 512], strides = [1, 1]} : vector<224x512xi32> to vector<8x512xi32>
    %add3A_1515 = arith.addi %add3A_1513, %slice3A_1514 : vector<8x512xi32>
    %slice3A_1516 = vector.extract_strided_slice %select_n3A_1478 {offsets = [152, 0], sizes = [8, 512], strides = [1, 1]} : vector<224x512xi32> to vector<8x512xi32>
    %add3A_1517 = arith.addi %add3A_1515, %slice3A_1516 : vector<8x512xi32>
    %slice3A_1518 = vector.extract_strided_slice %select_n3A_1478 {offsets = [160, 0], sizes = [8, 512], strides = [1, 1]} : vector<224x512xi32> to vector<8x512xi32>
    %add3A_1519 = arith.addi %add3A_1517, %slice3A_1518 : vector<8x512xi32>
    %slice3A_1520 = vector.extract_strided_slice %select_n3A_1478 {offsets = [168, 0], sizes = [8, 512], strides = [1, 1]} : vector<224x512xi32> to vector<8x512xi32>
    %add3A_1521 = arith.addi %add3A_1519, %slice3A_1520 : vector<8x512xi32>
    %slice3A_1522 = vector.extract_strided_slice %select_n3A_1478 {offsets = [176, 0], sizes = [8, 512], strides = [1, 1]} : vector<224x512xi32> to vector<8x512xi32>
    %add3A_1523 = arith.addi %add3A_1521, %slice3A_1522 : vector<8x512xi32>
    %slice3A_1524 = vector.extract_strided_slice %select_n3A_1478 {offsets = [184, 0], sizes = [8, 512], strides = [1, 1]} : vector<224x512xi32> to vector<8x512xi32>
    %add3A_1525 = arith.addi %add3A_1523, %slice3A_1524 : vector<8x512xi32>
    %slice3A_1526 = vector.extract_strided_slice %select_n3A_1478 {offsets = [192, 0], sizes = [8, 512], strides = [1, 1]} : vector<224x512xi32> to vector<8x512xi32>
    %add3A_1527 = arith.addi %add3A_1525, %slice3A_1526 : vector<8x512xi32>
    %slice3A_1528 = vector.extract_strided_slice %select_n3A_1478 {offsets = [200, 0], sizes = [8, 512], strides = [1, 1]} : vector<224x512xi32> to vector<8x512xi32>
    %add3A_1529 = arith.addi %add3A_1527, %slice3A_1528 : vector<8x512xi32>
    %slice3A_1530 = vector.extract_strided_slice %select_n3A_1478 {offsets = [208, 0], sizes = [8, 512], strides = [1, 1]} : vector<224x512xi32> to vector<8x512xi32>
    %add3A_1531 = arith.addi %add3A_1529, %slice3A_1530 : vector<8x512xi32>
    %slice3A_1532 = vector.extract_strided_slice %select_n3A_1478 {offsets = [216, 0], sizes = [8, 512], strides = [1, 1]} : vector<224x512xi32> to vector<8x512xi32>
    %add3A_1533 = arith.addi %add3A_1531, %slice3A_1532 : vector<8x512xi32>
    %slice3A_1534 = vector.extract_strided_slice %add3A_1533 {offsets = [0, 0], sizes = [8, 128], strides = [1, 1]} : vector<8x512xi32> to vector<8x128xi32>
    %slice3A_1535 = vector.extract_strided_slice %add3A_1533 {offsets = [0, 128], sizes = [8, 128], strides = [1, 1]} : vector<8x512xi32> to vector<8x128xi32>
    %add3A_1536 = arith.addi %slice3A_1534, %slice3A_1535 : vector<8x128xi32>
    %slice3A_1537 = vector.extract_strided_slice %add3A_1533 {offsets = [0, 256], sizes = [8, 128], strides = [1, 1]} : vector<8x512xi32> to vector<8x128xi32>
    %slice3A_1538 = vector.extract_strided_slice %add3A_1533 {offsets = [0, 384], sizes = [8, 128], strides = [1, 1]} : vector<8x512xi32> to vector<8x128xi32>
    %add3A_1539 = arith.addi %slice3A_1537, %slice3A_1538 : vector<8x128xi32>
    %add3A_1540 = arith.addi %add3A_1536, %add3A_1539 : vector<8x128xi32>
    %get3A_1541 = arith.constant 0 : index
    %get3A_1542 = arith.constant 15 : index
    %get3A_1543 = arith.constant 0 : index
    %get3A_1544 = arith.constant 0 : index
    %get3A_1545 = vector.load %arg3[%get3A_1541, %get3A_1542, %get3A_1543, %get3A_1544] : memref<1x24x8x128xi32, #tpu.memory_space<vmem>>, vector<1x1x8x128xi32>
    %get3A_1546 = vector.shape_cast %get3A_1545 : vector<1x1x8x128xi32> to vector<8x128xi32>
    %add3A_1547 = arith.addi %get3A_1546, %add3A_1540 : vector<8x128xi32>
    %swap3A_1548 = arith.constant 0 : index
    %swap3A_1549 = arith.constant 15 : index
    %swap3A_1550 = arith.constant 0 : index
    %swap3A_1551 = arith.constant 0 : index
    %swap3A_1552 = vector.load %arg3[%swap3A_1548, %swap3A_1549, %swap3A_1550, %swap3A_1551] : memref<1x24x8x128xi32, #tpu.memory_space<vmem>>, vector<1x1x8x128xi32>
    %swap3A_1553 = vector.shape_cast %swap3A_1552 : vector<1x1x8x128xi32> to vector<8x128xi32>
    %swap3A_1554 = vector.shape_cast %add3A_1547 : vector<8x128xi32> to vector<1x1x8x128xi32>
    tpu.vector_store %arg3[%swap3A_1548, %swap3A_1549, %swap3A_1550, %swap3A_1551], %swap3A_1554 {strides = array<i32>} : memref<1x24x8x128xi32, #tpu.memory_space<vmem>>, vector<1x1x8x128xi32>,
    %eq3A_1555 = arith.constant 16 : i32
    %eq3A_1556 = vector.broadcast %eq3A_1555 : i32 to vector<224x512xi32>
    %eq3A_1557 = arith.cmpi eq, %get3A_14, %eq3A_1556 : vector<224x512xi32>
    %jit3A_1558 = arith.constant 0 : i32
    %broadcast_in_dim3A_1559 = vector.broadcast %jit3A_1558 : i32 to vector<224x512xi32>
    %select_n3A_1560 = arith.select %eq3A_1557, %select_n3A_244, %broadcast_in_dim3A_1559 : vector<224x512xi1>, vector<224x512xi32>
    %slice3A_1561 = vector.extract_strided_slice %select_n3A_1560 {offsets = [0, 0], sizes = [8, 512], strides = [1, 1]} : vector<224x512xi32> to vector<8x512xi32>
    %slice3A_1562 = vector.extract_strided_slice %select_n3A_1560 {offsets = [8, 0], sizes = [8, 512], strides = [1, 1]} : vector<224x512xi32> to vector<8x512xi32>
    %add3A_1563 = arith.addi %slice3A_1561, %slice3A_1562 : vector<8x512xi32>
    %slice3A_1564 = vector.extract_strided_slice %select_n3A_1560 {offsets = [16, 0], sizes = [8, 512], strides = [1, 1]} : vector<224x512xi32> to vector<8x512xi32>
    %add3A_1565 = arith.addi %add3A_1563, %slice3A_1564 : vector<8x512xi32>
    %slice3A_1566 = vector.extract_strided_slice %select_n3A_1560 {offsets = [24, 0], sizes = [8, 512], strides = [1, 1]} : vector<224x512xi32> to vector<8x512xi32>
    %add3A_1567 = arith.addi %add3A_1565, %slice3A_1566 : vector<8x512xi32>
    %slice3A_1568 = vector.extract_strided_slice %select_n3A_1560 {offsets = [32, 0], sizes = [8, 512], strides = [1, 1]} : vector<224x512xi32> to vector<8x512xi32>
    %add3A_1569 = arith.addi %add3A_1567, %slice3A_1568 : vector<8x512xi32>
    %slice3A_1570 = vector.extract_strided_slice %select_n3A_1560 {offsets = [40, 0], sizes = [8, 512], strides = [1, 1]} : vector<224x512xi32> to vector<8x512xi32>
    %add3A_1571 = arith.addi %add3A_1569, %slice3A_1570 : vector<8x512xi32>
    %slice3A_1572 = vector.extract_strided_slice %select_n3A_1560 {offsets = [48, 0], sizes = [8, 512], strides = [1, 1]} : vector<224x512xi32> to vector<8x512xi32>
    %add3A_1573 = arith.addi %add3A_1571, %slice3A_1572 : vector<8x512xi32>
    %slice3A_1574 = vector.extract_strided_slice %select_n3A_1560 {offsets = [56, 0], sizes = [8, 512], strides = [1, 1]} : vector<224x512xi32> to vector<8x512xi32>
    %add3A_1575 = arith.addi %add3A_1573, %slice3A_1574 : vector<8x512xi32>
    %slice3A_1576 = vector.extract_strided_slice %select_n3A_1560 {offsets = [64, 0], sizes = [8, 512], strides = [1, 1]} : vector<224x512xi32> to vector<8x512xi32>
    %add3A_1577 = arith.addi %add3A_1575, %slice3A_1576 : vector<8x512xi32>
    %slice3A_1578 = vector.extract_strided_slice %select_n3A_1560 {offsets = [72, 0], sizes = [8, 512], strides = [1, 1]} : vector<224x512xi32> to vector<8x512xi32>
    %add3A_1579 = arith.addi %add3A_1577, %slice3A_1578 : vector<8x512xi32>
    %slice3A_1580 = vector.extract_strided_slice %select_n3A_1560 {offsets = [80, 0], sizes = [8, 512], strides = [1, 1]} : vector<224x512xi32> to vector<8x512xi32>
    %add3A_1581 = arith.addi %add3A_1579, %slice3A_1580 : vector<8x512xi32>
    %slice3A_1582 = vector.extract_strided_slice %select_n3A_1560 {offsets = [88, 0], sizes = [8, 512], strides = [1, 1]} : vector<224x512xi32> to vector<8x512xi32>
    %add3A_1583 = arith.addi %add3A_1581, %slice3A_1582 : vector<8x512xi32>
    %slice3A_1584 = vector.extract_strided_slice %select_n3A_1560 {offsets = [96, 0], sizes = [8, 512], strides = [1, 1]} : vector<224x512xi32> to vector<8x512xi32>
    %add3A_1585 = arith.addi %add3A_1583, %slice3A_1584 : vector<8x512xi32>
    %slice3A_1586 = vector.extract_strided_slice %select_n3A_1560 {offsets = [104, 0], sizes = [8, 512], strides = [1, 1]} : vector<224x512xi32> to vector<8x512xi32>
    %add3A_1587 = arith.addi %add3A_1585, %slice3A_1586 : vector<8x512xi32>
    %slice3A_1588 = vector.extract_strided_slice %select_n3A_1560 {offsets = [112, 0], sizes = [8, 512], strides = [1, 1]} : vector<224x512xi32> to vector<8x512xi32>
    %add3A_1589 = arith.addi %add3A_1587, %slice3A_1588 : vector<8x512xi32>
    %slice3A_1590 = vector.extract_strided_slice %select_n3A_1560 {offsets = [120, 0], sizes = [8, 512], strides = [1, 1]} : vector<224x512xi32> to vector<8x512xi32>
    %add3A_1591 = arith.addi %add3A_1589, %slice3A_1590 : vector<8x512xi32>
    %slice3A_1592 = vector.extract_strided_slice %select_n3A_1560 {offsets = [128, 0], sizes = [8, 512], strides = [1, 1]} : vector<224x512xi32> to vector<8x512xi32>
    %add3A_1593 = arith.addi %add3A_1591, %slice3A_1592 : vector<8x512xi32>
    %slice3A_1594 = vector.extract_strided_slice %select_n3A_1560 {offsets = [136, 0], sizes = [8, 512], strides = [1, 1]} : vector<224x512xi32> to vector<8x512xi32>
    %add3A_1595 = arith.addi %add3A_1593, %slice3A_1594 : vector<8x512xi32>
    %slice3A_1596 = vector.extract_strided_slice %select_n3A_1560 {offsets = [144, 0], sizes = [8, 512], strides = [1, 1]} : vector<224x512xi32> to vector<8x512xi32>
    %add3A_1597 = arith.addi %add3A_1595, %slice3A_1596 : vector<8x512xi32>
    %slice3A_1598 = vector.extract_strided_slice %select_n3A_1560 {offsets = [152, 0], sizes = [8, 512], strides = [1, 1]} : vector<224x512xi32> to vector<8x512xi32>
    %add3A_1599 = arith.addi %add3A_1597, %slice3A_1598 : vector<8x512xi32>
    %slice3A_1600 = vector.extract_strided_slice %select_n3A_1560 {offsets = [160, 0], sizes = [8, 512], strides = [1, 1]} : vector<224x512xi32> to vector<8x512xi32>
    %add3A_1601 = arith.addi %add3A_1599, %slice3A_1600 : vector<8x512xi32>
    %slice3A_1602 = vector.extract_strided_slice %select_n3A_1560 {offsets = [168, 0], sizes = [8, 512], strides = [1, 1]} : vector<224x512xi32> to vector<8x512xi32>
    %add3A_1603 = arith.addi %add3A_1601, %slice3A_1602 : vector<8x512xi32>
    %slice3A_1604 = vector.extract_strided_slice %select_n3A_1560 {offsets = [176, 0], sizes = [8, 512], strides = [1, 1]} : vector<224x512xi32> to vector<8x512xi32>
    %add3A_1605 = arith.addi %add3A_1603, %slice3A_1604 : vector<8x512xi32>
    %slice3A_1606 = vector.extract_strided_slice %select_n3A_1560 {offsets = [184, 0], sizes = [8, 512], strides = [1, 1]} : vector<224x512xi32> to vector<8x512xi32>
    %add3A_1607 = arith.addi %add3A_1605, %slice3A_1606 : vector<8x512xi32>
    %slice3A_1608 = vector.extract_strided_slice %select_n3A_1560 {offsets = [192, 0], sizes = [8, 512], strides = [1, 1]} : vector<224x512xi32> to vector<8x512xi32>
    %add3A_1609 = arith.addi %add3A_1607, %slice3A_1608 : vector<8x512xi32>
    %slice3A_1610 = vector.extract_strided_slice %select_n3A_1560 {offsets = [200, 0], sizes = [8, 512], strides = [1, 1]} : vector<224x512xi32> to vector<8x512xi32>
    %add3A_1611 = arith.addi %add3A_1609, %slice3A_1610 : vector<8x512xi32>
    %slice3A_1612 = vector.extract_strided_slice %select_n3A_1560 {offsets = [208, 0], sizes = [8, 512], strides = [1, 1]} : vector<224x512xi32> to vector<8x512xi32>
    %add3A_1613 = arith.addi %add3A_1611, %slice3A_1612 : vector<8x512xi32>
    %slice3A_1614 = vector.extract_strided_slice %select_n3A_1560 {offsets = [216, 0], sizes = [8, 512], strides = [1, 1]} : vector<224x512xi32> to vector<8x512xi32>
    %add3A_1615 = arith.addi %add3A_1613, %slice3A_1614 : vector<8x512xi32>
    %slice3A_1616 = vector.extract_strided_slice %add3A_1615 {offsets = [0, 0], sizes = [8, 128], strides = [1, 1]} : vector<8x512xi32> to vector<8x128xi32>
    %slice3A_1617 = vector.extract_strided_slice %add3A_1615 {offsets = [0, 128], sizes = [8, 128], strides = [1, 1]} : vector<8x512xi32> to vector<8x128xi32>
    %add3A_1618 = arith.addi %slice3A_1616, %slice3A_1617 : vector<8x128xi32>
    %slice3A_1619 = vector.extract_strided_slice %add3A_1615 {offsets = [0, 256], sizes = [8, 128], strides = [1, 1]} : vector<8x512xi32> to vector<8x128xi32>
    %slice3A_1620 = vector.extract_strided_slice %add3A_1615 {offsets = [0, 384], sizes = [8, 128], strides = [1, 1]} : vector<8x512xi32> to vector<8x128xi32>
    %add3A_1621 = arith.addi %slice3A_1619, %slice3A_1620 : vector<8x128xi32>
    %add3A_1622 = arith.addi %add3A_1618, %add3A_1621 : vector<8x128xi32>
    %get3A_1623 = arith.constant 0 : index
    %get3A_1624 = arith.constant 16 : index
    %get3A_1625 = arith.constant 0 : index
    %get3A_1626 = arith.constant 0 : index
    %get3A_1627 = vector.load %arg3[%get3A_1623, %get3A_1624, %get3A_1625, %get3A_1626] : memref<1x24x8x128xi32, #tpu.memory_space<vmem>>, vector<1x1x8x128xi32>
    %get3A_1628 = vector.shape_cast %get3A_1627 : vector<1x1x8x128xi32> to vector<8x128xi32>
    %add3A_1629 = arith.addi %get3A_1628, %add3A_1622 : vector<8x128xi32>
    %swap3A_1630 = arith.constant 0 : index
    %swap3A_1631 = arith.constant 16 : index
    %swap3A_1632 = arith.constant 0 : index
    %swap3A_1633 = arith.constant 0 : index
    %swap3A_1634 = vector.load %arg3[%swap3A_1630, %swap3A_1631, %swap3A_1632, %swap3A_1633] : memref<1x24x8x128xi32, #tpu.memory_space<vmem>>, vector<1x1x8x128xi32>
    %swap3A_1635 = vector.shape_cast %swap3A_1634 : vector<1x1x8x128xi32> to vector<8x128xi32>
    %swap3A_1636 = vector.shape_cast %add3A_1629 : vector<8x128xi32> to vector<1x1x8x128xi32>
    tpu.vector_store %arg3[%swap3A_1630, %swap3A_1631, %swap3A_1632, %swap3A_1633], %swap3A_1636 {strides = array<i32>} : memref<1x24x8x128xi32, #tpu.memory_space<vmem>>, vector<1x1x8x128xi32>,
    %eq3A_1637 = arith.constant 17 : i32
    %eq3A_1638 = vector.broadcast %eq3A_1637 : i32 to vector<224x512xi32>
    %eq3A_1639 = arith.cmpi eq, %get3A_14, %eq3A_1638 : vector<224x512xi32>
    %jit3A_1640 = arith.constant 0 : i32
    %broadcast_in_dim3A_1641 = vector.broadcast %jit3A_1640 : i32 to vector<224x512xi32>
    %select_n3A_1642 = arith.select %eq3A_1639, %select_n3A_244, %broadcast_in_dim3A_1641 : vector<224x512xi1>, vector<224x512xi32>
    %slice3A_1643 = vector.extract_strided_slice %select_n3A_1642 {offsets = [0, 0], sizes = [8, 512], strides = [1, 1]} : vector<224x512xi32> to vector<8x512xi32>
    %slice3A_1644 = vector.extract_strided_slice %select_n3A_1642 {offsets = [8, 0], sizes = [8, 512], strides = [1, 1]} : vector<224x512xi32> to vector<8x512xi32>
    %add3A_1645 = arith.addi %slice3A_1643, %slice3A_1644 : vector<8x512xi32>
    %slice3A_1646 = vector.extract_strided_slice %select_n3A_1642 {offsets = [16, 0], sizes = [8, 512], strides = [1, 1]} : vector<224x512xi32> to vector<8x512xi32>
    %add3A_1647 = arith.addi %add3A_1645, %slice3A_1646 : vector<8x512xi32>
    %slice3A_1648 = vector.extract_strided_slice %select_n3A_1642 {offsets = [24, 0], sizes = [8, 512], strides = [1, 1]} : vector<224x512xi32> to vector<8x512xi32>
    %add3A_1649 = arith.addi %add3A_1647, %slice3A_1648 : vector<8x512xi32>
    %slice3A_1650 = vector.extract_strided_slice %select_n3A_1642 {offsets = [32, 0], sizes = [8, 512], strides = [1, 1]} : vector<224x512xi32> to vector<8x512xi32>
    %add3A_1651 = arith.addi %add3A_1649, %slice3A_1650 : vector<8x512xi32>
    %slice3A_1652 = vector.extract_strided_slice %select_n3A_1642 {offsets = [40, 0], sizes = [8, 512], strides = [1, 1]} : vector<224x512xi32> to vector<8x512xi32>
    %add3A_1653 = arith.addi %add3A_1651, %slice3A_1652 : vector<8x512xi32>
    %slice3A_1654 = vector.extract_strided_slice %select_n3A_1642 {offsets = [48, 0], sizes = [8, 512], strides = [1, 1]} : vector<224x512xi32> to vector<8x512xi32>
    %add3A_1655 = arith.addi %add3A_1653, %slice3A_1654 : vector<8x512xi32>
    %slice3A_1656 = vector.extract_strided_slice %select_n3A_1642 {offsets = [56, 0], sizes = [8, 512], strides = [1, 1]} : vector<224x512xi32> to vector<8x512xi32>
    %add3A_1657 = arith.addi %add3A_1655, %slice3A_1656 : vector<8x512xi32>
    %slice3A_1658 = vector.extract_strided_slice %select_n3A_1642 {offsets = [64, 0], sizes = [8, 512], strides = [1, 1]} : vector<224x512xi32> to vector<8x512xi32>
    %add3A_1659 = arith.addi %add3A_1657, %slice3A_1658 : vector<8x512xi32>
    %slice3A_1660 = vector.extract_strided_slice %select_n3A_1642 {offsets = [72, 0], sizes = [8, 512], strides = [1, 1]} : vector<224x512xi32> to vector<8x512xi32>
    %add3A_1661 = arith.addi %add3A_1659, %slice3A_1660 : vector<8x512xi32>
    %slice3A_1662 = vector.extract_strided_slice %select_n3A_1642 {offsets = [80, 0], sizes = [8, 512], strides = [1, 1]} : vector<224x512xi32> to vector<8x512xi32>
    %add3A_1663 = arith.addi %add3A_1661, %slice3A_1662 : vector<8x512xi32>
    %slice3A_1664 = vector.extract_strided_slice %select_n3A_1642 {offsets = [88, 0], sizes = [8, 512], strides = [1, 1]} : vector<224x512xi32> to vector<8x512xi32>
    %add3A_1665 = arith.addi %add3A_1663, %slice3A_1664 : vector<8x512xi32>
    %slice3A_1666 = vector.extract_strided_slice %select_n3A_1642 {offsets = [96, 0], sizes = [8, 512], strides = [1, 1]} : vector<224x512xi32> to vector<8x512xi32>
    %add3A_1667 = arith.addi %add3A_1665, %slice3A_1666 : vector<8x512xi32>
    %slice3A_1668 = vector.extract_strided_slice %select_n3A_1642 {offsets = [104, 0], sizes = [8, 512], strides = [1, 1]} : vector<224x512xi32> to vector<8x512xi32>
    %add3A_1669 = arith.addi %add3A_1667, %slice3A_1668 : vector<8x512xi32>
    %slice3A_1670 = vector.extract_strided_slice %select_n3A_1642 {offsets = [112, 0], sizes = [8, 512], strides = [1, 1]} : vector<224x512xi32> to vector<8x512xi32>
    %add3A_1671 = arith.addi %add3A_1669, %slice3A_1670 : vector<8x512xi32>
    %slice3A_1672 = vector.extract_strided_slice %select_n3A_1642 {offsets = [120, 0], sizes = [8, 512], strides = [1, 1]} : vector<224x512xi32> to vector<8x512xi32>
    %add3A_1673 = arith.addi %add3A_1671, %slice3A_1672 : vector<8x512xi32>
    %slice3A_1674 = vector.extract_strided_slice %select_n3A_1642 {offsets = [128, 0], sizes = [8, 512], strides = [1, 1]} : vector<224x512xi32> to vector<8x512xi32>
    %add3A_1675 = arith.addi %add3A_1673, %slice3A_1674 : vector<8x512xi32>
    %slice3A_1676 = vector.extract_strided_slice %select_n3A_1642 {offsets = [136, 0], sizes = [8, 512], strides = [1, 1]} : vector<224x512xi32> to vector<8x512xi32>
    %add3A_1677 = arith.addi %add3A_1675, %slice3A_1676 : vector<8x512xi32>
    %slice3A_1678 = vector.extract_strided_slice %select_n3A_1642 {offsets = [144, 0], sizes = [8, 512], strides = [1, 1]} : vector<224x512xi32> to vector<8x512xi32>
    %add3A_1679 = arith.addi %add3A_1677, %slice3A_1678 : vector<8x512xi32>
    %slice3A_1680 = vector.extract_strided_slice %select_n3A_1642 {offsets = [152, 0], sizes = [8, 512], strides = [1, 1]} : vector<224x512xi32> to vector<8x512xi32>
    %add3A_1681 = arith.addi %add3A_1679, %slice3A_1680 : vector<8x512xi32>
    %slice3A_1682 = vector.extract_strided_slice %select_n3A_1642 {offsets = [160, 0], sizes = [8, 512], strides = [1, 1]} : vector<224x512xi32> to vector<8x512xi32>
    %add3A_1683 = arith.addi %add3A_1681, %slice3A_1682 : vector<8x512xi32>
    %slice3A_1684 = vector.extract_strided_slice %select_n3A_1642 {offsets = [168, 0], sizes = [8, 512], strides = [1, 1]} : vector<224x512xi32> to vector<8x512xi32>
    %add3A_1685 = arith.addi %add3A_1683, %slice3A_1684 : vector<8x512xi32>
    %slice3A_1686 = vector.extract_strided_slice %select_n3A_1642 {offsets = [176, 0], sizes = [8, 512], strides = [1, 1]} : vector<224x512xi32> to vector<8x512xi32>
    %add3A_1687 = arith.addi %add3A_1685, %slice3A_1686 : vector<8x512xi32>
    %slice3A_1688 = vector.extract_strided_slice %select_n3A_1642 {offsets = [184, 0], sizes = [8, 512], strides = [1, 1]} : vector<224x512xi32> to vector<8x512xi32>
    %add3A_1689 = arith.addi %add3A_1687, %slice3A_1688 : vector<8x512xi32>
    %slice3A_1690 = vector.extract_strided_slice %select_n3A_1642 {offsets = [192, 0], sizes = [8, 512], strides = [1, 1]} : vector<224x512xi32> to vector<8x512xi32>
    %add3A_1691 = arith.addi %add3A_1689, %slice3A_1690 : vector<8x512xi32>
    %slice3A_1692 = vector.extract_strided_slice %select_n3A_1642 {offsets = [200, 0], sizes = [8, 512], strides = [1, 1]} : vector<224x512xi32> to vector<8x512xi32>
    %add3A_1693 = arith.addi %add3A_1691, %slice3A_1692 : vector<8x512xi32>
    %slice3A_1694 = vector.extract_strided_slice %select_n3A_1642 {offsets = [208, 0], sizes = [8, 512], strides = [1, 1]} : vector<224x512xi32> to vector<8x512xi32>
    %add3A_1695 = arith.addi %add3A_1693, %slice3A_1694 : vector<8x512xi32>
    %slice3A_1696 = vector.extract_strided_slice %select_n3A_1642 {offsets = [216, 0], sizes = [8, 512], strides = [1, 1]} : vector<224x512xi32> to vector<8x512xi32>
    %add3A_1697 = arith.addi %add3A_1695, %slice3A_1696 : vector<8x512xi32>
    %slice3A_1698 = vector.extract_strided_slice %add3A_1697 {offsets = [0, 0], sizes = [8, 128], strides = [1, 1]} : vector<8x512xi32> to vector<8x128xi32>
    %slice3A_1699 = vector.extract_strided_slice %add3A_1697 {offsets = [0, 128], sizes = [8, 128], strides = [1, 1]} : vector<8x512xi32> to vector<8x128xi32>
    %add3A_1700 = arith.addi %slice3A_1698, %slice3A_1699 : vector<8x128xi32>
    %slice3A_1701 = vector.extract_strided_slice %add3A_1697 {offsets = [0, 256], sizes = [8, 128], strides = [1, 1]} : vector<8x512xi32> to vector<8x128xi32>
    %slice3A_1702 = vector.extract_strided_slice %add3A_1697 {offsets = [0, 384], sizes = [8, 128], strides = [1, 1]} : vector<8x512xi32> to vector<8x128xi32>
    %add3A_1703 = arith.addi %slice3A_1701, %slice3A_1702 : vector<8x128xi32>
    %add3A_1704 = arith.addi %add3A_1700, %add3A_1703 : vector<8x128xi32>
    %get3A_1705 = arith.constant 0 : index
    %get3A_1706 = arith.constant 17 : index
    %get3A_1707 = arith.constant 0 : index
    %get3A_1708 = arith.constant 0 : index
    %get3A_1709 = vector.load %arg3[%get3A_1705, %get3A_1706, %get3A_1707, %get3A_1708] : memref<1x24x8x128xi32, #tpu.memory_space<vmem>>, vector<1x1x8x128xi32>
    %get3A_1710 = vector.shape_cast %get3A_1709 : vector<1x1x8x128xi32> to vector<8x128xi32>
    %add3A_1711 = arith.addi %get3A_1710, %add3A_1704 : vector<8x128xi32>
    %swap3A_1712 = arith.constant 0 : index
    %swap3A_1713 = arith.constant 17 : index
    %swap3A_1714 = arith.constant 0 : index
    %swap3A_1715 = arith.constant 0 : index
    %swap3A_1716 = vector.load %arg3[%swap3A_1712, %swap3A_1713, %swap3A_1714, %swap3A_1715] : memref<1x24x8x128xi32, #tpu.memory_space<vmem>>, vector<1x1x8x128xi32>
    %swap3A_1717 = vector.shape_cast %swap3A_1716 : vector<1x1x8x128xi32> to vector<8x128xi32>
    %swap3A_1718 = vector.shape_cast %add3A_1711 : vector<8x128xi32> to vector<1x1x8x128xi32>
    tpu.vector_store %arg3[%swap3A_1712, %swap3A_1713, %swap3A_1714, %swap3A_1715], %swap3A_1718 {strides = array<i32>} : memref<1x24x8x128xi32, #tpu.memory_space<vmem>>, vector<1x1x8x128xi32>,
    %eq3A_1719 = arith.constant 18 : i32
    %eq3A_1720 = vector.broadcast %eq3A_1719 : i32 to vector<224x512xi32>
    %eq3A_1721 = arith.cmpi eq, %get3A_14, %eq3A_1720 : vector<224x512xi32>
    %jit3A_1722 = arith.constant 0 : i32
    %broadcast_in_dim3A_1723 = vector.broadcast %jit3A_1722 : i32 to vector<224x512xi32>
    %select_n3A_1724 = arith.select %eq3A_1721, %select_n3A_244, %broadcast_in_dim3A_1723 : vector<224x512xi1>, vector<224x512xi32>
    %slice3A_1725 = vector.extract_strided_slice %select_n3A_1724 {offsets = [0, 0], sizes = [8, 512], strides = [1, 1]} : vector<224x512xi32> to vector<8x512xi32>
    %slice3A_1726 = vector.extract_strided_slice %select_n3A_1724 {offsets = [8, 0], sizes = [8, 512], strides = [1, 1]} : vector<224x512xi32> to vector<8x512xi32>
    %add3A_1727 = arith.addi %slice3A_1725, %slice3A_1726 : vector<8x512xi32>
    %slice3A_1728 = vector.extract_strided_slice %select_n3A_1724 {offsets = [16, 0], sizes = [8, 512], strides = [1, 1]} : vector<224x512xi32> to vector<8x512xi32>
    %add3A_1729 = arith.addi %add3A_1727, %slice3A_1728 : vector<8x512xi32>
    %slice3A_1730 = vector.extract_strided_slice %select_n3A_1724 {offsets = [24, 0], sizes = [8, 512], strides = [1, 1]} : vector<224x512xi32> to vector<8x512xi32>
    %add3A_1731 = arith.addi %add3A_1729, %slice3A_1730 : vector<8x512xi32>
    %slice3A_1732 = vector.extract_strided_slice %select_n3A_1724 {offsets = [32, 0], sizes = [8, 512], strides = [1, 1]} : vector<224x512xi32> to vector<8x512xi32>
    %add3A_1733 = arith.addi %add3A_1731, %slice3A_1732 : vector<8x512xi32>
    %slice3A_1734 = vector.extract_strided_slice %select_n3A_1724 {offsets = [40, 0], sizes = [8, 512], strides = [1, 1]} : vector<224x512xi32> to vector<8x512xi32>
    %add3A_1735 = arith.addi %add3A_1733, %slice3A_1734 : vector<8x512xi32>
    %slice3A_1736 = vector.extract_strided_slice %select_n3A_1724 {offsets = [48, 0], sizes = [8, 512], strides = [1, 1]} : vector<224x512xi32> to vector<8x512xi32>
    %add3A_1737 = arith.addi %add3A_1735, %slice3A_1736 : vector<8x512xi32>
    %slice3A_1738 = vector.extract_strided_slice %select_n3A_1724 {offsets = [56, 0], sizes = [8, 512], strides = [1, 1]} : vector<224x512xi32> to vector<8x512xi32>
    %add3A_1739 = arith.addi %add3A_1737, %slice3A_1738 : vector<8x512xi32>
    %slice3A_1740 = vector.extract_strided_slice %select_n3A_1724 {offsets = [64, 0], sizes = [8, 512], strides = [1, 1]} : vector<224x512xi32> to vector<8x512xi32>
    %add3A_1741 = arith.addi %add3A_1739, %slice3A_1740 : vector<8x512xi32>
    %slice3A_1742 = vector.extract_strided_slice %select_n3A_1724 {offsets = [72, 0], sizes = [8, 512], strides = [1, 1]} : vector<224x512xi32> to vector<8x512xi32>
    %add3A_1743 = arith.addi %add3A_1741, %slice3A_1742 : vector<8x512xi32>
    %slice3A_1744 = vector.extract_strided_slice %select_n3A_1724 {offsets = [80, 0], sizes = [8, 512], strides = [1, 1]} : vector<224x512xi32> to vector<8x512xi32>
    %add3A_1745 = arith.addi %add3A_1743, %slice3A_1744 : vector<8x512xi32>
    %slice3A_1746 = vector.extract_strided_slice %select_n3A_1724 {offsets = [88, 0], sizes = [8, 512], strides = [1, 1]} : vector<224x512xi32> to vector<8x512xi32>
    %add3A_1747 = arith.addi %add3A_1745, %slice3A_1746 : vector<8x512xi32>
    %slice3A_1748 = vector.extract_strided_slice %select_n3A_1724 {offsets = [96, 0], sizes = [8, 512], strides = [1, 1]} : vector<224x512xi32> to vector<8x512xi32>
    %add3A_1749 = arith.addi %add3A_1747, %slice3A_1748 : vector<8x512xi32>
    %slice3A_1750 = vector.extract_strided_slice %select_n3A_1724 {offsets = [104, 0], sizes = [8, 512], strides = [1, 1]} : vector<224x512xi32> to vector<8x512xi32>
    %add3A_1751 = arith.addi %add3A_1749, %slice3A_1750 : vector<8x512xi32>
    %slice3A_1752 = vector.extract_strided_slice %select_n3A_1724 {offsets = [112, 0], sizes = [8, 512], strides = [1, 1]} : vector<224x512xi32> to vector<8x512xi32>
    %add3A_1753 = arith.addi %add3A_1751, %slice3A_1752 : vector<8x512xi32>
    %slice3A_1754 = vector.extract_strided_slice %select_n3A_1724 {offsets = [120, 0], sizes = [8, 512], strides = [1, 1]} : vector<224x512xi32> to vector<8x512xi32>
    %add3A_1755 = arith.addi %add3A_1753, %slice3A_1754 : vector<8x512xi32>
    %slice3A_1756 = vector.extract_strided_slice %select_n3A_1724 {offsets = [128, 0], sizes = [8, 512], strides = [1, 1]} : vector<224x512xi32> to vector<8x512xi32>
    %add3A_1757 = arith.addi %add3A_1755, %slice3A_1756 : vector<8x512xi32>
    %slice3A_1758 = vector.extract_strided_slice %select_n3A_1724 {offsets = [136, 0], sizes = [8, 512], strides = [1, 1]} : vector<224x512xi32> to vector<8x512xi32>
    %add3A_1759 = arith.addi %add3A_1757, %slice3A_1758 : vector<8x512xi32>
    %slice3A_1760 = vector.extract_strided_slice %select_n3A_1724 {offsets = [144, 0], sizes = [8, 512], strides = [1, 1]} : vector<224x512xi32> to vector<8x512xi32>
    %add3A_1761 = arith.addi %add3A_1759, %slice3A_1760 : vector<8x512xi32>
    %slice3A_1762 = vector.extract_strided_slice %select_n3A_1724 {offsets = [152, 0], sizes = [8, 512], strides = [1, 1]} : vector<224x512xi32> to vector<8x512xi32>
    %add3A_1763 = arith.addi %add3A_1761, %slice3A_1762 : vector<8x512xi32>
    %slice3A_1764 = vector.extract_strided_slice %select_n3A_1724 {offsets = [160, 0], sizes = [8, 512], strides = [1, 1]} : vector<224x512xi32> to vector<8x512xi32>
    %add3A_1765 = arith.addi %add3A_1763, %slice3A_1764 : vector<8x512xi32>
    %slice3A_1766 = vector.extract_strided_slice %select_n3A_1724 {offsets = [168, 0], sizes = [8, 512], strides = [1, 1]} : vector<224x512xi32> to vector<8x512xi32>
    %add3A_1767 = arith.addi %add3A_1765, %slice3A_1766 : vector<8x512xi32>
    %slice3A_1768 = vector.extract_strided_slice %select_n3A_1724 {offsets = [176, 0], sizes = [8, 512], strides = [1, 1]} : vector<224x512xi32> to vector<8x512xi32>
    %add3A_1769 = arith.addi %add3A_1767, %slice3A_1768 : vector<8x512xi32>
    %slice3A_1770 = vector.extract_strided_slice %select_n3A_1724 {offsets = [184, 0], sizes = [8, 512], strides = [1, 1]} : vector<224x512xi32> to vector<8x512xi32>
    %add3A_1771 = arith.addi %add3A_1769, %slice3A_1770 : vector<8x512xi32>
    %slice3A_1772 = vector.extract_strided_slice %select_n3A_1724 {offsets = [192, 0], sizes = [8, 512], strides = [1, 1]} : vector<224x512xi32> to vector<8x512xi32>
    %add3A_1773 = arith.addi %add3A_1771, %slice3A_1772 : vector<8x512xi32>
    %slice3A_1774 = vector.extract_strided_slice %select_n3A_1724 {offsets = [200, 0], sizes = [8, 512], strides = [1, 1]} : vector<224x512xi32> to vector<8x512xi32>
    %add3A_1775 = arith.addi %add3A_1773, %slice3A_1774 : vector<8x512xi32>
    %slice3A_1776 = vector.extract_strided_slice %select_n3A_1724 {offsets = [208, 0], sizes = [8, 512], strides = [1, 1]} : vector<224x512xi32> to vector<8x512xi32>
    %add3A_1777 = arith.addi %add3A_1775, %slice3A_1776 : vector<8x512xi32>
    %slice3A_1778 = vector.extract_strided_slice %select_n3A_1724 {offsets = [216, 0], sizes = [8, 512], strides = [1, 1]} : vector<224x512xi32> to vector<8x512xi32>
    %add3A_1779 = arith.addi %add3A_1777, %slice3A_1778 : vector<8x512xi32>
    %slice3A_1780 = vector.extract_strided_slice %add3A_1779 {offsets = [0, 0], sizes = [8, 128], strides = [1, 1]} : vector<8x512xi32> to vector<8x128xi32>
    %slice3A_1781 = vector.extract_strided_slice %add3A_1779 {offsets = [0, 128], sizes = [8, 128], strides = [1, 1]} : vector<8x512xi32> to vector<8x128xi32>
    %add3A_1782 = arith.addi %slice3A_1780, %slice3A_1781 : vector<8x128xi32>
    %slice3A_1783 = vector.extract_strided_slice %add3A_1779 {offsets = [0, 256], sizes = [8, 128], strides = [1, 1]} : vector<8x512xi32> to vector<8x128xi32>
    %slice3A_1784 = vector.extract_strided_slice %add3A_1779 {offsets = [0, 384], sizes = [8, 128], strides = [1, 1]} : vector<8x512xi32> to vector<8x128xi32>
    %add3A_1785 = arith.addi %slice3A_1783, %slice3A_1784 : vector<8x128xi32>
    %add3A_1786 = arith.addi %add3A_1782, %add3A_1785 : vector<8x128xi32>
    %get3A_1787 = arith.constant 0 : index
    %get3A_1788 = arith.constant 18 : index
    %get3A_1789 = arith.constant 0 : index
    %get3A_1790 = arith.constant 0 : index
    %get3A_1791 = vector.load %arg3[%get3A_1787, %get3A_1788, %get3A_1789, %get3A_1790] : memref<1x24x8x128xi32, #tpu.memory_space<vmem>>, vector<1x1x8x128xi32>
    %get3A_1792 = vector.shape_cast %get3A_1791 : vector<1x1x8x128xi32> to vector<8x128xi32>
    %add3A_1793 = arith.addi %get3A_1792, %add3A_1786 : vector<8x128xi32>
    %swap3A_1794 = arith.constant 0 : index
    %swap3A_1795 = arith.constant 18 : index
    %swap3A_1796 = arith.constant 0 : index
    %swap3A_1797 = arith.constant 0 : index
    %swap3A_1798 = vector.load %arg3[%swap3A_1794, %swap3A_1795, %swap3A_1796, %swap3A_1797] : memref<1x24x8x128xi32, #tpu.memory_space<vmem>>, vector<1x1x8x128xi32>
    %swap3A_1799 = vector.shape_cast %swap3A_1798 : vector<1x1x8x128xi32> to vector<8x128xi32>
    %swap3A_1800 = vector.shape_cast %add3A_1793 : vector<8x128xi32> to vector<1x1x8x128xi32>
    tpu.vector_store %arg3[%swap3A_1794, %swap3A_1795, %swap3A_1796, %swap3A_1797], %swap3A_1800 {strides = array<i32>} : memref<1x24x8x128xi32, #tpu.memory_space<vmem>>, vector<1x1x8x128xi32>,
    %eq3A_1801 = arith.constant 19 : i32
    %eq3A_1802 = vector.broadcast %eq3A_1801 : i32 to vector<224x512xi32>
    %eq3A_1803 = arith.cmpi eq, %get3A_14, %eq3A_1802 : vector<224x512xi32>
    %jit3A_1804 = arith.constant 0 : i32
    %broadcast_in_dim3A_1805 = vector.broadcast %jit3A_1804 : i32 to vector<224x512xi32>
    %select_n3A_1806 = arith.select %eq3A_1803, %select_n3A_244, %broadcast_in_dim3A_1805 : vector<224x512xi1>, vector<224x512xi32>
    %slice3A_1807 = vector.extract_strided_slice %select_n3A_1806 {offsets = [0, 0], sizes = [8, 512], strides = [1, 1]} : vector<224x512xi32> to vector<8x512xi32>
    %slice3A_1808 = vector.extract_strided_slice %select_n3A_1806 {offsets = [8, 0], sizes = [8, 512], strides = [1, 1]} : vector<224x512xi32> to vector<8x512xi32>
    %add3A_1809 = arith.addi %slice3A_1807, %slice3A_1808 : vector<8x512xi32>
    %slice3A_1810 = vector.extract_strided_slice %select_n3A_1806 {offsets = [16, 0], sizes = [8, 512], strides = [1, 1]} : vector<224x512xi32> to vector<8x512xi32>
    %add3A_1811 = arith.addi %add3A_1809, %slice3A_1810 : vector<8x512xi32>
    %slice3A_1812 = vector.extract_strided_slice %select_n3A_1806 {offsets = [24, 0], sizes = [8, 512], strides = [1, 1]} : vector<224x512xi32> to vector<8x512xi32>
    %add3A_1813 = arith.addi %add3A_1811, %slice3A_1812 : vector<8x512xi32>
    %slice3A_1814 = vector.extract_strided_slice %select_n3A_1806 {offsets = [32, 0], sizes = [8, 512], strides = [1, 1]} : vector<224x512xi32> to vector<8x512xi32>
    %add3A_1815 = arith.addi %add3A_1813, %slice3A_1814 : vector<8x512xi32>
    %slice3A_1816 = vector.extract_strided_slice %select_n3A_1806 {offsets = [40, 0], sizes = [8, 512], strides = [1, 1]} : vector<224x512xi32> to vector<8x512xi32>
    %add3A_1817 = arith.addi %add3A_1815, %slice3A_1816 : vector<8x512xi32>
    %slice3A_1818 = vector.extract_strided_slice %select_n3A_1806 {offsets = [48, 0], sizes = [8, 512], strides = [1, 1]} : vector<224x512xi32> to vector<8x512xi32>
    %add3A_1819 = arith.addi %add3A_1817, %slice3A_1818 : vector<8x512xi32>
    %slice3A_1820 = vector.extract_strided_slice %select_n3A_1806 {offsets = [56, 0], sizes = [8, 512], strides = [1, 1]} : vector<224x512xi32> to vector<8x512xi32>
    %add3A_1821 = arith.addi %add3A_1819, %slice3A_1820 : vector<8x512xi32>
    %slice3A_1822 = vector.extract_strided_slice %select_n3A_1806 {offsets = [64, 0], sizes = [8, 512], strides = [1, 1]} : vector<224x512xi32> to vector<8x512xi32>
    %add3A_1823 = arith.addi %add3A_1821, %slice3A_1822 : vector<8x512xi32>
    %slice3A_1824 = vector.extract_strided_slice %select_n3A_1806 {offsets = [72, 0], sizes = [8, 512], strides = [1, 1]} : vector<224x512xi32> to vector<8x512xi32>
    %add3A_1825 = arith.addi %add3A_1823, %slice3A_1824 : vector<8x512xi32>
    %slice3A_1826 = vector.extract_strided_slice %select_n3A_1806 {offsets = [80, 0], sizes = [8, 512], strides = [1, 1]} : vector<224x512xi32> to vector<8x512xi32>
    %add3A_1827 = arith.addi %add3A_1825, %slice3A_1826 : vector<8x512xi32>
    %slice3A_1828 = vector.extract_strided_slice %select_n3A_1806 {offsets = [88, 0], sizes = [8, 512], strides = [1, 1]} : vector<224x512xi32> to vector<8x512xi32>
    %add3A_1829 = arith.addi %add3A_1827, %slice3A_1828 : vector<8x512xi32>
    %slice3A_1830 = vector.extract_strided_slice %select_n3A_1806 {offsets = [96, 0], sizes = [8, 512], strides = [1, 1]} : vector<224x512xi32> to vector<8x512xi32>
    %add3A_1831 = arith.addi %add3A_1829, %slice3A_1830 : vector<8x512xi32>
    %slice3A_1832 = vector.extract_strided_slice %select_n3A_1806 {offsets = [104, 0], sizes = [8, 512], strides = [1, 1]} : vector<224x512xi32> to vector<8x512xi32>
    %add3A_1833 = arith.addi %add3A_1831, %slice3A_1832 : vector<8x512xi32>
    %slice3A_1834 = vector.extract_strided_slice %select_n3A_1806 {offsets = [112, 0], sizes = [8, 512], strides = [1, 1]} : vector<224x512xi32> to vector<8x512xi32>
    %add3A_1835 = arith.addi %add3A_1833, %slice3A_1834 : vector<8x512xi32>
    %slice3A_1836 = vector.extract_strided_slice %select_n3A_1806 {offsets = [120, 0], sizes = [8, 512], strides = [1, 1]} : vector<224x512xi32> to vector<8x512xi32>
    %add3A_1837 = arith.addi %add3A_1835, %slice3A_1836 : vector<8x512xi32>
    %slice3A_1838 = vector.extract_strided_slice %select_n3A_1806 {offsets = [128, 0], sizes = [8, 512], strides = [1, 1]} : vector<224x512xi32> to vector<8x512xi32>
    %add3A_1839 = arith.addi %add3A_1837, %slice3A_1838 : vector<8x512xi32>
    %slice3A_1840 = vector.extract_strided_slice %select_n3A_1806 {offsets = [136, 0], sizes = [8, 512], strides = [1, 1]} : vector<224x512xi32> to vector<8x512xi32>
    %add3A_1841 = arith.addi %add3A_1839, %slice3A_1840 : vector<8x512xi32>
    %slice3A_1842 = vector.extract_strided_slice %select_n3A_1806 {offsets = [144, 0], sizes = [8, 512], strides = [1, 1]} : vector<224x512xi32> to vector<8x512xi32>
    %add3A_1843 = arith.addi %add3A_1841, %slice3A_1842 : vector<8x512xi32>
    %slice3A_1844 = vector.extract_strided_slice %select_n3A_1806 {offsets = [152, 0], sizes = [8, 512], strides = [1, 1]} : vector<224x512xi32> to vector<8x512xi32>
    %add3A_1845 = arith.addi %add3A_1843, %slice3A_1844 : vector<8x512xi32>
    %slice3A_1846 = vector.extract_strided_slice %select_n3A_1806 {offsets = [160, 0], sizes = [8, 512], strides = [1, 1]} : vector<224x512xi32> to vector<8x512xi32>
    %add3A_1847 = arith.addi %add3A_1845, %slice3A_1846 : vector<8x512xi32>
    %slice3A_1848 = vector.extract_strided_slice %select_n3A_1806 {offsets = [168, 0], sizes = [8, 512], strides = [1, 1]} : vector<224x512xi32> to vector<8x512xi32>
    %add3A_1849 = arith.addi %add3A_1847, %slice3A_1848 : vector<8x512xi32>
    %slice3A_1850 = vector.extract_strided_slice %select_n3A_1806 {offsets = [176, 0], sizes = [8, 512], strides = [1, 1]} : vector<224x512xi32> to vector<8x512xi32>
    %add3A_1851 = arith.addi %add3A_1849, %slice3A_1850 : vector<8x512xi32>
    %slice3A_1852 = vector.extract_strided_slice %select_n3A_1806 {offsets = [184, 0], sizes = [8, 512], strides = [1, 1]} : vector<224x512xi32> to vector<8x512xi32>
    %add3A_1853 = arith.addi %add3A_1851, %slice3A_1852 : vector<8x512xi32>
    %slice3A_1854 = vector.extract_strided_slice %select_n3A_1806 {offsets = [192, 0], sizes = [8, 512], strides = [1, 1]} : vector<224x512xi32> to vector<8x512xi32>
    %add3A_1855 = arith.addi %add3A_1853, %slice3A_1854 : vector<8x512xi32>
    %slice3A_1856 = vector.extract_strided_slice %select_n3A_1806 {offsets = [200, 0], sizes = [8, 512], strides = [1, 1]} : vector<224x512xi32> to vector<8x512xi32>
    %add3A_1857 = arith.addi %add3A_1855, %slice3A_1856 : vector<8x512xi32>
    %slice3A_1858 = vector.extract_strided_slice %select_n3A_1806 {offsets = [208, 0], sizes = [8, 512], strides = [1, 1]} : vector<224x512xi32> to vector<8x512xi32>
    %add3A_1859 = arith.addi %add3A_1857, %slice3A_1858 : vector<8x512xi32>
    %slice3A_1860 = vector.extract_strided_slice %select_n3A_1806 {offsets = [216, 0], sizes = [8, 512], strides = [1, 1]} : vector<224x512xi32> to vector<8x512xi32>
    %add3A_1861 = arith.addi %add3A_1859, %slice3A_1860 : vector<8x512xi32>
    %slice3A_1862 = vector.extract_strided_slice %add3A_1861 {offsets = [0, 0], sizes = [8, 128], strides = [1, 1]} : vector<8x512xi32> to vector<8x128xi32>
    %slice3A_1863 = vector.extract_strided_slice %add3A_1861 {offsets = [0, 128], sizes = [8, 128], strides = [1, 1]} : vector<8x512xi32> to vector<8x128xi32>
    %add3A_1864 = arith.addi %slice3A_1862, %slice3A_1863 : vector<8x128xi32>
    %slice3A_1865 = vector.extract_strided_slice %add3A_1861 {offsets = [0, 256], sizes = [8, 128], strides = [1, 1]} : vector<8x512xi32> to vector<8x128xi32>
    %slice3A_1866 = vector.extract_strided_slice %add3A_1861 {offsets = [0, 384], sizes = [8, 128], strides = [1, 1]} : vector<8x512xi32> to vector<8x128xi32>
    %add3A_1867 = arith.addi %slice3A_1865, %slice3A_1866 : vector<8x128xi32>
    %add3A_1868 = arith.addi %add3A_1864, %add3A_1867 : vector<8x128xi32>
    %get3A_1869 = arith.constant 0 : index
    %get3A_1870 = arith.constant 19 : index
    %get3A_1871 = arith.constant 0 : index
    %get3A_1872 = arith.constant 0 : index
    %get3A_1873 = vector.load %arg3[%get3A_1869, %get3A_1870, %get3A_1871, %get3A_1872] : memref<1x24x8x128xi32, #tpu.memory_space<vmem>>, vector<1x1x8x128xi32>
    %get3A_1874 = vector.shape_cast %get3A_1873 : vector<1x1x8x128xi32> to vector<8x128xi32>
    %add3A_1875 = arith.addi %get3A_1874, %add3A_1868 : vector<8x128xi32>
    %swap3A_1876 = arith.constant 0 : index
    %swap3A_1877 = arith.constant 19 : index
    %swap3A_1878 = arith.constant 0 : index
    %swap3A_1879 = arith.constant 0 : index
    %swap3A_1880 = vector.load %arg3[%swap3A_1876, %swap3A_1877, %swap3A_1878, %swap3A_1879] : memref<1x24x8x128xi32, #tpu.memory_space<vmem>>, vector<1x1x8x128xi32>
    %swap3A_1881 = vector.shape_cast %swap3A_1880 : vector<1x1x8x128xi32> to vector<8x128xi32>
    %swap3A_1882 = vector.shape_cast %add3A_1875 : vector<8x128xi32> to vector<1x1x8x128xi32>
    tpu.vector_store %arg3[%swap3A_1876, %swap3A_1877, %swap3A_1878, %swap3A_1879], %swap3A_1882 {strides = array<i32>} : memref<1x24x8x128xi32, #tpu.memory_space<vmem>>, vector<1x1x8x128xi32>,
    %eq3A_1883 = arith.constant 20 : i32
    %eq3A_1884 = vector.broadcast %eq3A_1883 : i32 to vector<224x512xi32>
    %eq3A_1885 = arith.cmpi eq, %get3A_14, %eq3A_1884 : vector<224x512xi32>
    %jit3A_1886 = arith.constant 0 : i32
    %broadcast_in_dim3A_1887 = vector.broadcast %jit3A_1886 : i32 to vector<224x512xi32>
    %select_n3A_1888 = arith.select %eq3A_1885, %select_n3A_244, %broadcast_in_dim3A_1887 : vector<224x512xi1>, vector<224x512xi32>
    %slice3A_1889 = vector.extract_strided_slice %select_n3A_1888 {offsets = [0, 0], sizes = [8, 512], strides = [1, 1]} : vector<224x512xi32> to vector<8x512xi32>
    %slice3A_1890 = vector.extract_strided_slice %select_n3A_1888 {offsets = [8, 0], sizes = [8, 512], strides = [1, 1]} : vector<224x512xi32> to vector<8x512xi32>
    %add3A_1891 = arith.addi %slice3A_1889, %slice3A_1890 : vector<8x512xi32>
    %slice3A_1892 = vector.extract_strided_slice %select_n3A_1888 {offsets = [16, 0], sizes = [8, 512], strides = [1, 1]} : vector<224x512xi32> to vector<8x512xi32>
    %add3A_1893 = arith.addi %add3A_1891, %slice3A_1892 : vector<8x512xi32>
    %slice3A_1894 = vector.extract_strided_slice %select_n3A_1888 {offsets = [24, 0], sizes = [8, 512], strides = [1, 1]} : vector<224x512xi32> to vector<8x512xi32>
    %add3A_1895 = arith.addi %add3A_1893, %slice3A_1894 : vector<8x512xi32>
    %slice3A_1896 = vector.extract_strided_slice %select_n3A_1888 {offsets = [32, 0], sizes = [8, 512], strides = [1, 1]} : vector<224x512xi32> to vector<8x512xi32>
    %add3A_1897 = arith.addi %add3A_1895, %slice3A_1896 : vector<8x512xi32>
    %slice3A_1898 = vector.extract_strided_slice %select_n3A_1888 {offsets = [40, 0], sizes = [8, 512], strides = [1, 1]} : vector<224x512xi32> to vector<8x512xi32>
    %add3A_1899 = arith.addi %add3A_1897, %slice3A_1898 : vector<8x512xi32>
    %slice3A_1900 = vector.extract_strided_slice %select_n3A_1888 {offsets = [48, 0], sizes = [8, 512], strides = [1, 1]} : vector<224x512xi32> to vector<8x512xi32>
    %add3A_1901 = arith.addi %add3A_1899, %slice3A_1900 : vector<8x512xi32>
    %slice3A_1902 = vector.extract_strided_slice %select_n3A_1888 {offsets = [56, 0], sizes = [8, 512], strides = [1, 1]} : vector<224x512xi32> to vector<8x512xi32>
    %add3A_1903 = arith.addi %add3A_1901, %slice3A_1902 : vector<8x512xi32>
    %slice3A_1904 = vector.extract_strided_slice %select_n3A_1888 {offsets = [64, 0], sizes = [8, 512], strides = [1, 1]} : vector<224x512xi32> to vector<8x512xi32>
    %add3A_1905 = arith.addi %add3A_1903, %slice3A_1904 : vector<8x512xi32>
    %slice3A_1906 = vector.extract_strided_slice %select_n3A_1888 {offsets = [72, 0], sizes = [8, 512], strides = [1, 1]} : vector<224x512xi32> to vector<8x512xi32>
    %add3A_1907 = arith.addi %add3A_1905, %slice3A_1906 : vector<8x512xi32>
    %slice3A_1908 = vector.extract_strided_slice %select_n3A_1888 {offsets = [80, 0], sizes = [8, 512], strides = [1, 1]} : vector<224x512xi32> to vector<8x512xi32>
    %add3A_1909 = arith.addi %add3A_1907, %slice3A_1908 : vector<8x512xi32>
    %slice3A_1910 = vector.extract_strided_slice %select_n3A_1888 {offsets = [88, 0], sizes = [8, 512], strides = [1, 1]} : vector<224x512xi32> to vector<8x512xi32>
    %add3A_1911 = arith.addi %add3A_1909, %slice3A_1910 : vector<8x512xi32>
    %slice3A_1912 = vector.extract_strided_slice %select_n3A_1888 {offsets = [96, 0], sizes = [8, 512], strides = [1, 1]} : vector<224x512xi32> to vector<8x512xi32>
    %add3A_1913 = arith.addi %add3A_1911, %slice3A_1912 : vector<8x512xi32>
    %slice3A_1914 = vector.extract_strided_slice %select_n3A_1888 {offsets = [104, 0], sizes = [8, 512], strides = [1, 1]} : vector<224x512xi32> to vector<8x512xi32>
    %add3A_1915 = arith.addi %add3A_1913, %slice3A_1914 : vector<8x512xi32>
    %slice3A_1916 = vector.extract_strided_slice %select_n3A_1888 {offsets = [112, 0], sizes = [8, 512], strides = [1, 1]} : vector<224x512xi32> to vector<8x512xi32>
    %add3A_1917 = arith.addi %add3A_1915, %slice3A_1916 : vector<8x512xi32>
    %slice3A_1918 = vector.extract_strided_slice %select_n3A_1888 {offsets = [120, 0], sizes = [8, 512], strides = [1, 1]} : vector<224x512xi32> to vector<8x512xi32>
    %add3A_1919 = arith.addi %add3A_1917, %slice3A_1918 : vector<8x512xi32>
    %slice3A_1920 = vector.extract_strided_slice %select_n3A_1888 {offsets = [128, 0], sizes = [8, 512], strides = [1, 1]} : vector<224x512xi32> to vector<8x512xi32>
    %add3A_1921 = arith.addi %add3A_1919, %slice3A_1920 : vector<8x512xi32>
    %slice3A_1922 = vector.extract_strided_slice %select_n3A_1888 {offsets = [136, 0], sizes = [8, 512], strides = [1, 1]} : vector<224x512xi32> to vector<8x512xi32>
    %add3A_1923 = arith.addi %add3A_1921, %slice3A_1922 : vector<8x512xi32>
    %slice3A_1924 = vector.extract_strided_slice %select_n3A_1888 {offsets = [144, 0], sizes = [8, 512], strides = [1, 1]} : vector<224x512xi32> to vector<8x512xi32>
    %add3A_1925 = arith.addi %add3A_1923, %slice3A_1924 : vector<8x512xi32>
    %slice3A_1926 = vector.extract_strided_slice %select_n3A_1888 {offsets = [152, 0], sizes = [8, 512], strides = [1, 1]} : vector<224x512xi32> to vector<8x512xi32>
    %add3A_1927 = arith.addi %add3A_1925, %slice3A_1926 : vector<8x512xi32>
    %slice3A_1928 = vector.extract_strided_slice %select_n3A_1888 {offsets = [160, 0], sizes = [8, 512], strides = [1, 1]} : vector<224x512xi32> to vector<8x512xi32>
    %add3A_1929 = arith.addi %add3A_1927, %slice3A_1928 : vector<8x512xi32>
    %slice3A_1930 = vector.extract_strided_slice %select_n3A_1888 {offsets = [168, 0], sizes = [8, 512], strides = [1, 1]} : vector<224x512xi32> to vector<8x512xi32>
    %add3A_1931 = arith.addi %add3A_1929, %slice3A_1930 : vector<8x512xi32>
    %slice3A_1932 = vector.extract_strided_slice %select_n3A_1888 {offsets = [176, 0], sizes = [8, 512], strides = [1, 1]} : vector<224x512xi32> to vector<8x512xi32>
    %add3A_1933 = arith.addi %add3A_1931, %slice3A_1932 : vector<8x512xi32>
    %slice3A_1934 = vector.extract_strided_slice %select_n3A_1888 {offsets = [184, 0], sizes = [8, 512], strides = [1, 1]} : vector<224x512xi32> to vector<8x512xi32>
    %add3A_1935 = arith.addi %add3A_1933, %slice3A_1934 : vector<8x512xi32>
    %slice3A_1936 = vector.extract_strided_slice %select_n3A_1888 {offsets = [192, 0], sizes = [8, 512], strides = [1, 1]} : vector<224x512xi32> to vector<8x512xi32>
    %add3A_1937 = arith.addi %add3A_1935, %slice3A_1936 : vector<8x512xi32>
    %slice3A_1938 = vector.extract_strided_slice %select_n3A_1888 {offsets = [200, 0], sizes = [8, 512], strides = [1, 1]} : vector<224x512xi32> to vector<8x512xi32>
    %add3A_1939 = arith.addi %add3A_1937, %slice3A_1938 : vector<8x512xi32>
    %slice3A_1940 = vector.extract_strided_slice %select_n3A_1888 {offsets = [208, 0], sizes = [8, 512], strides = [1, 1]} : vector<224x512xi32> to vector<8x512xi32>
    %add3A_1941 = arith.addi %add3A_1939, %slice3A_1940 : vector<8x512xi32>
    %slice3A_1942 = vector.extract_strided_slice %select_n3A_1888 {offsets = [216, 0], sizes = [8, 512], strides = [1, 1]} : vector<224x512xi32> to vector<8x512xi32>
    %add3A_1943 = arith.addi %add3A_1941, %slice3A_1942 : vector<8x512xi32>
    %slice3A_1944 = vector.extract_strided_slice %add3A_1943 {offsets = [0, 0], sizes = [8, 128], strides = [1, 1]} : vector<8x512xi32> to vector<8x128xi32>
    %slice3A_1945 = vector.extract_strided_slice %add3A_1943 {offsets = [0, 128], sizes = [8, 128], strides = [1, 1]} : vector<8x512xi32> to vector<8x128xi32>
    %add3A_1946 = arith.addi %slice3A_1944, %slice3A_1945 : vector<8x128xi32>
    %slice3A_1947 = vector.extract_strided_slice %add3A_1943 {offsets = [0, 256], sizes = [8, 128], strides = [1, 1]} : vector<8x512xi32> to vector<8x128xi32>
    %slice3A_1948 = vector.extract_strided_slice %add3A_1943 {offsets = [0, 384], sizes = [8, 128], strides = [1, 1]} : vector<8x512xi32> to vector<8x128xi32>
    %add3A_1949 = arith.addi %slice3A_1947, %slice3A_1948 : vector<8x128xi32>
    %add3A_1950 = arith.addi %add3A_1946, %add3A_1949 : vector<8x128xi32>
    %get3A_1951 = arith.constant 0 : index
    %get3A_1952 = arith.constant 20 : index
    %get3A_1953 = arith.constant 0 : index
    %get3A_1954 = arith.constant 0 : index
    %get3A_1955 = vector.load %arg3[%get3A_1951, %get3A_1952, %get3A_1953, %get3A_1954] : memref<1x24x8x128xi32, #tpu.memory_space<vmem>>, vector<1x1x8x128xi32>
    %get3A_1956 = vector.shape_cast %get3A_1955 : vector<1x1x8x128xi32> to vector<8x128xi32>
    %add3A_1957 = arith.addi %get3A_1956, %add3A_1950 : vector<8x128xi32>
    %swap3A_1958 = arith.constant 0 : index
    %swap3A_1959 = arith.constant 20 : index
    %swap3A_1960 = arith.constant 0 : index
    %swap3A_1961 = arith.constant 0 : index
    %swap3A_1962 = vector.load %arg3[%swap3A_1958, %swap3A_1959, %swap3A_1960, %swap3A_1961] : memref<1x24x8x128xi32, #tpu.memory_space<vmem>>, vector<1x1x8x128xi32>
    %swap3A_1963 = vector.shape_cast %swap3A_1962 : vector<1x1x8x128xi32> to vector<8x128xi32>
    %swap3A_1964 = vector.shape_cast %add3A_1957 : vector<8x128xi32> to vector<1x1x8x128xi32>
    tpu.vector_store %arg3[%swap3A_1958, %swap3A_1959, %swap3A_1960, %swap3A_1961], %swap3A_1964 {strides = array<i32>} : memref<1x24x8x128xi32, #tpu.memory_space<vmem>>, vector<1x1x8x128xi32>,
    return
  }
  func.func @transform_0(%arg0: i32) -> (i32, i32, i32, i32) {
    %jit3A = arith.constant 2 : i32
    %div3A = arith.divsi %arg0, %jit3A : i32
    %sign3A = arith.constant 0 : i32
    %sign3A_0 = arith.cmpi sgt, %arg0, %sign3A : i32
    %sign3A_1 = arith.extui %sign3A_0 : i1 to i32
    %sign3A_2 = arith.constant 0 : i32
    %sign3A_3 = arith.cmpi slt, %arg0, %sign3A_2 : i32
    %sign3A_4 = arith.extui %sign3A_3 : i1 to i32
    %sign3A_5 = arith.subi %sign3A_1, %sign3A_4 : i32
    %sign3A_6 = arith.constant 0 : i32
    %sign3A_7 = arith.cmpi sgt, %jit3A, %sign3A_6 : i32
    %sign3A_8 = arith.extui %sign3A_7 : i1 to i32
    %sign3A_9 = arith.constant 0 : i32
    %sign3A_10 = arith.cmpi slt, %jit3A, %sign3A_9 : i32
    %sign3A_11 = arith.extui %sign3A_10 : i1 to i32
    %sign3A_12 = arith.subi %sign3A_8, %sign3A_11 : i32
    %ne3A = arith.cmpi ne, %sign3A_5, %sign3A_12 : i32
    %rem3A = arith.remsi %arg0, %jit3A : i32
    %ne3A_13 = arith.constant 0 : i32
    %ne3A_14 = arith.cmpi ne, %rem3A, %ne3A_13 : i32
    %and3A = arith.andi %ne3A, %ne3A_14 : i1
    %sub3A = arith.constant 1 : i32
    %sub3A_15 = arith.subi %div3A, %sub3A : i32
    %select_n3A = arith.select %and3A, %sub3A_15, %div3A : i32
    %jit3A_16 = arith.constant 2 : i32
    %eq3A = arith.constant 0 : i32
    %eq3A_17 = arith.cmpi eq, %jit3A_16, %eq3A : i32
    %jit3A_18 = arith.constant 1 : i32
    %select_n3A_19 = arith.select %eq3A_17, %jit3A_18, %jit3A_16 : i32
    %rem3A_20 = arith.remsi %arg0, %select_n3A_19 : i32
    %ne3A_21 = arith.constant 0 : i32
    %ne3A_22 = arith.cmpi ne, %rem3A_20, %ne3A_21 : i32
    %lt3A = arith.constant 0 : i32
    %lt3A_23 = arith.cmpi slt, %rem3A_20, %lt3A : i32
    %lt3A_24 = arith.constant 0 : i32
    %lt3A_25 = arith.cmpi slt, %select_n3A_19, %lt3A_24 : i32
    %ne3A_26 = arith.xori %lt3A_23, %lt3A_25 : i1
    %and3A_27 = arith.andi %ne3A_26, %ne3A_22 : i1
    %add3A = arith.addi %rem3A_20, %select_n3A_19 : i32
    %select_n3A_28 = arith.select %and3A_27, %add3A, %rem3A_20 : i32
    %c0_i32 = arith.constant 0 : i32
    %c0_i32_29 = arith.constant 0 : i32
    %c0_i32_30 = arith.constant 0 : i32
    return %select_n3A, %c0_i32, %select_n3A_28, %c0_i32_29 : i32, i32, i32, i32
  }
  func.func @transform_1(%arg0: i32) -> (i32, i32, i32) {
    %jit3A = arith.constant 2 : i32
    %div3A = arith.divsi %arg0, %jit3A : i32
    %sign3A = arith.constant 0 : i32
    %sign3A_0 = arith.cmpi sgt, %arg0, %sign3A : i32
    %sign3A_1 = arith.extui %sign3A_0 : i1 to i32
    %sign3A_2 = arith.constant 0 : i32
    %sign3A_3 = arith.cmpi slt, %arg0, %sign3A_2 : i32
    %sign3A_4 = arith.extui %sign3A_3 : i1 to i32
    %sign3A_5 = arith.subi %sign3A_1, %sign3A_4 : i32
    %sign3A_6 = arith.constant 0 : i32
    %sign3A_7 = arith.cmpi sgt, %jit3A, %sign3A_6 : i32
    %sign3A_8 = arith.extui %sign3A_7 : i1 to i32
    %sign3A_9 = arith.constant 0 : i32
    %sign3A_10 = arith.cmpi slt, %jit3A, %sign3A_9 : i32
    %sign3A_11 = arith.extui %sign3A_10 : i1 to i32
    %sign3A_12 = arith.subi %sign3A_8, %sign3A_11 : i32
    %ne3A = arith.cmpi ne, %sign3A_5, %sign3A_12 : i32
    %rem3A = arith.remsi %arg0, %jit3A : i32
    %ne3A_13 = arith.constant 0 : i32
    %ne3A_14 = arith.cmpi ne, %rem3A, %ne3A_13 : i32
    %and3A = arith.andi %ne3A, %ne3A_14 : i1
    %sub3A = arith.constant 1 : i32
    %sub3A_15 = arith.subi %div3A, %sub3A : i32
    %select_n3A = arith.select %and3A, %sub3A_15, %div3A : i32
    %jit3A_16 = arith.constant 2 : i32
    %eq3A = arith.constant 0 : i32
    %eq3A_17 = arith.cmpi eq, %jit3A_16, %eq3A : i32
    %jit3A_18 = arith.constant 1 : i32
    %select_n3A_19 = arith.select %eq3A_17, %jit3A_18, %jit3A_16 : i32
    %rem3A_20 = arith.remsi %arg0, %select_n3A_19 : i32
    %ne3A_21 = arith.constant 0 : i32
    %ne3A_22 = arith.cmpi ne, %rem3A_20, %ne3A_21 : i32
    %lt3A = arith.constant 0 : i32
    %lt3A_23 = arith.cmpi slt, %rem3A_20, %lt3A : i32
    %lt3A_24 = arith.constant 0 : i32
    %lt3A_25 = arith.cmpi slt, %select_n3A_19, %lt3A_24 : i32
    %ne3A_26 = arith.xori %lt3A_23, %lt3A_25 : i1
    %and3A_27 = arith.andi %ne3A_26, %ne3A_22 : i1
    %add3A = arith.addi %rem3A_20, %select_n3A_19 : i32
    %select_n3A_28 = arith.select %and3A_27, %add3A, %rem3A_20 : i32
    %c0_i32 = arith.constant 0 : i32
    %c0_i32_29 = arith.constant 0 : i32
    return %select_n3A, %select_n3A_28, %c0_i32 : i32, i32, i32
  }
  func.func @transform_2(%arg0: i32) -> (i32, i32, i32, i32) {
    %jit3A = arith.constant 2 : i32
    %div3A = arith.divsi %arg0, %jit3A : i32
    %sign3A = arith.constant 0 : i32
    %sign3A_0 = arith.cmpi sgt, %arg0, %sign3A : i32
    %sign3A_1 = arith.extui %sign3A_0 : i1 to i32
    %sign3A_2 = arith.constant 0 : i32
    %sign3A_3 = arith.cmpi slt, %arg0, %sign3A_2 : i32
    %sign3A_4 = arith.extui %sign3A_3 : i1 to i32
    %sign3A_5 = arith.subi %sign3A_1, %sign3A_4 : i32
    %sign3A_6 = arith.constant 0 : i32
    %sign3A_7 = arith.cmpi sgt, %jit3A, %sign3A_6 : i32
    %sign3A_8 = arith.extui %sign3A_7 : i1 to i32
    %sign3A_9 = arith.constant 0 : i32
    %sign3A_10 = arith.cmpi slt, %jit3A, %sign3A_9 : i32
    %sign3A_11 = arith.extui %sign3A_10 : i1 to i32
    %sign3A_12 = arith.subi %sign3A_8, %sign3A_11 : i32
    %ne3A = arith.cmpi ne, %sign3A_5, %sign3A_12 : i32
    %rem3A = arith.remsi %arg0, %jit3A : i32
    %ne3A_13 = arith.constant 0 : i32
    %ne3A_14 = arith.cmpi ne, %rem3A, %ne3A_13 : i32
    %and3A = arith.andi %ne3A, %ne3A_14 : i1
    %sub3A = arith.constant 1 : i32
    %sub3A_15 = arith.subi %div3A, %sub3A : i32
    %select_n3A = arith.select %and3A, %sub3A_15, %div3A : i32
    %c0_i32 = arith.constant 0 : i32
    %c0_i32_16 = arith.constant 0 : i32
    %c0_i32_17 = arith.constant 0 : i32
    %c0_i32_18 = arith.constant 0 : i32
    return %select_n3A, %c0_i32, %c0_i32_16, %c0_i32_17 : i32, i32, i32, i32
  }
}

</mosaic_0001>

<sc_bundles>
// kernel: kernel.5.cloned.1.call-start
scs
__scs_entry_jumppad:
0x0: {  	(pc) =	sbr.rel $0x88, $3  }
0x1: {  	(tag) =	ssettag $0x0;
	lr =	simm.s32 $0x1  }
0x2: {  	[smem:$0x3F9F] =	sst lr;
	_ =	strace $0xD0000000  }
0x3: {  	_ = 	snop  }
0x4: {  	_ = 	snop  }
0x5: {  	_ = 	snop  }
0x6: {  	_ = 	snop  }
0x7: {  	_ = 	snop  }
__scs_overlays_trampoline_lowered:
0x8: {  	[smem:$0x3FAE] =	sst s0  }
0x9: {  	[smem:$0x3FAF] =	sst s1  }
0xa: {  	[smem:$0x3FB0] =	sst s2  }
0xb: {  	[smem:$0x3FB1] =	sst s3  }
0xc: {  	[smem:$0x3FB2] =	sst s4  }
0xd: {  	[smem:$0x3FB3] =	sst s5  }
0xe: {  	[smem:$0x3FB4] =	sst s6  }
0xf: {  	[smem:$0x3FB5] =	sst s7  }
0x10: {  	[smem:$0x3FB6] =	sst s8  }
0x11: {  	[smem:$0x3FB7] =	sst s9;
	s0 =	simm.s32 @!p0 $0x0  }
0x12: {  	s1 =	sld [smem:$0x3F9D];
	s0 =	simm.s32 @p0 $0x1  }
0x13: {  	[smem:$0x3FB8] =	sst s0;
	s0 =	simm.s32 @!p1 $0x0  }
0x14: {  	s2 =	sld [smem:$0x3F9C];
	s0 =	simm.s32 @p1 $0x1  }
0x15: {  	[smem:$0x3FB9] =	sst s0;
	s0 =	simm.s32 @!p2 $0x0  }
0x16: {  	s3 =	sld [smem:$0x3FDB];
	s0 =	simm.s32 @p2 $0x1  }
0x17: {  	s4 =	simm.s32 $0x1BF5;
	[smem:$0x3FBB] =	sst s0  }
0x18: {  	s0 =	sld [smem:$0x3F9E];
	_ =	swait.ge [sflag:s4], $0x0  }
0x19: {  	s7 =	sld [smem:$0x3F9F]  }
0x1a: {  	s8 =	sadd.s32 $0xFFFFE003, lr  }
0x1b: {  	s9 =	sadd.s32 $0xFFFFFEF7, lr;
	s5 =	simm.s32 $0xFFFFFFFF;
	p2 =	slt.u32 s8, $0xFFFFF086  }
0x1c: {  	p1 =	slt.u32 s9, $0xF7A;
	s5 =	simm.s32 @!p2 $0x0  }
0x1d: {  	s5 =	simm.s32 @p1 $0x1;
	p0 =	seq.s32 s7, s2  }
0x1e: {  	s7 =	smul.u32 @!p0 $0xF7A, s2;
	p2 =	seq.s32 @!p0 s5, $0x0  }
0x1f: {  	s9 =	smul.u32 $0xF7A, s1;
	s8 =	simm.s32 @!p0 $0x1BF5;
	p2 =	por !p2, p0  }
0x20: {  	[sflag:s8] =	ssyncset.s32 @!p0 $0xFFFFF086;
	s6 =	sadd.s32 @!p0 s3, s7;
	s7 =	simm.s32 @!p0 $0x108  }
0x21: {  	s3 =	sadd.s32 s3, s9;
	s6 =	sadd.s32 @!p0 $0x88, s6;
	s7 =	simm.s32 @p2 $0x1082  }
0x22: {  	[simem:s7], [sflag:s8] =	dma.local @!p0 [hbm:s6], $0xF7A  }
0x23: {  	s9 =	sor.u32 $0xD0000000, s2;
	s6 =	simm.s32 $0x108;
	_ =	swait.ge @!p0 [sflag:s8], $0x0  }
0x24: {  	s3 =	sadd.s32 $0x88, s3;
	s6 =	simm.s32 @!p1 $0x1082;
	[sflag:s4] =	ssyncset.s32 $0xFFFFF086  }
0x25: {  	[simem:s6], [sflag:s4] =	dma.local [hbm:s3], $0xF7A  }
0x26: {  	[smem:$0x3F9F] =	sst s1;
	(tag) =	ssettag s2;
	_ =	strace s9  }
0x27: {  	s1 =	sld [smem:$0x3FAF]  }
0x28: {  	s2 =	sld [smem:$0x3FB0]  }
0x29: {  	s4 =	sld [smem:$0x3FB2]  }
0x2a: {  	p0 =	seq.s32 s5, $0x0;
	s5 =	sld [smem:$0x3FB3]  }
0x2b: {  	s6 =	sld [smem:$0x3FB4]  }
0x2c: {  	s7 =	sld [smem:$0x3FB5]  }
0x2d: {  	s3 =	simm.s32 $0x108;
	s8 =	sld [smem:$0x3FB6]  }
0x2e: {  	s3 =	simm.s32 @!p0 $0x1082;
	s9 =	sld [smem:$0x3FB7]  }
0x2f: {  	lr =	sadd.s32 s0, s3;
	s0 =	sld [smem:$0x3FAE]  }
0x30: {  	s3 =	sld [smem:$0x3FB1]  }
0x31: {  	[smem:$0x3FBA] =	sst s10  }
0x32: {  	s10 =	sld [smem:$0x3FB8];
	_ =	sdelay $0x3  }
0x33: {  	p0 =	seq.s32 s10, $0x1;
	s10 =	sld [smem:$0x3FBA];
	_ =	sdelay $0x3  }
0x34: {  	[smem:$0x3FBA] =	sst s10  }
0x35: {  	s10 =	sld [smem:$0x3FB9];
	_ =	sdelay $0x3  }
0x36: {  	p1 =	seq.s32 s10, $0x1;
	s10 =	sld [smem:$0x3FBA];
	_ =	sdelay $0x3  }
0x37: {  	[smem:$0x3FBA] =	sst s10  }
0x38: {  	s10 =	sld [smem:$0x3FBB]  }
0x39: {  	_ = 	snop;
	(pc) =	sbr.ind lr, $3  }
0x3a: {  	_ = 	snop  }
0x3b: {  	_ = 	snop  }
0x3c: {  	p2 =	seq.s32 s10, $0x1;
	s10 =	sld [smem:$0x3FBA]  }
0x3d: {  	_ =	shalt  }
0x3e: {  	_ =	shalt  }
0x3f: {  	_ =	shalt  }
0x40: {  	_ =	shalt  }
0x41: {  	_ =	shalt  }
0x42: {  	_ =	shalt  }
0x43: {  	_ =	shalt  }
0x44: {  	_ =	shalt  }
0x45: {  	_ =	shalt  }
0x46: {  	_ =	shalt  }
0x47: {  	_ =	shalt  }
0x48: {  	_ =	shalt  }
0x49: {  	_ =	shalt  }
0x4a: {  	_ =	shalt  }
0x4b: {  	_ =	shalt  }
0x4c: {  	_ =	shalt  }
0x4d: {  	_ =	shalt  }
0x4e: {  	_ =	shalt  }
0x4f: {  	_ =	shalt  }
0x50: {  	_ =	shalt  }
0x51: {  	_ =	shalt  }
0x52: {  	_ =	shalt  }
0x53: {  	_ =	shalt  }
0x54: {  	_ =	shalt  }
0x55: {  	_ =	shalt  }
0x56: {  	_ =	shalt  }
0x57: {  	_ =	shalt  }
0x58: {  	_ =	shalt  }
0x59: {  	_ =	shalt  }
0x5a: {  	_ =	shalt  }
0x5b: {  	_ =	shalt  }
0x5c: {  	_ =	shalt  }
0x5d: {  	_ =	shalt  }
0x5e: {  	_ =	shalt  }
0x5f: {  	_ =	shalt  }
0x60: {  	_ =	shalt  }
0x61: {  	_ =	shalt  }
0x62: {  	_ =	shalt  }
0x63: {  	_ =	shalt  }
0x64: {  	_ =	shalt  }
0x65: {  	_ =	shalt  }
0x66: {  	_ =	shalt  }
0x67: {  	_ =	shalt  }
0x68: {  	_ =	shalt  }
0x69: {  	_ =	shalt  }
0x6a: {  	_ =	shalt  }
0x6b: {  	_ =	shalt  }
0x6c: {  	_ =	shalt  }
0x6d: {  	_ =	shalt  }
0x6e: {  	_ =	shalt  }
0x6f: {  	_ =	shalt  }
0x70: {  	_ =	shalt  }
0x71: {  	_ =	shalt  }
0x72: {  	_ =	shalt  }
0x73: {  	_ =	shalt  }
0x74: {  	_ =	shalt  }
0x75: {  	_ =	shalt  }
0x76: {  	_ =	shalt  }
0x77: {  	_ =	shalt  }
0x78: {  	_ =	shalt  }
0x79: {  	_ =	shalt  }
0x7a: {  	_ =	shalt  }
0x7b: {  	_ =	shalt  }
0x7c: {  	_ =	shalt  }
0x7d: {  	_ =	shalt  }
0x7e: {  	_ =	shalt  }
0x7f: {  	_ =	shalt  }
0x80: {  	_ =	shalt  }
0x81: {  	_ =	shalt  }
0x82: {  	_ =	shalt  }
0x83: {  	_ =	shalt  }
0x84: {  	_ =	shalt  }
0x85: {  	_ =	shalt  }
0x86: {  	_ =	shalt  }
0x87: {  	_ =	shalt  }
.Lfunc_end0:
.L_simem_size_0:
called_computation_lowered:
.L_overlay_start_0:
0x88: {  	s2 =	sld [smem:$0x3FD9]  }
0x89: {  	s3 =	sld [smem:$0x3FFE];
	_ =	sdelay $0x1  }
0x8a: {  	s1 =	srdreg.scid  }
0x8b: {  	s0 =	sand.u32 $0x1, s1  }
0x8c: {  	s17 =	sshll.u32 s0, $0xA;
	s2 =	sadd.s32 s3, s2  }
0x8d: {  	s2 =	sadd.s32 s2, s17  }
0x8e: {  	[smem:$0x3FC6] =	sst s2  }
0x8f: {  	_ = 	snop  }
0x90: {  	s2 =	sld [smem:$0x3FC9]  }
0x91: {  	s18 =	sld [smem:$0x3FC8];
	(tm) =	ssettm $0x1  }
0x92: {  	s4 =	sld [smem:$0x3FFB];
	_ =	sdelay $0x3  }
0x93: {  	_ =	strace s4  }
0x94: {  	s4 =	sld [smem:$0x3FFC];
	_ =	sdelay $0x3  }
0x95: {  	_ =	strace s4  }
0x96: {  	s4 =	sld [smem:$0x3FFD];
	_ =	sdelay $0x3  }
0x97: {  	_ =	strace s4  }
0x98: {  	_ =	strace $0x8FFFFFFF  }
0x99: {  	s19 =	sld [smem:$0x3FDB];
	_ =	sdelay $0x1  }
0x9a: {  	s5 =	simm.s32 $_scs_section_size  }
0x9b: {  	s6 =	simm.s32 $_size__tile_overlayer_lowered;
	s7 =	simm.s32 $_tile_overlayer_lowered  }
0x9c: {  	s22 =	simm.s32 $0x1BFF;
	s21 =	sshll.u32 s7, $0x1;
	s4 =	sadd.s32 s5, s19  }
0x9d: {  	s8 =	simm.s32 $0x0;
	s20 =	sshll.u32 s6, $0x1;
	s6 =	sadd.s32 s21, s4  }
0x9e: {  	[timem:s8], [sflag:s22] =	dma.local [hbm:s6], s20  }
0x9f: {  	_ =	swait.ge [sflag:s22], s20  }
0xa0: {  	s5 =	ssub.s32 $0x0, s20;
	[sflag:s22] =	ssyncset.done $0x0  }
0xa1: {  	[sflag:s22] =	ssyncadd.s32 s5;
	_ =	sdelay $0x1  }
0xa2: {  	s23 =	simm.s32 $0x1B8B  }
0xa3: {  	_ =	swait.ge [sflag:s23], $0x1  }
0xa4: {  	[sflag:s23] =	ssyncset.done $0x0  }
0xa5: {  	s25 =	simm.s32 $0x1B8E;
	s24 =	sld [smem:$0x3FFE];
	[sflag:s23] =	ssyncadd.s32 $0xFFFFFFFF  }
0xa6: {  	s26 =	simm.s32 $execute0_lowered;
	[smem:$0x3FD2] =	sst s25  }
0xa7: {  	s6 =	sshll.u32 s26, $0x1;
	_ =	strace $0x80000046;
	[dreg:$0x1] =	wrdreg $0xFFFFFFFF  }
0xa8: {  	s28 =	simm.s32 $_size_execute0_lowered;
	s4 =	sadd.s32 s4, s6;
	[dreg:$0x0] =	wrdreg $0x0  }
0xa9: {  	s6 =	sshll.u32 s28, $0x1;
	[dreg:$0x2] =	wrdreg s4  }
0xaa: {  	[dreg:$0x3] =	wrdreg s6  }
0xab: {  	[dreg:$0x4] =	wrdreg $0xC0  }
0xac: {  	_ =	task [dreg:s8], $0x5FFFF  }
0xad: {  	[dreg:$0x1] =	wrdreg $0xFFFFFFFF  }
0xae: {  	[dreg:$0x0] =	wrdreg $0x60  }
0xaf: {  	[dreg:$0x2] =	wrdreg s2  }
0xb0: {  	[dreg:$0x3] =	wrdreg s18  }
0xb1: {  	[dreg:$0x4] =	wrdreg s24  }
0xb2: {  	[dreg:$0x5] =	wrdreg $0x9  }
0xb3: {  	_ =	task.clear_ibuf [dreg:s8], $0x6FFFF;
	_ =	strace $0x90000046  }
0xb4: {  	s29 =	simm.s32 $0x9;
	_ =	strace $0x80000048  }
0xb5: {  	_ =	swait.ge [sflag:s29], $0x1  }
0xb6: {  	[sflag:s29] =	ssyncadd.s32 $0xFFFFFFFF  }
0xb7: {  	_ =	strace $0x90000048  }
0xb8: {  	_ =	sfence  }
0xb9: {  	s30 =	sld [smem:$0x0];
	_ =	sdelay $0x2  }
0xba: {  	s31 =	sshll.u32 s1, $0xD;
	s1 =	sshrl.u32 s1, $0x2  }
0xbb: {  	s3 =	sand.u32 $0x4000, s31;
	s1 =	sadd.s32 s1, s30  }
0xbc: {  	s0 =	sor.u32 s3, s0;
	s1 =	sshll.u32 s1, $0x11  }
0xbd: {  	s0 =	sor.u32 s1, s0  }
0xbe: {  	s0 =	sadd.s32 $0x8F2B, s0  }
0xbf: {  	[sflag:s0] =	ssyncadd.remote.s32 $0x1  }
0xc0: {  	_ =	sfence.sel $0xFFFF  }
0xc1: {  	[dreg:$0x0] =	wrdreg $0xFFFFFFFF;
	(pc) =	sbr.abs _section_cstart, $3  }
0xc2: {  	[dreg:$0x1] =	wrdreg $0xFFFFFFFF  }
0xc3: {  	_ =	task.clear_ibuf [dreg:s8], $0x2FFFF;
	_ =	strace $0x9FFFFFFF  }
0xc4: {  	(tm) =	ssettm $0x7FFFFFFF  }
0xc5: {  	_ =	shalt  }
tec
execute0_lowered:
.L_overlay_start_1:
0x0: {  	(tag) =	ssettag $0x1  }
0x1: {  	s0 =	rddreg [dreg:$0x0]  }
0x2: {  	s1 =	rddreg [dreg:$0x1];
	s9 =	stileid.u32  }
0x3: {  	s2 =	srdreg.scid;
	s4 =	rddreg [dreg:$0x2];
	s31 =	simm.s32 $0x1  }
0x4: {  	s29 =	simm.s32 $0x2;
	s3 =	sand.u32 $0x1, s2;
	s24 =	sshll.u32 s9, $0x1  }
0x5: {  	s30 =	simm.s32 $0x0;
	s6 =	sshrl.u32 s9, $0x2;
	s5 =	sor.u32 s3, s24  }
0x6: {  	s2 =	simm.s32 $0x0;
	s7 =	smul.u32 $0x540000, s6;
	s8 =	sshll.u32 s5, $0xC  }
0x7: {  	s9 =	sshll.u32 s9, $0x8;
	[smem:$0x7FF] =	sst s2;
	s8 =	sor.u32 $0x38000, s8  }
0x8: {  	s10 =	ssub.s32 $0x2, s3;
	s26 =	sand.u32 $0xC00, s9;
	s7 =	sor.u32 s7, s8  }
0x9: {  	s6 =	sshll.u32 s6, $0x12;
	_ =	strace $0x80000047;
	s25 =	sshrl.u32 s7, $0x3  }
0xa: {  	s28 =	sshrl.u32 s10, $0x1;
	s11 =	sadd.s32 s26, s4;
	s3 =	sadd.s32 s0, s25  }
0xb: {  	s5 =	sshll.u32 s5, $0x4;
	s12 =	ssub.s32 s10, s28;
	s19 =	sadd.s32 $0x8000, s3  }
0xc: {  	s5 =	sand.u32 $0x70, s5;
	s20 =	sadd.s32 $0x10000, s3;
	[dreg:$0x18] =	wrdreg s19  }
0xd: {  	s6 =	sor.u32 s6, s8;
	s21 =	sadd.s32 $0x18000, s3;
	[dreg:$0x19] =	wrdreg s20  }
0xe: {  	s6 =	sshrl.u32 s6, $0x3;
	s22 =	sadd.s32 $0x20000, s3;
	[dreg:$0x1a] =	wrdreg s21  }
0xf: {  	s0 =	sadd.s32 s5, s11;
	s23 =	sadd.s32 $0x28000, s3;
	[dreg:$0x1b] =	wrdreg s22  }
0x10: {  	s24 =	sadd.s32 $0x30000, s3;
	s25 =	sadd.s32 $0x38000, s3;
	[dreg:$0x1c] =	wrdreg s23  }
0x11: {  	s26 =	sadd.s32 $0x40000, s3;
	s28 =	sadd.s32 $0x48000, s3;
	[dreg:$0x1d] =	wrdreg s24  }
0x12: {  	s13 =	sadd.s32 $0x50000, s3;
	s14 =	sadd.s32 $0x58000, s3;
	[dreg:$0x1e] =	wrdreg s25  }
0x13: {  	s15 =	sadd.s32 $0x60000, s3;
	s16 =	sadd.s32 $0x68000, s3;
	[dreg:$0x1f] =	wrdreg s26  }
0x14: {  	s17 =	sadd.s32 $0x70000, s3;
	s18 =	sadd.s32 $0x78000, s3;
	[smem:$0x7FD] =	sst s28  }
0x15: {  	s19 =	sadd.s32 $0x80000, s3;
	s20 =	sadd.s32 $0x88000, s3;
	s21 =	sadd.s32 s1, s6  }
0x16: {  	v0 =	vlaneseq.u32;
	s22 =	sadd.s32 $0x90000, s3;
	s23 =	sadd.s32 $0x98000, s3;
	s24 =	sadd.s32 $0x800, s0  }
0x17: {  	v1 =	vimm.s32 $0x0;
	v2 =	vimm.s32 $0x1;
	v3 =	vor.u32 $0x200, v0;
	s25 =	smax.u32 s12, $0x1;
	s26 =	sadd.s32 $0xA0000, s3;
	s1 =	simm.s32 $0x16000  }
.LBB2_1:
0x18: {  	s0 =	simm.s32 $0x40;
	s4 =	simm.s32 $0x0  }
.LBB2_2:
0x19: {  	p0 =	sne.s32 s0, $0xFC0;
	[tilespmem:s4+$0x16000] =	vst v1;
	s4 =	smov.u32 s0;
	s0 =	sadd.s32 $0x40, s0  }
.Ltmp0:
0x1a: {  	(pc) =	sbr.rel @p0 .LBB2_2-.Ltmp0, $2  }
0x1b: {  	_ =	sdelay $0x2  }
0x1c: {  	s4 =	sshra.s32 s4, $0x2  }
0x1d: {  	[tilespmem:s4+$0x16000] =	vst v1;
	s0 =	rddreg [dreg:$0x18]  }
0x1e: {  	[tilespmem:s30], [sflag:$0x1] =	stream.linear.gather [hbm4b:s3+s30], $0x1000, $0x38;
	[tilespmem:$0x16400] =	vst v63  }
0x1f: {  	s5 =	simm.s32 $0x1000;
	s6 =	rddreg [dreg:$0x19]  }
0x20: {  	[tilespmem:s5], [sflag:$0x1] =	stream.linear.gather [hbm4b:s0+s30], $0x1000, $0x38;
	[tilespmem:$0x16400] =	vst v63  }
0x21: {  	s7 =	simm.s32 $0x2000;
	s8 =	rddreg [dreg:$0x1a]  }
0x22: {  	[tilespmem:s7], [sflag:$0x1] =	stream.linear.gather [hbm4b:s6+s30], $0x1000, $0x38;
	[tilespmem:$0x16400] =	vst v63  }
0x23: {  	s9 =	simm.s32 $0x3000;
	s10 =	rddreg [dreg:$0x1b]  }
0x24: {  	[tilespmem:s9], [sflag:$0x1] =	stream.linear.gather [hbm4b:s8+s30], $0x1000, $0x38;
	[tilespmem:$0x16400] =	vst v63  }
0x25: {  	s11 =	simm.s32 $0x4000;
	s12 =	rddreg [dreg:$0x1c]  }
0x26: {  	[tilespmem:s11], [sflag:$0x1] =	stream.linear.gather [hbm4b:s10+s30], $0x1000, $0x38;
	[tilespmem:$0x16400] =	vst v63  }
0x27: {  	s28 =	simm.s32 $0x5000;
	s4 =	rddreg [dreg:$0x1d]  }
0x28: {  	[tilespmem:s28], [sflag:$0x1] =	stream.linear.gather [hbm4b:s12+s30], $0x1000, $0x38;
	[tilespmem:$0x16400] =	vst v63  }
0x29: {  	s5 =	simm.s32 $0x6000;
	s6 =	rddreg [dreg:$0x1e]  }
0x2a: {  	[tilespmem:s5], [sflag:$0x1] =	stream.linear.gather [hbm4b:s4+s30], $0x1000, $0x38;
	[tilespmem:$0x16400] =	vst v63  }
0x2b: {  	s7 =	simm.s32 $0x7000;
	s8 =	rddreg [dreg:$0x1f]  }
0x2c: {  	[tilespmem:s7], [sflag:$0x1] =	stream.linear.gather [hbm4b:s6+s30], $0x1000, $0x38;
	[tilespmem:$0x16400] =	vst v63  }
0x2d: {  	s9 =	simm.s32 $0x8000;
	s10 =	sld [smem:$0x7FD]  }
0x2e: {  	[tilespmem:s9], [sflag:$0x1] =	stream.linear.gather [hbm4b:s8+s30], $0x1000, $0x38;
	[tilespmem:$0x16400] =	vst v63  }
0x2f: {  	s11 =	simm.s32 $0x9000  }
0x30: {  	[tilespmem:s11], [sflag:$0x1] =	stream.linear.gather [hbm4b:s10+s30], $0x1000, $0x38;
	[tilespmem:$0x16400] =	vst v63  }
0x31: {  	s12 =	simm.s32 $0xA000  }
0x32: {  	[tilespmem:s12], [sflag:$0x1] =	stream.linear.gather [hbm4b:s13+s30], $0x1000, $0x38;
	[tilespmem:$0x16400] =	vst v63  }
0x33: {  	s28 =	simm.s32 $0xB000  }
0x34: {  	[tilespmem:s28], [sflag:$0x1] =	stream.linear.gather [hbm4b:s14+s30], $0x1000, $0x38;
	[tilespmem:$0x16400] =	vst v63  }
0x35: {  	s4 =	simm.s32 $0xC000  }
0x36: {  	[tilespmem:s4], [sflag:$0x1] =	stream.linear.gather [hbm4b:s15+s30], $0x1000, $0x38;
	[tilespmem:$0x16400] =	vst v63  }
0x37: {  	s5 =	simm.s32 $0xD000  }
0x38: {  	[tilespmem:s5], [sflag:$0x1] =	stream.linear.gather [hbm4b:s16+s30], $0x1000, $0x38;
	[tilespmem:$0x16400] =	vst v63  }
0x39: {  	s6 =	simm.s32 $0xE000  }
0x3a: {  	[tilespmem:s6], [sflag:$0x1] =	stream.linear.gather [hbm4b:s17+s30], $0x1000, $0x38;
	[tilespmem:$0x16400] =	vst v63  }
0x3b: {  	s7 =	simm.s32 $0xF000  }
0x3c: {  	[tilespmem:s7], [sflag:$0x1] =	stream.linear.gather [hbm4b:s18+s30], $0x1000, $0x38;
	[tilespmem:$0x16400] =	vst v63  }
0x3d: {  	s8 =	simm.s32 $0x10000  }
0x3e: {  	[tilespmem:s8], [sflag:$0x1] =	stream.linear.gather [hbm4b:s19+s30], $0x1000, $0x38;
	[tilespmem:$0x16400] =	vst v63  }
0x3f: {  	s9 =	simm.s32 $0x11000  }
0x40: {  	[tilespmem:s9], [sflag:$0x1] =	stream.linear.gather [hbm4b:s20+s30], $0x1000, $0x38;
	[tilespmem:$0x16400] =	vst v63  }
0x41: {  	s10 =	simm.s32 $0x12000  }
0x42: {  	[tilespmem:s10], [sflag:$0x1] =	stream.linear.gather [hbm4b:s22+s30], $0x1000, $0x38;
	[tilespmem:$0x16400] =	vst v63  }
0x43: {  	s11 =	simm.s32 $0x13000  }
0x44: {  	[tilespmem:s11], [sflag:$0x1] =	stream.linear.gather [hbm4b:s23+s30], $0x1000, $0x38;
	[tilespmem:$0x16400] =	vst v63  }
0x45: {  	s12 =	simm.s32 $0x14000  }
0x46: {  	[tilespmem:s12], [sflag:$0x1] =	stream.linear.gather [hbm4b:s26+s30], $0x1000, $0x38;
	[tilespmem:$0x16400] =	vst v63  }
0x47: {  	s28 =	simm.s32 $0x15000  }
0x48: {  	[tilespmem:s28], [sflag:$0x1] =	stream.linear.gather [hbm4b:s21+s30], $0x1000, $0x38;
	[tilespmem:$0x16400] =	vst v63  }
0x49: {  	_ =	swait.ge [sflag:s31], $0x1000  }
0x4a: {  	[sflag:s31] =	ssyncset.done $0x0  }
0x4b: {  	[sflag:s31] =	ssyncadd.s32 $0xFFFFF000  }
0x4c: {  	_ =	swait.ge [sflag:s31], $0x1000  }
0x4d: {  	[sflag:s31] =	ssyncset.done $0x0  }
0x4e: {  	[sflag:s31] =	ssyncadd.s32 $0xFFFFF000  }
0x4f: {  	_ =	swait.ge [sflag:s31], $0x1000  }
0x50: {  	[sflag:s31] =	ssyncset.done $0x0  }
0x51: {  	[sflag:s31] =	ssyncadd.s32 $0xFFFFF000  }
0x52: {  	_ =	swait.ge [sflag:s31], $0x1000  }
0x53: {  	[sflag:s31] =	ssyncset.done $0x0  }
0x54: {  	[sflag:s31] =	ssyncadd.s32 $0xFFFFF000  }
0x55: {  	_ =	swait.ge [sflag:s31], $0x1000  }
0x56: {  	[sflag:s31] =	ssyncset.done $0x0  }
0x57: {  	[sflag:s31] =	ssyncadd.s32 $0xFFFFF000  }
0x58: {  	_ =	swait.ge [sflag:s31], $0x1000  }
0x59: {  	[sflag:s31] =	ssyncset.done $0x0  }
0x5a: {  	[sflag:s31] =	ssyncadd.s32 $0xFFFFF000  }
0x5b: {  	_ =	swait.ge [sflag:s31], $0x1000  }
0x5c: {  	[sflag:s31] =	ssyncset.done $0x0  }
0x5d: {  	[sflag:s31] =	ssyncadd.s32 $0xFFFFF000  }
0x5e: {  	_ =	swait.ge [sflag:s31], $0x1000  }
0x5f: {  	[sflag:s31] =	ssyncset.done $0x0  }
0x60: {  	[sflag:s31] =	ssyncadd.s32 $0xFFFFF000  }
0x61: {  	_ =	swait.ge [sflag:s31], $0x1000  }
0x62: {  	[sflag:s31] =	ssyncset.done $0x0  }
0x63: {  	[sflag:s31] =	ssyncadd.s32 $0xFFFFF000  }
0x64: {  	_ =	swait.ge [sflag:s31], $0x1000  }
0x65: {  	[sflag:s31] =	ssyncset.done $0x0  }
0x66: {  	[sflag:s31] =	ssyncadd.s32 $0xFFFFF000  }
0x67: {  	_ =	swait.ge [sflag:s31], $0x1000  }
0x68: {  	[sflag:s31] =	ssyncset.done $0x0  }
0x69: {  	[sflag:s31] =	ssyncadd.s32 $0xFFFFF000  }
0x6a: {  	_ =	swait.ge [sflag:s31], $0x1000  }
0x6b: {  	[sflag:s31] =	ssyncset.done $0x0  }
0x6c: {  	[sflag:s31] =	ssyncadd.s32 $0xFFFFF000  }
0x6d: {  	_ =	swait.ge [sflag:s31], $0x1000  }
0x6e: {  	[sflag:s31] =	ssyncset.done $0x0  }
0x6f: {  	[sflag:s31] =	ssyncadd.s32 $0xFFFFF000  }
0x70: {  	_ =	swait.ge [sflag:s31], $0x1000  }
0x71: {  	[sflag:s31] =	ssyncset.done $0x0  }
0x72: {  	[sflag:s31] =	ssyncadd.s32 $0xFFFFF000  }
0x73: {  	_ =	swait.ge [sflag:s31], $0x1000  }
0x74: {  	[sflag:s31] =	ssyncset.done $0x0  }
0x75: {  	[sflag:s31] =	ssyncadd.s32 $0xFFFFF000  }
0x76: {  	_ =	swait.ge [sflag:s31], $0x1000  }
0x77: {  	[sflag:s31] =	ssyncset.done $0x0  }
0x78: {  	[sflag:s31] =	ssyncadd.s32 $0xFFFFF000  }
0x79: {  	_ =	swait.ge [sflag:s31], $0x1000  }
0x7a: {  	[sflag:s31] =	ssyncset.done $0x0  }
0x7b: {  	[sflag:s31] =	ssyncadd.s32 $0xFFFFF000  }
0x7c: {  	_ =	swait.ge [sflag:s31], $0x1000  }
0x7d: {  	[sflag:s31] =	ssyncset.done $0x0  }
0x7e: {  	[sflag:s31] =	ssyncadd.s32 $0xFFFFF000  }
0x7f: {  	_ =	swait.ge [sflag:s31], $0x1000  }
0x80: {  	[sflag:s31] =	ssyncset.done $0x0  }
0x81: {  	[sflag:s31] =	ssyncadd.s32 $0xFFFFF000  }
0x82: {  	_ =	swait.ge [sflag:s31], $0x1000  }
0x83: {  	[sflag:s31] =	ssyncset.done $0x0  }
0x84: {  	[sflag:s31] =	ssyncadd.s32 $0xFFFFF000  }
0x85: {  	_ =	swait.ge [sflag:s31], $0x1000  }
0x86: {  	[sflag:s31] =	ssyncset.done $0x0  }
0x87: {  	[sflag:s31] =	ssyncadd.s32 $0xFFFFF000  }
0x88: {  	_ =	swait.ge [sflag:s31], $0x1000  }
0x89: {  	[sflag:s31] =	ssyncset.done $0x0  }
0x8a: {  	s0 =	simm.s32 $0x0;
	[sflag:s31] =	ssyncadd.s32 $0xFFFFF000  }
.LBB2_4:
0x8b: {  	s28 =	sshll.u32 s0, $0x7  }
0x8c: {  	s4 =	sadd.s32 $0x1000, s28  }
0x8d: {  	s5 =	sand.u32 $0xC00, s30;
	[dreg:$0x4] =	wrdreg s4  }
0x8e: {  	s10 =	sadd.s32 $0x2000, s28;
	s7 =	sadd.s32 $0x3000, s28;
	s6 =	rddreg [dreg:$0x4]  }
0x8f: {  	[dreg:$0x5] =	wrdreg s10;
	s4 =	sand.u32 $0x70, s30;
	s6 =	sadd.s32 s5, s6  }
0x90: {  	s11 =	sor.u32 s28, s5;
	[dreg:$0x6] =	wrdreg s7;
	s9 =	sadd.s32 s4, s6  }
0x91: {  	s8 =	rddreg [dreg:$0x5];
	s6 =	sor.u32 s4, s11;
	v4 =	vld [tilespmem:s9+$0x0]  }
0x92: {  	s10 =	sadd.s32 $0x4000, s28;
	s12 =	rddreg [dreg:$0x6];
	s8 =	sadd.s32 s5, s8;
	v5 =	vld [tilespmem:s6+$0x0]  }
0x93: {  	[dreg:$0x7] =	wrdreg s10;
	s8 =	sadd.s32 s4, s8  }
0x94: {  	s10 =	rddreg [dreg:$0x7];
	s7 =	sadd.s32 s5, s12;
	s12 =	sadd.s32 $0x6000, s28;
	v6 =	vld [tilespmem:s8+$0x0]  }
0x95: {  	s11 =	sadd.s32 $0x5000, s28;
	s7 =	sadd.s32 s4, s7;
	[dreg:$0x9] =	wrdreg s12  }
0x96: {  	[dreg:$0x8] =	wrdreg s11;
	v7 =	vld [tilespmem:s7+$0x0];
	s11 =	sadd.s32 s5, s10  }
0x97: {  	s9 =	rddreg [dreg:$0x8];
	s7 =	sadd.s32 s4, s11;
	vm0 =	vgt.f32 v4, v5  }
0x98: {  	s12 =	sadd.s32 $0x7000, s28;
	s10 =	rddreg [dreg:$0x9];
	s11 =	sadd.s32 s5, s9;
	v4 =	vsel vm0, v4, v5;
	v5 =	vld [tilespmem:s7+$0x0]  }
0x99: {  	[dreg:$0xa] =	wrdreg s12;
	s12 =	sadd.s32 $0x8000, s28;
	s7 =	sadd.s32 s4, s11;
	vm1 =	vgt.f32 v6, v4  }
0x9a: {  	[dreg:$0xb] =	wrdreg s12;
	s11 =	sadd.s32 s5, s10;
	v4 =	vsel vm1, v6, v4;
	v6 =	vld [tilespmem:s7+$0x0]  }
0x9b: {  	s12 =	sadd.s32 $0x9000, s28;
	s9 =	rddreg [dreg:$0xa];
	s7 =	sadd.s32 s4, s11;
	vm2 =	vgt.f32 v7, v4  }
0x9c: {  	[dreg:$0xc] =	wrdreg s12;
	s11 =	sadd.s32 s5, s9;
	v4 =	vsel vm2, v7, v4;
	v7 =	vld [tilespmem:s7+$0x0]  }
0x9d: {  	s12 =	sadd.s32 $0xA000, s28;
	s10 =	rddreg [dreg:$0xb];
	s7 =	sadd.s32 s4, s11;
	vm3 =	vgt.f32 v5, v4  }
0x9e: {  	[dreg:$0xd] =	wrdreg s12;
	s11 =	sadd.s32 s5, s10;
	v4 =	vsel vm3, v5, v4;
	v5 =	vld [tilespmem:s7+$0x0]  }
0x9f: {  	s12 =	sadd.s32 $0xB000, s28;
	s9 =	rddreg [dreg:$0xc];
	s7 =	sadd.s32 s4, s11;
	vm4 =	vgt.f32 v6, v4  }
0xa0: {  	[dreg:$0xe] =	wrdreg s12;
	s11 =	sadd.s32 s5, s9;
	v4 =	vsel vm4, v6, v4;
	v6 =	vld [tilespmem:s7+$0x0]  }
0xa1: {  	s12 =	sadd.s32 $0xC000, s28;
	s10 =	rddreg [dreg:$0xd];
	s7 =	sadd.s32 s4, s11;
	vm5 =	vgt.f32 v7, v4  }
0xa2: {  	[dreg:$0xf] =	wrdreg s12;
	s11 =	sadd.s32 s5, s10;
	v4 =	vsel vm5, v7, v4;
	v7 =	vld [tilespmem:s7+$0x0]  }
0xa3: {  	s12 =	sadd.s32 $0xD000, s28;
	s9 =	rddreg [dreg:$0xe];
	s7 =	sadd.s32 s4, s11;
	vm6 =	vgt.f32 v5, v4  }
0xa4: {  	[dreg:$0x10] =	wrdreg s12;
	s11 =	sadd.s32 s5, s9;
	v4 =	vsel vm6, v5, v4;
	v5 =	vld [tilespmem:s7+$0x0]  }
0xa5: {  	s12 =	sadd.s32 $0xE000, s28;
	s10 =	rddreg [dreg:$0xf];
	s7 =	sadd.s32 s4, s11;
	vm7 =	vgt.f32 v6, v4  }
0xa6: {  	[dreg:$0x11] =	wrdreg s12;
	s11 =	sadd.s32 s5, s10;
	v4 =	vsel vm7, v6, v4;
	v6 =	vld [tilespmem:s7+$0x0]  }
0xa7: {  	s12 =	sadd.s32 $0xF000, s28;
	s9 =	rddreg [dreg:$0x10];
	s7 =	sadd.s32 s4, s11;
	vm8 =	vgt.f32 v7, v4  }
0xa8: {  	[dreg:$0x12] =	wrdreg s12;
	s11 =	sadd.s32 s5, s9;
	v4 =	vsel vm8, v7, v4;
	v7 =	vld [tilespmem:s7+$0x0]  }
0xa9: {  	s12 =	sadd.s32 $0x10000, s28;
	s10 =	rddreg [dreg:$0x11];
	s7 =	sadd.s32 s4, s11;
	vm9 =	vgt.f32 v5, v4  }
0xaa: {  	[dreg:$0x13] =	wrdreg s12;
	s11 =	sadd.s32 s5, s10;
	v4 =	vsel vm9, v5, v4;
	v5 =	vld [tilespmem:s7+$0x0]  }
0xab: {  	s12 =	sadd.s32 $0x11000, s28;
	s9 =	rddreg [dreg:$0x12];
	s7 =	sadd.s32 s4, s11;
	vm12 =	vgt.f32 v6, v4  }
0xac: {  	v8 =	vsel vm0, $0x1, v1;
	[dreg:$0x14] =	wrdreg s12;
	s11 =	sadd.s32 s5, s9;
	v4 =	vsel vm12, v6, v4;
	v6 =	vld [tilespmem:s7+$0x0]  }
0xad: {  	v8 =	vsel vm1, $0x2, v8;
	s12 =	sadd.s32 $0x12000, s28;
	s10 =	rddreg [dreg:$0x13];
	s7 =	sadd.s32 s4, s11;
	vm13 =	vgt.f32 v7, v4  }
0xae: {  	v8 =	vsel vm2, $0x3, v8;
	[dreg:$0x15] =	wrdreg s12;
	s11 =	sadd.s32 s5, s10;
	v4 =	vsel vm13, v7, v4;
	v7 =	vld [tilespmem:s7+$0x0]  }
0xaf: {  	s12 =	sadd.s32 $0x13000, s28;
	v8 =	vsel vm3, $0x4, v8;
	s9 =	rddreg [dreg:$0x14];
	s7 =	sadd.s32 s4, s11;
	vm14 =	vgt.f32 v5, v4  }
0xb0: {  	[dreg:$0x16] =	wrdreg s12;
	v8 =	vsel vm4, $0x5, v8;
	s9 =	sadd.s32 s5, s9;
	v4 =	vsel vm14, v5, v4;
	v5 =	vld [tilespmem:s7+$0x0]  }
0xb1: {  	v8 =	vsel vm5, $0x6, v8;
	s10 =	rddreg [dreg:$0x15];
	s11 =	sadd.s32 $0x14000, s28;
	s7 =	sadd.s32 s4, s9;
	vm15 =	vgt.f32 v6, v4  }
0xb2: {  	v8 =	vsel vm6, $0x7, v8;
	[dreg:$0x17] =	wrdreg s11;
	s11 =	sadd.s32 s5, s10;
	v4 =	vsel vm15, v6, v4;
	v6 =	vld [tilespmem:s7+$0x0]  }
0xb3: {  	s12 =	rddreg [dreg:$0x16];
	v8 =	vsel vm7, $0x8, v8;
	s7 =	sadd.s32 s4, s11;
	vm10 =	vgt.f32 v7, v4  }
0xb4: {  	s12 =	sadd.s32 s5, s12;
	v8 =	vsel vm8, $0x9, v8;
	v4 =	vsel vm10, v7, v4;
	v7 =	vld [tilespmem:s7+$0x0]  }
0xb5: {  	v8 =	vsel vm9, $0xA, v8;
	s8 =	rddreg [dreg:$0x17];
	s7 =	sadd.s32 s4, s12;
	vm11 =	vgt.f32 v5, v4  }
0xb6: {  	v8 =	vsel vm12, $0xB, v8;
	s5 =	sadd.s32 s5, s8;
	v9 =	vld [tilespmem:s7+$0x0];
	v5 =	vsel vm11, v5, v4  }
0xb7: {  	v8 =	vsel vm13, $0xC, v8;
	s4 =	sadd.s32 s4, s5;
	v4 =	vld [tilespmem:s6+$0x15000];
	vm12 =	vgt.f32 v6, v5  }
0xb8: {  	v8 =	vsel vm14, $0xD, v8;
	v5 =	vsel vm12, v6, v5;
	v6 =	vld [tilespmem:s4+$0x0]  }
0xb9: {  	v8 =	vsel vm15, $0xE, v8;
	vm13 =	vgt.f32 v7, v5  }
0xba: {  	v8 =	vsel vm10, $0xF, v8;
	v5 =	vsel vm13, v7, v5  }
0xbb: {  	v8 =	vsel vm11, $0x10, v8;
	vm14 =	vgt.f32 v9, v5  }
0xbc: {  	v7 =	vsel vm12, $0x11, v8;
	v8 =	vshll.u32 v4, $0x4;
	v5 =	vsel vm14, v9, v5  }
0xbd: {  	v7 =	vsel vm13, $0x12, v7;
	vm15 =	vgt.f32 v6, v5;
	v6 =	vor.u32 v0, v8  }
0xbe: {  	s9 =	rddreg [dreg:$0x4];
	v7 =	vsel vm14, $0x13, v7;
	v5 =	vadd.s32 v3, v8  }
0xbf: {  	s5 =	simm.s32 $0x20;
	s6 =	simm.s32 $0x80;
	s4 =	simm.s32 $0x10;
	v7 =	vsel vm15, $0x14, v7  }
.LBB2_5:
0xc0: {  	_ = 	snop  }
0xc1: {  	s8 =	sand.u32 $0xC00, s6;
	vm0 =	veq.s32 v7, v4  }
0xc2: {  	s7 =	sand.u32 $0x70, s4;
	[tilespmem:v6+s1+$0x0] =	vst.idx.add.s32.msk $0xffff, v2;
	s11 =	sadd.s32 s8, s9;
	v4 =	vsel vm0, $0x1, v1  }
0xc3: {  	s12 =	sor.u32 s28, s8;
	s11 =	sadd.s32 s7, s11;
	[tilespmem:v5+s1+$0x0] =	vst.idx.add.s32.msk $0xffff, v4  }
0xc4: {  	s10 =	rddreg [dreg:$0x5];
	s9 =	sor.u32 s7, s12;
	v4 =	vld [tilespmem:s11+$0x0]  }
0xc5: {  	s10 =	sadd.s32 s8, s10;
	v5 =	vld [tilespmem:s9+$0x0]  }
0xc6: {  	s10 =	sadd.s32 s7, s10;
	s11 =	rddreg [dreg:$0x6]  }
0xc7: {  	v6 =	vld [tilespmem:s10+$0x0];
	s11 =	sadd.s32 s8, s11  }
0xc8: {  	s12 =	rddreg [dreg:$0x7];
	s10 =	sadd.s32 s7, s11  }
0xc9: {  	s12 =	sadd.s32 s8, s12;
	v7 =	vld [tilespmem:s10+$0x0]  }
0xca: {  	s11 =	rddreg [dreg:$0x8];
	s10 =	sadd.s32 s7, s12;
	vm15 =	vgt.f32 v4, v5  }
0xcb: {  	s11 =	sadd.s32 s8, s11;
	v4 =	vsel vm15, v4, v5;
	v5 =	vld [tilespmem:s10+$0x0]  }
0xcc: {  	s12 =	rddreg [dreg:$0x9];
	s10 =	sadd.s32 s7, s11;
	vm1 =	vgt.f32 v6, v4  }
0xcd: {  	s12 =	sadd.s32 s8, s12;
	v4 =	vsel vm1, v6, v4;
	v6 =	vld [tilespmem:s10+$0x0]  }
0xce: {  	s11 =	rddreg [dreg:$0xa];
	s10 =	sadd.s32 s7, s12;
	vm2 =	vgt.f32 v7, v4  }
0xcf: {  	s11 =	sadd.s32 s8, s11;
	v4 =	vsel vm2, v7, v4;
	v7 =	vld [tilespmem:s10+$0x0]  }
0xd0: {  	s12 =	rddreg [dreg:$0xb];
	s10 =	sadd.s32 s7, s11;
	vm3 =	vgt.f32 v5, v4  }
0xd1: {  	s12 =	sadd.s32 s8, s12;
	v4 =	vsel vm3, v5, v4;
	v5 =	vld [tilespmem:s10+$0x0]  }
0xd2: {  	s11 =	rddreg [dreg:$0xc];
	s10 =	sadd.s32 s7, s12;
	vm4 =	vgt.f32 v6, v4  }
0xd3: {  	s11 =	sadd.s32 s8, s11;
	v4 =	vsel vm4, v6, v4;
	v6 =	vld [tilespmem:s10+$0x0]  }
0xd4: {  	s12 =	rddreg [dreg:$0xd];
	s10 =	sadd.s32 s7, s11;
	vm5 =	vgt.f32 v7, v4  }
0xd5: {  	s12 =	sadd.s32 s8, s12;
	v4 =	vsel vm5, v7, v4;
	v7 =	vld [tilespmem:s10+$0x0]  }
0xd6: {  	s11 =	rddreg [dreg:$0xe];
	s10 =	sadd.s32 s7, s12;
	vm6 =	vgt.f32 v5, v4  }
0xd7: {  	s11 =	sadd.s32 s8, s11;
	v4 =	vsel vm6, v5, v4;
	v5 =	vld [tilespmem:s10+$0x0]  }
0xd8: {  	s12 =	rddreg [dreg:$0xf];
	s10 =	sadd.s32 s7, s11;
	vm7 =	vgt.f32 v6, v4  }
0xd9: {  	s12 =	sadd.s32 s8, s12;
	v4 =	vsel vm7, v6, v4;
	v6 =	vld [tilespmem:s10+$0x0]  }
0xda: {  	s11 =	rddreg [dreg:$0x10];
	s10 =	sadd.s32 s7, s12;
	vm8 =	vgt.f32 v7, v4  }
0xdb: {  	s11 =	sadd.s32 s8, s11;
	v4 =	vsel vm8, v7, v4;
	v7 =	vld [tilespmem:s10+$0x0]  }
0xdc: {  	s12 =	rddreg [dreg:$0x11];
	s10 =	sadd.s32 s7, s11;
	vm9 =	vgt.f32 v5, v4  }
0xdd: {  	s12 =	sadd.s32 s8, s12;
	v4 =	vsel vm9, v5, v4;
	v5 =	vld [tilespmem:s10+$0x0]  }
0xde: {  	v8 =	vsel vm15, $0x1, v1;
	s11 =	rddreg [dreg:$0x12];
	s10 =	sadd.s32 s7, s12;
	vm12 =	vgt.f32 v6, v4  }
0xdf: {  	v8 =	vsel vm1, $0x2, v8;
	s11 =	sadd.s32 s8, s11;
	v4 =	vsel vm12, v6, v4;
	v6 =	vld [tilespmem:s10+$0x0]  }
0xe0: {  	v8 =	vsel vm2, $0x3, v8;
	s12 =	rddreg [dreg:$0x13];
	s10 =	sadd.s32 s7, s11;
	vm13 =	vgt.f32 v7, v4  }
0xe1: {  	v8 =	vsel vm3, $0x4, v8;
	s12 =	sadd.s32 s8, s12;
	v4 =	vsel vm13, v7, v4;
	v7 =	vld [tilespmem:s10+$0x0]  }
0xe2: {  	v8 =	vsel vm4, $0x5, v8;
	s11 =	rddreg [dreg:$0x14];
	s10 =	sadd.s32 s7, s12;
	vm14 =	vgt.f32 v5, v4  }
0xe3: {  	v8 =	vsel vm5, $0x6, v8;
	s11 =	sadd.s32 s8, s11;
	v4 =	vsel vm14, v5, v4;
	v5 =	vld [tilespmem:s10+$0x0]  }
0xe4: {  	v8 =	vsel vm6, $0x7, v8;
	s12 =	rddreg [dreg:$0x15];
	s10 =	sadd.s32 s7, s11;
	vm15 =	vgt.f32 v6, v4  }
0xe5: {  	v8 =	vsel vm7, $0x8, v8;
	s12 =	sadd.s32 s8, s12;
	v4 =	vsel vm15, v6, v4;
	v6 =	vld [tilespmem:s10+$0x0]  }
0xe6: {  	v8 =	vsel vm8, $0x9, v8;
	s11 =	rddreg [dreg:$0x16];
	s10 =	sadd.s32 s7, s12;
	vm10 =	vgt.f32 v7, v4  }
0xe7: {  	v8 =	vsel vm9, $0xA, v8;
	s11 =	sadd.s32 s8, s11;
	v9 =	vld [tilespmem:s10+$0x0];
	v7 =	vsel vm10, v7, v4  }
0xe8: {  	v8 =	vsel vm12, $0xB, v8;
	s12 =	rddreg [dreg:$0x17];
	s11 =	sadd.s32 s7, s11;
	v4 =	vld [tilespmem:s9+$0x15000];
	vm11 =	vgt.f32 v5, v7  }
0xe9: {  	v8 =	vsel vm13, $0xC, v8;
	s8 =	sadd.s32 s8, s12;
	v5 =	vsel vm11, v5, v7;
	v7 =	vld [tilespmem:s11+$0x0]  }
0xea: {  	v8 =	vsel vm14, $0xD, v8;
	s7 =	sadd.s32 s7, s8;
	vm12 =	vgt.f32 v6, v5  }
0xeb: {  	v8 =	vsel vm15, $0xE, v8;
	v10 =	vld [tilespmem:s7+$0x0];
	v5 =	vsel vm12, v6, v5  }
0xec: {  	p0 =	sne.s32 s5, $0x1F0;
	v6 =	vsel vm10, $0xF, v8;
	vm13 =	vgt.f32 v9, v5  }
.Ltmp1:
0xed: {  	v6 =	vsel vm11, $0x10, v6;
	v5 =	vsel vm13, v9, v5;
	(pc) =	sbr.rel @p0 .LBB2_5-.Ltmp1, $4  }
0xee: {  	v8 =	vshll.u32 v4, $0x4;
	v63 =	vsel vm12, $0x11, v6;
	vm14 =	vgt.f32 v7, v5  }
0xef: {  	v6 =	vor.u32 v0, v8;
	v9 =	vsel vm13, $0x12, v63;
	v7 =	vsel vm14, v7, v5  }
0xf0: {  	s4 =	smov.u32 s5;
	v5 =	vadd.s32 v3, v8;
	v8 =	vsel vm14, $0x13, v9;
	vm15 =	vgt.f32 v10, v7  }
0xf1: {  	s5 =	sadd.s32 $0x10, s5;
	s6 =	sadd.s32 $0x80, s6;
	s9 =	rddreg [dreg:$0x4];
	v7 =	vsel vm15, $0x14, v8  }
0xf2: {  	_ =	sdelay $0x2  }
0xf3: {  	s5 =	sand.u32 $0xC00, s6;
	vm0 =	veq.s32 v7, v4  }
0xf4: {  	s4 =	sand.u32 $0x70, s4;
	[tilespmem:v6+s1+$0x0] =	vst.idx.add.s32.msk $0xffff, v2;
	s6 =	sadd.s32 s5, s9;
	v4 =	vsel vm0, $0x1, v1  }
0xf5: {  	s8 =	sor.u32 s28, s5;
	s9 =	sadd.s32 s4, s6;
	[tilespmem:v5+s1+$0x0] =	vst.idx.add.s32.msk $0xffff, v4  }
0xf6: {  	s7 =	rddreg [dreg:$0x5];
	s6 =	sor.u32 s4, s8;
	v4 =	vld [tilespmem:s9+$0x0]  }
0xf7: {  	s7 =	sadd.s32 s5, s7;
	v5 =	vld [tilespmem:s6+$0x0]  }
0xf8: {  	s10 =	rddreg [dreg:$0x6];
	s7 =	sadd.s32 s4, s7  }
0xf9: {  	s12 =	sadd.s32 s5, s10;
	v6 =	vld [tilespmem:s7+$0x0]  }
0xfa: {  	s11 =	rddreg [dreg:$0x7];
	s7 =	sadd.s32 s4, s12  }
0xfb: {  	s10 =	sadd.s32 s5, s11;
	v50 =	vld [tilespmem:s7+$0x0]  }
0xfc: {  	s28 =	rddreg [dreg:$0x8];
	s7 =	sadd.s32 s4, s10;
	vm15 =	vgt.f32 v4, v5  }
0xfd: {  	s12 =	sadd.s32 s5, s28;
	v4 =	vsel vm15, v4, v5;
	v5 =	vld [tilespmem:s7+$0x0]  }
0xfe: {  	s11 =	rddreg [dreg:$0x9];
	s7 =	sadd.s32 s4, s12;
	vm1 =	vgt.f32 v6, v4  }
0xff: {  	s10 =	sadd.s32 s5, s11;
	v51 =	vld [tilespmem:s7+$0x0];
	v4 =	vsel vm1, v6, v4  }
0x100: {  	s28 =	rddreg [dreg:$0xa];
	s7 =	sadd.s32 s4, s10;
	vm2 =	vgt.f32 v50, v4  }
0x101: {  	s12 =	sadd.s32 s5, s28;
	v52 =	vld [tilespmem:s7+$0x0];
	v4 =	vsel vm2, v50, v4  }
0x102: {  	s11 =	rddreg [dreg:$0xb];
	s7 =	sadd.s32 s4, s12;
	vm3 =	vgt.f32 v5, v4  }
0x103: {  	s10 =	sadd.s32 s5, s11;
	v4 =	vsel vm3, v5, v4;
	v5 =	vld [tilespmem:s7+$0x0]  }
0x104: {  	s28 =	rddreg [dreg:$0xc];
	s7 =	sadd.s32 s4, s10;
	vm4 =	vgt.f32 v51, v4  }
0x105: {  	s12 =	sadd.s32 s5, s28;
	v53 =	vld [tilespmem:s7+$0x0];
	v4 =	vsel vm4, v51, v4  }
0x106: {  	s11 =	rddreg [dreg:$0xd];
	s7 =	sadd.s32 s4, s12;
	vm5 =	vgt.f32 v52, v4  }
0x107: {  	s10 =	sadd.s32 s5, s11;
	v54 =	vld [tilespmem:s7+$0x0];
	v4 =	vsel vm5, v52, v4  }
0x108: {  	s28 =	rddreg [dreg:$0xe];
	s7 =	sadd.s32 s4, s10;
	vm6 =	vgt.f32 v5, v4  }
0x109: {  	s12 =	sadd.s32 s5, s28;
	v4 =	vsel vm6, v5, v4;
	v5 =	vld [tilespmem:s7+$0x0]  }
0x10a: {  	s11 =	rddreg [dreg:$0xf];
	s7 =	sadd.s32 s4, s12;
	vm7 =	vgt.f32 v53, v4  }
0x10b: {  	s10 =	sadd.s32 s5, s11;
	v55 =	vld [tilespmem:s7+$0x0];
	v4 =	vsel vm7, v53, v4  }
0x10c: {  	s28 =	rddreg [dreg:$0x10];
	s7 =	sadd.s32 s4, s10;
	vm8 =	vgt.f32 v54, v4  }
0x10d: {  	s12 =	sadd.s32 s5, s28;
	v56 =	vld [tilespmem:s7+$0x0];
	v4 =	vsel vm8, v54, v4  }
0x10e: {  	s11 =	rddreg [dreg:$0x11];
	s7 =	sadd.s32 s4, s12;
	vm9 =	vgt.f32 v5, v4  }
0x10f: {  	s10 =	sadd.s32 s5, s11;
	v4 =	vsel vm9, v5, v4;
	v5 =	vld [tilespmem:s7+$0x0]  }
0x110: {  	v8 =	vsel vm15, $0x1, v1;
	s28 =	rddreg [dreg:$0x12];
	s7 =	sadd.s32 s4, s10;
	vm12 =	vgt.f32 v55, v4  }
0x111: {  	v8 =	vsel vm1, $0x2, v8;
	s12 =	sadd.s32 s5, s28;
	v57 =	vld [tilespmem:s7+$0x0];
	v4 =	vsel vm12, v55, v4  }
0x112: {  	v8 =	vsel vm2, $0x3, v8;
	s11 =	rddreg [dreg:$0x13];
	s7 =	sadd.s32 s4, s12;
	vm13 =	vgt.f32 v56, v4  }
0x113: {  	v8 =	vsel vm3, $0x4, v8;
	s10 =	sadd.s32 s5, s11;
	v58 =	vld [tilespmem:s7+$0x0];
	v4 =	vsel vm13, v56, v4  }
0x114: {  	v8 =	vsel vm4, $0x5, v8;
	s28 =	rddreg [dreg:$0x14];
	s7 =	sadd.s32 s4, s10;
	vm14 =	vgt.f32 v5, v4  }
0x115: {  	v8 =	vsel vm5, $0x6, v8;
	s12 =	sadd.s32 s5, s28;
	v4 =	vsel vm14, v5, v4;
	v5 =	vld [tilespmem:s7+$0x0]  }
0x116: {  	v8 =	vsel vm6, $0x7, v8;
	s11 =	rddreg [dreg:$0x15];
	s7 =	sadd.s32 s4, s12;
	vm15 =	vgt.f32 v57, v4  }
0x117: {  	v8 =	vsel vm7, $0x8, v8;
	s10 =	sadd.s32 s5, s11;
	v59 =	vld [tilespmem:s7+$0x0];
	v4 =	vsel vm15, v57, v4  }
0x118: {  	v8 =	vsel vm8, $0x9, v8;
	s28 =	rddreg [dreg:$0x16];
	s7 =	sadd.s32 s4, s10;
	vm10 =	vgt.f32 v58, v4  }
0x119: {  	v8 =	vsel vm9, $0xA, v8;
	s12 =	sadd.s32 s5, s28;
	v60 =	vld [tilespmem:s7+$0x0];
	v4 =	vsel vm10, v58, v4  }
0x11a: {  	v9 =	vld [tilespmem:s6+$0x15000];
	s11 =	rddreg [dreg:$0x17];
	v8 =	vsel vm12, $0xB, v8;
	s28 =	sadd.s32 s4, s12;
	vm11 =	vgt.f32 v5, v4  }
0x11b: {  	v8 =	vsel vm13, $0xC, v8;
	s5 =	sadd.s32 s5, s11;
	v4 =	vsel vm11, v5, v4;
	v5 =	vld [tilespmem:s28+$0x0]  }
0x11c: {  	v8 =	vsel vm14, $0xD, v8;
	s4 =	sadd.s32 s4, s5;
	vm12 =	vgt.f32 v59, v4  }
0x11d: {  	v8 =	vsel vm15, $0xE, v8;
	v61 =	vld [tilespmem:s4+$0x0];
	v4 =	vsel vm12, v59, v4  }
0x11e: {  	v8 =	vsel vm10, $0xF, v8;
	vm13 =	vgt.f32 v60, v4  }
0x11f: {  	v62 =	vshll.u32 v9, $0x4;
	v8 =	vsel vm11, $0x10, v8;
	v4 =	vsel vm13, v60, v4  }
0x120: {  	s0 =	sadd.s32 $0x1, s0;
	v10 =	vor.u32 v0, v62;
	v8 =	vsel vm12, $0x11, v8;
	vm14 =	vgt.f32 v5, v4  }
0x121: {  	p0 =	sne.s32 s0, $0x8;
	v8 =	vsel vm13, $0x12, v8;
	v4 =	vsel vm14, v5, v4;
	v5 =	vadd.s32 v3, v62  }
.Ltmp2:
0x122: {  	v63 =	vsel vm14, $0x13, v8;
	vm15 =	vgt.f32 v61, v4;
	(pc) =	sbr.rel @p0 .LBB2_4-.Ltmp2, $4  }
0x123: {  	v4 =	vsel vm15, $0x14, v63  }
0x124: {  	vm0 =	veq.s32 v4, v9  }
0x125: {  	[tilespmem:v10+s1+$0x0] =	vst.idx.add.s32.msk $0xffff, v2;
	v4 =	vsel vm0, $0x1, v1  }
0x126: {  	[tilespmem:v5+s1+$0x0] =	vst.idx.add.s32.msk $0xffff, v4  }
0x127: {  	s2 =	sadd.s32 $0x1, s2  }
0x128: {  	p0 =	sne.s32 s2, s25  }
.Ltmp3:
0x129: {  	s0 =	simm.s32 $0x80;
	s4 =	simm.s32 $0x400;
	(pc) =	sbr.rel @p0 .LBB2_1-.Ltmp3, $4  }
0x12a: {  	[hbm4b:s24+s0] =	stream.strided.scatter [tilespmem:s1], [sflag:$0x2], $0x400, s4, s0, $0x38;
	[tilespmem:$0x16400] =	vst v63  }
0x12b: {  	_ =	swait.ge [sflag:s29], $0x400  }
0x12c: {  	[sflag:s29] =	ssyncset.done $0x0  }
0x12d: {  	[sflag:s29] =	ssyncadd.s32 $0xFFFFFC00  }
0x12e: {  	_ =	sfence.sel $0x180000  }
0x12f: {  	[bflag:$0x0] =	sbarrier.arrive $0xFFFF  }
0x130: {  	_ =	strace $0x90000047  }
0x131: {  	s0 =	stileid.u32;
	[bflag:$0x2] =	sbarrier.arrive $0xFFFF  }
0x132: {  	p0 =	sne.s32 s0, $0x0;
	s0 =	rddreg [dreg:$0x3]  }
0x133: {  	s0 =	sadd.s32 @!p0 $0x100000, s0  }
0x134: {  	[sflag:s0] =	ssyncadd.tile.s32 @!p0 $0x1;
	_ =	shalt  }
.Lfunc_end2:
_tile_overlayer_lowered:
.L_overlay_start_2:
0x135: {  	(tag) =	ssettag $0x2  }
0x136: {  	s0 =	rddreg [dreg:$0x0];
	s2 =	stileid.u32  }
0x137: {  	s1 =	rddreg [dreg:$0x1];
	p0 =	sne.s32 s2, $0x0  }
0x138: {  	s3 =	rddreg [dreg:$0x2];
	[bflag:$0x3] =	sbarrier.arrive $0xFFFF;
	s2 =	simm.s32 @!p0 $0x1C02  }
0x139: {  	[timem:s3], [sflag:s2] =	dma.local @!p0 [hbm:s0], s1  }
0x13a: {  	s0 =	simm.s32 @!p0 $0x2  }
0x13b: {  	_ =	swait.ge @!p0 [sflag:s0], s1  }
0x13c: {  	s1 =	ssub.s32 @!p0 $0x0, s1;
	[sflag:s0] =	ssyncset.done @!p0 $0x0  }
0x13d: {  	[sflag:s0] =	ssyncadd.s32 @!p0 s1  }
0x13e: {  	[bflag:$0x3] =	sbarrier.arrive $0xFFFF  }
0x13f: {  	_ =	shalt  }

</sc_bundles>
